<compile_context>
chip_gen: v7x
topology: tpu7x:2x2x1
jax: 0.10.2.dev20260603
libtpu: 0.0.44.dev20260713+nightly
codegen_flags: <defaults>
</compile_context>

<pallas_src>
import functools

import jax
import jax.numpy as jnp
from jax import lax
from jax.experimental import pallas as pl
from jax.experimental.pallas import tpu as pltpu
from jax.experimental.pallas import tpu_sc as plsc

P = 128
NUM_CLAUSES = 64
CLAUSE_WEIGHT = 0.5
LANES = 16


def kernel(inputs):
    batch, p = inputs.shape
    info = plsc.get_sparse_core_info()
    nc, ns = info.num_cores, info.num_subcores
    nw = nc * ns
    chunk = 80
    assert batch % chunk == 0
    total_chunks = batch // chunk
    chunks_base = total_chunks // nw
    chunks_rem = total_chunks % nw
    assert chunks_base >= 3 and chunks_base % 2 == 1
    ngrp = NUM_CLAUSES // LANES

    mesh = plsc.VectorSubcoreMesh(core_axis_name="c", subcore_axis_name="s")

    @functools.partial(
        pl.kernel,
        mesh=mesh,
        out_type=jax.ShapeDtypeStruct((batch * p,), jnp.float32),
        compiler_params=pltpu.CompilerParams(needs_layout_passes=False),
        scratch_types=[
            pltpu.VMEM((chunk * p,), jnp.float32),
            pltpu.VMEM((chunk * p,), jnp.float32),
            pltpu.VMEM((chunk * p,), jnp.float32),
            pltpu.VMEM((chunk * p,), jnp.float32),
            pltpu.SemaphoreType.DMA,
            pltpu.SemaphoreType.DMA,
            pltpu.SemaphoreType.DMA,
            pltpu.SemaphoreType.DMA,
        ],
    )
    def k(in_hbm, out_hbm, x0, x1, o0, o1, si0, si1, so0, so1):
        wid = lax.axis_index("s") * nc + lax.axis_index("c")
        lane = jnp.arange(LANES, dtype=jnp.int32)
        cols = []
        for g in range(ngrp):
            ca = (3 * (LANES * g) + 3 * lane) & (p - 1)
            cb = (3 * (LANES * g) + 7 + 3 * lane) & (p - 1)
            cc = (5 * (LANES * g) + 31 + 5 * lane) & (p - 1)
            cols.append((ca, cb, cc))
        zero_v = jnp.zeros((LANES,), jnp.float32)

        n_w = jnp.where(wid < chunks_rem, chunks_base + 1, chunks_base)

        def gslice(ci):
            return pl.ds((ci * nw + wid) * chunk * p, chunk * p)

        def compute(xb, ob):
            @plsc.parallel_loop(0, chunk, unroll=4)
            def row_body(r):
                roff = r * p
                xrow = xb.at[pl.ds(roff, p)]
                orow = ob.at[pl.ds(roff, p)]
                for j in range(p // LANES):
                    ob[pl.ds(roff + j * LANES, LANES)] = zero_v
                for g in range(ngrp):
                    ca, cb, cc = cols[g]
                    ea = jnp.exp(-plsc.load_gather(xrow, [ca]))
                    eb = jnp.exp(plsc.load_gather(xrow, [cb]))
                    ec = jnp.exp(-plsc.load_gather(xrow, [cc]))
                    inv = CLAUSE_WEIGHT / (ea + eb + ec)
                    ninv = -inv
                    plsc.addupdate_scatter(orow, [ca], ea * ninv)
                    plsc.addupdate_scatter(orow, [cb], eb * inv)
                    plsc.addupdate_scatter(orow, [cc], ec * ninv)

        xs = (x0, x1)
        obs = (o0, o1)
        sis = (si0, si1)
        sos = (so0, so1)

        def wait_in(ci, b):
            pltpu.make_async_copy(in_hbm.at[gslice(ci)], xs[b], sis[b]).wait()

        def wait_out(ci, b):
            pltpu.make_async_copy(obs[b], out_hbm.at[gslice(ci)], sos[b]).wait()

        def start_in(ci, b):
            pltpu.async_copy(in_hbm.at[gslice(ci)], xs[b], sis[b])

        def start_out(ci, b):
            pltpu.async_copy(obs[b], out_hbm.at[gslice(ci)], sos[b])

        start_in(0, 0)
        start_in(1, 1)

        @pl.loop(0, chunks_base - 1, step=2)
        def pair_body(i):
            for b in range(2):
                ci = i + b
                wait_in(ci, b)

                @pl.when(ci >= 2)
                def _():
                    wait_out(ci, b)

                compute(xs[b], obs[b])
                start_out(ci, b)

                @pl.when(ci + 2 < n_w)
                def _():
                    start_in(ci + 2, b)

        ci_t = chunks_base - 1
        wait_in(ci_t, 0)
        wait_out(ci_t - 2, 0)
        compute(x0, o0)
        start_out(ci_t, 0)

        @pl.when(wid < chunks_rem)
        def _():
            ci_e = chunks_base
            wait_in(ci_e, 1)
            wait_out(ci_e - 2, 1)
            compute(x1, o1)
            start_out(ci_e, 1)

        wait_out(0, 0)
        wait_out(1, 1)

    return k(inputs.reshape(batch * p)).reshape(batch, p)

# --- scband reference (transcript-rebuilt; emitter-appended) ---
"""Pipeline reference for scband-knowledge-enhancer-23330262352102 (READ-ONLY COPY).

The authoritative reference and input builder live on the scoring server;
editing this copy changes nothing except your own understanding.
"""

import jax, jax.numpy as jnp
import numpy as np

P = 128
NUM_CLAUSES = 64
CLAUSE_WEIGHT = 0.5
BATCH = 100000

# Reconstructed from the KENN ClauseEnhancer: each clause string '0.5:nPa,Pb,nPc\n'
# (trailing newline stripped by clause[:-1]) yields gather indices [a,b,c] and signs
# [-1,+1,-1] (literal prefixed with 'n' -> sign -1), with a fixed clause weight 0.5.
# Clause i uses predicates a=(3i)%128, b=(3i+7)%128, c=(5i+31)%128, matching init_kwargs.

def _build_clauses():
    gather = []
    signs = []
    for i in range(NUM_CLAUSES):
        a = (3 * i) % P
        b = (3 * i + 7) % P
        c = (5 * i + 31) % P
        gather.append([a, b, c])
        signs.append([-1.0, 1.0, -1.0])
    return np.asarray(gather, dtype=np.int32), np.asarray(signs, dtype=np.float32)

GATHER_IDX_NP, SIGNS_NP = _build_clauses()


def setup_inputs(seed: int = 0) -> dict:
    key = jax.random.key(seed)
    inputs = jax.random.normal(key, (BATCH, P), dtype=jnp.float32)
    return {"inputs": inputs}


def reference(inputs):
    gather_idx = jnp.asarray(GATHER_IDX_NP)
    signs = jnp.asarray(SIGNS_NP)
    deltas_list = []
    indexes_list = []
    for ci in range(NUM_CLAUSES):
        idx = gather_idx[ci]
        sg = signs[ci]
        # ClauseEnhancer.forward: gather literal columns, apply signs, softmax boost
        selected = jnp.take(inputs, idx, axis=1)          # [B, 3]
        clause_matrix = selected * sg                      # [B, 3]
        delta = sg * jax.nn.softmax(clause_matrix, axis=-1) * CLAUSE_WEIGHT
        deltas_list.append(delta)
        indexes_list.append(idx)
    all_deltas = jnp.concatenate(deltas_list, axis=1)      # [B, 192]
    all_indexes = jnp.concatenate(indexes_list, axis=0)    # [192]
    # torch_scatter.scatter_add(src=all_deltas.T, index=all_indexes, dim=0) -> [P, B]
    src = jnp.transpose(all_deltas, (1, 0))
    out = jax.ops.segment_sum(src, all_indexes, num_segments=P)
    return jnp.transpose(out, (1, 0))                      # [B, P]

if __name__ == "__main__":
    import jax
    _d = setup_inputs()
    print(jax.jit(kernel)(*tuple(_d.values())))

</pallas_src>

<mosaic_0001>
#map = affine_map<(d0, d1) -> (0)>
module attributes {stable_mosaic.version = 14 : i64} {
  func.func @k(%arg0: i32, %arg1: i32, %arg2: memref<12800000xf32, #tpu.memory_space<hbm>>, %arg3: memref<12800000xf32, #tpu.memory_space<hbm>>, %arg4: memref<10240xf32, #tpu.memory_space<vmem>>, %arg5: memref<10240xf32, #tpu.memory_space<vmem>>, %arg6: memref<10240xf32, #tpu.memory_space<vmem>>, %arg7: memref<10240xf32, #tpu.memory_space<vmem>>, %arg8: memref<!tpu.dma_semaphore, #tpu.memory_space<semaphore_mem>>, %arg9: memref<!tpu.dma_semaphore, #tpu.memory_space<semaphore_mem>>, %arg10: memref<!tpu.dma_semaphore, #tpu.memory_space<semaphore_mem>>, %arg11: memref<!tpu.dma_semaphore, #tpu.memory_space<semaphore_mem>>) attributes {dimension_semantics = [#tpu.dimension_semantics<core_parallel>, #tpu.dimension_semantics<subcore_parallel>], iteration_bounds = array<i64: 2, 16>, scalar_prefetch = 0 : i64, scratch_operands = 8 : i64, tpu.core_type = #tpu.core_type<sc_vector_subcore>, window_params = [{transform_indices = #map}, {transform_indices = #map}]} {
    %mul3A = arith.constant 2 : i32
    %mul3A_0 = arith.muli %arg1, %mul3A : i32
    %add3A = arith.addi %mul3A_0, %arg0 : i32
    %iota3A = tpu.iota {dimensions = array<i32: 0>} : vector<16xi32>
    %mul3A_1 = arith.constant 3 : i32
    %mul3A_2 = vector.broadcast %mul3A_1 : i32 to vector<16xi32>
    %mul3A_3 = arith.muli %mul3A_2, %iota3A : vector<16xi32>
    %add3A_4 = arith.constant 0 : i32
    %add3A_5 = vector.broadcast %add3A_4 : i32 to vector<16xi32>
    %add3A_6 = arith.addi %add3A_5, %mul3A_3 : vector<16xi32>
    %and3A = arith.constant 127 : i32
    %and3A_7 = vector.broadcast %and3A : i32 to vector<16xi32>
    %and3A_8 = arith.andi %add3A_6, %and3A_7 : vector<16xi32>
    %mul3A_9 = arith.constant 3 : i32
    %mul3A_10 = vector.broadcast %mul3A_9 : i32 to vector<16xi32>
    %mul3A_11 = arith.muli %mul3A_10, %iota3A : vector<16xi32>
    %add3A_12 = arith.constant 7 : i32
    %add3A_13 = vector.broadcast %add3A_12 : i32 to vector<16xi32>
    %add3A_14 = arith.addi %add3A_13, %mul3A_11 : vector<16xi32>
    %and3A_15 = arith.constant 127 : i32
    %and3A_16 = vector.broadcast %and3A_15 : i32 to vector<16xi32>
    %and3A_17 = arith.andi %add3A_14, %and3A_16 : vector<16xi32>
    %mul3A_18 = arith.constant 5 : i32
    %mul3A_19 = vector.broadcast %mul3A_18 : i32 to vector<16xi32>
    %mul3A_20 = arith.muli %mul3A_19, %iota3A : vector<16xi32>
    %add3A_21 = arith.constant 31 : i32
    %add3A_22 = vector.broadcast %add3A_21 : i32 to vector<16xi32>
    %add3A_23 = arith.addi %add3A_22, %mul3A_20 : vector<16xi32>
    %and3A_24 = arith.constant 127 : i32
    %and3A_25 = vector.broadcast %and3A_24 : i32 to vector<16xi32>
    %and3A_26 = arith.andi %add3A_23, %and3A_25 : vector<16xi32>
    %mul3A_27 = arith.constant 3 : i32
    %mul3A_28 = vector.broadcast %mul3A_27 : i32 to vector<16xi32>
    %mul3A_29 = arith.muli %mul3A_28, %iota3A : vector<16xi32>
    %add3A_30 = arith.constant 48 : i32
    %add3A_31 = vector.broadcast %add3A_30 : i32 to vector<16xi32>
    %add3A_32 = arith.addi %add3A_31, %mul3A_29 : vector<16xi32>
    %and3A_33 = arith.constant 127 : i32
    %and3A_34 = vector.broadcast %and3A_33 : i32 to vector<16xi32>
    %and3A_35 = arith.andi %add3A_32, %and3A_34 : vector<16xi32>
    %mul3A_36 = arith.constant 3 : i32
    %mul3A_37 = vector.broadcast %mul3A_36 : i32 to vector<16xi32>
    %mul3A_38 = arith.muli %mul3A_37, %iota3A : vector<16xi32>
    %add3A_39 = arith.constant 55 : i32
    %add3A_40 = vector.broadcast %add3A_39 : i32 to vector<16xi32>
    %add3A_41 = arith.addi %add3A_40, %mul3A_38 : vector<16xi32>
    %and3A_42 = arith.constant 127 : i32
    %and3A_43 = vector.broadcast %and3A_42 : i32 to vector<16xi32>
    %and3A_44 = arith.andi %add3A_41, %and3A_43 : vector<16xi32>
    %mul3A_45 = arith.constant 5 : i32
    %mul3A_46 = vector.broadcast %mul3A_45 : i32 to vector<16xi32>
    %mul3A_47 = arith.muli %mul3A_46, %iota3A : vector<16xi32>
    %add3A_48 = arith.constant 111 : i32
    %add3A_49 = vector.broadcast %add3A_48 : i32 to vector<16xi32>
    %add3A_50 = arith.addi %add3A_49, %mul3A_47 : vector<16xi32>
    %and3A_51 = arith.constant 127 : i32
    %and3A_52 = vector.broadcast %and3A_51 : i32 to vector<16xi32>
    %and3A_53 = arith.andi %add3A_50, %and3A_52 : vector<16xi32>
    %mul3A_54 = arith.constant 3 : i32
    %mul3A_55 = vector.broadcast %mul3A_54 : i32 to vector<16xi32>
    %mul3A_56 = arith.muli %mul3A_55, %iota3A : vector<16xi32>
    %add3A_57 = arith.constant 96 : i32
    %add3A_58 = vector.broadcast %add3A_57 : i32 to vector<16xi32>
    %add3A_59 = arith.addi %add3A_58, %mul3A_56 : vector<16xi32>
    %and3A_60 = arith.constant 127 : i32
    %and3A_61 = vector.broadcast %and3A_60 : i32 to vector<16xi32>
    %and3A_62 = arith.andi %add3A_59, %and3A_61 : vector<16xi32>
    %mul3A_63 = arith.constant 3 : i32
    %mul3A_64 = vector.broadcast %mul3A_63 : i32 to vector<16xi32>
    %mul3A_65 = arith.muli %mul3A_64, %iota3A : vector<16xi32>
    %add3A_66 = arith.constant 103 : i32
    %add3A_67 = vector.broadcast %add3A_66 : i32 to vector<16xi32>
    %add3A_68 = arith.addi %add3A_67, %mul3A_65 : vector<16xi32>
    %and3A_69 = arith.constant 127 : i32
    %and3A_70 = vector.broadcast %and3A_69 : i32 to vector<16xi32>
    %and3A_71 = arith.andi %add3A_68, %and3A_70 : vector<16xi32>
    %mul3A_72 = arith.constant 5 : i32
    %mul3A_73 = vector.broadcast %mul3A_72 : i32 to vector<16xi32>
    %mul3A_74 = arith.muli %mul3A_73, %iota3A : vector<16xi32>
    %add3A_75 = arith.constant 191 : i32
    %add3A_76 = vector.broadcast %add3A_75 : i32 to vector<16xi32>
    %add3A_77 = arith.addi %add3A_76, %mul3A_74 : vector<16xi32>
    %and3A_78 = arith.constant 127 : i32
    %and3A_79 = vector.broadcast %and3A_78 : i32 to vector<16xi32>
    %and3A_80 = arith.andi %add3A_77, %and3A_79 : vector<16xi32>
    %mul3A_81 = arith.constant 3 : i32
    %mul3A_82 = vector.broadcast %mul3A_81 : i32 to vector<16xi32>
    %mul3A_83 = arith.muli %mul3A_82, %iota3A : vector<16xi32>
    %add3A_84 = arith.constant 144 : i32
    %add3A_85 = vector.broadcast %add3A_84 : i32 to vector<16xi32>
    %add3A_86 = arith.addi %add3A_85, %mul3A_83 : vector<16xi32>
    %and3A_87 = arith.constant 127 : i32
    %and3A_88 = vector.broadcast %and3A_87 : i32 to vector<16xi32>
    %and3A_89 = arith.andi %add3A_86, %and3A_88 : vector<16xi32>
    %mul3A_90 = arith.constant 3 : i32
    %mul3A_91 = vector.broadcast %mul3A_90 : i32 to vector<16xi32>
    %mul3A_92 = arith.muli %mul3A_91, %iota3A : vector<16xi32>
    %add3A_93 = arith.constant 151 : i32
    %add3A_94 = vector.broadcast %add3A_93 : i32 to vector<16xi32>
    %add3A_95 = arith.addi %add3A_94, %mul3A_92 : vector<16xi32>
    %and3A_96 = arith.constant 127 : i32
    %and3A_97 = vector.broadcast %and3A_96 : i32 to vector<16xi32>
    %and3A_98 = arith.andi %add3A_95, %and3A_97 : vector<16xi32>
    %mul3A_99 = arith.constant 5 : i32
    %mul3A_100 = vector.broadcast %mul3A_99 : i32 to vector<16xi32>
    %mul3A_101 = arith.muli %mul3A_100, %iota3A : vector<16xi32>
    %add3A_102 = arith.constant 271 : i32
    %add3A_103 = vector.broadcast %add3A_102 : i32 to vector<16xi32>
    %add3A_104 = arith.addi %add3A_103, %mul3A_101 : vector<16xi32>
    %and3A_105 = arith.constant 127 : i32
    %and3A_106 = vector.broadcast %and3A_105 : i32 to vector<16xi32>
    %and3A_107 = arith.andi %add3A_104, %and3A_106 : vector<16xi32>
    %broadcast_in_dim3A = arith.constant 0.000000e+00 : f32
    %broadcast_in_dim3A_108 = vector.broadcast %broadcast_in_dim3A : f32 to vector<16xf32>
    %lt3A = arith.constant 2 : i32
    %lt3A_109 = arith.cmpi slt, %add3A, %lt3A : i32
    %jit3A = arith.constant 40 : i32
    %jit3A_110 = arith.constant 39 : i32
    %select_n3A = arith.select %lt3A_109, %jit3A, %jit3A_110 : i32
    %add3A_111 = arith.constant 0 : i32
    %add3A_112 = arith.addi %add3A_111, %add3A : i32
    %mul3A_113 = arith.constant 80 : i32
    %mul3A_114 = arith.muli %add3A_112, %mul3A_113 : i32
    %mul3A_115 = arith.constant 128 : i32
    %mul3A_116 = arith.muli %mul3A_114, %mul3A_115 : i32
    %dma_start3A = tpu.memref_slice %arg2[%mul3A_116] : memref<12800000xf32, #tpu.memory_space<hbm>> -> memref<10240xf32, #tpu.memory_space<hbm>>
    %dma_start3A_117 = tpu.memref_slice %arg2[%mul3A_116] : memref<12800000xf32, #tpu.memory_space<hbm>> -> memref<10240xf32, #tpu.memory_space<hbm>>
    tpu.enqueue_dma source(%dma_start3A_117 : memref<10240xf32, #tpu.memory_space<hbm>>) target(%arg4 : memref<10240xf32, #tpu.memory_space<vmem>>) target_semaphore(%arg8 : memref<!tpu.dma_semaphore, #tpu.memory_space<semaphore_mem>>)
    %add3A_118 = arith.constant 32 : i32
    %add3A_119 = arith.addi %add3A_118, %add3A : i32
    %mul3A_120 = arith.constant 80 : i32
    %mul3A_121 = arith.muli %add3A_119, %mul3A_120 : i32
    %mul3A_122 = arith.constant 128 : i32
    %mul3A_123 = arith.muli %mul3A_121, %mul3A_122 : i32
    %dma_start3A_124 = tpu.memref_slice %arg2[%mul3A_123] : memref<12800000xf32, #tpu.memory_space<hbm>> -> memref<10240xf32, #tpu.memory_space<hbm>>
    %dma_start3A_125 = tpu.memref_slice %arg2[%mul3A_123] : memref<12800000xf32, #tpu.memory_space<hbm>> -> memref<10240xf32, #tpu.memory_space<hbm>>
    tpu.enqueue_dma source(%dma_start3A_125 : memref<10240xf32, #tpu.memory_space<hbm>>) target(%arg5 : memref<10240xf32, #tpu.memory_space<vmem>>) target_semaphore(%arg9 : memref<!tpu.dma_semaphore, #tpu.memory_space<semaphore_mem>>)
    %scan3A = arith.constant 0 : i32
    %scan3A_126 = arith.constant 19 : i32
    %scan3A_127 = arith.addi %scan3A, %scan3A_126 : i32
    %scan3A_128 = arith.constant 1 : i32
    scf.for %scan3A_174 = %scan3A to %scan3A_127 step %scan3A_128  : i32 {
      %mul3A_175 = arith.constant 2 : i32
      %mul3A_176 = arith.muli %scan3A_174, %mul3A_175 : i32
      %add3A_177 = arith.constant 0 : i32
      %add3A_178 = arith.addi %add3A_177, %mul3A_176 : i32
      %add3A_179 = arith.constant 0 : i32
      %add3A_180 = arith.addi %add3A_178, %add3A_179 : i32
      %mul3A_181 = arith.constant 32 : i32
      %mul3A_182 = arith.muli %add3A_180, %mul3A_181 : i32
      %add3A_183 = arith.addi %mul3A_182, %add3A : i32
      %mul3A_184 = arith.constant 80 : i32
      %mul3A_185 = arith.muli %add3A_183, %mul3A_184 : i32
      %mul3A_186 = arith.constant 128 : i32
      %mul3A_187 = arith.muli %mul3A_185, %mul3A_186 : i32
      %dma_wait3A_188 = tpu.memref_slice %arg2[%mul3A_187] : memref<12800000xf32, #tpu.memory_space<hbm>> -> memref<10240xf32, #tpu.memory_space<hbm>>
      %dma_wait3A_189 = tpu.memref_slice %arg2[%mul3A_187] : memref<12800000xf32, #tpu.memory_space<hbm>> -> memref<10240xf32, #tpu.memory_space<hbm>>
      tpu.wait_dma2 semaphore(%arg8 : memref<!tpu.dma_semaphore, #tpu.memory_space<semaphore_mem>>) src(%dma_wait3A_189 : memref<10240xf32, #tpu.memory_space<hbm>>) dst(%arg4 : memref<10240xf32, #tpu.memory_space<vmem>>)
      %ge3A = arith.constant 2 : i32
      %ge3A_190 = arith.cmpi sge, %add3A_180, %ge3A : i32
      %convert_element_type3A_191 = arith.extui %ge3A_190 : i1 to i32
      %cond3A_192 = arith.constant 0 : i32
      %cond3A_193 = arith.cmpi ne, %convert_element_type3A_191, %cond3A_192 : i32
      scf.if %cond3A_193 {
        %mul3A_246 = arith.constant 32 : i32
        %mul3A_247 = arith.muli %add3A_180, %mul3A_246 : i32
        %add3A_248 = arith.addi %mul3A_247, %add3A : i32
        %mul3A_249 = arith.constant 80 : i32
        %mul3A_250 = arith.muli %add3A_248, %mul3A_249 : i32
        %mul3A_251 = arith.constant 128 : i32
        %mul3A_252 = arith.muli %mul3A_250, %mul3A_251 : i32
        %dma_wait3A_253 = tpu.memref_slice %arg3[%mul3A_252] : memref<12800000xf32, #tpu.memory_space<hbm>> -> memref<10240xf32, #tpu.memory_space<hbm>>
        %dma_wait3A_254 = tpu.memref_slice %arg3[%mul3A_252] : memref<12800000xf32, #tpu.memory_space<hbm>> -> memref<10240xf32, #tpu.memory_space<hbm>>
        tpu.wait_dma2 semaphore(%arg10 : memref<!tpu.dma_semaphore, #tpu.memory_space<semaphore_mem>>) src(%arg6 : memref<10240xf32, #tpu.memory_space<vmem>>) dst(%dma_wait3A_254 : memref<10240xf32, #tpu.memory_space<hbm>>)
      } else {
      }
      %parallel_loop3A_194 = arith.constant 0 : i32
      %parallel_loop3A_195 = arith.constant 80 : i32
      %parallel_loop3A_196 = arith.constant 1 : i32
      scf.for %parallel_loop3A_246 = %parallel_loop3A_194 to %parallel_loop3A_195 step %parallel_loop3A_196  : i32 {
        %parallel_loop3A_247 = arith.constant 128 : i32
        %parallel_loop3A_248 = arith.muli %parallel_loop3A_246, %parallel_loop3A_247 : i32
        %parallel_loop3A_249 = arith.constant 0 : i32
        %parallel_loop3A_250 = arith.addi %parallel_loop3A_248, %parallel_loop3A_249 : i32
        %parallel_loop3A_251 = arith.index_cast %parallel_loop3A_250 : i32 to index
        %parallel_loop3A_252 = tpu.vector_load %arg6[%parallel_loop3A_251] {strides = array<i32>} : memref<10240xf32, #tpu.memory_space<vmem>>, vector<16xf32>,
        tpu.vector_store %arg6[%parallel_loop3A_251], %broadcast_in_dim3A_108 {strides = array<i32>} : memref<10240xf32, #tpu.memory_space<vmem>>, vector<16xf32>,
        %parallel_loop3A_253 = arith.constant 16 : i32
        %parallel_loop3A_254 = arith.addi %parallel_loop3A_248, %parallel_loop3A_253 : i32
        %parallel_loop3A_255 = arith.index_cast %parallel_loop3A_254 : i32 to index
        %parallel_loop3A_256 = tpu.vector_load %arg6[%parallel_loop3A_255] {strides = array<i32>} : memref<10240xf32, #tpu.memory_space<vmem>>, vector<16xf32>,
        tpu.vector_store %arg6[%parallel_loop3A_255], %broadcast_in_dim3A_108 {strides = array<i32>} : memref<10240xf32, #tpu.memory_space<vmem>>, vector<16xf32>,
        %parallel_loop3A_257 = arith.constant 32 : i32
        %parallel_loop3A_258 = arith.addi %parallel_loop3A_248, %parallel_loop3A_257 : i32
        %parallel_loop3A_259 = arith.index_cast %parallel_loop3A_258 : i32 to index
        %parallel_loop3A_260 = tpu.vector_load %arg6[%parallel_loop3A_259] {strides = array<i32>} : memref<10240xf32, #tpu.memory_space<vmem>>, vector<16xf32>,
        tpu.vector_store %arg6[%parallel_loop3A_259], %broadcast_in_dim3A_108 {strides = array<i32>} : memref<10240xf32, #tpu.memory_space<vmem>>, vector<16xf32>,
        %parallel_loop3A_261 = arith.constant 48 : i32
        %parallel_loop3A_262 = arith.addi %parallel_loop3A_248, %parallel_loop3A_261 : i32
        %parallel_loop3A_263 = arith.index_cast %parallel_loop3A_262 : i32 to index
        %parallel_loop3A_264 = tpu.vector_load %arg6[%parallel_loop3A_263] {strides = array<i32>} : memref<10240xf32, #tpu.memory_space<vmem>>, vector<16xf32>,
        tpu.vector_store %arg6[%parallel_loop3A_263], %broadcast_in_dim3A_108 {strides = array<i32>} : memref<10240xf32, #tpu.memory_space<vmem>>, vector<16xf32>,
        %parallel_loop3A_265 = arith.constant 64 : i32
        %parallel_loop3A_266 = arith.addi %parallel_loop3A_248, %parallel_loop3A_265 : i32
        %parallel_loop3A_267 = arith.index_cast %parallel_loop3A_266 : i32 to index
        %parallel_loop3A_268 = tpu.vector_load %arg6[%parallel_loop3A_267] {strides = array<i32>} : memref<10240xf32, #tpu.memory_space<vmem>>, vector<16xf32>,
        tpu.vector_store %arg6[%parallel_loop3A_267], %broadcast_in_dim3A_108 {strides = array<i32>} : memref<10240xf32, #tpu.memory_space<vmem>>, vector<16xf32>,
        %parallel_loop3A_269 = arith.constant 80 : i32
        %parallel_loop3A_270 = arith.addi %parallel_loop3A_248, %parallel_loop3A_269 : i32
        %parallel_loop3A_271 = arith.index_cast %parallel_loop3A_270 : i32 to index
        %parallel_loop3A_272 = tpu.vector_load %arg6[%parallel_loop3A_271] {strides = array<i32>} : memref<10240xf32, #tpu.memory_space<vmem>>, vector<16xf32>,
        tpu.vector_store %arg6[%parallel_loop3A_271], %broadcast_in_dim3A_108 {strides = array<i32>} : memref<10240xf32, #tpu.memory_space<vmem>>, vector<16xf32>,
        %parallel_loop3A_273 = arith.constant 96 : i32
        %parallel_loop3A_274 = arith.addi %parallel_loop3A_248, %parallel_loop3A_273 : i32
        %parallel_loop3A_275 = arith.index_cast %parallel_loop3A_274 : i32 to index
        %parallel_loop3A_276 = tpu.vector_load %arg6[%parallel_loop3A_275] {strides = array<i32>} : memref<10240xf32, #tpu.memory_space<vmem>>, vector<16xf32>,
        tpu.vector_store %arg6[%parallel_loop3A_275], %broadcast_in_dim3A_108 {strides = array<i32>} : memref<10240xf32, #tpu.memory_space<vmem>>, vector<16xf32>,
        %parallel_loop3A_277 = arith.constant 112 : i32
        %parallel_loop3A_278 = arith.addi %parallel_loop3A_248, %parallel_loop3A_277 : i32
        %parallel_loop3A_279 = arith.index_cast %parallel_loop3A_278 : i32 to index
        %parallel_loop3A_280 = tpu.vector_load %arg6[%parallel_loop3A_279] {strides = array<i32>} : memref<10240xf32, #tpu.memory_space<vmem>>, vector<16xf32>,
        tpu.vector_store %arg6[%parallel_loop3A_279], %broadcast_in_dim3A_108 {strides = array<i32>} : memref<10240xf32, #tpu.memory_space<vmem>>, vector<16xf32>,
        %parallel_loop3A_281 = tpu.memref_slice %arg4[%parallel_loop3A_248] : memref<10240xf32, #tpu.memory_space<vmem>> -> memref<128xf32, #tpu.memory_space<vmem>>
        %parallel_loop3A_282 = tpu.vector_load_idx %parallel_loop3A_281[%and3A_8] : memref<128xf32, #tpu.memory_space<vmem>>[vector<16xi32>], vector<16xf32>,
        %parallel_loop3A_283 = arith.constant 0.000000e+00 : f32
        %parallel_loop3A_284 = vector.broadcast %parallel_loop3A_283 : f32 to vector<16xf32>
        %parallel_loop3A_285 = arith.subf %parallel_loop3A_284, %parallel_loop3A_282 : vector<16xf32>
        %parallel_loop3A_286 = math.exp %parallel_loop3A_285 : vector<16xf32>
        %parallel_loop3A_287 = tpu.memref_slice %arg4[%parallel_loop3A_248] : memref<10240xf32, #tpu.memory_space<vmem>> -> memref<128xf32, #tpu.memory_space<vmem>>
        %parallel_loop3A_288 = tpu.vector_load_idx %parallel_loop3A_287[%and3A_17] : memref<128xf32, #tpu.memory_space<vmem>>[vector<16xi32>], vector<16xf32>,
        %parallel_loop3A_289 = math.exp %parallel_loop3A_288 : vector<16xf32>
        %parallel_loop3A_290 = tpu.memref_slice %arg4[%parallel_loop3A_248] : memref<10240xf32, #tpu.memory_space<vmem>> -> memref<128xf32, #tpu.memory_space<vmem>>
        %parallel_loop3A_291 = tpu.vector_load_idx %parallel_loop3A_290[%and3A_26] : memref<128xf32, #tpu.memory_space<vmem>>[vector<16xi32>], vector<16xf32>,
        %parallel_loop3A_292 = arith.constant 0.000000e+00 : f32
        %parallel_loop3A_293 = vector.broadcast %parallel_loop3A_292 : f32 to vector<16xf32>
        %parallel_loop3A_294 = arith.subf %parallel_loop3A_293, %parallel_loop3A_291 : vector<16xf32>
        %parallel_loop3A_295 = math.exp %parallel_loop3A_294 : vector<16xf32>
        %parallel_loop3A_296 = arith.addf %parallel_loop3A_286, %parallel_loop3A_289 : vector<16xf32>
        %parallel_loop3A_297 = arith.addf %parallel_loop3A_296, %parallel_loop3A_295 : vector<16xf32>
        %parallel_loop3A_298 = arith.constant 5.000000e-01 : f32
        %parallel_loop3A_299 = vector.broadcast %parallel_loop3A_298 : f32 to vector<16xf32>
        %parallel_loop3A_300 = arith.divf %parallel_loop3A_299, %parallel_loop3A_297 : vector<16xf32>
        %parallel_loop3A_301 = arith.constant 0.000000e+00 : f32
        %parallel_loop3A_302 = vector.broadcast %parallel_loop3A_301 : f32 to vector<16xf32>
        %parallel_loop3A_303 = arith.subf %parallel_loop3A_302, %parallel_loop3A_300 : vector<16xf32>
        %parallel_loop3A_304 = arith.mulf %parallel_loop3A_286, %parallel_loop3A_303 : vector<16xf32>
        %parallel_loop3A_305 = tpu.memref_slice %arg6[%parallel_loop3A_248] : memref<10240xf32, #tpu.memory_space<vmem>> -> memref<128xf32, #tpu.memory_space<vmem>>
        tpu.vector_store_idx %parallel_loop3A_305[%and3A_8], %parallel_loop3A_304 {add = true} : memref<128xf32, #tpu.memory_space<vmem>>[vector<16xi32>], vector<16xf32>,
        %parallel_loop3A_306 = arith.mulf %parallel_loop3A_289, %parallel_loop3A_300 : vector<16xf32>
        %parallel_loop3A_307 = tpu.memref_slice %arg6[%parallel_loop3A_248] : memref<10240xf32, #tpu.memory_space<vmem>> -> memref<128xf32, #tpu.memory_space<vmem>>
        tpu.vector_store_idx %parallel_loop3A_307[%and3A_17], %parallel_loop3A_306 {add = true} : memref<128xf32, #tpu.memory_space<vmem>>[vector<16xi32>], vector<16xf32>,
        %parallel_loop3A_308 = arith.mulf %parallel_loop3A_295, %parallel_loop3A_303 : vector<16xf32>
        %parallel_loop3A_309 = tpu.memref_slice %arg6[%parallel_loop3A_248] : memref<10240xf32, #tpu.memory_space<vmem>> -> memref<128xf32, #tpu.memory_space<vmem>>
        tpu.vector_store_idx %parallel_loop3A_309[%and3A_26], %parallel_loop3A_308 {add = true} : memref<128xf32, #tpu.memory_space<vmem>>[vector<16xi32>], vector<16xf32>,
        %parallel_loop3A_310 = tpu.memref_slice %arg4[%parallel_loop3A_248] : memref<10240xf32, #tpu.memory_space<vmem>> -> memref<128xf32, #tpu.memory_space<vmem>>
        %parallel_loop3A_311 = tpu.vector_load_idx %parallel_loop3A_310[%and3A_35] : memref<128xf32, #tpu.memory_space<vmem>>[vector<16xi32>], vector<16xf32>,
        %parallel_loop3A_312 = arith.constant 0.000000e+00 : f32
        %parallel_loop3A_313 = vector.broadcast %parallel_loop3A_312 : f32 to vector<16xf32>
        %parallel_loop3A_314 = arith.subf %parallel_loop3A_313, %parallel_loop3A_311 : vector<16xf32>
        %parallel_loop3A_315 = math.exp %parallel_loop3A_314 : vector<16xf32>
        %parallel_loop3A_316 = tpu.memref_slice %arg4[%parallel_loop3A_248] : memref<10240xf32, #tpu.memory_space<vmem>> -> memref<128xf32, #tpu.memory_space<vmem>>
        %parallel_loop3A_317 = tpu.vector_load_idx %parallel_loop3A_316[%and3A_44] : memref<128xf32, #tpu.memory_space<vmem>>[vector<16xi32>], vector<16xf32>,
        %parallel_loop3A_318 = math.exp %parallel_loop3A_317 : vector<16xf32>
        %parallel_loop3A_319 = tpu.memref_slice %arg4[%parallel_loop3A_248] : memref<10240xf32, #tpu.memory_space<vmem>> -> memref<128xf32, #tpu.memory_space<vmem>>
        %parallel_loop3A_320 = tpu.vector_load_idx %parallel_loop3A_319[%and3A_53] : memref<128xf32, #tpu.memory_space<vmem>>[vector<16xi32>], vector<16xf32>,
        %parallel_loop3A_321 = arith.constant 0.000000e+00 : f32
        %parallel_loop3A_322 = vector.broadcast %parallel_loop3A_321 : f32 to vector<16xf32>
        %parallel_loop3A_323 = arith.subf %parallel_loop3A_322, %parallel_loop3A_320 : vector<16xf32>
        %parallel_loop3A_324 = math.exp %parallel_loop3A_323 : vector<16xf32>
        %parallel_loop3A_325 = arith.addf %parallel_loop3A_315, %parallel_loop3A_318 : vector<16xf32>
        %parallel_loop3A_326 = arith.addf %parallel_loop3A_325, %parallel_loop3A_324 : vector<16xf32>
        %parallel_loop3A_327 = arith.constant 5.000000e-01 : f32
        %parallel_loop3A_328 = vector.broadcast %parallel_loop3A_327 : f32 to vector<16xf32>
        %parallel_loop3A_329 = arith.divf %parallel_loop3A_328, %parallel_loop3A_326 : vector<16xf32>
        %parallel_loop3A_330 = arith.constant 0.000000e+00 : f32
        %parallel_loop3A_331 = vector.broadcast %parallel_loop3A_330 : f32 to vector<16xf32>
        %parallel_loop3A_332 = arith.subf %parallel_loop3A_331, %parallel_loop3A_329 : vector<16xf32>
        %parallel_loop3A_333 = arith.mulf %parallel_loop3A_315, %parallel_loop3A_332 : vector<16xf32>
        %parallel_loop3A_334 = tpu.memref_slice %arg6[%parallel_loop3A_248] : memref<10240xf32, #tpu.memory_space<vmem>> -> memref<128xf32, #tpu.memory_space<vmem>>
        tpu.vector_store_idx %parallel_loop3A_334[%and3A_35], %parallel_loop3A_333 {add = true} : memref<128xf32, #tpu.memory_space<vmem>>[vector<16xi32>], vector<16xf32>,
        %parallel_loop3A_335 = arith.mulf %parallel_loop3A_318, %parallel_loop3A_329 : vector<16xf32>
        %parallel_loop3A_336 = tpu.memref_slice %arg6[%parallel_loop3A_248] : memref<10240xf32, #tpu.memory_space<vmem>> -> memref<128xf32, #tpu.memory_space<vmem>>
        tpu.vector_store_idx %parallel_loop3A_336[%and3A_44], %parallel_loop3A_335 {add = true} : memref<128xf32, #tpu.memory_space<vmem>>[vector<16xi32>], vector<16xf32>,
        %parallel_loop3A_337 = arith.mulf %parallel_loop3A_324, %parallel_loop3A_332 : vector<16xf32>
        %parallel_loop3A_338 = tpu.memref_slice %arg6[%parallel_loop3A_248] : memref<10240xf32, #tpu.memory_space<vmem>> -> memref<128xf32, #tpu.memory_space<vmem>>
        tpu.vector_store_idx %parallel_loop3A_338[%and3A_53], %parallel_loop3A_337 {add = true} : memref<128xf32, #tpu.memory_space<vmem>>[vector<16xi32>], vector<16xf32>,
        %parallel_loop3A_339 = tpu.memref_slice %arg4[%parallel_loop3A_248] : memref<10240xf32, #tpu.memory_space<vmem>> -> memref<128xf32, #tpu.memory_space<vmem>>
        %parallel_loop3A_340 = tpu.vector_load_idx %parallel_loop3A_339[%and3A_62] : memref<128xf32, #tpu.memory_space<vmem>>[vector<16xi32>], vector<16xf32>,
        %parallel_loop3A_341 = arith.constant 0.000000e+00 : f32
        %parallel_loop3A_342 = vector.broadcast %parallel_loop3A_341 : f32 to vector<16xf32>
        %parallel_loop3A_343 = arith.subf %parallel_loop3A_342, %parallel_loop3A_340 : vector<16xf32>
        %parallel_loop3A_344 = math.exp %parallel_loop3A_343 : vector<16xf32>
        %parallel_loop3A_345 = tpu.memref_slice %arg4[%parallel_loop3A_248] : memref<10240xf32, #tpu.memory_space<vmem>> -> memref<128xf32, #tpu.memory_space<vmem>>
        %parallel_loop3A_346 = tpu.vector_load_idx %parallel_loop3A_345[%and3A_71] : memref<128xf32, #tpu.memory_space<vmem>>[vector<16xi32>], vector<16xf32>,
        %parallel_loop3A_347 = math.exp %parallel_loop3A_346 : vector<16xf32>
        %parallel_loop3A_348 = tpu.memref_slice %arg4[%parallel_loop3A_248] : memref<10240xf32, #tpu.memory_space<vmem>> -> memref<128xf32, #tpu.memory_space<vmem>>
        %parallel_loop3A_349 = tpu.vector_load_idx %parallel_loop3A_348[%and3A_80] : memref<128xf32, #tpu.memory_space<vmem>>[vector<16xi32>], vector<16xf32>,
        %parallel_loop3A_350 = arith.constant 0.000000e+00 : f32
        %parallel_loop3A_351 = vector.broadcast %parallel_loop3A_350 : f32 to vector<16xf32>
        %parallel_loop3A_352 = arith.subf %parallel_loop3A_351, %parallel_loop3A_349 : vector<16xf32>
        %parallel_loop3A_353 = math.exp %parallel_loop3A_352 : vector<16xf32>
        %parallel_loop3A_354 = arith.addf %parallel_loop3A_344, %parallel_loop3A_347 : vector<16xf32>
        %parallel_loop3A_355 = arith.addf %parallel_loop3A_354, %parallel_loop3A_353 : vector<16xf32>
        %parallel_loop3A_356 = arith.constant 5.000000e-01 : f32
        %parallel_loop3A_357 = vector.broadcast %parallel_loop3A_356 : f32 to vector<16xf32>
        %parallel_loop3A_358 = arith.divf %parallel_loop3A_357, %parallel_loop3A_355 : vector<16xf32>
        %parallel_loop3A_359 = arith.constant 0.000000e+00 : f32
        %parallel_loop3A_360 = vector.broadcast %parallel_loop3A_359 : f32 to vector<16xf32>
        %parallel_loop3A_361 = arith.subf %parallel_loop3A_360, %parallel_loop3A_358 : vector<16xf32>
        %parallel_loop3A_362 = arith.mulf %parallel_loop3A_344, %parallel_loop3A_361 : vector<16xf32>
        %parallel_loop3A_363 = tpu.memref_slice %arg6[%parallel_loop3A_248] : memref<10240xf32, #tpu.memory_space<vmem>> -> memref<128xf32, #tpu.memory_space<vmem>>
        tpu.vector_store_idx %parallel_loop3A_363[%and3A_62], %parallel_loop3A_362 {add = true} : memref<128xf32, #tpu.memory_space<vmem>>[vector<16xi32>], vector<16xf32>,
        %parallel_loop3A_364 = arith.mulf %parallel_loop3A_347, %parallel_loop3A_358 : vector<16xf32>
        %parallel_loop3A_365 = tpu.memref_slice %arg6[%parallel_loop3A_248] : memref<10240xf32, #tpu.memory_space<vmem>> -> memref<128xf32, #tpu.memory_space<vmem>>
        tpu.vector_store_idx %parallel_loop3A_365[%and3A_71], %parallel_loop3A_364 {add = true} : memref<128xf32, #tpu.memory_space<vmem>>[vector<16xi32>], vector<16xf32>,
        %parallel_loop3A_366 = arith.mulf %parallel_loop3A_353, %parallel_loop3A_361 : vector<16xf32>
        %parallel_loop3A_367 = tpu.memref_slice %arg6[%parallel_loop3A_248] : memref<10240xf32, #tpu.memory_space<vmem>> -> memref<128xf32, #tpu.memory_space<vmem>>
        tpu.vector_store_idx %parallel_loop3A_367[%and3A_80], %parallel_loop3A_366 {add = true} : memref<128xf32, #tpu.memory_space<vmem>>[vector<16xi32>], vector<16xf32>,
        %parallel_loop3A_368 = tpu.memref_slice %arg4[%parallel_loop3A_248] : memref<10240xf32, #tpu.memory_space<vmem>> -> memref<128xf32, #tpu.memory_space<vmem>>
        %parallel_loop3A_369 = tpu.vector_load_idx %parallel_loop3A_368[%and3A_89] : memref<128xf32, #tpu.memory_space<vmem>>[vector<16xi32>], vector<16xf32>,
        %parallel_loop3A_370 = arith.constant 0.000000e+00 : f32
        %parallel_loop3A_371 = vector.broadcast %parallel_loop3A_370 : f32 to vector<16xf32>
        %parallel_loop3A_372 = arith.subf %parallel_loop3A_371, %parallel_loop3A_369 : vector<16xf32>
        %parallel_loop3A_373 = math.exp %parallel_loop3A_372 : vector<16xf32>
        %parallel_loop3A_374 = tpu.memref_slice %arg4[%parallel_loop3A_248] : memref<10240xf32, #tpu.memory_space<vmem>> -> memref<128xf32, #tpu.memory_space<vmem>>
        %parallel_loop3A_375 = tpu.vector_load_idx %parallel_loop3A_374[%and3A_98] : memref<128xf32, #tpu.memory_space<vmem>>[vector<16xi32>], vector<16xf32>,
        %parallel_loop3A_376 = math.exp %parallel_loop3A_375 : vector<16xf32>
        %parallel_loop3A_377 = tpu.memref_slice %arg4[%parallel_loop3A_248] : memref<10240xf32, #tpu.memory_space<vmem>> -> memref<128xf32, #tpu.memory_space<vmem>>
        %parallel_loop3A_378 = tpu.vector_load_idx %parallel_loop3A_377[%and3A_107] : memref<128xf32, #tpu.memory_space<vmem>>[vector<16xi32>], vector<16xf32>,
        %parallel_loop3A_379 = arith.constant 0.000000e+00 : f32
        %parallel_loop3A_380 = vector.broadcast %parallel_loop3A_379 : f32 to vector<16xf32>
        %parallel_loop3A_381 = arith.subf %parallel_loop3A_380, %parallel_loop3A_378 : vector<16xf32>
        %parallel_loop3A_382 = math.exp %parallel_loop3A_381 : vector<16xf32>
        %parallel_loop3A_383 = arith.addf %parallel_loop3A_373, %parallel_loop3A_376 : vector<16xf32>
        %parallel_loop3A_384 = arith.addf %parallel_loop3A_383, %parallel_loop3A_382 : vector<16xf32>
        %parallel_loop3A_385 = arith.constant 5.000000e-01 : f32
        %parallel_loop3A_386 = vector.broadcast %parallel_loop3A_385 : f32 to vector<16xf32>
        %parallel_loop3A_387 = arith.divf %parallel_loop3A_386, %parallel_loop3A_384 : vector<16xf32>
        %parallel_loop3A_388 = arith.constant 0.000000e+00 : f32
        %parallel_loop3A_389 = vector.broadcast %parallel_loop3A_388 : f32 to vector<16xf32>
        %parallel_loop3A_390 = arith.subf %parallel_loop3A_389, %parallel_loop3A_387 : vector<16xf32>
        %parallel_loop3A_391 = arith.mulf %parallel_loop3A_373, %parallel_loop3A_390 : vector<16xf32>
        %parallel_loop3A_392 = tpu.memref_slice %arg6[%parallel_loop3A_248] : memref<10240xf32, #tpu.memory_space<vmem>> -> memref<128xf32, #tpu.memory_space<vmem>>
        tpu.vector_store_idx %parallel_loop3A_392[%and3A_89], %parallel_loop3A_391 {add = true} : memref<128xf32, #tpu.memory_space<vmem>>[vector<16xi32>], vector<16xf32>,
        %parallel_loop3A_393 = arith.mulf %parallel_loop3A_376, %parallel_loop3A_387 : vector<16xf32>
        %parallel_loop3A_394 = tpu.memref_slice %arg6[%parallel_loop3A_248] : memref<10240xf32, #tpu.memory_space<vmem>> -> memref<128xf32, #tpu.memory_space<vmem>>
        tpu.vector_store_idx %parallel_loop3A_394[%and3A_98], %parallel_loop3A_393 {add = true} : memref<128xf32, #tpu.memory_space<vmem>>[vector<16xi32>], vector<16xf32>,
        %parallel_loop3A_395 = arith.mulf %parallel_loop3A_382, %parallel_loop3A_390 : vector<16xf32>
        %parallel_loop3A_396 = tpu.memref_slice %arg6[%parallel_loop3A_248] : memref<10240xf32, #tpu.memory_space<vmem>> -> memref<128xf32, #tpu.memory_space<vmem>>
        tpu.vector_store_idx %parallel_loop3A_396[%and3A_107], %parallel_loop3A_395 {add = true} : memref<128xf32, #tpu.memory_space<vmem>>[vector<16xi32>], vector<16xf32>,
      } {sc.loop_unroll_factor = 4 : i64, sc.parallel_access}
      %mul3A_197 = arith.constant 32 : i32
      %mul3A_198 = arith.muli %add3A_180, %mul3A_197 : i32
      %add3A_199 = arith.addi %mul3A_198, %add3A : i32
      %mul3A_200 = arith.constant 80 : i32
      %mul3A_201 = arith.muli %add3A_199, %mul3A_200 : i32
      %mul3A_202 = arith.constant 128 : i32
      %mul3A_203 = arith.muli %mul3A_201, %mul3A_202 : i32
      %dma_start3A_204 = tpu.memref_slice %arg3[%mul3A_203] : memref<12800000xf32, #tpu.memory_space<hbm>> -> memref<10240xf32, #tpu.memory_space<hbm>>
      %dma_start3A_205 = tpu.memref_slice %arg3[%mul3A_203] : memref<12800000xf32, #tpu.memory_space<hbm>> -> memref<10240xf32, #tpu.memory_space<hbm>>
      tpu.enqueue_dma source(%arg6 : memref<10240xf32, #tpu.memory_space<vmem>>) target(%dma_start3A_205 : memref<10240xf32, #tpu.memory_space<hbm>>) target_semaphore(%arg10 : memref<!tpu.dma_semaphore, #tpu.memory_space<semaphore_mem>>)
      %add3A_206 = arith.constant 2 : i32
      %add3A_207 = arith.addi %add3A_180, %add3A_206 : i32
      %lt3A_208 = arith.cmpi slt, %add3A_207, %select_n3A : i32
      %convert_element_type3A_209 = arith.extui %lt3A_208 : i1 to i32
      %cond3A_210 = arith.constant 0 : i32
      %cond3A_211 = arith.cmpi ne, %convert_element_type3A_209, %cond3A_210 : i32
      scf.if %cond3A_211 {
        %add3A_246 = arith.constant 2 : i32
        %add3A_247 = arith.addi %add3A_180, %add3A_246 : i32
        %mul3A_248 = arith.constant 32 : i32
        %mul3A_249 = arith.muli %add3A_247, %mul3A_248 : i32
        %add3A_250 = arith.addi %mul3A_249, %add3A : i32
        %mul3A_251 = arith.constant 80 : i32
        %mul3A_252 = arith.muli %add3A_250, %mul3A_251 : i32
        %mul3A_253 = arith.constant 128 : i32
        %mul3A_254 = arith.muli %mul3A_252, %mul3A_253 : i32
        %dma_start3A_255 = tpu.memref_slice %arg2[%mul3A_254] : memref<12800000xf32, #tpu.memory_space<hbm>> -> memref<10240xf32, #tpu.memory_space<hbm>>
        %dma_start3A_256 = tpu.memref_slice %arg2[%mul3A_254] : memref<12800000xf32, #tpu.memory_space<hbm>> -> memref<10240xf32, #tpu.memory_space<hbm>>
        tpu.enqueue_dma source(%dma_start3A_256 : memref<10240xf32, #tpu.memory_space<hbm>>) target(%arg4 : memref<10240xf32, #tpu.memory_space<vmem>>) target_semaphore(%arg8 : memref<!tpu.dma_semaphore, #tpu.memory_space<semaphore_mem>>)
      } else {
      }
      %add3A_212 = arith.constant 1 : i32
      %add3A_213 = arith.addi %add3A_178, %add3A_212 : i32
      %mul3A_214 = arith.constant 32 : i32
      %mul3A_215 = arith.muli %add3A_213, %mul3A_214 : i32
      %add3A_216 = arith.addi %mul3A_215, %add3A : i32
      %mul3A_217 = arith.constant 80 : i32
      %mul3A_218 = arith.muli %add3A_216, %mul3A_217 : i32
      %mul3A_219 = arith.constant 128 : i32
      %mul3A_220 = arith.muli %mul3A_218, %mul3A_219 : i32
      %dma_wait3A_221 = tpu.memref_slice %arg2[%mul3A_220] : memref<12800000xf32, #tpu.memory_space<hbm>> -> memref<10240xf32, #tpu.memory_space<hbm>>
      %dma_wait3A_222 = tpu.memref_slice %arg2[%mul3A_220] : memref<12800000xf32, #tpu.memory_space<hbm>> -> memref<10240xf32, #tpu.memory_space<hbm>>
      tpu.wait_dma2 semaphore(%arg9 : memref<!tpu.dma_semaphore, #tpu.memory_space<semaphore_mem>>) src(%dma_wait3A_222 : memref<10240xf32, #tpu.memory_space<hbm>>) dst(%arg5 : memref<10240xf32, #tpu.memory_space<vmem>>)
      %ge3A_223 = arith.constant 2 : i32
      %ge3A_224 = arith.cmpi sge, %add3A_213, %ge3A_223 : i32
      %convert_element_type3A_225 = arith.extui %ge3A_224 : i1 to i32
      %cond3A_226 = arith.constant 0 : i32
      %cond3A_227 = arith.cmpi ne, %convert_element_type3A_225, %cond3A_226 : i32
      scf.if %cond3A_227 {
        %mul3A_246 = arith.constant 32 : i32
        %mul3A_247 = arith.muli %add3A_213, %mul3A_246 : i32
        %add3A_248 = arith.addi %mul3A_247, %add3A : i32
        %mul3A_249 = arith.constant 80 : i32
        %mul3A_250 = arith.muli %add3A_248, %mul3A_249 : i32
        %mul3A_251 = arith.constant 128 : i32
        %mul3A_252 = arith.muli %mul3A_250, %mul3A_251 : i32
        %dma_wait3A_253 = tpu.memref_slice %arg3[%mul3A_252] : memref<12800000xf32, #tpu.memory_space<hbm>> -> memref<10240xf32, #tpu.memory_space<hbm>>
        %dma_wait3A_254 = tpu.memref_slice %arg3[%mul3A_252] : memref<12800000xf32, #tpu.memory_space<hbm>> -> memref<10240xf32, #tpu.memory_space<hbm>>
        tpu.wait_dma2 semaphore(%arg11 : memref<!tpu.dma_semaphore, #tpu.memory_space<semaphore_mem>>) src(%arg7 : memref<10240xf32, #tpu.memory_space<vmem>>) dst(%dma_wait3A_254 : memref<10240xf32, #tpu.memory_space<hbm>>)
      } else {
      }
      %parallel_loop3A_228 = arith.constant 0 : i32
      %parallel_loop3A_229 = arith.constant 80 : i32
      %parallel_loop3A_230 = arith.constant 1 : i32
      scf.for %parallel_loop3A_246 = %parallel_loop3A_228 to %parallel_loop3A_229 step %parallel_loop3A_230  : i32 {
        %parallel_loop3A_247 = arith.constant 128 : i32
        %parallel_loop3A_248 = arith.muli %parallel_loop3A_246, %parallel_loop3A_247 : i32
        %parallel_loop3A_249 = arith.constant 0 : i32
        %parallel_loop3A_250 = arith.addi %parallel_loop3A_248, %parallel_loop3A_249 : i32
        %parallel_loop3A_251 = arith.index_cast %parallel_loop3A_250 : i32 to index
        %parallel_loop3A_252 = tpu.vector_load %arg7[%parallel_loop3A_251] {strides = array<i32>} : memref<10240xf32, #tpu.memory_space<vmem>>, vector<16xf32>,
        tpu.vector_store %arg7[%parallel_loop3A_251], %broadcast_in_dim3A_108 {strides = array<i32>} : memref<10240xf32, #tpu.memory_space<vmem>>, vector<16xf32>,
        %parallel_loop3A_253 = arith.constant 16 : i32
        %parallel_loop3A_254 = arith.addi %parallel_loop3A_248, %parallel_loop3A_253 : i32
        %parallel_loop3A_255 = arith.index_cast %parallel_loop3A_254 : i32 to index
        %parallel_loop3A_256 = tpu.vector_load %arg7[%parallel_loop3A_255] {strides = array<i32>} : memref<10240xf32, #tpu.memory_space<vmem>>, vector<16xf32>,
        tpu.vector_store %arg7[%parallel_loop3A_255], %broadcast_in_dim3A_108 {strides = array<i32>} : memref<10240xf32, #tpu.memory_space<vmem>>, vector<16xf32>,
        %parallel_loop3A_257 = arith.constant 32 : i32
        %parallel_loop3A_258 = arith.addi %parallel_loop3A_248, %parallel_loop3A_257 : i32
        %parallel_loop3A_259 = arith.index_cast %parallel_loop3A_258 : i32 to index
        %parallel_loop3A_260 = tpu.vector_load %arg7[%parallel_loop3A_259] {strides = array<i32>} : memref<10240xf32, #tpu.memory_space<vmem>>, vector<16xf32>,
        tpu.vector_store %arg7[%parallel_loop3A_259], %broadcast_in_dim3A_108 {strides = array<i32>} : memref<10240xf32, #tpu.memory_space<vmem>>, vector<16xf32>,
        %parallel_loop3A_261 = arith.constant 48 : i32
        %parallel_loop3A_262 = arith.addi %parallel_loop3A_248, %parallel_loop3A_261 : i32
        %parallel_loop3A_263 = arith.index_cast %parallel_loop3A_262 : i32 to index
        %parallel_loop3A_264 = tpu.vector_load %arg7[%parallel_loop3A_263] {strides = array<i32>} : memref<10240xf32, #tpu.memory_space<vmem>>, vector<16xf32>,
        tpu.vector_store %arg7[%parallel_loop3A_263], %broadcast_in_dim3A_108 {strides = array<i32>} : memref<10240xf32, #tpu.memory_space<vmem>>, vector<16xf32>,
        %parallel_loop3A_265 = arith.constant 64 : i32
        %parallel_loop3A_266 = arith.addi %parallel_loop3A_248, %parallel_loop3A_265 : i32
        %parallel_loop3A_267 = arith.index_cast %parallel_loop3A_266 : i32 to index
        %parallel_loop3A_268 = tpu.vector_load %arg7[%parallel_loop3A_267] {strides = array<i32>} : memref<10240xf32, #tpu.memory_space<vmem>>, vector<16xf32>,
        tpu.vector_store %arg7[%parallel_loop3A_267], %broadcast_in_dim3A_108 {strides = array<i32>} : memref<10240xf32, #tpu.memory_space<vmem>>, vector<16xf32>,
        %parallel_loop3A_269 = arith.constant 80 : i32
        %parallel_loop3A_270 = arith.addi %parallel_loop3A_248, %parallel_loop3A_269 : i32
        %parallel_loop3A_271 = arith.index_cast %parallel_loop3A_270 : i32 to index
        %parallel_loop3A_272 = tpu.vector_load %arg7[%parallel_loop3A_271] {strides = array<i32>} : memref<10240xf32, #tpu.memory_space<vmem>>, vector<16xf32>,
        tpu.vector_store %arg7[%parallel_loop3A_271], %broadcast_in_dim3A_108 {strides = array<i32>} : memref<10240xf32, #tpu.memory_space<vmem>>, vector<16xf32>,
        %parallel_loop3A_273 = arith.constant 96 : i32
        %parallel_loop3A_274 = arith.addi %parallel_loop3A_248, %parallel_loop3A_273 : i32
        %parallel_loop3A_275 = arith.index_cast %parallel_loop3A_274 : i32 to index
        %parallel_loop3A_276 = tpu.vector_load %arg7[%parallel_loop3A_275] {strides = array<i32>} : memref<10240xf32, #tpu.memory_space<vmem>>, vector<16xf32>,
        tpu.vector_store %arg7[%parallel_loop3A_275], %broadcast_in_dim3A_108 {strides = array<i32>} : memref<10240xf32, #tpu.memory_space<vmem>>, vector<16xf32>,
        %parallel_loop3A_277 = arith.constant 112 : i32
        %parallel_loop3A_278 = arith.addi %parallel_loop3A_248, %parallel_loop3A_277 : i32
        %parallel_loop3A_279 = arith.index_cast %parallel_loop3A_278 : i32 to index
        %parallel_loop3A_280 = tpu.vector_load %arg7[%parallel_loop3A_279] {strides = array<i32>} : memref<10240xf32, #tpu.memory_space<vmem>>, vector<16xf32>,
        tpu.vector_store %arg7[%parallel_loop3A_279], %broadcast_in_dim3A_108 {strides = array<i32>} : memref<10240xf32, #tpu.memory_space<vmem>>, vector<16xf32>,
        %parallel_loop3A_281 = tpu.memref_slice %arg5[%parallel_loop3A_248] : memref<10240xf32, #tpu.memory_space<vmem>> -> memref<128xf32, #tpu.memory_space<vmem>>
        %parallel_loop3A_282 = tpu.vector_load_idx %parallel_loop3A_281[%and3A_8] : memref<128xf32, #tpu.memory_space<vmem>>[vector<16xi32>], vector<16xf32>,
        %parallel_loop3A_283 = arith.constant 0.000000e+00 : f32
        %parallel_loop3A_284 = vector.broadcast %parallel_loop3A_283 : f32 to vector<16xf32>
        %parallel_loop3A_285 = arith.subf %parallel_loop3A_284, %parallel_loop3A_282 : vector<16xf32>
        %parallel_loop3A_286 = math.exp %parallel_loop3A_285 : vector<16xf32>
        %parallel_loop3A_287 = tpu.memref_slice %arg5[%parallel_loop3A_248] : memref<10240xf32, #tpu.memory_space<vmem>> -> memref<128xf32, #tpu.memory_space<vmem>>
        %parallel_loop3A_288 = tpu.vector_load_idx %parallel_loop3A_287[%and3A_17] : memref<128xf32, #tpu.memory_space<vmem>>[vector<16xi32>], vector<16xf32>,
        %parallel_loop3A_289 = math.exp %parallel_loop3A_288 : vector<16xf32>
        %parallel_loop3A_290 = tpu.memref_slice %arg5[%parallel_loop3A_248] : memref<10240xf32, #tpu.memory_space<vmem>> -> memref<128xf32, #tpu.memory_space<vmem>>
        %parallel_loop3A_291 = tpu.vector_load_idx %parallel_loop3A_290[%and3A_26] : memref<128xf32, #tpu.memory_space<vmem>>[vector<16xi32>], vector<16xf32>,
        %parallel_loop3A_292 = arith.constant 0.000000e+00 : f32
        %parallel_loop3A_293 = vector.broadcast %parallel_loop3A_292 : f32 to vector<16xf32>
        %parallel_loop3A_294 = arith.subf %parallel_loop3A_293, %parallel_loop3A_291 : vector<16xf32>
        %parallel_loop3A_295 = math.exp %parallel_loop3A_294 : vector<16xf32>
        %parallel_loop3A_296 = arith.addf %parallel_loop3A_286, %parallel_loop3A_289 : vector<16xf32>
        %parallel_loop3A_297 = arith.addf %parallel_loop3A_296, %parallel_loop3A_295 : vector<16xf32>
        %parallel_loop3A_298 = arith.constant 5.000000e-01 : f32
        %parallel_loop3A_299 = vector.broadcast %parallel_loop3A_298 : f32 to vector<16xf32>
        %parallel_loop3A_300 = arith.divf %parallel_loop3A_299, %parallel_loop3A_297 : vector<16xf32>
        %parallel_loop3A_301 = arith.constant 0.000000e+00 : f32
        %parallel_loop3A_302 = vector.broadcast %parallel_loop3A_301 : f32 to vector<16xf32>
        %parallel_loop3A_303 = arith.subf %parallel_loop3A_302, %parallel_loop3A_300 : vector<16xf32>
        %parallel_loop3A_304 = arith.mulf %parallel_loop3A_286, %parallel_loop3A_303 : vector<16xf32>
        %parallel_loop3A_305 = tpu.memref_slice %arg7[%parallel_loop3A_248] : memref<10240xf32, #tpu.memory_space<vmem>> -> memref<128xf32, #tpu.memory_space<vmem>>
        tpu.vector_store_idx %parallel_loop3A_305[%and3A_8], %parallel_loop3A_304 {add = true} : memref<128xf32, #tpu.memory_space<vmem>>[vector<16xi32>], vector<16xf32>,
        %parallel_loop3A_306 = arith.mulf %parallel_loop3A_289, %parallel_loop3A_300 : vector<16xf32>
        %parallel_loop3A_307 = tpu.memref_slice %arg7[%parallel_loop3A_248] : memref<10240xf32, #tpu.memory_space<vmem>> -> memref<128xf32, #tpu.memory_space<vmem>>
        tpu.vector_store_idx %parallel_loop3A_307[%and3A_17], %parallel_loop3A_306 {add = true} : memref<128xf32, #tpu.memory_space<vmem>>[vector<16xi32>], vector<16xf32>,
        %parallel_loop3A_308 = arith.mulf %parallel_loop3A_295, %parallel_loop3A_303 : vector<16xf32>
        %parallel_loop3A_309 = tpu.memref_slice %arg7[%parallel_loop3A_248] : memref<10240xf32, #tpu.memory_space<vmem>> -> memref<128xf32, #tpu.memory_space<vmem>>
        tpu.vector_store_idx %parallel_loop3A_309[%and3A_26], %parallel_loop3A_308 {add = true} : memref<128xf32, #tpu.memory_space<vmem>>[vector<16xi32>], vector<16xf32>,
        %parallel_loop3A_310 = tpu.memref_slice %arg5[%parallel_loop3A_248] : memref<10240xf32, #tpu.memory_space<vmem>> -> memref<128xf32, #tpu.memory_space<vmem>>
        %parallel_loop3A_311 = tpu.vector_load_idx %parallel_loop3A_310[%and3A_35] : memref<128xf32, #tpu.memory_space<vmem>>[vector<16xi32>], vector<16xf32>,
        %parallel_loop3A_312 = arith.constant 0.000000e+00 : f32
        %parallel_loop3A_313 = vector.broadcast %parallel_loop3A_312 : f32 to vector<16xf32>
        %parallel_loop3A_314 = arith.subf %parallel_loop3A_313, %parallel_loop3A_311 : vector<16xf32>
        %parallel_loop3A_315 = math.exp %parallel_loop3A_314 : vector<16xf32>
        %parallel_loop3A_316 = tpu.memref_slice %arg5[%parallel_loop3A_248] : memref<10240xf32, #tpu.memory_space<vmem>> -> memref<128xf32, #tpu.memory_space<vmem>>
        %parallel_loop3A_317 = tpu.vector_load_idx %parallel_loop3A_316[%and3A_44] : memref<128xf32, #tpu.memory_space<vmem>>[vector<16xi32>], vector<16xf32>,
        %parallel_loop3A_318 = math.exp %parallel_loop3A_317 : vector<16xf32>
        %parallel_loop3A_319 = tpu.memref_slice %arg5[%parallel_loop3A_248] : memref<10240xf32, #tpu.memory_space<vmem>> -> memref<128xf32, #tpu.memory_space<vmem>>
        %parallel_loop3A_320 = tpu.vector_load_idx %parallel_loop3A_319[%and3A_53] : memref<128xf32, #tpu.memory_space<vmem>>[vector<16xi32>], vector<16xf32>,
        %parallel_loop3A_321 = arith.constant 0.000000e+00 : f32
        %parallel_loop3A_322 = vector.broadcast %parallel_loop3A_321 : f32 to vector<16xf32>
        %parallel_loop3A_323 = arith.subf %parallel_loop3A_322, %parallel_loop3A_320 : vector<16xf32>
        %parallel_loop3A_324 = math.exp %parallel_loop3A_323 : vector<16xf32>
        %parallel_loop3A_325 = arith.addf %parallel_loop3A_315, %parallel_loop3A_318 : vector<16xf32>
        %parallel_loop3A_326 = arith.addf %parallel_loop3A_325, %parallel_loop3A_324 : vector<16xf32>
        %parallel_loop3A_327 = arith.constant 5.000000e-01 : f32
        %parallel_loop3A_328 = vector.broadcast %parallel_loop3A_327 : f32 to vector<16xf32>
        %parallel_loop3A_329 = arith.divf %parallel_loop3A_328, %parallel_loop3A_326 : vector<16xf32>
        %parallel_loop3A_330 = arith.constant 0.000000e+00 : f32
        %parallel_loop3A_331 = vector.broadcast %parallel_loop3A_330 : f32 to vector<16xf32>
        %parallel_loop3A_332 = arith.subf %parallel_loop3A_331, %parallel_loop3A_329 : vector<16xf32>
        %parallel_loop3A_333 = arith.mulf %parallel_loop3A_315, %parallel_loop3A_332 : vector<16xf32>
        %parallel_loop3A_334 = tpu.memref_slice %arg7[%parallel_loop3A_248] : memref<10240xf32, #tpu.memory_space<vmem>> -> memref<128xf32, #tpu.memory_space<vmem>>
        tpu.vector_store_idx %parallel_loop3A_334[%and3A_35], %parallel_loop3A_333 {add = true} : memref<128xf32, #tpu.memory_space<vmem>>[vector<16xi32>], vector<16xf32>,
        %parallel_loop3A_335 = arith.mulf %parallel_loop3A_318, %parallel_loop3A_329 : vector<16xf32>
        %parallel_loop3A_336 = tpu.memref_slice %arg7[%parallel_loop3A_248] : memref<10240xf32, #tpu.memory_space<vmem>> -> memref<128xf32, #tpu.memory_space<vmem>>
        tpu.vector_store_idx %parallel_loop3A_336[%and3A_44], %parallel_loop3A_335 {add = true} : memref<128xf32, #tpu.memory_space<vmem>>[vector<16xi32>], vector<16xf32>,
        %parallel_loop3A_337 = arith.mulf %parallel_loop3A_324, %parallel_loop3A_332 : vector<16xf32>
        %parallel_loop3A_338 = tpu.memref_slice %arg7[%parallel_loop3A_248] : memref<10240xf32, #tpu.memory_space<vmem>> -> memref<128xf32, #tpu.memory_space<vmem>>
        tpu.vector_store_idx %parallel_loop3A_338[%and3A_53], %parallel_loop3A_337 {add = true} : memref<128xf32, #tpu.memory_space<vmem>>[vector<16xi32>], vector<16xf32>,
        %parallel_loop3A_339 = tpu.memref_slice %arg5[%parallel_loop3A_248] : memref<10240xf32, #tpu.memory_space<vmem>> -> memref<128xf32, #tpu.memory_space<vmem>>
        %parallel_loop3A_340 = tpu.vector_load_idx %parallel_loop3A_339[%and3A_62] : memref<128xf32, #tpu.memory_space<vmem>>[vector<16xi32>], vector<16xf32>,
        %parallel_loop3A_341 = arith.constant 0.000000e+00 : f32
        %parallel_loop3A_342 = vector.broadcast %parallel_loop3A_341 : f32 to vector<16xf32>
        %parallel_loop3A_343 = arith.subf %parallel_loop3A_342, %parallel_loop3A_340 : vector<16xf32>
        %parallel_loop3A_344 = math.exp %parallel_loop3A_343 : vector<16xf32>
        %parallel_loop3A_345 = tpu.memref_slice %arg5[%parallel_loop3A_248] : memref<10240xf32, #tpu.memory_space<vmem>> -> memref<128xf32, #tpu.memory_space<vmem>>
        %parallel_loop3A_346 = tpu.vector_load_idx %parallel_loop3A_345[%and3A_71] : memref<128xf32, #tpu.memory_space<vmem>>[vector<16xi32>], vector<16xf32>,
        %parallel_loop3A_347 = math.exp %parallel_loop3A_346 : vector<16xf32>
        %parallel_loop3A_348 = tpu.memref_slice %arg5[%parallel_loop3A_248] : memref<10240xf32, #tpu.memory_space<vmem>> -> memref<128xf32, #tpu.memory_space<vmem>>
        %parallel_loop3A_349 = tpu.vector_load_idx %parallel_loop3A_348[%and3A_80] : memref<128xf32, #tpu.memory_space<vmem>>[vector<16xi32>], vector<16xf32>,
        %parallel_loop3A_350 = arith.constant 0.000000e+00 : f32
        %parallel_loop3A_351 = vector.broadcast %parallel_loop3A_350 : f32 to vector<16xf32>
        %parallel_loop3A_352 = arith.subf %parallel_loop3A_351, %parallel_loop3A_349 : vector<16xf32>
        %parallel_loop3A_353 = math.exp %parallel_loop3A_352 : vector<16xf32>
        %parallel_loop3A_354 = arith.addf %parallel_loop3A_344, %parallel_loop3A_347 : vector<16xf32>
        %parallel_loop3A_355 = arith.addf %parallel_loop3A_354, %parallel_loop3A_353 : vector<16xf32>
        %parallel_loop3A_356 = arith.constant 5.000000e-01 : f32
        %parallel_loop3A_357 = vector.broadcast %parallel_loop3A_356 : f32 to vector<16xf32>
        %parallel_loop3A_358 = arith.divf %parallel_loop3A_357, %parallel_loop3A_355 : vector<16xf32>
        %parallel_loop3A_359 = arith.constant 0.000000e+00 : f32
        %parallel_loop3A_360 = vector.broadcast %parallel_loop3A_359 : f32 to vector<16xf32>
        %parallel_loop3A_361 = arith.subf %parallel_loop3A_360, %parallel_loop3A_358 : vector<16xf32>
        %parallel_loop3A_362 = arith.mulf %parallel_loop3A_344, %parallel_loop3A_361 : vector<16xf32>
        %parallel_loop3A_363 = tpu.memref_slice %arg7[%parallel_loop3A_248] : memref<10240xf32, #tpu.memory_space<vmem>> -> memref<128xf32, #tpu.memory_space<vmem>>
        tpu.vector_store_idx %parallel_loop3A_363[%and3A_62], %parallel_loop3A_362 {add = true} : memref<128xf32, #tpu.memory_space<vmem>>[vector<16xi32>], vector<16xf32>,
        %parallel_loop3A_364 = arith.mulf %parallel_loop3A_347, %parallel_loop3A_358 : vector<16xf32>
        %parallel_loop3A_365 = tpu.memref_slice %arg7[%parallel_loop3A_248] : memref<10240xf32, #tpu.memory_space<vmem>> -> memref<128xf32, #tpu.memory_space<vmem>>
        tpu.vector_store_idx %parallel_loop3A_365[%and3A_71], %parallel_loop3A_364 {add = true} : memref<128xf32, #tpu.memory_space<vmem>>[vector<16xi32>], vector<16xf32>,
        %parallel_loop3A_366 = arith.mulf %parallel_loop3A_353, %parallel_loop3A_361 : vector<16xf32>
        %parallel_loop3A_367 = tpu.memref_slice %arg7[%parallel_loop3A_248] : memref<10240xf32, #tpu.memory_space<vmem>> -> memref<128xf32, #tpu.memory_space<vmem>>
        tpu.vector_store_idx %parallel_loop3A_367[%and3A_80], %parallel_loop3A_366 {add = true} : memref<128xf32, #tpu.memory_space<vmem>>[vector<16xi32>], vector<16xf32>,
        %parallel_loop3A_368 = tpu.memref_slice %arg5[%parallel_loop3A_248] : memref<10240xf32, #tpu.memory_space<vmem>> -> memref<128xf32, #tpu.memory_space<vmem>>
        %parallel_loop3A_369 = tpu.vector_load_idx %parallel_loop3A_368[%and3A_89] : memref<128xf32, #tpu.memory_space<vmem>>[vector<16xi32>], vector<16xf32>,
        %parallel_loop3A_370 = arith.constant 0.000000e+00 : f32
        %parallel_loop3A_371 = vector.broadcast %parallel_loop3A_370 : f32 to vector<16xf32>
        %parallel_loop3A_372 = arith.subf %parallel_loop3A_371, %parallel_loop3A_369 : vector<16xf32>
        %parallel_loop3A_373 = math.exp %parallel_loop3A_372 : vector<16xf32>
        %parallel_loop3A_374 = tpu.memref_slice %arg5[%parallel_loop3A_248] : memref<10240xf32, #tpu.memory_space<vmem>> -> memref<128xf32, #tpu.memory_space<vmem>>
        %parallel_loop3A_375 = tpu.vector_load_idx %parallel_loop3A_374[%and3A_98] : memref<128xf32, #tpu.memory_space<vmem>>[vector<16xi32>], vector<16xf32>,
        %parallel_loop3A_376 = math.exp %parallel_loop3A_375 : vector<16xf32>
        %parallel_loop3A_377 = tpu.memref_slice %arg5[%parallel_loop3A_248] : memref<10240xf32, #tpu.memory_space<vmem>> -> memref<128xf32, #tpu.memory_space<vmem>>
        %parallel_loop3A_378 = tpu.vector_load_idx %parallel_loop3A_377[%and3A_107] : memref<128xf32, #tpu.memory_space<vmem>>[vector<16xi32>], vector<16xf32>,
        %parallel_loop3A_379 = arith.constant 0.000000e+00 : f32
        %parallel_loop3A_380 = vector.broadcast %parallel_loop3A_379 : f32 to vector<16xf32>
        %parallel_loop3A_381 = arith.subf %parallel_loop3A_380, %parallel_loop3A_378 : vector<16xf32>
        %parallel_loop3A_382 = math.exp %parallel_loop3A_381 : vector<16xf32>
        %parallel_loop3A_383 = arith.addf %parallel_loop3A_373, %parallel_loop3A_376 : vector<16xf32>
        %parallel_loop3A_384 = arith.addf %parallel_loop3A_383, %parallel_loop3A_382 : vector<16xf32>
        %parallel_loop3A_385 = arith.constant 5.000000e-01 : f32
        %parallel_loop3A_386 = vector.broadcast %parallel_loop3A_385 : f32 to vector<16xf32>
        %parallel_loop3A_387 = arith.divf %parallel_loop3A_386, %parallel_loop3A_384 : vector<16xf32>
        %parallel_loop3A_388 = arith.constant 0.000000e+00 : f32
        %parallel_loop3A_389 = vector.broadcast %parallel_loop3A_388 : f32 to vector<16xf32>
        %parallel_loop3A_390 = arith.subf %parallel_loop3A_389, %parallel_loop3A_387 : vector<16xf32>
        %parallel_loop3A_391 = arith.mulf %parallel_loop3A_373, %parallel_loop3A_390 : vector<16xf32>
        %parallel_loop3A_392 = tpu.memref_slice %arg7[%parallel_loop3A_248] : memref<10240xf32, #tpu.memory_space<vmem>> -> memref<128xf32, #tpu.memory_space<vmem>>
        tpu.vector_store_idx %parallel_loop3A_392[%and3A_89], %parallel_loop3A_391 {add = true} : memref<128xf32, #tpu.memory_space<vmem>>[vector<16xi32>], vector<16xf32>,
        %parallel_loop3A_393 = arith.mulf %parallel_loop3A_376, %parallel_loop3A_387 : vector<16xf32>
        %parallel_loop3A_394 = tpu.memref_slice %arg7[%parallel_loop3A_248] : memref<10240xf32, #tpu.memory_space<vmem>> -> memref<128xf32, #tpu.memory_space<vmem>>
        tpu.vector_store_idx %parallel_loop3A_394[%and3A_98], %parallel_loop3A_393 {add = true} : memref<128xf32, #tpu.memory_space<vmem>>[vector<16xi32>], vector<16xf32>,
        %parallel_loop3A_395 = arith.mulf %parallel_loop3A_382, %parallel_loop3A_390 : vector<16xf32>
        %parallel_loop3A_396 = tpu.memref_slice %arg7[%parallel_loop3A_248] : memref<10240xf32, #tpu.memory_space<vmem>> -> memref<128xf32, #tpu.memory_space<vmem>>
        tpu.vector_store_idx %parallel_loop3A_396[%and3A_107], %parallel_loop3A_395 {add = true} : memref<128xf32, #tpu.memory_space<vmem>>[vector<16xi32>], vector<16xf32>,
      } {sc.loop_unroll_factor = 4 : i64, sc.parallel_access}
      %mul3A_231 = arith.constant 32 : i32
      %mul3A_232 = arith.muli %add3A_213, %mul3A_231 : i32
      %add3A_233 = arith.addi %mul3A_232, %add3A : i32
      %mul3A_234 = arith.constant 80 : i32
      %mul3A_235 = arith.muli %add3A_233, %mul3A_234 : i32
      %mul3A_236 = arith.constant 128 : i32
      %mul3A_237 = arith.muli %mul3A_235, %mul3A_236 : i32
      %dma_start3A_238 = tpu.memref_slice %arg3[%mul3A_237] : memref<12800000xf32, #tpu.memory_space<hbm>> -> memref<10240xf32, #tpu.memory_space<hbm>>
      %dma_start3A_239 = tpu.memref_slice %arg3[%mul3A_237] : memref<12800000xf32, #tpu.memory_space<hbm>> -> memref<10240xf32, #tpu.memory_space<hbm>>
      tpu.enqueue_dma source(%arg7 : memref<10240xf32, #tpu.memory_space<vmem>>) target(%dma_start3A_239 : memref<10240xf32, #tpu.memory_space<hbm>>) target_semaphore(%arg11 : memref<!tpu.dma_semaphore, #tpu.memory_space<semaphore_mem>>)
      %add3A_240 = arith.constant 2 : i32
      %add3A_241 = arith.addi %add3A_213, %add3A_240 : i32
      %lt3A_242 = arith.cmpi slt, %add3A_241, %select_n3A : i32
      %convert_element_type3A_243 = arith.extui %lt3A_242 : i1 to i32
      %cond3A_244 = arith.constant 0 : i32
      %cond3A_245 = arith.cmpi ne, %convert_element_type3A_243, %cond3A_244 : i32
      scf.if %cond3A_245 {
        %add3A_246 = arith.constant 2 : i32
        %add3A_247 = arith.addi %add3A_213, %add3A_246 : i32
        %mul3A_248 = arith.constant 32 : i32
        %mul3A_249 = arith.muli %add3A_247, %mul3A_248 : i32
        %add3A_250 = arith.addi %mul3A_249, %add3A : i32
        %mul3A_251 = arith.constant 80 : i32
        %mul3A_252 = arith.muli %add3A_250, %mul3A_251 : i32
        %mul3A_253 = arith.constant 128 : i32
        %mul3A_254 = arith.muli %mul3A_252, %mul3A_253 : i32
        %dma_start3A_255 = tpu.memref_slice %arg2[%mul3A_254] : memref<12800000xf32, #tpu.memory_space<hbm>> -> memref<10240xf32, #tpu.memory_space<hbm>>
        %dma_start3A_256 = tpu.memref_slice %arg2[%mul3A_254] : memref<12800000xf32, #tpu.memory_space<hbm>> -> memref<10240xf32, #tpu.memory_space<hbm>>
        tpu.enqueue_dma source(%dma_start3A_256 : memref<10240xf32, #tpu.memory_space<hbm>>) target(%arg5 : memref<10240xf32, #tpu.memory_space<vmem>>) target_semaphore(%arg9 : memref<!tpu.dma_semaphore, #tpu.memory_space<semaphore_mem>>)
      } else {
      }
    }
    %scan3A_129 = arith.constant 19 : i32
    %add3A_130 = arith.constant 1216 : i32
    %add3A_131 = arith.addi %add3A_130, %add3A : i32
    %mul3A_132 = arith.constant 80 : i32
    %mul3A_133 = arith.muli %add3A_131, %mul3A_132 : i32
    %mul3A_134 = arith.constant 128 : i32
    %mul3A_135 = arith.muli %mul3A_133, %mul3A_134 : i32
    %dma_wait3A = tpu.memref_slice %arg2[%mul3A_135] : memref<12800000xf32, #tpu.memory_space<hbm>> -> memref<10240xf32, #tpu.memory_space<hbm>>
    %dma_wait3A_136 = tpu.memref_slice %arg2[%mul3A_135] : memref<12800000xf32, #tpu.memory_space<hbm>> -> memref<10240xf32, #tpu.memory_space<hbm>>
    tpu.wait_dma2 semaphore(%arg8 : memref<!tpu.dma_semaphore, #tpu.memory_space<semaphore_mem>>) src(%dma_wait3A_136 : memref<10240xf32, #tpu.memory_space<hbm>>) dst(%arg4 : memref<10240xf32, #tpu.memory_space<vmem>>)
    %add3A_137 = arith.constant 1152 : i32
    %add3A_138 = arith.addi %add3A_137, %add3A : i32
    %mul3A_139 = arith.constant 80 : i32
    %mul3A_140 = arith.muli %add3A_138, %mul3A_139 : i32
    %mul3A_141 = arith.constant 128 : i32
    %mul3A_142 = arith.muli %mul3A_140, %mul3A_141 : i32
    %dma_wait3A_143 = tpu.memref_slice %arg3[%mul3A_142] : memref<12800000xf32, #tpu.memory_space<hbm>> -> memref<10240xf32, #tpu.memory_space<hbm>>
    %dma_wait3A_144 = tpu.memref_slice %arg3[%mul3A_142] : memref<12800000xf32, #tpu.memory_space<hbm>> -> memref<10240xf32, #tpu.memory_space<hbm>>
    tpu.wait_dma2 semaphore(%arg10 : memref<!tpu.dma_semaphore, #tpu.memory_space<semaphore_mem>>) src(%arg6 : memref<10240xf32, #tpu.memory_space<vmem>>) dst(%dma_wait3A_144 : memref<10240xf32, #tpu.memory_space<hbm>>)
    %parallel_loop3A = arith.constant 0 : i32
    %parallel_loop3A_145 = arith.constant 80 : i32
    %parallel_loop3A_146 = arith.constant 1 : i32
    scf.for %parallel_loop3A_174 = %parallel_loop3A to %parallel_loop3A_145 step %parallel_loop3A_146  : i32 {
      %parallel_loop3A_175 = arith.constant 128 : i32
      %parallel_loop3A_176 = arith.muli %parallel_loop3A_174, %parallel_loop3A_175 : i32
      %parallel_loop3A_177 = arith.constant 0 : i32
      %parallel_loop3A_178 = arith.addi %parallel_loop3A_176, %parallel_loop3A_177 : i32
      %parallel_loop3A_179 = arith.index_cast %parallel_loop3A_178 : i32 to index
      %parallel_loop3A_180 = tpu.vector_load %arg6[%parallel_loop3A_179] {strides = array<i32>} : memref<10240xf32, #tpu.memory_space<vmem>>, vector<16xf32>,
      tpu.vector_store %arg6[%parallel_loop3A_179], %broadcast_in_dim3A_108 {strides = array<i32>} : memref<10240xf32, #tpu.memory_space<vmem>>, vector<16xf32>,
      %parallel_loop3A_181 = arith.constant 16 : i32
      %parallel_loop3A_182 = arith.addi %parallel_loop3A_176, %parallel_loop3A_181 : i32
      %parallel_loop3A_183 = arith.index_cast %parallel_loop3A_182 : i32 to index
      %parallel_loop3A_184 = tpu.vector_load %arg6[%parallel_loop3A_183] {strides = array<i32>} : memref<10240xf32, #tpu.memory_space<vmem>>, vector<16xf32>,
      tpu.vector_store %arg6[%parallel_loop3A_183], %broadcast_in_dim3A_108 {strides = array<i32>} : memref<10240xf32, #tpu.memory_space<vmem>>, vector<16xf32>,
      %parallel_loop3A_185 = arith.constant 32 : i32
      %parallel_loop3A_186 = arith.addi %parallel_loop3A_176, %parallel_loop3A_185 : i32
      %parallel_loop3A_187 = arith.index_cast %parallel_loop3A_186 : i32 to index
      %parallel_loop3A_188 = tpu.vector_load %arg6[%parallel_loop3A_187] {strides = array<i32>} : memref<10240xf32, #tpu.memory_space<vmem>>, vector<16xf32>,
      tpu.vector_store %arg6[%parallel_loop3A_187], %broadcast_in_dim3A_108 {strides = array<i32>} : memref<10240xf32, #tpu.memory_space<vmem>>, vector<16xf32>,
      %parallel_loop3A_189 = arith.constant 48 : i32
      %parallel_loop3A_190 = arith.addi %parallel_loop3A_176, %parallel_loop3A_189 : i32
      %parallel_loop3A_191 = arith.index_cast %parallel_loop3A_190 : i32 to index
      %parallel_loop3A_192 = tpu.vector_load %arg6[%parallel_loop3A_191] {strides = array<i32>} : memref<10240xf32, #tpu.memory_space<vmem>>, vector<16xf32>,
      tpu.vector_store %arg6[%parallel_loop3A_191], %broadcast_in_dim3A_108 {strides = array<i32>} : memref<10240xf32, #tpu.memory_space<vmem>>, vector<16xf32>,
      %parallel_loop3A_193 = arith.constant 64 : i32
      %parallel_loop3A_194 = arith.addi %parallel_loop3A_176, %parallel_loop3A_193 : i32
      %parallel_loop3A_195 = arith.index_cast %parallel_loop3A_194 : i32 to index
      %parallel_loop3A_196 = tpu.vector_load %arg6[%parallel_loop3A_195] {strides = array<i32>} : memref<10240xf32, #tpu.memory_space<vmem>>, vector<16xf32>,
      tpu.vector_store %arg6[%parallel_loop3A_195], %broadcast_in_dim3A_108 {strides = array<i32>} : memref<10240xf32, #tpu.memory_space<vmem>>, vector<16xf32>,
      %parallel_loop3A_197 = arith.constant 80 : i32
      %parallel_loop3A_198 = arith.addi %parallel_loop3A_176, %parallel_loop3A_197 : i32
      %parallel_loop3A_199 = arith.index_cast %parallel_loop3A_198 : i32 to index
      %parallel_loop3A_200 = tpu.vector_load %arg6[%parallel_loop3A_199] {strides = array<i32>} : memref<10240xf32, #tpu.memory_space<vmem>>, vector<16xf32>,
      tpu.vector_store %arg6[%parallel_loop3A_199], %broadcast_in_dim3A_108 {strides = array<i32>} : memref<10240xf32, #tpu.memory_space<vmem>>, vector<16xf32>,
      %parallel_loop3A_201 = arith.constant 96 : i32
      %parallel_loop3A_202 = arith.addi %parallel_loop3A_176, %parallel_loop3A_201 : i32
      %parallel_loop3A_203 = arith.index_cast %parallel_loop3A_202 : i32 to index
      %parallel_loop3A_204 = tpu.vector_load %arg6[%parallel_loop3A_203] {strides = array<i32>} : memref<10240xf32, #tpu.memory_space<vmem>>, vector<16xf32>,
      tpu.vector_store %arg6[%parallel_loop3A_203], %broadcast_in_dim3A_108 {strides = array<i32>} : memref<10240xf32, #tpu.memory_space<vmem>>, vector<16xf32>,
      %parallel_loop3A_205 = arith.constant 112 : i32
      %parallel_loop3A_206 = arith.addi %parallel_loop3A_176, %parallel_loop3A_205 : i32
      %parallel_loop3A_207 = arith.index_cast %parallel_loop3A_206 : i32 to index
      %parallel_loop3A_208 = tpu.vector_load %arg6[%parallel_loop3A_207] {strides = array<i32>} : memref<10240xf32, #tpu.memory_space<vmem>>, vector<16xf32>,
      tpu.vector_store %arg6[%parallel_loop3A_207], %broadcast_in_dim3A_108 {strides = array<i32>} : memref<10240xf32, #tpu.memory_space<vmem>>, vector<16xf32>,
      %parallel_loop3A_209 = tpu.memref_slice %arg4[%parallel_loop3A_176] : memref<10240xf32, #tpu.memory_space<vmem>> -> memref<128xf32, #tpu.memory_space<vmem>>
      %parallel_loop3A_210 = tpu.vector_load_idx %parallel_loop3A_209[%and3A_8] : memref<128xf32, #tpu.memory_space<vmem>>[vector<16xi32>], vector<16xf32>,
      %parallel_loop3A_211 = arith.constant 0.000000e+00 : f32
      %parallel_loop3A_212 = vector.broadcast %parallel_loop3A_211 : f32 to vector<16xf32>
      %parallel_loop3A_213 = arith.subf %parallel_loop3A_212, %parallel_loop3A_210 : vector<16xf32>
      %parallel_loop3A_214 = math.exp %parallel_loop3A_213 : vector<16xf32>
      %parallel_loop3A_215 = tpu.memref_slice %arg4[%parallel_loop3A_176] : memref<10240xf32, #tpu.memory_space<vmem>> -> memref<128xf32, #tpu.memory_space<vmem>>
      %parallel_loop3A_216 = tpu.vector_load_idx %parallel_loop3A_215[%and3A_17] : memref<128xf32, #tpu.memory_space<vmem>>[vector<16xi32>], vector<16xf32>,
      %parallel_loop3A_217 = math.exp %parallel_loop3A_216 : vector<16xf32>
      %parallel_loop3A_218 = tpu.memref_slice %arg4[%parallel_loop3A_176] : memref<10240xf32, #tpu.memory_space<vmem>> -> memref<128xf32, #tpu.memory_space<vmem>>
      %parallel_loop3A_219 = tpu.vector_load_idx %parallel_loop3A_218[%and3A_26] : memref<128xf32, #tpu.memory_space<vmem>>[vector<16xi32>], vector<16xf32>,
      %parallel_loop3A_220 = arith.constant 0.000000e+00 : f32
      %parallel_loop3A_221 = vector.broadcast %parallel_loop3A_220 : f32 to vector<16xf32>
      %parallel_loop3A_222 = arith.subf %parallel_loop3A_221, %parallel_loop3A_219 : vector<16xf32>
      %parallel_loop3A_223 = math.exp %parallel_loop3A_222 : vector<16xf32>
      %parallel_loop3A_224 = arith.addf %parallel_loop3A_214, %parallel_loop3A_217 : vector<16xf32>
      %parallel_loop3A_225 = arith.addf %parallel_loop3A_224, %parallel_loop3A_223 : vector<16xf32>
      %parallel_loop3A_226 = arith.constant 5.000000e-01 : f32
      %parallel_loop3A_227 = vector.broadcast %parallel_loop3A_226 : f32 to vector<16xf32>
      %parallel_loop3A_228 = arith.divf %parallel_loop3A_227, %parallel_loop3A_225 : vector<16xf32>
      %parallel_loop3A_229 = arith.constant 0.000000e+00 : f32
      %parallel_loop3A_230 = vector.broadcast %parallel_loop3A_229 : f32 to vector<16xf32>
      %parallel_loop3A_231 = arith.subf %parallel_loop3A_230, %parallel_loop3A_228 : vector<16xf32>
      %parallel_loop3A_232 = arith.mulf %parallel_loop3A_214, %parallel_loop3A_231 : vector<16xf32>
      %parallel_loop3A_233 = tpu.memref_slice %arg6[%parallel_loop3A_176] : memref<10240xf32, #tpu.memory_space<vmem>> -> memref<128xf32, #tpu.memory_space<vmem>>
      tpu.vector_store_idx %parallel_loop3A_233[%and3A_8], %parallel_loop3A_232 {add = true} : memref<128xf32, #tpu.memory_space<vmem>>[vector<16xi32>], vector<16xf32>,
      %parallel_loop3A_234 = arith.mulf %parallel_loop3A_217, %parallel_loop3A_228 : vector<16xf32>
      %parallel_loop3A_235 = tpu.memref_slice %arg6[%parallel_loop3A_176] : memref<10240xf32, #tpu.memory_space<vmem>> -> memref<128xf32, #tpu.memory_space<vmem>>
      tpu.vector_store_idx %parallel_loop3A_235[%and3A_17], %parallel_loop3A_234 {add = true} : memref<128xf32, #tpu.memory_space<vmem>>[vector<16xi32>], vector<16xf32>,
      %parallel_loop3A_236 = arith.mulf %parallel_loop3A_223, %parallel_loop3A_231 : vector<16xf32>
      %parallel_loop3A_237 = tpu.memref_slice %arg6[%parallel_loop3A_176] : memref<10240xf32, #tpu.memory_space<vmem>> -> memref<128xf32, #tpu.memory_space<vmem>>
      tpu.vector_store_idx %parallel_loop3A_237[%and3A_26], %parallel_loop3A_236 {add = true} : memref<128xf32, #tpu.memory_space<vmem>>[vector<16xi32>], vector<16xf32>,
      %parallel_loop3A_238 = tpu.memref_slice %arg4[%parallel_loop3A_176] : memref<10240xf32, #tpu.memory_space<vmem>> -> memref<128xf32, #tpu.memory_space<vmem>>
      %parallel_loop3A_239 = tpu.vector_load_idx %parallel_loop3A_238[%and3A_35] : memref<128xf32, #tpu.memory_space<vmem>>[vector<16xi32>], vector<16xf32>,
      %parallel_loop3A_240 = arith.constant 0.000000e+00 : f32
      %parallel_loop3A_241 = vector.broadcast %parallel_loop3A_240 : f32 to vector<16xf32>
      %parallel_loop3A_242 = arith.subf %parallel_loop3A_241, %parallel_loop3A_239 : vector<16xf32>
      %parallel_loop3A_243 = math.exp %parallel_loop3A_242 : vector<16xf32>
      %parallel_loop3A_244 = tpu.memref_slice %arg4[%parallel_loop3A_176] : memref<10240xf32, #tpu.memory_space<vmem>> -> memref<128xf32, #tpu.memory_space<vmem>>
      %parallel_loop3A_245 = tpu.vector_load_idx %parallel_loop3A_244[%and3A_44] : memref<128xf32, #tpu.memory_space<vmem>>[vector<16xi32>], vector<16xf32>,
      %parallel_loop3A_246 = math.exp %parallel_loop3A_245 : vector<16xf32>
      %parallel_loop3A_247 = tpu.memref_slice %arg4[%parallel_loop3A_176] : memref<10240xf32, #tpu.memory_space<vmem>> -> memref<128xf32, #tpu.memory_space<vmem>>
      %parallel_loop3A_248 = tpu.vector_load_idx %parallel_loop3A_247[%and3A_53] : memref<128xf32, #tpu.memory_space<vmem>>[vector<16xi32>], vector<16xf32>,
      %parallel_loop3A_249 = arith.constant 0.000000e+00 : f32
      %parallel_loop3A_250 = vector.broadcast %parallel_loop3A_249 : f32 to vector<16xf32>
      %parallel_loop3A_251 = arith.subf %parallel_loop3A_250, %parallel_loop3A_248 : vector<16xf32>
      %parallel_loop3A_252 = math.exp %parallel_loop3A_251 : vector<16xf32>
      %parallel_loop3A_253 = arith.addf %parallel_loop3A_243, %parallel_loop3A_246 : vector<16xf32>
      %parallel_loop3A_254 = arith.addf %parallel_loop3A_253, %parallel_loop3A_252 : vector<16xf32>
      %parallel_loop3A_255 = arith.constant 5.000000e-01 : f32
      %parallel_loop3A_256 = vector.broadcast %parallel_loop3A_255 : f32 to vector<16xf32>
      %parallel_loop3A_257 = arith.divf %parallel_loop3A_256, %parallel_loop3A_254 : vector<16xf32>
      %parallel_loop3A_258 = arith.constant 0.000000e+00 : f32
      %parallel_loop3A_259 = vector.broadcast %parallel_loop3A_258 : f32 to vector<16xf32>
      %parallel_loop3A_260 = arith.subf %parallel_loop3A_259, %parallel_loop3A_257 : vector<16xf32>
      %parallel_loop3A_261 = arith.mulf %parallel_loop3A_243, %parallel_loop3A_260 : vector<16xf32>
      %parallel_loop3A_262 = tpu.memref_slice %arg6[%parallel_loop3A_176] : memref<10240xf32, #tpu.memory_space<vmem>> -> memref<128xf32, #tpu.memory_space<vmem>>
      tpu.vector_store_idx %parallel_loop3A_262[%and3A_35], %parallel_loop3A_261 {add = true} : memref<128xf32, #tpu.memory_space<vmem>>[vector<16xi32>], vector<16xf32>,
      %parallel_loop3A_263 = arith.mulf %parallel_loop3A_246, %parallel_loop3A_257 : vector<16xf32>
      %parallel_loop3A_264 = tpu.memref_slice %arg6[%parallel_loop3A_176] : memref<10240xf32, #tpu.memory_space<vmem>> -> memref<128xf32, #tpu.memory_space<vmem>>
      tpu.vector_store_idx %parallel_loop3A_264[%and3A_44], %parallel_loop3A_263 {add = true} : memref<128xf32, #tpu.memory_space<vmem>>[vector<16xi32>], vector<16xf32>,
      %parallel_loop3A_265 = arith.mulf %parallel_loop3A_252, %parallel_loop3A_260 : vector<16xf32>
      %parallel_loop3A_266 = tpu.memref_slice %arg6[%parallel_loop3A_176] : memref<10240xf32, #tpu.memory_space<vmem>> -> memref<128xf32, #tpu.memory_space<vmem>>
      tpu.vector_store_idx %parallel_loop3A_266[%and3A_53], %parallel_loop3A_265 {add = true} : memref<128xf32, #tpu.memory_space<vmem>>[vector<16xi32>], vector<16xf32>,
      %parallel_loop3A_267 = tpu.memref_slice %arg4[%parallel_loop3A_176] : memref<10240xf32, #tpu.memory_space<vmem>> -> memref<128xf32, #tpu.memory_space<vmem>>
      %parallel_loop3A_268 = tpu.vector_load_idx %parallel_loop3A_267[%and3A_62] : memref<128xf32, #tpu.memory_space<vmem>>[vector<16xi32>], vector<16xf32>,
      %parallel_loop3A_269 = arith.constant 0.000000e+00 : f32
      %parallel_loop3A_270 = vector.broadcast %parallel_loop3A_269 : f32 to vector<16xf32>
      %parallel_loop3A_271 = arith.subf %parallel_loop3A_270, %parallel_loop3A_268 : vector<16xf32>
      %parallel_loop3A_272 = math.exp %parallel_loop3A_271 : vector<16xf32>
      %parallel_loop3A_273 = tpu.memref_slice %arg4[%parallel_loop3A_176] : memref<10240xf32, #tpu.memory_space<vmem>> -> memref<128xf32, #tpu.memory_space<vmem>>
      %parallel_loop3A_274 = tpu.vector_load_idx %parallel_loop3A_273[%and3A_71] : memref<128xf32, #tpu.memory_space<vmem>>[vector<16xi32>], vector<16xf32>,
      %parallel_loop3A_275 = math.exp %parallel_loop3A_274 : vector<16xf32>
      %parallel_loop3A_276 = tpu.memref_slice %arg4[%parallel_loop3A_176] : memref<10240xf32, #tpu.memory_space<vmem>> -> memref<128xf32, #tpu.memory_space<vmem>>
      %parallel_loop3A_277 = tpu.vector_load_idx %parallel_loop3A_276[%and3A_80] : memref<128xf32, #tpu.memory_space<vmem>>[vector<16xi32>], vector<16xf32>,
      %parallel_loop3A_278 = arith.constant 0.000000e+00 : f32
      %parallel_loop3A_279 = vector.broadcast %parallel_loop3A_278 : f32 to vector<16xf32>
      %parallel_loop3A_280 = arith.subf %parallel_loop3A_279, %parallel_loop3A_277 : vector<16xf32>
      %parallel_loop3A_281 = math.exp %parallel_loop3A_280 : vector<16xf32>
      %parallel_loop3A_282 = arith.addf %parallel_loop3A_272, %parallel_loop3A_275 : vector<16xf32>
      %parallel_loop3A_283 = arith.addf %parallel_loop3A_282, %parallel_loop3A_281 : vector<16xf32>
      %parallel_loop3A_284 = arith.constant 5.000000e-01 : f32
      %parallel_loop3A_285 = vector.broadcast %parallel_loop3A_284 : f32 to vector<16xf32>
      %parallel_loop3A_286 = arith.divf %parallel_loop3A_285, %parallel_loop3A_283 : vector<16xf32>
      %parallel_loop3A_287 = arith.constant 0.000000e+00 : f32
      %parallel_loop3A_288 = vector.broadcast %parallel_loop3A_287 : f32 to vector<16xf32>
      %parallel_loop3A_289 = arith.subf %parallel_loop3A_288, %parallel_loop3A_286 : vector<16xf32>
      %parallel_loop3A_290 = arith.mulf %parallel_loop3A_272, %parallel_loop3A_289 : vector<16xf32>
      %parallel_loop3A_291 = tpu.memref_slice %arg6[%parallel_loop3A_176] : memref<10240xf32, #tpu.memory_space<vmem>> -> memref<128xf32, #tpu.memory_space<vmem>>
      tpu.vector_store_idx %parallel_loop3A_291[%and3A_62], %parallel_loop3A_290 {add = true} : memref<128xf32, #tpu.memory_space<vmem>>[vector<16xi32>], vector<16xf32>,
      %parallel_loop3A_292 = arith.mulf %parallel_loop3A_275, %parallel_loop3A_286 : vector<16xf32>
      %parallel_loop3A_293 = tpu.memref_slice %arg6[%parallel_loop3A_176] : memref<10240xf32, #tpu.memory_space<vmem>> -> memref<128xf32, #tpu.memory_space<vmem>>
      tpu.vector_store_idx %parallel_loop3A_293[%and3A_71], %parallel_loop3A_292 {add = true} : memref<128xf32, #tpu.memory_space<vmem>>[vector<16xi32>], vector<16xf32>,
      %parallel_loop3A_294 = arith.mulf %parallel_loop3A_281, %parallel_loop3A_289 : vector<16xf32>
      %parallel_loop3A_295 = tpu.memref_slice %arg6[%parallel_loop3A_176] : memref<10240xf32, #tpu.memory_space<vmem>> -> memref<128xf32, #tpu.memory_space<vmem>>
      tpu.vector_store_idx %parallel_loop3A_295[%and3A_80], %parallel_loop3A_294 {add = true} : memref<128xf32, #tpu.memory_space<vmem>>[vector<16xi32>], vector<16xf32>,
      %parallel_loop3A_296 = tpu.memref_slice %arg4[%parallel_loop3A_176] : memref<10240xf32, #tpu.memory_space<vmem>> -> memref<128xf32, #tpu.memory_space<vmem>>
      %parallel_loop3A_297 = tpu.vector_load_idx %parallel_loop3A_296[%and3A_89] : memref<128xf32, #tpu.memory_space<vmem>>[vector<16xi32>], vector<16xf32>,
      %parallel_loop3A_298 = arith.constant 0.000000e+00 : f32
      %parallel_loop3A_299 = vector.broadcast %parallel_loop3A_298 : f32 to vector<16xf32>
      %parallel_loop3A_300 = arith.subf %parallel_loop3A_299, %parallel_loop3A_297 : vector<16xf32>
      %parallel_loop3A_301 = math.exp %parallel_loop3A_300 : vector<16xf32>
      %parallel_loop3A_302 = tpu.memref_slice %arg4[%parallel_loop3A_176] : memref<10240xf32, #tpu.memory_space<vmem>> -> memref<128xf32, #tpu.memory_space<vmem>>
      %parallel_loop3A_303 = tpu.vector_load_idx %parallel_loop3A_302[%and3A_98] : memref<128xf32, #tpu.memory_space<vmem>>[vector<16xi32>], vector<16xf32>,
      %parallel_loop3A_304 = math.exp %parallel_loop3A_303 : vector<16xf32>
      %parallel_loop3A_305 = tpu.memref_slice %arg4[%parallel_loop3A_176] : memref<10240xf32, #tpu.memory_space<vmem>> -> memref<128xf32, #tpu.memory_space<vmem>>
      %parallel_loop3A_306 = tpu.vector_load_idx %parallel_loop3A_305[%and3A_107] : memref<128xf32, #tpu.memory_space<vmem>>[vector<16xi32>], vector<16xf32>,
      %parallel_loop3A_307 = arith.constant 0.000000e+00 : f32
      %parallel_loop3A_308 = vector.broadcast %parallel_loop3A_307 : f32 to vector<16xf32>
      %parallel_loop3A_309 = arith.subf %parallel_loop3A_308, %parallel_loop3A_306 : vector<16xf32>
      %parallel_loop3A_310 = math.exp %parallel_loop3A_309 : vector<16xf32>
      %parallel_loop3A_311 = arith.addf %parallel_loop3A_301, %parallel_loop3A_304 : vector<16xf32>
      %parallel_loop3A_312 = arith.addf %parallel_loop3A_311, %parallel_loop3A_310 : vector<16xf32>
      %parallel_loop3A_313 = arith.constant 5.000000e-01 : f32
      %parallel_loop3A_314 = vector.broadcast %parallel_loop3A_313 : f32 to vector<16xf32>
      %parallel_loop3A_315 = arith.divf %parallel_loop3A_314, %parallel_loop3A_312 : vector<16xf32>
      %parallel_loop3A_316 = arith.constant 0.000000e+00 : f32
      %parallel_loop3A_317 = vector.broadcast %parallel_loop3A_316 : f32 to vector<16xf32>
      %parallel_loop3A_318 = arith.subf %parallel_loop3A_317, %parallel_loop3A_315 : vector<16xf32>
      %parallel_loop3A_319 = arith.mulf %parallel_loop3A_301, %parallel_loop3A_318 : vector<16xf32>
      %parallel_loop3A_320 = tpu.memref_slice %arg6[%parallel_loop3A_176] : memref<10240xf32, #tpu.memory_space<vmem>> -> memref<128xf32, #tpu.memory_space<vmem>>
      tpu.vector_store_idx %parallel_loop3A_320[%and3A_89], %parallel_loop3A_319 {add = true} : memref<128xf32, #tpu.memory_space<vmem>>[vector<16xi32>], vector<16xf32>,
      %parallel_loop3A_321 = arith.mulf %parallel_loop3A_304, %parallel_loop3A_315 : vector<16xf32>
      %parallel_loop3A_322 = tpu.memref_slice %arg6[%parallel_loop3A_176] : memref<10240xf32, #tpu.memory_space<vmem>> -> memref<128xf32, #tpu.memory_space<vmem>>
      tpu.vector_store_idx %parallel_loop3A_322[%and3A_98], %parallel_loop3A_321 {add = true} : memref<128xf32, #tpu.memory_space<vmem>>[vector<16xi32>], vector<16xf32>,
      %parallel_loop3A_323 = arith.mulf %parallel_loop3A_310, %parallel_loop3A_318 : vector<16xf32>
      %parallel_loop3A_324 = tpu.memref_slice %arg6[%parallel_loop3A_176] : memref<10240xf32, #tpu.memory_space<vmem>> -> memref<128xf32, #tpu.memory_space<vmem>>
      tpu.vector_store_idx %parallel_loop3A_324[%and3A_107], %parallel_loop3A_323 {add = true} : memref<128xf32, #tpu.memory_space<vmem>>[vector<16xi32>], vector<16xf32>,
    } {sc.loop_unroll_factor = 4 : i64, sc.parallel_access}
    %add3A_147 = arith.constant 1216 : i32
    %add3A_148 = arith.addi %add3A_147, %add3A : i32
    %mul3A_149 = arith.constant 80 : i32
    %mul3A_150 = arith.muli %add3A_148, %mul3A_149 : i32
    %mul3A_151 = arith.constant 128 : i32
    %mul3A_152 = arith.muli %mul3A_150, %mul3A_151 : i32
    %dma_start3A_153 = tpu.memref_slice %arg3[%mul3A_152] : memref<12800000xf32, #tpu.memory_space<hbm>> -> memref<10240xf32, #tpu.memory_space<hbm>>
    %dma_start3A_154 = tpu.memref_slice %arg3[%mul3A_152] : memref<12800000xf32, #tpu.memory_space<hbm>> -> memref<10240xf32, #tpu.memory_space<hbm>>
    tpu.enqueue_dma source(%arg6 : memref<10240xf32, #tpu.memory_space<vmem>>) target(%dma_start3A_154 : memref<10240xf32, #tpu.memory_space<hbm>>) target_semaphore(%arg10 : memref<!tpu.dma_semaphore, #tpu.memory_space<semaphore_mem>>)
    %lt3A_155 = arith.constant 2 : i32
    %lt3A_156 = arith.cmpi slt, %add3A, %lt3A_155 : i32
    %convert_element_type3A = arith.extui %lt3A_156 : i1 to i32
    %cond3A = arith.constant 0 : i32
    %cond3A_157 = arith.cmpi ne, %convert_element_type3A, %cond3A : i32
    scf.if %cond3A_157 {
      %add3A_174 = arith.constant 1248 : i32
      %add3A_175 = arith.addi %add3A_174, %add3A : i32
      %mul3A_176 = arith.constant 80 : i32
      %mul3A_177 = arith.muli %add3A_175, %mul3A_176 : i32
      %mul3A_178 = arith.constant 128 : i32
      %mul3A_179 = arith.muli %mul3A_177, %mul3A_178 : i32
      %dma_wait3A_180 = tpu.memref_slice %arg2[%mul3A_179] : memref<12800000xf32, #tpu.memory_space<hbm>> -> memref<10240xf32, #tpu.memory_space<hbm>>
      %dma_wait3A_181 = tpu.memref_slice %arg2[%mul3A_179] : memref<12800000xf32, #tpu.memory_space<hbm>> -> memref<10240xf32, #tpu.memory_space<hbm>>
      tpu.wait_dma2 semaphore(%arg9 : memref<!tpu.dma_semaphore, #tpu.memory_space<semaphore_mem>>) src(%dma_wait3A_181 : memref<10240xf32, #tpu.memory_space<hbm>>) dst(%arg5 : memref<10240xf32, #tpu.memory_space<vmem>>)
      %add3A_182 = arith.constant 1184 : i32
      %add3A_183 = arith.addi %add3A_182, %add3A : i32
      %mul3A_184 = arith.constant 80 : i32
      %mul3A_185 = arith.muli %add3A_183, %mul3A_184 : i32
      %mul3A_186 = arith.constant 128 : i32
      %mul3A_187 = arith.muli %mul3A_185, %mul3A_186 : i32
      %dma_wait3A_188 = tpu.memref_slice %arg3[%mul3A_187] : memref<12800000xf32, #tpu.memory_space<hbm>> -> memref<10240xf32, #tpu.memory_space<hbm>>
      %dma_wait3A_189 = tpu.memref_slice %arg3[%mul3A_187] : memref<12800000xf32, #tpu.memory_space<hbm>> -> memref<10240xf32, #tpu.memory_space<hbm>>
      tpu.wait_dma2 semaphore(%arg11 : memref<!tpu.dma_semaphore, #tpu.memory_space<semaphore_mem>>) src(%arg7 : memref<10240xf32, #tpu.memory_space<vmem>>) dst(%dma_wait3A_189 : memref<10240xf32, #tpu.memory_space<hbm>>)
      %parallel_loop3A_190 = arith.constant 0 : i32
      %parallel_loop3A_191 = arith.constant 80 : i32
      %parallel_loop3A_192 = arith.constant 1 : i32
      scf.for %parallel_loop3A_201 = %parallel_loop3A_190 to %parallel_loop3A_191 step %parallel_loop3A_192  : i32 {
        %parallel_loop3A_202 = arith.constant 128 : i32
        %parallel_loop3A_203 = arith.muli %parallel_loop3A_201, %parallel_loop3A_202 : i32
        %parallel_loop3A_204 = arith.constant 0 : i32
        %parallel_loop3A_205 = arith.addi %parallel_loop3A_203, %parallel_loop3A_204 : i32
        %parallel_loop3A_206 = arith.index_cast %parallel_loop3A_205 : i32 to index
        %parallel_loop3A_207 = tpu.vector_load %arg7[%parallel_loop3A_206] {strides = array<i32>} : memref<10240xf32, #tpu.memory_space<vmem>>, vector<16xf32>,
        tpu.vector_store %arg7[%parallel_loop3A_206], %broadcast_in_dim3A_108 {strides = array<i32>} : memref<10240xf32, #tpu.memory_space<vmem>>, vector<16xf32>,
        %parallel_loop3A_208 = arith.constant 16 : i32
        %parallel_loop3A_209 = arith.addi %parallel_loop3A_203, %parallel_loop3A_208 : i32
        %parallel_loop3A_210 = arith.index_cast %parallel_loop3A_209 : i32 to index
        %parallel_loop3A_211 = tpu.vector_load %arg7[%parallel_loop3A_210] {strides = array<i32>} : memref<10240xf32, #tpu.memory_space<vmem>>, vector<16xf32>,
        tpu.vector_store %arg7[%parallel_loop3A_210], %broadcast_in_dim3A_108 {strides = array<i32>} : memref<10240xf32, #tpu.memory_space<vmem>>, vector<16xf32>,
        %parallel_loop3A_212 = arith.constant 32 : i32
        %parallel_loop3A_213 = arith.addi %parallel_loop3A_203, %parallel_loop3A_212 : i32
        %parallel_loop3A_214 = arith.index_cast %parallel_loop3A_213 : i32 to index
        %parallel_loop3A_215 = tpu.vector_load %arg7[%parallel_loop3A_214] {strides = array<i32>} : memref<10240xf32, #tpu.memory_space<vmem>>, vector<16xf32>,
        tpu.vector_store %arg7[%parallel_loop3A_214], %broadcast_in_dim3A_108 {strides = array<i32>} : memref<10240xf32, #tpu.memory_space<vmem>>, vector<16xf32>,
        %parallel_loop3A_216 = arith.constant 48 : i32
        %parallel_loop3A_217 = arith.addi %parallel_loop3A_203, %parallel_loop3A_216 : i32
        %parallel_loop3A_218 = arith.index_cast %parallel_loop3A_217 : i32 to index
        %parallel_loop3A_219 = tpu.vector_load %arg7[%parallel_loop3A_218] {strides = array<i32>} : memref<10240xf32, #tpu.memory_space<vmem>>, vector<16xf32>,
        tpu.vector_store %arg7[%parallel_loop3A_218], %broadcast_in_dim3A_108 {strides = array<i32>} : memref<10240xf32, #tpu.memory_space<vmem>>, vector<16xf32>,
        %parallel_loop3A_220 = arith.constant 64 : i32
        %parallel_loop3A_221 = arith.addi %parallel_loop3A_203, %parallel_loop3A_220 : i32
        %parallel_loop3A_222 = arith.index_cast %parallel_loop3A_221 : i32 to index
        %parallel_loop3A_223 = tpu.vector_load %arg7[%parallel_loop3A_222] {strides = array<i32>} : memref<10240xf32, #tpu.memory_space<vmem>>, vector<16xf32>,
        tpu.vector_store %arg7[%parallel_loop3A_222], %broadcast_in_dim3A_108 {strides = array<i32>} : memref<10240xf32, #tpu.memory_space<vmem>>, vector<16xf32>,
        %parallel_loop3A_224 = arith.constant 80 : i32
        %parallel_loop3A_225 = arith.addi %parallel_loop3A_203, %parallel_loop3A_224 : i32
        %parallel_loop3A_226 = arith.index_cast %parallel_loop3A_225 : i32 to index
        %parallel_loop3A_227 = tpu.vector_load %arg7[%parallel_loop3A_226] {strides = array<i32>} : memref<10240xf32, #tpu.memory_space<vmem>>, vector<16xf32>,
        tpu.vector_store %arg7[%parallel_loop3A_226], %broadcast_in_dim3A_108 {strides = array<i32>} : memref<10240xf32, #tpu.memory_space<vmem>>, vector<16xf32>,
        %parallel_loop3A_228 = arith.constant 96 : i32
        %parallel_loop3A_229 = arith.addi %parallel_loop3A_203, %parallel_loop3A_228 : i32
        %parallel_loop3A_230 = arith.index_cast %parallel_loop3A_229 : i32 to index
        %parallel_loop3A_231 = tpu.vector_load %arg7[%parallel_loop3A_230] {strides = array<i32>} : memref<10240xf32, #tpu.memory_space<vmem>>, vector<16xf32>,
        tpu.vector_store %arg7[%parallel_loop3A_230], %broadcast_in_dim3A_108 {strides = array<i32>} : memref<10240xf32, #tpu.memory_space<vmem>>, vector<16xf32>,
        %parallel_loop3A_232 = arith.constant 112 : i32
        %parallel_loop3A_233 = arith.addi %parallel_loop3A_203, %parallel_loop3A_232 : i32
        %parallel_loop3A_234 = arith.index_cast %parallel_loop3A_233 : i32 to index
        %parallel_loop3A_235 = tpu.vector_load %arg7[%parallel_loop3A_234] {strides = array<i32>} : memref<10240xf32, #tpu.memory_space<vmem>>, vector<16xf32>,
        tpu.vector_store %arg7[%parallel_loop3A_234], %broadcast_in_dim3A_108 {strides = array<i32>} : memref<10240xf32, #tpu.memory_space<vmem>>, vector<16xf32>,
        %parallel_loop3A_236 = tpu.memref_slice %arg5[%parallel_loop3A_203] : memref<10240xf32, #tpu.memory_space<vmem>> -> memref<128xf32, #tpu.memory_space<vmem>>
        %parallel_loop3A_237 = tpu.vector_load_idx %parallel_loop3A_236[%and3A_8] : memref<128xf32, #tpu.memory_space<vmem>>[vector<16xi32>], vector<16xf32>,
        %parallel_loop3A_238 = arith.constant 0.000000e+00 : f32
        %parallel_loop3A_239 = vector.broadcast %parallel_loop3A_238 : f32 to vector<16xf32>
        %parallel_loop3A_240 = arith.subf %parallel_loop3A_239, %parallel_loop3A_237 : vector<16xf32>
        %parallel_loop3A_241 = math.exp %parallel_loop3A_240 : vector<16xf32>
        %parallel_loop3A_242 = tpu.memref_slice %arg5[%parallel_loop3A_203] : memref<10240xf32, #tpu.memory_space<vmem>> -> memref<128xf32, #tpu.memory_space<vmem>>
        %parallel_loop3A_243 = tpu.vector_load_idx %parallel_loop3A_242[%and3A_17] : memref<128xf32, #tpu.memory_space<vmem>>[vector<16xi32>], vector<16xf32>,
        %parallel_loop3A_244 = math.exp %parallel_loop3A_243 : vector<16xf32>
        %parallel_loop3A_245 = tpu.memref_slice %arg5[%parallel_loop3A_203] : memref<10240xf32, #tpu.memory_space<vmem>> -> memref<128xf32, #tpu.memory_space<vmem>>
        %parallel_loop3A_246 = tpu.vector_load_idx %parallel_loop3A_245[%and3A_26] : memref<128xf32, #tpu.memory_space<vmem>>[vector<16xi32>], vector<16xf32>,
        %parallel_loop3A_247 = arith.constant 0.000000e+00 : f32
        %parallel_loop3A_248 = vector.broadcast %parallel_loop3A_247 : f32 to vector<16xf32>
        %parallel_loop3A_249 = arith.subf %parallel_loop3A_248, %parallel_loop3A_246 : vector<16xf32>
        %parallel_loop3A_250 = math.exp %parallel_loop3A_249 : vector<16xf32>
        %parallel_loop3A_251 = arith.addf %parallel_loop3A_241, %parallel_loop3A_244 : vector<16xf32>
        %parallel_loop3A_252 = arith.addf %parallel_loop3A_251, %parallel_loop3A_250 : vector<16xf32>
        %parallel_loop3A_253 = arith.constant 5.000000e-01 : f32
        %parallel_loop3A_254 = vector.broadcast %parallel_loop3A_253 : f32 to vector<16xf32>
        %parallel_loop3A_255 = arith.divf %parallel_loop3A_254, %parallel_loop3A_252 : vector<16xf32>
        %parallel_loop3A_256 = arith.constant 0.000000e+00 : f32
        %parallel_loop3A_257 = vector.broadcast %parallel_loop3A_256 : f32 to vector<16xf32>
        %parallel_loop3A_258 = arith.subf %parallel_loop3A_257, %parallel_loop3A_255 : vector<16xf32>
        %parallel_loop3A_259 = arith.mulf %parallel_loop3A_241, %parallel_loop3A_258 : vector<16xf32>
        %parallel_loop3A_260 = tpu.memref_slice %arg7[%parallel_loop3A_203] : memref<10240xf32, #tpu.memory_space<vmem>> -> memref<128xf32, #tpu.memory_space<vmem>>
        tpu.vector_store_idx %parallel_loop3A_260[%and3A_8], %parallel_loop3A_259 {add = true} : memref<128xf32, #tpu.memory_space<vmem>>[vector<16xi32>], vector<16xf32>,
        %parallel_loop3A_261 = arith.mulf %parallel_loop3A_244, %parallel_loop3A_255 : vector<16xf32>
        %parallel_loop3A_262 = tpu.memref_slice %arg7[%parallel_loop3A_203] : memref<10240xf32, #tpu.memory_space<vmem>> -> memref<128xf32, #tpu.memory_space<vmem>>
        tpu.vector_store_idx %parallel_loop3A_262[%and3A_17], %parallel_loop3A_261 {add = true} : memref<128xf32, #tpu.memory_space<vmem>>[vector<16xi32>], vector<16xf32>,
        %parallel_loop3A_263 = arith.mulf %parallel_loop3A_250, %parallel_loop3A_258 : vector<16xf32>
        %parallel_loop3A_264 = tpu.memref_slice %arg7[%parallel_loop3A_203] : memref<10240xf32, #tpu.memory_space<vmem>> -> memref<128xf32, #tpu.memory_space<vmem>>
        tpu.vector_store_idx %parallel_loop3A_264[%and3A_26], %parallel_loop3A_263 {add = true} : memref<128xf32, #tpu.memory_space<vmem>>[vector<16xi32>], vector<16xf32>,
        %parallel_loop3A_265 = tpu.memref_slice %arg5[%parallel_loop3A_203] : memref<10240xf32, #tpu.memory_space<vmem>> -> memref<128xf32, #tpu.memory_space<vmem>>
        %parallel_loop3A_266 = tpu.vector_load_idx %parallel_loop3A_265[%and3A_35] : memref<128xf32, #tpu.memory_space<vmem>>[vector<16xi32>], vector<16xf32>,
        %parallel_loop3A_267 = arith.constant 0.000000e+00 : f32
        %parallel_loop3A_268 = vector.broadcast %parallel_loop3A_267 : f32 to vector<16xf32>
        %parallel_loop3A_269 = arith.subf %parallel_loop3A_268, %parallel_loop3A_266 : vector<16xf32>
        %parallel_loop3A_270 = math.exp %parallel_loop3A_269 : vector<16xf32>
        %parallel_loop3A_271 = tpu.memref_slice %arg5[%parallel_loop3A_203] : memref<10240xf32, #tpu.memory_space<vmem>> -> memref<128xf32, #tpu.memory_space<vmem>>
        %parallel_loop3A_272 = tpu.vector_load_idx %parallel_loop3A_271[%and3A_44] : memref<128xf32, #tpu.memory_space<vmem>>[vector<16xi32>], vector<16xf32>,
        %parallel_loop3A_273 = math.exp %parallel_loop3A_272 : vector<16xf32>
        %parallel_loop3A_274 = tpu.memref_slice %arg5[%parallel_loop3A_203] : memref<10240xf32, #tpu.memory_space<vmem>> -> memref<128xf32, #tpu.memory_space<vmem>>
        %parallel_loop3A_275 = tpu.vector_load_idx %parallel_loop3A_274[%and3A_53] : memref<128xf32, #tpu.memory_space<vmem>>[vector<16xi32>], vector<16xf32>,
        %parallel_loop3A_276 = arith.constant 0.000000e+00 : f32
        %parallel_loop3A_277 = vector.broadcast %parallel_loop3A_276 : f32 to vector<16xf32>
        %parallel_loop3A_278 = arith.subf %parallel_loop3A_277, %parallel_loop3A_275 : vector<16xf32>
        %parallel_loop3A_279 = math.exp %parallel_loop3A_278 : vector<16xf32>
        %parallel_loop3A_280 = arith.addf %parallel_loop3A_270, %parallel_loop3A_273 : vector<16xf32>
        %parallel_loop3A_281 = arith.addf %parallel_loop3A_280, %parallel_loop3A_279 : vector<16xf32>
        %parallel_loop3A_282 = arith.constant 5.000000e-01 : f32
        %parallel_loop3A_283 = vector.broadcast %parallel_loop3A_282 : f32 to vector<16xf32>
        %parallel_loop3A_284 = arith.divf %parallel_loop3A_283, %parallel_loop3A_281 : vector<16xf32>
        %parallel_loop3A_285 = arith.constant 0.000000e+00 : f32
        %parallel_loop3A_286 = vector.broadcast %parallel_loop3A_285 : f32 to vector<16xf32>
        %parallel_loop3A_287 = arith.subf %parallel_loop3A_286, %parallel_loop3A_284 : vector<16xf32>
        %parallel_loop3A_288 = arith.mulf %parallel_loop3A_270, %parallel_loop3A_287 : vector<16xf32>
        %parallel_loop3A_289 = tpu.memref_slice %arg7[%parallel_loop3A_203] : memref<10240xf32, #tpu.memory_space<vmem>> -> memref<128xf32, #tpu.memory_space<vmem>>
        tpu.vector_store_idx %parallel_loop3A_289[%and3A_35], %parallel_loop3A_288 {add = true} : memref<128xf32, #tpu.memory_space<vmem>>[vector<16xi32>], vector<16xf32>,
        %parallel_loop3A_290 = arith.mulf %parallel_loop3A_273, %parallel_loop3A_284 : vector<16xf32>
        %parallel_loop3A_291 = tpu.memref_slice %arg7[%parallel_loop3A_203] : memref<10240xf32, #tpu.memory_space<vmem>> -> memref<128xf32, #tpu.memory_space<vmem>>
        tpu.vector_store_idx %parallel_loop3A_291[%and3A_44], %parallel_loop3A_290 {add = true} : memref<128xf32, #tpu.memory_space<vmem>>[vector<16xi32>], vector<16xf32>,
        %parallel_loop3A_292 = arith.mulf %parallel_loop3A_279, %parallel_loop3A_287 : vector<16xf32>
        %parallel_loop3A_293 = tpu.memref_slice %arg7[%parallel_loop3A_203] : memref<10240xf32, #tpu.memory_space<vmem>> -> memref<128xf32, #tpu.memory_space<vmem>>
        tpu.vector_store_idx %parallel_loop3A_293[%and3A_53], %parallel_loop3A_292 {add = true} : memref<128xf32, #tpu.memory_space<vmem>>[vector<16xi32>], vector<16xf32>,
        %parallel_loop3A_294 = tpu.memref_slice %arg5[%parallel_loop3A_203] : memref<10240xf32, #tpu.memory_space<vmem>> -> memref<128xf32, #tpu.memory_space<vmem>>
        %parallel_loop3A_295 = tpu.vector_load_idx %parallel_loop3A_294[%and3A_62] : memref<128xf32, #tpu.memory_space<vmem>>[vector<16xi32>], vector<16xf32>,
        %parallel_loop3A_296 = arith.constant 0.000000e+00 : f32
        %parallel_loop3A_297 = vector.broadcast %parallel_loop3A_296 : f32 to vector<16xf32>
        %parallel_loop3A_298 = arith.subf %parallel_loop3A_297, %parallel_loop3A_295 : vector<16xf32>
        %parallel_loop3A_299 = math.exp %parallel_loop3A_298 : vector<16xf32>
        %parallel_loop3A_300 = tpu.memref_slice %arg5[%parallel_loop3A_203] : memref<10240xf32, #tpu.memory_space<vmem>> -> memref<128xf32, #tpu.memory_space<vmem>>
        %parallel_loop3A_301 = tpu.vector_load_idx %parallel_loop3A_300[%and3A_71] : memref<128xf32, #tpu.memory_space<vmem>>[vector<16xi32>], vector<16xf32>,
        %parallel_loop3A_302 = math.exp %parallel_loop3A_301 : vector<16xf32>
        %parallel_loop3A_303 = tpu.memref_slice %arg5[%parallel_loop3A_203] : memref<10240xf32, #tpu.memory_space<vmem>> -> memref<128xf32, #tpu.memory_space<vmem>>
        %parallel_loop3A_304 = tpu.vector_load_idx %parallel_loop3A_303[%and3A_80] : memref<128xf32, #tpu.memory_space<vmem>>[vector<16xi32>], vector<16xf32>,
        %parallel_loop3A_305 = arith.constant 0.000000e+00 : f32
        %parallel_loop3A_306 = vector.broadcast %parallel_loop3A_305 : f32 to vector<16xf32>
        %parallel_loop3A_307 = arith.subf %parallel_loop3A_306, %parallel_loop3A_304 : vector<16xf32>
        %parallel_loop3A_308 = math.exp %parallel_loop3A_307 : vector<16xf32>
        %parallel_loop3A_309 = arith.addf %parallel_loop3A_299, %parallel_loop3A_302 : vector<16xf32>
        %parallel_loop3A_310 = arith.addf %parallel_loop3A_309, %parallel_loop3A_308 : vector<16xf32>
        %parallel_loop3A_311 = arith.constant 5.000000e-01 : f32
        %parallel_loop3A_312 = vector.broadcast %parallel_loop3A_311 : f32 to vector<16xf32>
        %parallel_loop3A_313 = arith.divf %parallel_loop3A_312, %parallel_loop3A_310 : vector<16xf32>
        %parallel_loop3A_314 = arith.constant 0.000000e+00 : f32
        %parallel_loop3A_315 = vector.broadcast %parallel_loop3A_314 : f32 to vector<16xf32>
        %parallel_loop3A_316 = arith.subf %parallel_loop3A_315, %parallel_loop3A_313 : vector<16xf32>
        %parallel_loop3A_317 = arith.mulf %parallel_loop3A_299, %parallel_loop3A_316 : vector<16xf32>
        %parallel_loop3A_318 = tpu.memref_slice %arg7[%parallel_loop3A_203] : memref<10240xf32, #tpu.memory_space<vmem>> -> memref<128xf32, #tpu.memory_space<vmem>>
        tpu.vector_store_idx %parallel_loop3A_318[%and3A_62], %parallel_loop3A_317 {add = true} : memref<128xf32, #tpu.memory_space<vmem>>[vector<16xi32>], vector<16xf32>,
        %parallel_loop3A_319 = arith.mulf %parallel_loop3A_302, %parallel_loop3A_313 : vector<16xf32>
        %parallel_loop3A_320 = tpu.memref_slice %arg7[%parallel_loop3A_203] : memref<10240xf32, #tpu.memory_space<vmem>> -> memref<128xf32, #tpu.memory_space<vmem>>
        tpu.vector_store_idx %parallel_loop3A_320[%and3A_71], %parallel_loop3A_319 {add = true} : memref<128xf32, #tpu.memory_space<vmem>>[vector<16xi32>], vector<16xf32>,
        %parallel_loop3A_321 = arith.mulf %parallel_loop3A_308, %parallel_loop3A_316 : vector<16xf32>
        %parallel_loop3A_322 = tpu.memref_slice %arg7[%parallel_loop3A_203] : memref<10240xf32, #tpu.memory_space<vmem>> -> memref<128xf32, #tpu.memory_space<vmem>>
        tpu.vector_store_idx %parallel_loop3A_322[%and3A_80], %parallel_loop3A_321 {add = true} : memref<128xf32, #tpu.memory_space<vmem>>[vector<16xi32>], vector<16xf32>,
        %parallel_loop3A_323 = tpu.memref_slice %arg5[%parallel_loop3A_203] : memref<10240xf32, #tpu.memory_space<vmem>> -> memref<128xf32, #tpu.memory_space<vmem>>
        %parallel_loop3A_324 = tpu.vector_load_idx %parallel_loop3A_323[%and3A_89] : memref<128xf32, #tpu.memory_space<vmem>>[vector<16xi32>], vector<16xf32>,
        %parallel_loop3A_325 = arith.constant 0.000000e+00 : f32
        %parallel_loop3A_326 = vector.broadcast %parallel_loop3A_325 : f32 to vector<16xf32>
        %parallel_loop3A_327 = arith.subf %parallel_loop3A_326, %parallel_loop3A_324 : vector<16xf32>
        %parallel_loop3A_328 = math.exp %parallel_loop3A_327 : vector<16xf32>
        %parallel_loop3A_329 = tpu.memref_slice %arg5[%parallel_loop3A_203] : memref<10240xf32, #tpu.memory_space<vmem>> -> memref<128xf32, #tpu.memory_space<vmem>>
        %parallel_loop3A_330 = tpu.vector_load_idx %parallel_loop3A_329[%and3A_98] : memref<128xf32, #tpu.memory_space<vmem>>[vector<16xi32>], vector<16xf32>,
        %parallel_loop3A_331 = math.exp %parallel_loop3A_330 : vector<16xf32>
        %parallel_loop3A_332 = tpu.memref_slice %arg5[%parallel_loop3A_203] : memref<10240xf32, #tpu.memory_space<vmem>> -> memref<128xf32, #tpu.memory_space<vmem>>
        %parallel_loop3A_333 = tpu.vector_load_idx %parallel_loop3A_332[%and3A_107] : memref<128xf32, #tpu.memory_space<vmem>>[vector<16xi32>], vector<16xf32>,
        %parallel_loop3A_334 = arith.constant 0.000000e+00 : f32
        %parallel_loop3A_335 = vector.broadcast %parallel_loop3A_334 : f32 to vector<16xf32>
        %parallel_loop3A_336 = arith.subf %parallel_loop3A_335, %parallel_loop3A_333 : vector<16xf32>
        %parallel_loop3A_337 = math.exp %parallel_loop3A_336 : vector<16xf32>
        %parallel_loop3A_338 = arith.addf %parallel_loop3A_328, %parallel_loop3A_331 : vector<16xf32>
        %parallel_loop3A_339 = arith.addf %parallel_loop3A_338, %parallel_loop3A_337 : vector<16xf32>
        %parallel_loop3A_340 = arith.constant 5.000000e-01 : f32
        %parallel_loop3A_341 = vector.broadcast %parallel_loop3A_340 : f32 to vector<16xf32>
        %parallel_loop3A_342 = arith.divf %parallel_loop3A_341, %parallel_loop3A_339 : vector<16xf32>
        %parallel_loop3A_343 = arith.constant 0.000000e+00 : f32
        %parallel_loop3A_344 = vector.broadcast %parallel_loop3A_343 : f32 to vector<16xf32>
        %parallel_loop3A_345 = arith.subf %parallel_loop3A_344, %parallel_loop3A_342 : vector<16xf32>
        %parallel_loop3A_346 = arith.mulf %parallel_loop3A_328, %parallel_loop3A_345 : vector<16xf32>
        %parallel_loop3A_347 = tpu.memref_slice %arg7[%parallel_loop3A_203] : memref<10240xf32, #tpu.memory_space<vmem>> -> memref<128xf32, #tpu.memory_space<vmem>>
        tpu.vector_store_idx %parallel_loop3A_347[%and3A_89], %parallel_loop3A_346 {add = true} : memref<128xf32, #tpu.memory_space<vmem>>[vector<16xi32>], vector<16xf32>,
        %parallel_loop3A_348 = arith.mulf %parallel_loop3A_331, %parallel_loop3A_342 : vector<16xf32>
        %parallel_loop3A_349 = tpu.memref_slice %arg7[%parallel_loop3A_203] : memref<10240xf32, #tpu.memory_space<vmem>> -> memref<128xf32, #tpu.memory_space<vmem>>
        tpu.vector_store_idx %parallel_loop3A_349[%and3A_98], %parallel_loop3A_348 {add = true} : memref<128xf32, #tpu.memory_space<vmem>>[vector<16xi32>], vector<16xf32>,
        %parallel_loop3A_350 = arith.mulf %parallel_loop3A_337, %parallel_loop3A_345 : vector<16xf32>
        %parallel_loop3A_351 = tpu.memref_slice %arg7[%parallel_loop3A_203] : memref<10240xf32, #tpu.memory_space<vmem>> -> memref<128xf32, #tpu.memory_space<vmem>>
        tpu.vector_store_idx %parallel_loop3A_351[%and3A_107], %parallel_loop3A_350 {add = true} : memref<128xf32, #tpu.memory_space<vmem>>[vector<16xi32>], vector<16xf32>,
      } {sc.loop_unroll_factor = 4 : i64, sc.parallel_access}
      %add3A_193 = arith.constant 1248 : i32
      %add3A_194 = arith.addi %add3A_193, %add3A : i32
      %mul3A_195 = arith.constant 80 : i32
      %mul3A_196 = arith.muli %add3A_194, %mul3A_195 : i32
      %mul3A_197 = arith.constant 128 : i32
      %mul3A_198 = arith.muli %mul3A_196, %mul3A_197 : i32
      %dma_start3A_199 = tpu.memref_slice %arg3[%mul3A_198] : memref<12800000xf32, #tpu.memory_space<hbm>> -> memref<10240xf32, #tpu.memory_space<hbm>>
      %dma_start3A_200 = tpu.memref_slice %arg3[%mul3A_198] : memref<12800000xf32, #tpu.memory_space<hbm>> -> memref<10240xf32, #tpu.memory_space<hbm>>
      tpu.enqueue_dma source(%arg7 : memref<10240xf32, #tpu.memory_space<vmem>>) target(%dma_start3A_200 : memref<10240xf32, #tpu.memory_space<hbm>>) target_semaphore(%arg11 : memref<!tpu.dma_semaphore, #tpu.memory_space<semaphore_mem>>)
    } else {
    }
    %add3A_158 = arith.constant 0 : i32
    %add3A_159 = arith.addi %add3A_158, %add3A : i32
    %mul3A_160 = arith.constant 80 : i32
    %mul3A_161 = arith.muli %add3A_159, %mul3A_160 : i32
    %mul3A_162 = arith.constant 128 : i32
    %mul3A_163 = arith.muli %mul3A_161, %mul3A_162 : i32
    %dma_wait3A_164 = tpu.memref_slice %arg3[%mul3A_163] : memref<12800000xf32, #tpu.memory_space<hbm>> -> memref<10240xf32, #tpu.memory_space<hbm>>
    %dma_wait3A_165 = tpu.memref_slice %arg3[%mul3A_163] : memref<12800000xf32, #tpu.memory_space<hbm>> -> memref<10240xf32, #tpu.memory_space<hbm>>
    tpu.wait_dma2 semaphore(%arg10 : memref<!tpu.dma_semaphore, #tpu.memory_space<semaphore_mem>>) src(%arg6 : memref<10240xf32, #tpu.memory_space<vmem>>) dst(%dma_wait3A_165 : memref<10240xf32, #tpu.memory_space<hbm>>)
    %add3A_166 = arith.constant 32 : i32
    %add3A_167 = arith.addi %add3A_166, %add3A : i32
    %mul3A_168 = arith.constant 80 : i32
    %mul3A_169 = arith.muli %add3A_167, %mul3A_168 : i32
    %mul3A_170 = arith.constant 128 : i32
    %mul3A_171 = arith.muli %mul3A_169, %mul3A_170 : i32
    %dma_wait3A_172 = tpu.memref_slice %arg3[%mul3A_171] : memref<12800000xf32, #tpu.memory_space<hbm>> -> memref<10240xf32, #tpu.memory_space<hbm>>
    %dma_wait3A_173 = tpu.memref_slice %arg3[%mul3A_171] : memref<12800000xf32, #tpu.memory_space<hbm>> -> memref<10240xf32, #tpu.memory_space<hbm>>
    tpu.wait_dma2 semaphore(%arg11 : memref<!tpu.dma_semaphore, #tpu.memory_space<semaphore_mem>>) src(%arg7 : memref<10240xf32, #tpu.memory_space<vmem>>) dst(%dma_wait3A_173 : memref<10240xf32, #tpu.memory_space<hbm>>)
    return
  }
}

</mosaic_0001>

<sc_bundles>
// kernel: kernel.3.cloned.1.call-start
scs
__scs_entry_jumppad:
0x0: {  	(pc) =	sbr.rel $0x88, $3  }
0x1: {  	(tag) =	ssettag $0x0;
	lr =	simm.s32 $0x1  }
0x2: {  	[smem:$0x3FA0] =	sst lr;
	_ =	strace $0xD0000000  }
0x3: {  	_ = 	snop  }
0x4: {  	_ = 	snop  }
0x5: {  	_ = 	snop  }
0x6: {  	_ = 	snop  }
0x7: {  	_ = 	snop  }
__scs_overlays_trampoline_lowered:
0x8: {  	[smem:$0x3FAF] =	sst s0  }
0x9: {  	[smem:$0x3FB0] =	sst s1  }
0xa: {  	[smem:$0x3FB1] =	sst s2  }
0xb: {  	[smem:$0x3FB2] =	sst s3  }
0xc: {  	[smem:$0x3FB3] =	sst s4  }
0xd: {  	[smem:$0x3FB4] =	sst s5  }
0xe: {  	[smem:$0x3FB5] =	sst s6  }
0xf: {  	[smem:$0x3FB6] =	sst s7  }
0x10: {  	[smem:$0x3FB7] =	sst s8  }
0x11: {  	[smem:$0x3FB8] =	sst s9;
	s0 =	simm.s32 @!p0 $0x0  }
0x12: {  	s1 =	sld [smem:$0x3F9E];
	s0 =	simm.s32 @p0 $0x1  }
0x13: {  	[smem:$0x3FB9] =	sst s0;
	s0 =	simm.s32 @!p1 $0x0  }
0x14: {  	s2 =	sld [smem:$0x3F9D];
	s0 =	simm.s32 @p1 $0x1  }
0x15: {  	[smem:$0x3FBA] =	sst s0;
	s0 =	simm.s32 @!p2 $0x0  }
0x16: {  	s3 =	sld [smem:$0x3FDB];
	s0 =	simm.s32 @p2 $0x1  }
0x17: {  	s4 =	simm.s32 $0x1BF5;
	[smem:$0x3FBC] =	sst s0  }
0x18: {  	s0 =	sld [smem:$0x3F9F];
	_ =	swait.ge [sflag:s4], $0x0  }
0x19: {  	s7 =	sld [smem:$0x3FA0]  }
0x1a: {  	s8 =	sadd.s32 $0xFFFFE003, lr  }
0x1b: {  	s9 =	sadd.s32 $0xFFFFFEF7, lr;
	s5 =	simm.s32 $0xFFFFFFFF;
	p2 =	slt.u32 s8, $0xFFFFF086  }
0x1c: {  	p1 =	slt.u32 s9, $0xF7A;
	s5 =	simm.s32 @!p2 $0x0  }
0x1d: {  	s5 =	simm.s32 @p1 $0x1;
	p0 =	seq.s32 s7, s2  }
0x1e: {  	s7 =	smul.u32 @!p0 $0xF7A, s2;
	p2 =	seq.s32 @!p0 s5, $0x0  }
0x1f: {  	s9 =	smul.u32 $0xF7A, s1;
	s8 =	simm.s32 @!p0 $0x1BF5;
	p2 =	por !p2, p0  }
0x20: {  	[sflag:s8] =	ssyncset.s32 @!p0 $0xFFFFF086;
	s6 =	sadd.s32 @!p0 s3, s7;
	s7 =	simm.s32 @!p0 $0x108  }
0x21: {  	s3 =	sadd.s32 s3, s9;
	s6 =	sadd.s32 @!p0 $0x88, s6;
	s7 =	simm.s32 @p2 $0x1082  }
0x22: {  	[simem:s7], [sflag:s8] =	dma.local @!p0 [hbm:s6], $0xF7A  }
0x23: {  	s9 =	sor.u32 $0xD0000000, s2;
	s6 =	simm.s32 $0x108;
	_ =	swait.ge @!p0 [sflag:s8], $0x0  }
0x24: {  	s3 =	sadd.s32 $0x88, s3;
	s6 =	simm.s32 @!p1 $0x1082;
	[sflag:s4] =	ssyncset.s32 $0xFFFFF086  }
0x25: {  	[simem:s6], [sflag:s4] =	dma.local [hbm:s3], $0xF7A  }
0x26: {  	[smem:$0x3FA0] =	sst s1;
	(tag) =	ssettag s2;
	_ =	strace s9  }
0x27: {  	s1 =	sld [smem:$0x3FB0]  }
0x28: {  	s2 =	sld [smem:$0x3FB1]  }
0x29: {  	s4 =	sld [smem:$0x3FB3]  }
0x2a: {  	p0 =	seq.s32 s5, $0x0;
	s5 =	sld [smem:$0x3FB4]  }
0x2b: {  	s6 =	sld [smem:$0x3FB5]  }
0x2c: {  	s7 =	sld [smem:$0x3FB6]  }
0x2d: {  	s3 =	simm.s32 $0x108;
	s8 =	sld [smem:$0x3FB7]  }
0x2e: {  	s3 =	simm.s32 @!p0 $0x1082;
	s9 =	sld [smem:$0x3FB8]  }
0x2f: {  	lr =	sadd.s32 s0, s3;
	s0 =	sld [smem:$0x3FAF]  }
0x30: {  	s3 =	sld [smem:$0x3FB2]  }
0x31: {  	[smem:$0x3FBB] =	sst s10  }
0x32: {  	s10 =	sld [smem:$0x3FB9];
	_ =	sdelay $0x3  }
0x33: {  	p0 =	seq.s32 s10, $0x1;
	s10 =	sld [smem:$0x3FBB];
	_ =	sdelay $0x3  }
0x34: {  	[smem:$0x3FBB] =	sst s10  }
0x35: {  	s10 =	sld [smem:$0x3FBA];
	_ =	sdelay $0x3  }
0x36: {  	p1 =	seq.s32 s10, $0x1;
	s10 =	sld [smem:$0x3FBB];
	_ =	sdelay $0x3  }
0x37: {  	[smem:$0x3FBB] =	sst s10  }
0x38: {  	s10 =	sld [smem:$0x3FBC]  }
0x39: {  	_ = 	snop;
	(pc) =	sbr.ind lr, $3  }
0x3a: {  	_ = 	snop  }
0x3b: {  	_ = 	snop  }
0x3c: {  	p2 =	seq.s32 s10, $0x1;
	s10 =	sld [smem:$0x3FBB]  }
0x3d: {  	_ =	shalt  }
0x3e: {  	_ =	shalt  }
0x3f: {  	_ =	shalt  }
0x40: {  	_ =	shalt  }
0x41: {  	_ =	shalt  }
0x42: {  	_ =	shalt  }
0x43: {  	_ =	shalt  }
0x44: {  	_ =	shalt  }
0x45: {  	_ =	shalt  }
0x46: {  	_ =	shalt  }
0x47: {  	_ =	shalt  }
0x48: {  	_ =	shalt  }
0x49: {  	_ =	shalt  }
0x4a: {  	_ =	shalt  }
0x4b: {  	_ =	shalt  }
0x4c: {  	_ =	shalt  }
0x4d: {  	_ =	shalt  }
0x4e: {  	_ =	shalt  }
0x4f: {  	_ =	shalt  }
0x50: {  	_ =	shalt  }
0x51: {  	_ =	shalt  }
0x52: {  	_ =	shalt  }
0x53: {  	_ =	shalt  }
0x54: {  	_ =	shalt  }
0x55: {  	_ =	shalt  }
0x56: {  	_ =	shalt  }
0x57: {  	_ =	shalt  }
0x58: {  	_ =	shalt  }
0x59: {  	_ =	shalt  }
0x5a: {  	_ =	shalt  }
0x5b: {  	_ =	shalt  }
0x5c: {  	_ =	shalt  }
0x5d: {  	_ =	shalt  }
0x5e: {  	_ =	shalt  }
0x5f: {  	_ =	shalt  }
0x60: {  	_ =	shalt  }
0x61: {  	_ =	shalt  }
0x62: {  	_ =	shalt  }
0x63: {  	_ =	shalt  }
0x64: {  	_ =	shalt  }
0x65: {  	_ =	shalt  }
0x66: {  	_ =	shalt  }
0x67: {  	_ =	shalt  }
0x68: {  	_ =	shalt  }
0x69: {  	_ =	shalt  }
0x6a: {  	_ =	shalt  }
0x6b: {  	_ =	shalt  }
0x6c: {  	_ =	shalt  }
0x6d: {  	_ =	shalt  }
0x6e: {  	_ =	shalt  }
0x6f: {  	_ =	shalt  }
0x70: {  	_ =	shalt  }
0x71: {  	_ =	shalt  }
0x72: {  	_ =	shalt  }
0x73: {  	_ =	shalt  }
0x74: {  	_ =	shalt  }
0x75: {  	_ =	shalt  }
0x76: {  	_ =	shalt  }
0x77: {  	_ =	shalt  }
0x78: {  	_ =	shalt  }
0x79: {  	_ =	shalt  }
0x7a: {  	_ =	shalt  }
0x7b: {  	_ =	shalt  }
0x7c: {  	_ =	shalt  }
0x7d: {  	_ =	shalt  }
0x7e: {  	_ =	shalt  }
0x7f: {  	_ =	shalt  }
0x80: {  	_ =	shalt  }
0x81: {  	_ =	shalt  }
0x82: {  	_ =	shalt  }
0x83: {  	_ =	shalt  }
0x84: {  	_ =	shalt  }
0x85: {  	_ =	shalt  }
0x86: {  	_ =	shalt  }
0x87: {  	_ =	shalt  }
.Lfunc_end0:
.L_simem_size_0:
called_computation_lowered:
.L_overlay_start_0:
0x88: {  	s2 =	sld [smem:$0x3FD9]  }
0x89: {  	s3 =	sld [smem:$0x3FFE];
	_ =	sdelay $0x1  }
0x8a: {  	s1 =	srdreg.scid  }
0x8b: {  	s0 =	sand.u32 $0x1, s1  }
0x8c: {  	s18 =	sshll.u32 s0, $0xA;
	s2 =	sadd.s32 s3, s2  }
0x8d: {  	s2 =	sadd.s32 s2, s18  }
0x8e: {  	[smem:$0x3FC7] =	sst s2  }
0x8f: {  	_ = 	snop  }
0x90: {  	s2 =	sld [smem:$0x3FC9]  }
0x91: {  	s19 =	sld [smem:$0x3FD0];
	(tm) =	ssettm $0x1  }
0x92: {  	s4 =	sld [smem:$0x3FFB];
	_ =	sdelay $0x3  }
0x93: {  	_ =	strace s4  }
0x94: {  	s4 =	sld [smem:$0x3FFC];
	_ =	sdelay $0x3  }
0x95: {  	_ =	strace s4  }
0x96: {  	s4 =	sld [smem:$0x3FFD];
	_ =	sdelay $0x3  }
0x97: {  	_ =	strace s4  }
0x98: {  	_ =	strace $0x8FFFFFFF  }
0x99: {  	s20 =	sld [smem:$0x3FDB];
	_ =	sdelay $0x1  }
0x9a: {  	s5 =	simm.s32 $_scs_section_size  }
0x9b: {  	s6 =	simm.s32 $_size__tile_overlayer_lowered;
	s7 =	simm.s32 $_tile_overlayer_lowered  }
0x9c: {  	s23 =	simm.s32 $0x1BFF;
	s22 =	sshll.u32 s7, $0x1;
	s4 =	sadd.s32 s5, s20  }
0x9d: {  	s8 =	simm.s32 $0x0;
	s21 =	sshll.u32 s6, $0x1;
	s6 =	sadd.s32 s22, s4  }
0x9e: {  	[timem:s8], [sflag:s23] =	dma.local [hbm:s6], s21  }
0x9f: {  	_ =	swait.ge [sflag:s23], s21  }
0xa0: {  	s5 =	ssub.s32 $0x0, s21;
	[sflag:s23] =	ssyncset.done $0x0  }
0xa1: {  	[sflag:s23] =	ssyncadd.s32 s5;
	_ =	sdelay $0x1  }
0xa2: {  	s24 =	simm.s32 $0x1B8B  }
0xa3: {  	_ =	swait.ge [sflag:s24], $0x1  }
0xa4: {  	[sflag:s24] =	ssyncset.done $0x0  }
0xa5: {  	s25 =	simm.s32 $0x1B8E;
	[sflag:s24] =	ssyncadd.s32 $0xFFFFFFFF  }
0xa6: {  	s26 =	simm.s32 $execute0_lowered;
	[smem:$0x3FD2] =	sst s25  }
0xa7: {  	s5 =	sshll.u32 s26, $0x1;
	_ =	strace $0x80000046;
	[dreg:$0x1] =	wrdreg $0xFFFFFFFF  }
0xa8: {  	s28 =	simm.s32 $_size_execute0_lowered;
	s4 =	sadd.s32 s4, s5;
	[dreg:$0x0] =	wrdreg $0x0  }
0xa9: {  	s5 =	sshll.u32 s28, $0x1;
	[dreg:$0x2] =	wrdreg s4  }
0xaa: {  	[dreg:$0x3] =	wrdreg s5  }
0xab: {  	[dreg:$0x4] =	wrdreg $0xC0  }
0xac: {  	_ =	task [dreg:s8], $0x5FFFF  }
0xad: {  	[dreg:$0x1] =	wrdreg $0xFFFFFFFF  }
0xae: {  	[dreg:$0x0] =	wrdreg $0x60  }
0xaf: {  	[dreg:$0x2] =	wrdreg s2  }
0xb0: {  	[dreg:$0x3] =	wrdreg s19  }
0xb1: {  	[dreg:$0x4] =	wrdreg $0x9  }
0xb2: {  	_ =	task.clear_ibuf [dreg:s8], $0x5FFFF;
	_ =	strace $0x90000046  }
0xb3: {  	s29 =	simm.s32 $0x9;
	_ =	strace $0x80000048  }
0xb4: {  	_ =	swait.ge [sflag:s29], $0x1  }
0xb5: {  	[sflag:s29] =	ssyncadd.s32 $0xFFFFFFFF  }
0xb6: {  	_ =	strace $0x90000048  }
0xb7: {  	_ =	sfence  }
0xb8: {  	s30 =	sld [smem:$0x0];
	_ =	sdelay $0x2  }
0xb9: {  	s31 =	sshll.u32 s1, $0xD;
	s1 =	sshrl.u32 s1, $0x2  }
0xba: {  	s3 =	sand.u32 $0x4000, s31;
	s1 =	sadd.s32 s1, s30  }
0xbb: {  	s0 =	sor.u32 s3, s0;
	s1 =	sshll.u32 s1, $0x11  }
0xbc: {  	s0 =	sor.u32 s1, s0  }
0xbd: {  	s0 =	sadd.s32 $0x8F2B, s0  }
0xbe: {  	[sflag:s0] =	ssyncadd.remote.s32 $0x1  }
0xbf: {  	_ =	sfence.sel $0xFFFF  }
0xc0: {  	[dreg:$0x0] =	wrdreg $0xFFFFFFFF;
	(pc) =	sbr.abs _section_cstart, $3  }
0xc1: {  	[dreg:$0x1] =	wrdreg $0xFFFFFFFF  }
0xc2: {  	_ =	task.clear_ibuf [dreg:s8], $0x2FFFF;
	_ =	strace $0x9FFFFFFF  }
0xc3: {  	(tm) =	ssettm $0x7FFFFFFF  }
tec
execute0_lowered:
.L_overlay_start_1:
0x0: {  	(tag) =	ssettag $0x1  }
0x1: {  	v2 =	vlaneseq.u32  }
0x2: {  	v3 =	vimm.s32 $0x26211C17;
	v4 =	vimm.s32 $0x3A35302B;
	vm0 =	vcmask $0x1F10  }
0x3: {  	v5 =	vimm.s32 $0x120D0803;
	v6 =	vimm.s32 $0x17E7B78;
	v7 =	vimm.s32 $0xD0A0704  }
0x4: {  	v8 =	vimm.s32 $0x69666360;
	v9 =	vimm.s32 $0x75726F6C;
	v10 =	vimm.s32 $0x805027F  }
0x5: {  	v11 =	vimm.s32 $0x14110E0B;
	v1 =	vmul.u32 $0x3, v2;
	v12 =	vmul.u32 $0x5, v2  }
0x6: {  	v2 =	vunpack.c.0.s8.s32 v3;
	v3 =	vunpack.c.0.s8.s32 v4;
	v4 =	vimm.s32 $0x7E79746F  }
0x7: {  	s0 =	rddreg [dreg:$0x0];
	v5 =	vunpack.c.0.s8.s32 v5;
	v6 =	vunpack.c.0.s8.s32 v6;
	v7 =	vunpack.c.0.s8.s32 v7  }
0x8: {  	s2 =	rddreg [dreg:$0x1];
	v8 =	vunpack.c.0.s8.s32 v8;
	v9 =	vunpack.c.0.s8.s32 v9;
	v4 =	vunpack.c.0.s8.s32 v4  }
0x9: {  	s1 =	rddreg [dreg:$0x2];
	s4 =	srdreg.scid;
	v10 =	vunpack.c.0.s8.s32 v10;
	v11 =	vunpack.c.0.s8.s32 v11;
	v2 =	vsel vm0, v3, v2  }
0xa: {  	s17 =	stileid.u32;
	s3 =	simm.s32 $0x0;
	s12 =	simm.s32 $0x1;
	v3 =	vsel vm0, v5, v4;
	v4 =	vsel vm0, v7, v6;
	v5 =	vsel vm0, v9, v8  }
0xb: {  	s13 =	simm.s32 $0x5000;
	s14 =	simm.s32 $0x2;
	s15 =	simm.s32 $0x7800;
	v8 =	vsel vm0, v11, v10;
	v6 =	vimm.s32 $0x76716C67;
	v9 =	vimm.s32 $0x4E49443F  }
0xc: {  	s16 =	simm.s32 $0x3;
	s5 =	sand.u32 $0x1, s4;
	s30 =	sshll.u32 s17, $0x1;
	v10 =	vimm.s32 $0x625D5853;
	v2 =	vcombine.low v3, v2;
	v3 =	vcombine.low v5, v4  }
0xd: {  	s18 =	simm.s32 $0x0;
	[smem:$0x7FF] =	sst s3;
	s4 =	sor.u32 s5, s30;
	v4 =	vimm.s32 $0x706D6A67;
	v5 =	vimm.s32 $0x7C797673;
	v6 =	vunpack.c.0.s8.s32 v6  }
0xe: {  	p0 =	seq.s32 s17, $0x0;
	_ =	strace $0x80000047;
	s7 =	smul.u32 $0x2800, s4;
	v7 =	vunpack.c.0.s8.s32 v4;
	v5 =	vunpack.c.0.s8.s32 v5;
	v4 =	vimm.s32 $0xA05007B  }
0xf: {  	s6 =	ssub.s32 $0x2, s5;
	s5 =	simm.s32 $0x28;
	s9 =	smul.u32 $0x500, s4;
	v9 =	vunpack.c.0.s8.s32 v9;
	v10 =	vunpack.c.0.s8.s32 v10;
	v11 =	vunpack.c.0.s8.s32 v4  }
.Ltmp0:
0x10: {  	s8 =	sshrl.u32 s6, $0x1;
	s5 =	simm.s32 @!p0 $0x27;
	v13 =	vsel vm0, v5, v7;
	v7 =	vadd.s32 $0x37, v1;
	(pc) =	sbr.rel .LBB2_1-.Ltmp0, $4  }
0x11: {  	p0 =	sne.s32 s17, $0x0;
	s17 =	simm.s32 $0x4;
	s10 =	sshrl.u32 s7, $0x3;
	v9 =	vsel vm0, v10, v9;
	v10 =	vadd.s32 $0x10, v1;
	v11 =	vsel vm0, v11, v6  }
0x12: {  	s11 =	ssub.s32 s6, s8;
	s6 =	sadd.s32 s0, s9;
	s7 =	sadd.s32 s0, s10;
	v9 =	vcombine.low v9, v11;
	v11 =	vadd.s32 $0x17, v1  }
0x13: {  	v0 =	vimm.f32 $0.0e+00;
	s31 =	sadd.s32 s10, s2;
	s10 =	smax.u32 s11, $0x1;
	s11 =	simm.s32 $0x2800;
	v5 =	vadd.s32 $0x1F, v12;
	v12 =	vadd.s32 $0xF, v12  }
0x14: {  	s7 =	sadd.s32 $0xA000, s7;
	s8 =	sadd.s32 $0x17C000, s31;
	s9 =	sadd.s32 $0x186000, s31;
	v4 =	vadd.s32 $0x7, v1;
	v6 =	vadd.s32 $0x30, v1;
	v8 =	vcombine.low v13, v8  }
.LBB2_13:
0x15: {  	s18 =	sadd.s32 $0x1, s18  }
0x16: {  	_ =	swait.ge [sflag:s16], $0x2800;
	p1 =	sne.s32 s18, s10  }
.Ltmp1:
0x17: {  	[sflag:s16] =	ssyncset.done $0x0;
	(pc) =	sbr.rel @!p1 .LBB2_14-.Ltmp1, $4  }
0x18: {  	[sflag:s16] =	ssyncadd.s32 $0xFFFFD800  }
0x19: {  	_ =	swait.ge [sflag:s17], $0x2800  }
0x1a: {  	[sflag:s17] =	ssyncset.done $0x0  }
0x1b: {  	[sflag:s17] =	ssyncadd.s32 $0xFFFFD800  }
.LBB2_1:
0x1c: {  	[tilespmem:s3], [sflag:$0x1] =	stream.linear.gather [hbm4b:s6+s3], $0x2800, $0x38;
	[tilespmem:$0xA000] =	vst v63  }
0x1d: {  	s19 =	simm.s32 $0x0  }
0x1e: {  	[tilespmem:s11], [sflag:$0x2] =	stream.linear.gather [hbm4b:s7+s3], $0x2800, $0x38;
	[tilespmem:$0xA000] =	vst v63  }
.LBB2_2:
0x1f: {  	_ =	swait.ge [sflag:s12], $0x2800  }
0x20: {  	p1 =	seq.s32 s19, $0x0;
	[sflag:s12] =	ssyncset.done $0x0  }
0x21: {  	s20 =	simm.s32 @!p1 $0x3;
	[sflag:s12] =	ssyncadd.s32 $0xFFFFD800  }
0x22: {  	_ =	swait.ge @!p1 [sflag:s20], $0x2800  }
0x23: {  	[sflag:s20] =	ssyncset.done @!p1 $0x0  }
0x24: {  	s22 =	simm.s32 $0x0;
	[sflag:s20] =	ssyncadd.s32 @!p1 $0xFFFFD800  }
0x25: {  	[tilespmem:s22+$0x5180] =	vst v0  }
0x26: {  	[tilespmem:s22+$0x5190] =	vst v0  }
0x27: {  	[tilespmem:s22+$0x51A0] =	vst v0  }
0x28: {  	[tilespmem:s22+$0x51B0] =	vst v0  }
0x29: {  	[tilespmem:s22+$0x51C0] =	vst v0  }
0x2a: {  	[tilespmem:s22+$0x51D0] =	vst v0  }
0x2b: {  	[tilespmem:s22+$0x51E0] =	vst v0  }
0x2c: {  	[tilespmem:s22+$0x51F0] =	vst v0  }
0x2d: {  	[tilespmem:s22+$0x5000] =	vst v0  }
0x2e: {  	[tilespmem:s22+$0x5010] =	vst v0;
	v13 =	vld.idx.msk [tilespmem:v1+s22+$0x180], $0xffff  }
0x2f: {  	[tilespmem:s22+$0x5020] =	vst v0;
	v14 =	vld.idx.msk [tilespmem:v4+s22+$0x180], $0xffff  }
0x30: {  	[tilespmem:s22+$0x5030] =	vst v0;
	v15 =	vld.idx.msk [tilespmem:v5+s22+$0x180], $0xffff  }
0x31: {  	[tilespmem:s22+$0x5040] =	vst v0  }
0x32: {  	[tilespmem:s22+$0x5050] =	vst v0  }
0x33: {  	[tilespmem:s22+$0x5060] =	vst v0;
	v13 =	vsub.f32 $0.0e+00, v13  }
0x34: {  	[tilespmem:s22+$0x5070] =	vst v0;
	v14 =	vmul.f32 $1.442695020e+00, v14  }
0x35: {  	v16 =	vld.idx.msk [tilespmem:v1+s22+$0x0], $0xffff;
	v15 =	vsub.f32 $0.0e+00, v15;
	v13 =	vmul.f32 $1.442695020e+00, v13  }
0x36: {  	(erf) = vpow2.f32 v14;
	v14 =	vld.idx.msk [tilespmem:v4+s22+$0x0], $0xffff  }
0x37: {  	v15 =	vmul.f32 $1.442695020e+00, v15;
	(erf) = vpow2.f32 v13;
	v13 =	vld.idx.msk [tilespmem:v5+s22+$0x0], $0xffff;
	_ =	sdelay $0x1  }
0x38: {  	[tilespmem:s22+$0x5080] =	vst v0;
	(erf) = vpow2.f32 v15  }
0x39: {  	[tilespmem:s22+$0x5090] =	vst v0;
	v15 =	vsub.f32 $0.0e+00, v16  }
0x3a: {  	[tilespmem:s22+$0x50A0] =	vst v0;
	v14 =	vmul.f32 $1.442695020e+00, v14  }
0x3b: {  	[tilespmem:s22+$0x50B0] =	vst v0;
	v15 =	vmul.f32 $1.442695020e+00, v15;
	v13 =	vsub.f32 $0.0e+00, v13  }
0x3c: {  	[tilespmem:s22+$0x50C0] =	vst v0  }
0x3d: {  	[tilespmem:s22+$0x50D0] =	vst v0;
	v13 =	vmul.f32 $1.442695020e+00, v13  }
0x3e: {  	[tilespmem:s22+$0x50E0] =	vst v0;
	(erf) = vpow2.f32 v14;
	v14 =	vpop (erf)  }
0x3f: {  	[tilespmem:s22+$0x50F0] =	vst v0;
	(erf) = vpow2.f32 v15;
	v15 =	vpop (erf)  }
0x40: {  	[tilespmem:s22+$0x5100] =	vst v0;
	v17 =	vadd.f32 v14, v15  }
0x41: {  	[tilespmem:s22+$0x5110] =	vst v0;
	v16 =	vld.idx.msk [tilespmem:v1+s22+$0x80], $0xffff;
	(erf) = vpow2.f32 v13;
	v13 =	vpop (erf)  }
0x42: {  	[tilespmem:s22+$0x5120] =	vst v0;
	v18 =	vld.idx.msk [tilespmem:v5+s22+$0x80], $0xffff;
	v17 =	vadd.f32 v13, v17  }
0x43: {  	[tilespmem:s22+$0x5130] =	vst v0  }
0x44: {  	[tilespmem:s22+$0x5140] =	vst v0;
	v19 =	vld.idx.msk [tilespmem:v4+s22+$0x80], $0xffff;
	(erf) = vrcp.f32 v17  }
0x45: {  	[tilespmem:s22+$0x5150] =	vst v0  }
0x46: {  	[tilespmem:s22+$0x5160] =	vst v0;
	v16 =	vsub.f32 $0.0e+00, v16  }
0x47: {  	[tilespmem:s22+$0x5170] =	vst v0;
	v18 =	vsub.f32 $0.0e+00, v18;
	v17 =	vpop (erf)  }
0x48: {  	v20 =	vld.idx.msk [tilespmem:v1+s22+$0x100], $0xffff;
	v16 =	vmul.f32 $1.442695020e+00, v16;
	v21 =	vpop (erf)  }
0x49: {  	v23 =	vld.idx.msk [tilespmem:v4+s22+$0x100], $0xffff;
	v19 =	vmul.f32 $1.442695020e+00, v19;
	v18 =	vmul.f32 $1.442695020e+00, v18;
	v22 =	vadd.f32 v17, v21  }
0x4a: {  	(erf) = vpow2.f32 v16;
	v25 =	vpop (erf)  }
0x4b: {  	v24 =	vld.idx.msk [tilespmem:v5+s22+$0x100], $0xffff;
	(erf) = vpow2.f32 v19;
	v16 =	vadd.f32 v25, v22  }
0x4c: {  	(erf) = vpow2.f32 v18  }
0x4d: {  	(erf) = vrcp.f32 v16;
	v16 =	vsub.f32 $0.0e+00, v20;
	v18 =	vpop (erf)  }
0x4e: {  	v19 =	vmul.f32 $1.442695020e+00, v23;
	v18 =	vmul.f32 $5.000000000e-01, v18  }
0x4f: {  	v16 =	vmul.f32 $1.442695020e+00, v16  }
0x50: {  	v20 =	vsub.f32 $0.0e+00, v24;
	(erf) = vpow2.f32 v19;
	v19 =	vsub.f32 $0.0e+00, v18;
	_ =	sdelay $0x1  }
0x51: {  	v20 =	vmul.f32 $1.442695020e+00, v20;
	v15 =	vmul.f32 v19, v15  }
0x52: {  	(erf) = vpow2.f32 v16;
	v14 =	vmul.f32 v18, v14;
	v16 =	vpop (erf)  }
0x53: {  	v18 =	vpop (erf)  }
0x54: {  	(erf) = vpow2.f32 v20;
	v20 =	vadd.f32 v18, v16  }
0x55: {  	v13 =	vmul.f32 v19, v13;
	[tilespmem:v1+s22+$0x5180] =	vst.idx.add.f32.msk $0xffff, v15;
	v15 =	vpop (erf)  }
0x56: {  	[tilespmem:v4+s22+$0x5180] =	vst.idx.add.f32.msk $0xffff, v14;
	v14 =	vpop (erf);
	v19 =	vadd.f32 v15, v20  }
0x57: {  	[tilespmem:v5+s22+$0x5180] =	vst.idx.add.f32.msk $0xffff, v13;
	v14 =	vmul.f32 $5.000000000e-01, v14  }
0x58: {  	v13 =	vld.idx.msk [tilespmem:v6+s22+$0x180], $0xffff  }
0x59: {  	v22 =	vld.idx.msk [tilespmem:v7+s22+$0x180], $0xffff;
	v20 =	vsub.f32 $0.0e+00, v14  }
0x5a: {  	v23 =	vld.idx.msk [tilespmem:v2+s22+$0x180], $0xffff;
	(erf) = vrcp.f32 v19;
	v19 =	vpop (erf)  }
0x5b: {  	v24 =	vpop (erf);
	v21 =	vmul.f32 v20, v21  }
0x5c: {  	v14 =	vmul.f32 v14, v17;
	v26 =	vadd.f32 v19, v24  }
0x5d: {  	v20 =	vmul.f32 v20, v25;
	v17 =	vpop (erf);
	[tilespmem:v1+s22+$0x5000] =	vst.idx.add.f32.msk $0xffff, v21  }
0x5e: {  	v13 =	vsub.f32 $0.0e+00, v13;
	v21 =	vadd.f32 v17, v26;
	[tilespmem:v4+s22+$0x5000] =	vst.idx.add.f32.msk $0xffff, v14  }
0x5f: {  	v14 =	vmul.f32 $1.442695020e+00, v22;
	[tilespmem:v5+s22+$0x5000] =	vst.idx.add.f32.msk $0xffff, v20;
	v20 =	vsub.f32 $0.0e+00, v23  }
0x60: {  	v13 =	vmul.f32 $1.442695020e+00, v13;
	(erf) = vrcp.f32 v21;
	v21 =	vld.idx.msk [tilespmem:v6+s22+$0x0], $0xffff  }
0x61: {  	(erf) = vpow2.f32 v14  }
0x62: {  	(erf) = vpow2.f32 v13;
	v13 =	vld.idx.msk [tilespmem:v7+s22+$0x0], $0xffff  }
0x63: {  	v22 =	vld.idx.msk [tilespmem:v2+s22+$0x0], $0xffff;
	v14 =	vmul.f32 $1.442695020e+00, v20;
	v20 =	vpop (erf)  }
0x64: {  	v20 =	vmul.f32 $5.000000000e-01, v20  }
0x65: {  	(erf) = vpow2.f32 v14;
	v21 =	vsub.f32 $0.0e+00, v21  }
0x66: {  	v14 =	vsub.f32 $0.0e+00, v20;
	v18 =	vmul.f32 v20, v18  }
0x67: {  	v20 =	vmul.f32 $1.442695020e+00, v21;
	v13 =	vmul.f32 $1.442695020e+00, v13  }
0x68: {  	v16 =	vmul.f32 v14, v16;
	v14 =	vmul.f32 v14, v15;
	v15 =	vsub.f32 $0.0e+00, v22;
	_ =	sdelay $0x1  }
0x69: {  	v21 =	vpop (erf);
	(erf) = vpow2.f32 v20;
	v15 =	vmul.f32 $1.442695020e+00, v15  }
0x6a: {  	[tilespmem:v1+s22+$0x5080] =	vst.idx.add.f32.msk $0xffff, v16;
	v20 =	vpop (erf);
	(erf) = vpow2.f32 v13  }
0x6b: {  	v16 =	vmul.f32 $5.000000000e-01, v21;
	[tilespmem:v4+s22+$0x5080] =	vst.idx.add.f32.msk $0xffff, v18;
	v13 =	vpop (erf)  }
0x6c: {  	[tilespmem:v5+s22+$0x5080] =	vst.idx.add.f32.msk $0xffff, v14;
	(erf) = vpow2.f32 v15;
	v18 =	vadd.f32 v20, v13  }
0x6d: {  	v14 =	vsub.f32 $0.0e+00, v16;
	v21 =	vld.idx.msk [tilespmem:v6+s22+$0x80], $0xffff;
	v15 =	vpop (erf)  }
0x6e: {  	v22 =	vld.idx.msk [tilespmem:v7+s22+$0x80], $0xffff;
	v18 =	vadd.f32 v15, v18  }
0x6f: {  	v23 =	vmul.f32 v14, v24  }
0x70: {  	v16 =	vmul.f32 v16, v19;
	v19 =	vld.idx.msk [tilespmem:v2+s22+$0x80], $0xffff  }
0x71: {  	v14 =	vmul.f32 v14, v17;
	[tilespmem:v1+s22+$0x5100] =	vst.idx.add.f32.msk $0xffff, v23;
	(erf) = vrcp.f32 v18  }
0x72: {  	[tilespmem:v4+s22+$0x5100] =	vst.idx.add.f32.msk $0xffff, v16;
	v16 =	vsub.f32 $0.0e+00, v21;
	v18 =	vpop (erf)  }
0x73: {  	[tilespmem:v5+s22+$0x5100] =	vst.idx.add.f32.msk $0xffff, v14;
	v14 =	vmul.f32 $1.442695020e+00, v22;
	v22 =	vpop (erf)  }
0x74: {  	v17 =	vld.idx.msk [tilespmem:v6+s22+$0x100], $0xffff;
	v16 =	vmul.f32 $1.442695020e+00, v16;
	v23 =	vadd.f32 v22, v18  }
0x75: {  	v19 =	vsub.f32 $0.0e+00, v19;
	v24 =	vld.idx.msk [tilespmem:v2+s22+$0x100], $0xffff;
	(erf) = vpow2.f32 v14;
	v25 =	vpop (erf)  }
0x76: {  	v21 =	vld.idx.msk [tilespmem:v7+s22+$0x100], $0xffff;
	(erf) = vpow2.f32 v16;
	v16 =	vadd.f32 v25, v23  }
0x77: {  	v14 =	vmul.f32 $1.442695020e+00, v19;
	_ =	sdelay $0x1  }
0x78: {  	(erf) = vpow2.f32 v14  }
0x79: {  	v19 =	vsub.f32 $0.0e+00, v24;
	(erf) = vrcp.f32 v16;
	v16 =	vpop (erf)  }
0x7a: {  	v14 =	vsub.f32 $0.0e+00, v17;
	v17 =	vmul.f32 $1.442695020e+00, v21;
	v16 =	vmul.f32 $5.000000000e-01, v16  }
0x7b: {  	v21 =	vmul.f32 $1.442695020e+00, v19  }
0x7c: {  	v14 =	vmul.f32 $1.442695020e+00, v14;
	(erf) = vpow2.f32 v17;
	v17 =	vsub.f32 $0.0e+00, v16;
	_ =	sdelay $0x1  }
0x7d: {  	(erf) = vpow2.f32 v14;
	v19 =	vpop (erf);
	v13 =	vmul.f32 v17, v13  }
0x7e: {  	(erf) = vpow2.f32 v21;
	v14 =	vmul.f32 v16, v20;
	v21 =	vpop (erf)  }
0x7f: {  	v16 =	vadd.f32 v19, v21;
	[tilespmem:v6+s22+$0x5180] =	vst.idx.add.f32.msk $0xffff, v13;
	v13 =	vmul.f32 v17, v15  }
0x80: {  	v20 =	vpop (erf);
	[tilespmem:v7+s22+$0x5180] =	vst.idx.add.f32.msk $0xffff, v14  }
0x81: {  	v14 =	vadd.f32 v20, v16;
	[tilespmem:v2+s22+$0x5180] =	vst.idx.add.f32.msk $0xffff, v13  }
0x82: {  	v17 =	vld.idx.msk [tilespmem:v3+s22+$0x180], $0xffff;
	_ =	sdelay $0x1  }
0x83: {  	(erf) = vrcp.f32 v14;
	v13 =	vpop (erf)  }
0x84: {  	v23 =	vld.idx.msk [tilespmem:v8+s22+$0x180], $0xffff;
	v14 =	vpop (erf)  }
0x85: {  	v13 =	vmul.f32 $5.000000000e-01, v13;
	v16 =	vpop (erf)  }
0x86: {  	v24 =	vld.idx.msk [tilespmem:v9+s22+$0x180], $0xffff;
	v26 =	vadd.f32 v14, v16;
	v17 =	vsub.f32 $0.0e+00, v17  }
0x87: {  	v27 =	vsub.f32 $0.0e+00, v13;
	v15 =	vpop (erf)  }
0x88: {  	v13 =	vmul.f32 v13, v22;
	v22 =	vadd.f32 v15, v26;
	v17 =	vmul.f32 $1.442695020e+00, v17  }
0x89: {  	v23 =	vmul.f32 $1.442695020e+00, v23;
	v18 =	vmul.f32 v27, v18  }
0x8a: {  	(erf) = vrcp.f32 v22  }
0x8b: {  	v24 =	vsub.f32 $0.0e+00, v24;
	v22 =	vmul.f32 v27, v25;
	[tilespmem:v6+s22+$0x5000] =	vst.idx.add.f32.msk $0xffff, v18;
	(erf) = vpow2.f32 v23  }
0x8c: {  	[tilespmem:v7+s22+$0x5000] =	vst.idx.add.f32.msk $0xffff, v13;
	(erf) = vpow2.f32 v17;
	v17 =	vpop (erf)  }
0x8d: {  	v13 =	vmul.f32 $1.442695020e+00, v24;
	[tilespmem:v2+s22+$0x5000] =	vst.idx.add.f32.msk $0xffff, v22;
	v22 =	vmul.f32 $5.000000000e-01, v17;
	_ =	sdelay $0x1  }
0x8e: {  	v18 =	vld.idx.msk [tilespmem:v3+s22+$0x0], $0xffff;
	(erf) = vpow2.f32 v13;
	v23 =	vsub.f32 $0.0e+00, v22  }
0x8f: {  	v13 =	vld.idx.msk [tilespmem:v8+s22+$0x0], $0xffff  }
0x90: {  	v17 =	vld.idx.msk [tilespmem:v9+s22+$0x0], $0xffff;
	v21 =	vmul.f32 v23, v21;
	_ =	sdelay $0x2  }
0x91: {  	v18 =	vsub.f32 $0.0e+00, v18;
	v24 =	vpop (erf)  }
0x92: {  	s23 =	simm.s32 $0x200;
	v13 =	vmul.f32 $1.442695020e+00, v13;
	[tilespmem:v6+s22+$0x5080] =	vst.idx.add.f32.msk $0xffff, v21;
	v21 =	vpop (erf)  }
0x93: {  	[tilespmem:s23+$0x5180] =	vst v0;
	v17 =	vsub.f32 $0.0e+00, v17;
	v18 =	vmul.f32 $1.442695020e+00, v18;
	v25 =	vpop (erf)  }
0x94: {  	[tilespmem:s23+$0x5190] =	vst v0;
	(erf) = vpow2.f32 v13;
	v13 =	vadd.f32 v21, v25  }
0x95: {  	[tilespmem:s23+$0x51A0] =	vst v0;
	v17 =	vmul.f32 $1.442695020e+00, v17;
	(erf) = vpow2.f32 v18;
	v26 =	vpop (erf)  }
0x96: {  	[tilespmem:s23+$0x51B0] =	vst v0;
	v13 =	vadd.f32 v26, v13  }
0x97: {  	[tilespmem:s23+$0x51C0] =	vst v0;
	(erf) = vpow2.f32 v17  }
0x98: {  	[tilespmem:s23+$0x51D0] =	vst v0;
	(erf) = vrcp.f32 v13  }
0x99: {  	[tilespmem:s23+$0x51E0] =	vst v0  }
0x9a: {  	[tilespmem:s23+$0x51F0] =	vst v0  }
0x9b: {  	[tilespmem:s23+$0x5000] =	vst v0  }
0x9c: {  	[tilespmem:s23+$0x5010] =	vst v0;
	v28 =	vld.idx.msk [tilespmem:v4+s23+$0x180], $0xffff  }
0x9d: {  	[tilespmem:s23+$0x5020] =	vst v0;
	v27 =	vld.idx.msk [tilespmem:v1+s23+$0x180], $0xffff;
	v18 =	vpop (erf)  }
0x9e: {  	[tilespmem:s23+$0x5030] =	vst v0;
	v29 =	vld.idx.msk [tilespmem:v5+s23+$0x180], $0xffff;
	v17 =	vpop (erf)  }
0x9f: {  	[tilespmem:s23+$0x5040] =	vst v0;
	v30 =	vadd.f32 v18, v17  }
0xa0: {  	[tilespmem:s23+$0x5050] =	vst v0;
	v13 =	vpop (erf)  }
0xa1: {  	[tilespmem:s23+$0x5060] =	vst v0;
	v30 =	vadd.f32 v13, v30;
	v31 =	vpop (erf)  }
0xa2: {  	[tilespmem:s23+$0x5070] =	vst v0;
	v28 =	vmul.f32 $1.442695020e+00, v28;
	v27 =	vsub.f32 $0.0e+00, v27;
	v31 =	vmul.f32 $5.000000000e-01, v31  }
0xa3: {  	[tilespmem:s23+$0x5080] =	vst v0;
	v54 =	vld.idx.msk [tilespmem:v1+s23+$0x0], $0xffff;
	v29 =	vsub.f32 $0.0e+00, v29;
	(erf) = vrcp.f32 v30  }
0xa4: {  	[tilespmem:s23+$0x5090] =	vst v0;
	v27 =	vmul.f32 $1.442695020e+00, v27;
	(erf) = vpow2.f32 v28;
	v28 =	vsub.f32 $0.0e+00, v31  }
0xa5: {  	[tilespmem:s23+$0x50A0] =	vst v0;
	v32 =	vld.idx.msk [tilespmem:v4+s23+$0x0], $0xffff;
	v29 =	vmul.f32 $1.442695020e+00, v29  }
0xa6: {  	[tilespmem:s23+$0x50B0] =	vst v0;
	(erf) = vpow2.f32 v27;
	v27 =	vld.idx.msk [tilespmem:v5+s23+$0x0], $0xffff;
	v25 =	vmul.f32 v28, v25  }
0xa7: {  	[tilespmem:s23+$0x50C0] =	vst v0;
	v21 =	vmul.f32 v31, v21  }
0xa8: {  	(erf) = vpow2.f32 v29;
	[tilespmem:v3+s22+$0x5180] =	vst.idx.add.f32.msk $0xffff, v25;
	v25 =	vmul.f32 v28, v26;
	v26 =	vsub.f32 $0.0e+00, v54  }
0xa9: {  	[tilespmem:v8+s22+$0x5180] =	vst.idx.add.f32.msk $0xffff, v21  }
0xaa: {  	[tilespmem:v9+s22+$0x5180] =	vst.idx.add.f32.msk $0xffff, v25;
	v25 =	vmul.f32 $1.442695020e+00, v26  }
0xab: {  	[tilespmem:s23+$0x50D0] =	vst v0;
	v21 =	vmul.f32 $1.442695020e+00, v32;
	v26 =	vsub.f32 $0.0e+00, v27  }
0xac: {  	[tilespmem:s23+$0x50E0] =	vst v0;
	v27 =	vld.idx.msk [tilespmem:v10+s22+$0x180], $0xffff  }
0xad: {  	[tilespmem:s23+$0x50F0] =	vst v0;
	v28 =	vpop (erf);
	(erf) = vpow2.f32 v21;
	v21 =	vld.idx.msk [tilespmem:v11+s22+$0x180], $0xffff;
	v26 =	vmul.f32 $1.442695020e+00, v26  }
0xae: {  	[tilespmem:s23+$0x5100] =	vst v0;
	v29 =	vld.idx.msk [tilespmem:v12+s22+$0x180], $0xffff;
	(erf) = vpow2.f32 v25;
	v25 =	vpop (erf)  }
0xaf: {  	[tilespmem:s23+$0x5110] =	vst v0;
	v56 =	vpop (erf)  }
0xb0: {  	[tilespmem:s23+$0x5120] =	vst v0;
	v55 =	vld.idx.msk [tilespmem:v1+s23+$0x80], $0xffff;
	v57 =	vadd.f32 v25, v56  }
0xb1: {  	[tilespmem:s23+$0x5130] =	vst v0;
	v19 =	vmul.f32 v22, v19;
	(erf) = vpow2.f32 v26;
	v26 =	vpop (erf)  }
0xb2: {  	[tilespmem:s23+$0x5140] =	vst v0;
	v22 =	vld.idx.msk [tilespmem:v4+s23+$0x80], $0xffff;
	v20 =	vmul.f32 v23, v20;
	v27 =	vsub.f32 $0.0e+00, v27;
	v32 =	vadd.f32 v26, v57  }
0xb3: {  	[tilespmem:s23+$0x5150] =	vst v0;
	v23 =	vld.idx.msk [tilespmem:v5+s23+$0x80], $0xffff;
	v24 =	vmul.f32 $5.000000000e-01, v24;
	v21 =	vmul.f32 $1.442695020e+00, v21;
	v29 =	vsub.f32 $0.0e+00, v29  }
0xb4: {  	[tilespmem:s23+$0x5160] =	vst v0;
	v27 =	vmul.f32 $1.442695020e+00, v27;
	(erf) = vrcp.f32 v32  }
0xb5: {  	[tilespmem:s23+$0x5170] =	vst v0;
	v30 =	vsub.f32 $0.0e+00, v55;
	(erf) = vpow2.f32 v21;
	v21 =	vmul.f32 $1.442695020e+00, v29  }
0xb6: {  	v58 =	vld.idx.msk [tilespmem:v1+s23+$0x100], $0xffff;
	(erf) = vpow2.f32 v27  }
0xb7: {  	v29 =	vpop (erf);
	v27 =	vmul.f32 $1.442695020e+00, v30;
	(erf) = vpow2.f32 v21;
	v21 =	vsub.f32 $0.0e+00, v24  }
0xb8: {  	v34 =	vld.idx.msk [tilespmem:v4+s23+$0x100], $0xffff;
	v22 =	vmul.f32 $1.442695020e+00, v22;
	v14 =	vmul.f32 v24, v14;
	v23 =	vsub.f32 $0.0e+00, v23;
	v59 =	vpop (erf)  }
0xb9: {  	[tilespmem:v7+s22+$0x5080] =	vst.idx.add.f32.msk $0xffff, v19;
	v33 =	vadd.f32 v29, v59;
	(erf) = vpow2.f32 v27;
	v16 =	vmul.f32 v21, v16  }
0xba: {  	v23 =	vmul.f32 $1.442695020e+00, v23;
	v35 =	vpop (erf);
	v27 =	vld.idx.msk [tilespmem:v5+s23+$0x100], $0xffff;
	(erf) = vpow2.f32 v22  }
0xbb: {  	v19 =	vadd.f32 v35, v33;
	v15 =	vmul.f32 v21, v15;
	[tilespmem:v6+s22+$0x5100] =	vst.idx.add.f32.msk $0xffff, v16;
	v16 =	vsub.f32 $0.0e+00, v58  }
0xbc: {  	(erf) = vpow2.f32 v23;
	[tilespmem:v7+s22+$0x5100] =	vst.idx.add.f32.msk $0xffff, v14  }
0xbd: {  	(erf) = vrcp.f32 v19;
	[tilespmem:v2+s22+$0x5100] =	vst.idx.add.f32.msk $0xffff, v15;
	v15 =	vmul.f32 $1.442695020e+00, v16  }
0xbe: {  	v19 =	vmul.f32 $1.442695020e+00, v34;
	v14 =	vpop (erf)  }
0xbf: {  	[tilespmem:v2+s22+$0x5080] =	vst.idx.add.f32.msk $0xffff, v20;
	v20 =	vmul.f32 $5.000000000e-01, v14;
	v14 =	vpop (erf)  }
0xc0: {  	v62 =	vld.idx.msk [tilespmem:v9+s22+$0x80], $0xffff;
	v22 =	vmul.f32 $5.000000000e-01, v28;
	v16 =	vpop (erf);
	(erf) = vpow2.f32 v19  }
0xc1: {  	v23 =	vld.idx.msk [tilespmem:v3+s22+$0x80], $0xffff;
	v21 =	vsub.f32 $0.0e+00, v27;
	v24 =	vsub.f32 $0.0e+00, v20;
	(erf) = vpow2.f32 v15;
	v15 =	vpop (erf)  }
0xc2: {  	v61 =	vsub.f32 $0.0e+00, v22;
	v27 =	vld.idx.msk [tilespmem:v8+s22+$0x80], $0xffff;
	v20 =	vmul.f32 v20, v25;
	v60 =	vpop (erf)  }
0xc3: {  	v19 =	vld.idx.msk [tilespmem:v3+s22+$0x100], $0xffff;
	v21 =	vmul.f32 $1.442695020e+00, v21;
	v28 =	vadd.f32 v14, v16;
	v31 =	vmul.f32 v24, v56;
	v36 =	vpop (erf)  }
0xc4: {  	v18 =	vmul.f32 v22, v18;
	v17 =	vmul.f32 v61, v17;
	v37 =	vld.idx.msk [tilespmem:v9+s22+$0x100], $0xffff;
	v25 =	vadd.f32 v36, v60  }
0xc5: {  	(erf) = vpow2.f32 v21;
	v28 =	vadd.f32 v15, v28;
	v22 =	vmul.f32 v24, v26;
	[tilespmem:v1+s23+$0x5180] =	vst.idx.add.f32.msk $0xffff, v31;
	v24 =	vpop (erf)  }
0xc6: {  	[tilespmem:v4+s23+$0x5180] =	vst.idx.add.f32.msk $0xffff, v20;
	v20 =	vpop (erf);
	v25 =	vadd.f32 v24, v25  }
0xc7: {  	v23 =	vsub.f32 $0.0e+00, v23;
	[tilespmem:v3+s22+$0x5000] =	vst.idx.add.f32.msk $0xffff, v17;
	(erf) = vrcp.f32 v28;
	v20 =	vmul.f32 $5.000000000e-01, v20  }
0xc8: {  	v21 =	vld.idx.msk [tilespmem:v8+s22+$0x100], $0xffff;
	v19 =	vsub.f32 $0.0e+00, v19;
	(erf) = vrcp.f32 v25  }
0xc9: {  	v23 =	vmul.f32 $1.442695020e+00, v23;
	[tilespmem:v5+s23+$0x5180] =	vst.idx.add.f32.msk $0xffff, v22;
	v25 =	vsub.f32 $0.0e+00, v20  }
0xca: {  	v22 =	vmul.f32 $1.442695020e+00, v27;
	v19 =	vmul.f32 $1.442695020e+00, v19;
	v26 =	vld.idx.msk [tilespmem:v6+s23+$0x180], $0xffff  }
0xcb: {  	v27 =	vld.idx.msk [tilespmem:v7+s23+$0x180], $0xffff;
	v28 =	vpop (erf);
	(erf) = vpow2.f32 v23;
	v23 =	vmul.f32 v25, v59  }
0xcc: {  	v13 =	vmul.f32 v61, v13;
	v20 =	vmul.f32 v20, v29;
	v29 =	vld.idx.msk [tilespmem:v2+s23+$0x180], $0xffff;
	v63 =	vpop (erf)  }
0xcd: {  	v40 =	vadd.f32 v28, v63;
	v25 =	vmul.f32 v25, v35;
	[tilespmem:v1+s23+$0x5000] =	vst.idx.add.f32.msk $0xffff, v23  }
0xce: {  	v21 =	vmul.f32 $1.442695020e+00, v21;
	(erf) = vpow2.f32 v19;
	v19 =	vpop (erf);
	[tilespmem:v4+s23+$0x5000] =	vst.idx.add.f32.msk $0xffff, v20  }
0xcf: {  	(erf) = vpow2.f32 v22;
	v17 =	vadd.f32 v19, v40;
	v22 =	vsub.f32 $0.0e+00, v26;
	[tilespmem:v5+s23+$0x5000] =	vst.idx.add.f32.msk $0xffff, v25  }
0xd0: {  	(erf) = vpow2.f32 v21;
	v20 =	vmul.f32 $1.442695020e+00, v27;
	v23 =	vpop (erf);
	v25 =	vld.idx.msk [tilespmem:v6+s23+$0x0], $0xffff  }
0xd1: {  	[tilespmem:v8+s22+$0x5000] =	vst.idx.add.f32.msk $0xffff, v18;
	v21 =	vmul.f32 $1.442695020e+00, v22;
	v22 =	vsub.f32 $0.0e+00, v29;
	(erf) = vrcp.f32 v17;
	v18 =	vpop (erf)  }
0xd2: {  	(erf) = vpow2.f32 v20;
	v20 =	vsub.f32 $0.0e+00, v62;
	v26 =	vld.idx.msk [tilespmem:v2+s23+$0x0], $0xffff;
	v18 =	vmul.f32 $5.000000000e-01, v18  }
0xd3: {  	v17 =	vmul.f32 $1.442695020e+00, v22;
	(erf) = vpow2.f32 v21;
	v22 =	vld.idx.msk [tilespmem:v7+s23+$0x0], $0xffff  }
0xd4: {  	[tilespmem:v9+s22+$0x5000] =	vst.idx.add.f32.msk $0xffff, v13;
	v20 =	vmul.f32 $1.442695020e+00, v20;
	v13 =	vsub.f32 $0.0e+00, v18  }
0xd5: {  	v21 =	vsub.f32 $0.0e+00, v37;
	(erf) = vpow2.f32 v17;
	v25 =	vsub.f32 $0.0e+00, v25  }
0xd6: {  	v27 =	vpop (erf);
	(erf) = vpow2.f32 v20;
	v20 =	vmul.f32 v13, v60  }
0xd7: {  	v41 =	vld.idx.msk [tilespmem:v10+s22+$0x0], $0xffff;
	v17 =	vpop (erf);
	v13 =	vmul.f32 v13, v24;
	v24 =	vmul.f32 $1.442695020e+00, v25  }
0xd8: {  	v29 =	vmul.f32 $1.442695020e+00, v21;
	v42 =	vpop (erf);
	v22 =	vmul.f32 $1.442695020e+00, v22;
	v25 =	vsub.f32 $0.0e+00, v26  }
0xd9: {  	v18 =	vmul.f32 v18, v36;
	v21 =	vpop (erf)  }
0xda: {  	(erf) = vpow2.f32 v29;
	v26 =	vld.idx.msk [tilespmem:v11+s22+$0x0], $0xffff;
	v43 =	vpop (erf);
	v25 =	vmul.f32 $1.442695020e+00, v25  }
0xdb: {  	[tilespmem:v1+s23+$0x5080] =	vst.idx.add.f32.msk $0xffff, v20;
	(erf) = vpow2.f32 v24;
	v24 =	vpop (erf)  }
0xdc: {  	v20 =	vmul.f32 $5.000000000e-01, v43;
	[tilespmem:v4+s23+$0x5080] =	vst.idx.add.f32.msk $0xffff, v18;
	v18 =	vsub.f32 $0.0e+00, v41;
	(erf) = vpow2.f32 v22;
	v22 =	vpop (erf)  }
0xdd: {  	[tilespmem:v5+s23+$0x5080] =	vst.idx.add.f32.msk $0xffff, v13;
	v13 =	vadd.f32 v24, v22  }
0xde: {  	v30 =	vsub.f32 $0.0e+00, v20;
	v29 =	vld.idx.msk [tilespmem:v6+s23+$0x80], $0xffff;
	(erf) = vpow2.f32 v25;
	v18 =	vmul.f32 $1.442695020e+00, v18;
	v25 =	vpop (erf)  }
0xdf: {  	v44 =	vld.idx.msk [tilespmem:v7+s23+$0x80], $0xffff;
	v13 =	vadd.f32 v25, v13  }
0xe0: {  	v45 =	vld.idx.msk [tilespmem:v2+s23+$0x80], $0xffff;
	v31 =	vmul.f32 v30, v63;
	(erf) = vpow2.f32 v18  }
0xe1: {  	v20 =	vmul.f32 v20, v28;
	(erf) = vrcp.f32 v13  }
0xe2: {  	v18 =	vadd.f32 v42, v27;
	[tilespmem:v1+s23+$0x5100] =	vst.idx.add.f32.msk $0xffff, v31;
	v13 =	vmul.f32 v30, v19;
	v19 =	vmul.f32 $1.442695020e+00, v26;
	v26 =	vpop (erf)  }
0xe3: {  	[tilespmem:v4+s23+$0x5100] =	vst.idx.add.f32.msk $0xffff, v20;
	v20 =	vsub.f32 $0.0e+00, v29;
	v29 =	vpop (erf)  }
0xe4: {  	v23 =	vmul.f32 $5.000000000e-01, v23;
	v28 =	vld.idx.msk [tilespmem:v12+s22+$0x0], $0xffff;
	v18 =	vadd.f32 v26, v18;
	(erf) = vpow2.f32 v19;
	v47 =	vpop (erf)  }
0xe5: {  	[tilespmem:v5+s23+$0x5100] =	vst.idx.add.f32.msk $0xffff, v13;
	v13 =	vmul.f32 $1.442695020e+00, v44;
	v19 =	vmul.f32 $1.442695020e+00, v20;
	v20 =	vsub.f32 $0.0e+00, v45;
	v48 =	vpop (erf)  }
0xe6: {  	v46 =	vadd.f32 v21, v17;
	(erf) = vrcp.f32 v18;
	v50 =	vadd.f32 v48, v47  }
0xe7: {  	v18 =	vld.idx.msk [tilespmem:v6+s23+$0x100], $0xffff;
	(erf) = vpow2.f32 v13;
	v13 =	vmul.f32 $1.442695020e+00, v20;
	v38 =	vpop (erf)  }
0xe8: {  	v30 =	vadd.f32 v29, v46;
	v49 =	vld.idx.msk [tilespmem:v7+s23+$0x100], $0xffff;
	(erf) = vpow2.f32 v19;
	v20 =	vadd.f32 v38, v50  }
0xe9: {  	v51 =	vsub.f32 $0.0e+00, v23;
	v52 =	vld.idx.msk [tilespmem:v2+s23+$0x100], $0xffff  }
0xea: {  	v19 =	vsub.f32 $0.0e+00, v28;
	(erf) = vrcp.f32 v30  }
0xeb: {  	v16 =	vmul.f32 v51, v16;
	(erf) = vpow2.f32 v13;
	v13 =	vpop (erf)  }
0xec: {  	v19 =	vmul.f32 $1.442695020e+00, v19;
	(erf) = vrcp.f32 v20;
	v20 =	vpop (erf)  }
0xed: {  	v18 =	vsub.f32 $0.0e+00, v18;
	v28 =	vmul.f32 $1.442695020e+00, v49;
	v20 =	vmul.f32 $5.000000000e-01, v20  }
0xee: {  	v53 =	vsub.f32 $0.0e+00, v52;
	(erf) = vpow2.f32 v19;
	v19 =	vmul.f32 v23, v14;
	v14 =	vpop (erf)  }
0xef: {  	v18 =	vmul.f32 $1.442695020e+00, v18;
	(erf) = vpow2.f32 v28;
	v23 =	vpop (erf);
	v28 =	vsub.f32 $0.0e+00, v20  }
0xf0: {  	v15 =	vmul.f32 v51, v15;
	v30 =	vmul.f32 $1.442695020e+00, v53;
	v54 =	vpop (erf)  }
0xf1: {  	[tilespmem:v10+s22+$0x5180] =	vst.idx.add.f32.msk $0xffff, v16;
	(erf) = vpow2.f32 v18;
	v16 =	vmul.f32 v28, v22;
	v22 =	vpop (erf)  }
0xf2: {  	[tilespmem:v11+s22+$0x5180] =	vst.idx.add.f32.msk $0xffff, v19;
	v18 =	vadd.f32 v54, v22  }
0xf3: {  	(erf) = vpow2.f32 v30;
	[tilespmem:v12+s22+$0x5180] =	vst.idx.add.f32.msk $0xffff, v15  }
0xf4: {  	v15 =	vmul.f32 v20, v24;
	v24 =	vpop (erf);
	[tilespmem:v6+s23+$0x5180] =	vst.idx.add.f32.msk $0xffff, v16;
	v16 =	vmul.f32 v28, v25  }
0xf5: {  	v20 =	vmul.f32 $5.000000000e-01, v23;
	v23 =	vpop (erf)  }
0xf6: {  	[tilespmem:v7+s23+$0x5180] =	vst.idx.add.f32.msk $0xffff, v15;
	v15 =	vadd.f32 v23, v18;
	v18 =	vpop (erf)  }
0xf7: {  	v25 =	vsub.f32 $0.0e+00, v20;
	[tilespmem:v2+s23+$0x5180] =	vst.idx.add.f32.msk $0xffff, v16;
	v28 =	vmul.f32 $5.000000000e-01, v18  }
0xf8: {  	v20 =	vmul.f32 v20, v42;
	v55 =	vld.idx.msk [tilespmem:v3+s23+$0x180], $0xffff;
	v16 =	vpop (erf)  }
0xf9: {  	(erf) = vrcp.f32 v15;
	v15 =	vmul.f32 v25, v27;
	v27 =	vld.idx.msk [tilespmem:v8+s23+$0x180], $0xffff;
	v19 =	vpop (erf);
	v56 =	vsub.f32 $0.0e+00, v28  }
0xfa: {  	v57 =	vadd.f32 v14, v13;
	v24 =	vmul.f32 $5.000000000e-01, v24;
	v58 =	vld.idx.msk [tilespmem:v9+s23+$0x180], $0xffff;
	v18 =	vpop (erf)  }
0xfb: {  	[tilespmem:v3+s22+$0x5080] =	vst.idx.add.f32.msk $0xffff, v15;
	v59 =	vadd.f32 v19, v18;
	v15 =	vmul.f32 v56, v47  }
0xfc: {  	v21 =	vmul.f32 v24, v21;
	v60 =	vadd.f32 v16, v57;
	[tilespmem:v8+s22+$0x5080] =	vst.idx.add.f32.msk $0xffff, v20;
	v20 =	vpop (erf)  }
0xfd: {  	v28 =	vmul.f32 v28, v48;
	[tilespmem:v6+s23+$0x5000] =	vst.idx.add.f32.msk $0xffff, v15;
	v15 =	vadd.f32 v20, v59  }
0xfe: {  	(erf) = vrcp.f32 v60;
	v35 =	vmul.f32 v56, v38  }
0xff: {  	[tilespmem:v7+s23+$0x5000] =	vst.idx.add.f32.msk $0xffff, v28;
	v28 =	vsub.f32 $0.0e+00, v24;
	v24 =	vsub.f32 $0.0e+00, v55;
	(erf) = vrcp.f32 v15  }
0x100: {  	v15 =	vmul.f32 v25, v26;
	v26 =	vmul.f32 $1.442695020e+00, v27  }
0x101: {  	[tilespmem:v2+s23+$0x5000] =	vst.idx.add.f32.msk $0xffff, v35;
	v27 =	vsub.f32 $0.0e+00, v58;
	v24 =	vmul.f32 $1.442695020e+00, v24  }
0x102: {  	v25 =	vld.idx.msk [tilespmem:v3+s23+$0x0], $0xffff;
	v17 =	vmul.f32 v28, v17;
	(erf) = vpow2.f32 v26  }
0x103: {  	v62 =	vpop (erf);
	v61 =	vld.idx.msk [tilespmem:v8+s23+$0x0], $0xffff;
	v26 =	vmul.f32 $1.442695020e+00, v27;
	(erf) = vpow2.f32 v24  }
0x104: {  	v31 =	vmul.f32 $5.000000000e-01, v62;
	[tilespmem:v9+s22+$0x5080] =	vst.idx.add.f32.msk $0xffff, v15;
	v15 =	vmul.f32 v28, v29  }
0x105: {  	v63 =	vld.idx.msk [tilespmem:v9+s23+$0x0], $0xffff;
	(erf) = vpow2.f32 v26  }
0x106: {  	v24 =	vsub.f32 $0.0e+00, v31;
	[tilespmem:v3+s22+$0x5100] =	vst.idx.add.f32.msk $0xffff, v17  }
0x107: {  	[tilespmem:v8+s22+$0x5100] =	vst.idx.add.f32.msk $0xffff, v21;
	v21 =	vmul.f32 v31, v54  }
0x108: {  	v26 =	vmul.f32 v24, v22;
	[tilespmem:v9+s22+$0x5100] =	vst.idx.add.f32.msk $0xffff, v15;
	v17 =	vmul.f32 v24, v23;
	v25 =	vsub.f32 $0.0e+00, v25;
	v15 =	vpop (erf)  }
0x109: {  	s21 =	sshll.u32 s19, $0x6;
	s24 =	simm.s32 $0x4;
	v22 =	vld.idx.msk [tilespmem:v10+s22+$0x80], $0xffff;
	v23 =	vmul.f32 $1.442695020e+00, v61;
	v15 =	vmul.f32 $5.000000000e-01, v15  }
0x10a: {  	s25 =	simm.s32 $0x1000;
	s21 =	sor.u32 s4, s21;
	s20 =	sshll.u32 s19, $0x1;
	[tilespmem:v6+s23+$0x5080] =	vst.idx.add.f32.msk $0xffff, v26;
	v24 =	vmul.f32 $1.442695020e+00, v25;
	v25 =	vsub.f32 $0.0e+00, v63;
	v27 =	vpop (erf)  }
.LBB2_3:
0x10b: {  	s26 =	sshra.s32 s25, $0x2;
	[tilespmem:v7+s23+$0x5080] =	vst.idx.add.f32.msk $0xffff, v21;
	v21 =	vmul.f32 $5.000000000e-01, v27;
	(erf) = vpow2.f32 v23;
	v23 =	vpop (erf);
	v26 =	vsub.f32 $0.0e+00, v15  }
0x10c: {  	[tilespmem:s26+$0x5180] =	vst v0;
	v25 =	vmul.f32 $1.442695020e+00, v25;
	(erf) = vpow2.f32 v24;
	v24 =	vpop (erf);
	v27 =	vld.idx.msk [tilespmem:v10+s22+$0x100], $0xffff  }
0x10d: {  	[tilespmem:s26+$0x5190] =	vst v0;
	v28 =	vsub.f32 $0.0e+00, v21;
	v19 =	vmul.f32 v21, v19;
	v29 =	vadd.f32 v23, v24;
	v30 =	vld.idx.msk [tilespmem:v11+s22+$0x80], $0xffff  }
0x10e: {  	v13 =	vmul.f32 v26, v13;
	[tilespmem:s26+$0x51A0] =	vst v0;
	(erf) = vpow2.f32 v25;
	v31 =	vpop (erf);
	v25 =	vld.idx.msk [tilespmem:v12+s22+$0x80], $0xffff  }
0x10f: {  	[tilespmem:s26+$0x51B0] =	vst v0;
	v21 =	vmul.f32 v28, v18;
	v18 =	vmul.f32 v28, v20;
	v20 =	vadd.f32 v31, v29  }
0x110: {  	v15 =	vmul.f32 v15, v14;
	v14 =	vmul.f32 v26, v16;
	v16 =	vsub.f32 $0.0e+00, v22;
	[tilespmem:s26+$0x51C0] =	vst v0;
	v22 =	vld.idx.msk [tilespmem:v11+s22+$0x100], $0xffff  }
0x111: {  	[tilespmem:s26+$0x51D0] =	vst v0;
	(erf) = vrcp.f32 v20;
	v20 =	vld.idx.msk [tilespmem:v12+s22+$0x100], $0xffff  }
0x112: {  	v16 =	vmul.f32 $1.442695020e+00, v16;
	v26 =	vsub.f32 $0.0e+00, v27;
	[tilespmem:s26+$0x51E0] =	vst v0  }
0x113: {  	v27 =	vmul.f32 $1.442695020e+00, v30;
	[tilespmem:s26+$0x51F0] =	vst v0  }
0x114: {  	v25 =	vsub.f32 $0.0e+00, v25;
	v26 =	vmul.f32 $1.442695020e+00, v26;
	[tilespmem:s26+$0x5000] =	vst v0;
	v28 =	vld.idx.msk [tilespmem:v1+s26+$0x180], $0xffff;
	v29 =	vpop (erf);
	(erf) = vpow2.f32 v16  }
0x115: {  	[tilespmem:s26+$0x5010] =	vst v0;
	v16 =	vld.idx.msk [tilespmem:v4+s26+$0x180], $0xffff;
	v30 =	vpop (erf);
	(erf) = vpow2.f32 v27  }
0x116: {  	v22 =	vmul.f32 $1.442695020e+00, v22;
	[tilespmem:s26+$0x5020] =	vst v0;
	v27 =	vld.idx.msk [tilespmem:v5+s26+$0x180], $0xffff;
	v32 =	vadd.f32 v29, v30;
	(erf) = vpow2.f32 v26  }
0x117: {  	v34 =	vmul.f32 $1.442695020e+00, v25;
	v20 =	vsub.f32 $0.0e+00, v20;
	[tilespmem:s26+$0x5030] =	vst v0;
	v33 =	vpop (erf)  }
0x118: {  	[tilespmem:s26+$0x5040] =	vst v0;
	v26 =	vadd.f32 v33, v32;
	(erf) = vpow2.f32 v22  }
0x119: {  	v20 =	vmul.f32 $1.442695020e+00, v20;
	[tilespmem:s26+$0x5050] =	vst v0;
	(erf) = vpow2.f32 v34  }
0x11a: {  	s24 =	sadd.s32 $0x4, s24;
	v22 =	vsub.f32 $0.0e+00, v28;
	[tilespmem:s26+$0x5060] =	vst v0;
	(erf) = vrcp.f32 v26;
	v25 =	vpop (erf)  }
0x11b: {  	p2 =	slt.u32 s24, $0x4C;
	v16 =	vmul.f32 $1.442695020e+00, v16;
	[tilespmem:s26+$0x5070] =	vst v0;
	v26 =	vmul.f32 $5.000000000e-01, v25  }
0x11c: {  	v22 =	vmul.f32 $1.442695020e+00, v22;
	v27 =	vsub.f32 $0.0e+00, v27;
	v28 =	vld.idx.msk [tilespmem:v1+s26+$0x0], $0xffff;
	[tilespmem:s26+$0x5080] =	vst v0;
	(erf) = vpow2.f32 v20  }
0x11d: {  	v32 =	vld.idx.msk [tilespmem:v4+s26+$0x0], $0xffff;
	[tilespmem:s26+$0x5090] =	vst v0;
	(erf) = vpow2.f32 v16;
	v16 =	vsub.f32 $0.0e+00, v26;
	v25 =	vpop (erf)  }
0x11e: {  	v36 =	vmul.f32 $1.442695020e+00, v27;
	v34 =	vld.idx.msk [tilespmem:v5+s26+$0x0], $0xffff;
	[tilespmem:s26+$0x50A0] =	vst v0;
	(erf) = vpow2.f32 v22;
	v35 =	vpop (erf)  }
0x11f: {  	[tilespmem:s26+$0x50B0] =	vst v0;
	v22 =	vmul.f32 v16, v24;
	v24 =	vadd.f32 v35, v25;
	v20 =	vpop (erf)  }
0x120: {  	v23 =	vmul.f32 v26, v23;
	[tilespmem:s26+$0x50C0] =	vst v0;
	(erf) = vpow2.f32 v36  }
0x121: {  	v31 =	vmul.f32 v16, v31;
	[tilespmem:v3+s23+$0x5180] =	vst.idx.add.f32.msk $0xffff, v22;
	v27 =	vpop (erf)  }
0x122: {  	v37 =	vsub.f32 $0.0e+00, v28;
	[tilespmem:v8+s23+$0x5180] =	vst.idx.add.f32.msk $0xffff, v23;
	v23 =	vadd.f32 v27, v20;
	v28 =	vpop (erf)  }
0x123: {  	v26 =	vmul.f32 $1.442695020e+00, v32;
	[tilespmem:v9+s23+$0x5180] =	vst.idx.add.f32.msk $0xffff, v31;
	v16 =	vpop (erf);
	v31 =	vadd.f32 v28, v24  }
0x124: {  	v24 =	vmul.f32 $1.442695020e+00, v37;
	v37 =	vsub.f32 $0.0e+00, v34;
	[tilespmem:s26+$0x50D0] =	vst v0;
	v16 =	vmul.f32 $5.000000000e-01, v16;
	v34 =	vld.idx.msk [tilespmem:v10+s23+$0x180], $0xffff  }
0x125: {  	[tilespmem:s26+$0x50E0] =	vst v0;
	(erf) = vpow2.f32 v26;
	v36 =	vld.idx.msk [tilespmem:v11+s23+$0x180], $0xffff;
	v22 =	vpop (erf)  }
0x126: {  	v26 =	vmul.f32 $1.442695020e+00, v37;
	[tilespmem:s26+$0x50F0] =	vst v0;
	(erf) = vpow2.f32 v24;
	v32 =	vpop (erf);
	v37 =	vsub.f32 $0.0e+00, v16;
	v38 =	vld.idx.msk [tilespmem:v12+s23+$0x180], $0xffff  }
0x127: {  	v24 =	vmul.f32 v16, v29;
	v16 =	vadd.f32 v22, v23;
	v39 =	vld.idx.msk [tilespmem:v1+s26+$0x80], $0xffff;
	[tilespmem:s26+$0x5100] =	vst v0;
	v40 =	vpop (erf);
	(erf) = vrcp.f32 v31  }
0x128: {  	v29 =	vld.idx.msk [tilespmem:v4+s26+$0x80], $0xffff;
	[tilespmem:s26+$0x5110] =	vst v0;
	v31 =	vadd.f32 v32, v40;
	(erf) = vpow2.f32 v26;
	v26 =	vmul.f32 v37, v30  }
0x129: {  	v23 =	vmul.f32 v37, v33;
	v30 =	vld.idx.msk [tilespmem:v5+s26+$0x80], $0xffff;
	[tilespmem:s26+$0x5120] =	vst v0;
	v41 =	vpop (erf);
	(erf) = vrcp.f32 v16  }
0x12a: {  	[tilespmem:s26+$0x5130] =	vst v0;
	v16 =	vadd.f32 v41, v31;
	v31 =	vsub.f32 $0.0e+00, v34  }
0x12b: {  	v36 =	vmul.f32 $1.442695020e+00, v36;
	[tilespmem:s26+$0x5140] =	vst v0  }
0x12c: {  	[tilespmem:s26+$0x5150] =	vst v0;
	(erf) = vrcp.f32 v16;
	v16 =	vmul.f32 $1.442695020e+00, v31;
	v31 =	vsub.f32 $0.0e+00, v38  }
0x12d: {  	v34 =	vsub.f32 $0.0e+00, v39;
	[tilespmem:s26+$0x5160] =	vst v0;
	(erf) = vpow2.f32 v36  }
0x12e: {  	[tilespmem:s26+$0x5170] =	vst v0;
	v33 =	vpop (erf);
	v39 =	vmul.f32 $1.442695020e+00, v31;
	(erf) = vpow2.f32 v16  }
0x12f: {  	v43 =	vmul.f32 $1.442695020e+00, v29;
	v16 =	vmul.f32 $1.442695020e+00, v34;
	v30 =	vsub.f32 $0.0e+00, v30;
	v34 =	vld.idx.msk [tilespmem:v1+s26+$0x100], $0xffff;
	v36 =	vpop (erf)  }
0x130: {  	v37 =	vadd.f32 v33, v36;
	v38 =	vld.idx.msk [tilespmem:v4+s26+$0x100], $0xffff;
	(erf) = vpow2.f32 v39;
	v31 =	vpop (erf)  }
0x131: {  	v30 =	vmul.f32 $1.442695020e+00, v30;
	v39 =	vld.idx.msk [tilespmem:v5+s26+$0x100], $0xffff;
	v42 =	vpop (erf);
	(erf) = vpow2.f32 v16  }
0x132: {  	v16 =	vadd.f32 v42, v37;
	(erf) = vpow2.f32 v43;
	[tilespmem:v2+s23+$0x5080] =	vst.idx.add.f32.msk $0xffff, v17;
	v17 =	vmul.f32 $5.000000000e-01, v31;
	v29 =	vpop (erf)  }
0x133: {  	(erf) = vpow2.f32 v30;
	[tilespmem:v6+s23+$0x5100] =	vst.idx.add.f32.msk $0xffff, v21;
	v21 =	vmul.f32 $5.000000000e-01, v29  }
0x134: {  	(erf) = vrcp.f32 v16;
	[tilespmem:v7+s23+$0x5100] =	vst.idx.add.f32.msk $0xffff, v19;
	v19 =	vsub.f32 $0.0e+00, v17;
	v17 =	vmul.f32 v17, v35  }
0x135: {  	v29 =	vsub.f32 $0.0e+00, v34;
	v30 =	vpop (erf);
	[tilespmem:v2+s23+$0x5100] =	vst.idx.add.f32.msk $0xffff, v18;
	v31 =	vsub.f32 $0.0e+00, v21;
	v16 =	vmul.f32 v21, v27  }
0x136: {  	v21 =	vmul.f32 $1.442695020e+00, v38;
	v27 =	vmul.f32 $5.000000000e-01, v30;
	v30 =	vld.idx.msk [tilespmem:v3+s23+$0x80], $0xffff;
	v34 =	vpop (erf)  }
0x137: {  	v29 =	vmul.f32 $1.442695020e+00, v29;
	v35 =	vsub.f32 $0.0e+00, v39;
	v18 =	vmul.f32 v19, v25;
	v37 =	vld.idx.msk [tilespmem:v3+s23+$0x100], $0xffff;
	v38 =	vpop (erf)  }
0x138: {  	v25 =	vsub.f32 $0.0e+00, v27;
	(erf) = vpow2.f32 v21;
	v21 =	vld.idx.msk [tilespmem:v8+s23+$0x80], $0xffff;
	v39 =	vadd.f32 v34, v38  }
0x139: {  	v35 =	vmul.f32 $1.442695020e+00, v35;
	(erf) = vpow2.f32 v29;
	v29 =	vld.idx.msk [tilespmem:v9+s23+$0x80], $0xffff;
	v43 =	vpop (erf)  }
0x13a: {  	v19 =	vmul.f32 v19, v28;
	v46 =	vmul.f32 v25, v40;
	v44 =	vpop (erf);
	v45 =	vld.idx.msk [tilespmem:v8+s23+$0x100], $0xffff;
	v39 =	vadd.f32 v43, v39  }
0x13b: {  	v47 =	vmul.f32 v27, v32;
	v28 =	vpop (erf);
	(erf) = vpow2.f32 v35;
	v32 =	vld.idx.msk [tilespmem:v9+s23+$0x100], $0xffff  }
0x13c: {  	v25 =	vmul.f32 v25, v41;
	v35 =	vadd.f32 v28, v44;
	[tilespmem:v1+s26+$0x5180] =	vst.idx.add.f32.msk $0xffff, v46;
	v40 =	vpop (erf);
	(erf) = vrcp.f32 v39  }
0x13d: {  	v20 =	vmul.f32 v31, v20;
	v30 =	vsub.f32 $0.0e+00, v30;
	v37 =	vsub.f32 $0.0e+00, v37;
	[tilespmem:v4+s26+$0x5180] =	vst.idx.add.f32.msk $0xffff, v47;
	v27 =	vpop (erf)  }
0x13e: {  	v21 =	vmul.f32 $1.442695020e+00, v21;
	v27 =	vmul.f32 $5.000000000e-01, v27;
	v35 =	vadd.f32 v40, v35;
	[tilespmem:v5+s26+$0x5180] =	vst.idx.add.f32.msk $0xffff, v25  }
0x13f: {  	v30 =	vmul.f32 $1.442695020e+00, v30;
	v29 =	vsub.f32 $0.0e+00, v29;
	v37 =	vmul.f32 $1.442695020e+00, v37;
	v25 =	vld.idx.msk [tilespmem:v6+s26+$0x180], $0xffff  }
0x140: {  	v46 =	vsub.f32 $0.0e+00, v27;
	v27 =	vmul.f32 v27, v33;
	v33 =	vld.idx.msk [tilespmem:v7+s26+$0x180], $0xffff;
	(erf) = vrcp.f32 v35  }
0x141: {  	v45 =	vmul.f32 $1.442695020e+00, v45;
	v32 =	vsub.f32 $0.0e+00, v32;
	v35 =	vld.idx.msk [tilespmem:v2+s26+$0x180], $0xffff;
	v41 =	vpop (erf);
	(erf) = vpow2.f32 v30  }
0x142: {  	v47 =	vmul.f32 v46, v36;
	v36 =	vmul.f32 v46, v42;
	v39 =	vpop (erf);
	[tilespmem:v3+s23+$0x5000] =	vst.idx.add.f32.msk $0xffff, v26  }
0x143: {  	v29 =	vmul.f32 $1.442695020e+00, v29;
	v26 =	vadd.f32 v41, v39;
	[tilespmem:v8+s23+$0x5000] =	vst.idx.add.f32.msk $0xffff, v24;
	(erf) = vpow2.f32 v37  }
0x144: {  	v32 =	vmul.f32 $1.442695020e+00, v32;
	[tilespmem:v1+s26+$0x5000] =	vst.idx.add.f32.msk $0xffff, v47;
	v30 =	vpop (erf);
	(erf) = vpow2.f32 v21  }
0x145: {  	v24 =	vsub.f32 $0.0e+00, v25;
	[tilespmem:v4+s26+$0x5000] =	vst.idx.add.f32.msk $0xffff, v27;
	v21 =	vadd.f32 v30, v26;
	(erf) = vpow2.f32 v45;
	v25 =	vpop (erf)  }
0x146: {  	v26 =	vmul.f32 $1.442695020e+00, v33;
	[tilespmem:v5+s26+$0x5000] =	vst.idx.add.f32.msk $0xffff, v36;
	v25 =	vmul.f32 $5.000000000e-01, v25  }
0x147: {  	v33 =	vmul.f32 $1.442695020e+00, v24;
	v35 =	vsub.f32 $0.0e+00, v35;
	v27 =	vld.idx.msk [tilespmem:v6+s26+$0x0], $0xffff;
	(erf) = vrcp.f32 v21  }
0x148: {  	v24 =	vmul.f32 v31, v22;
	v36 =	vld.idx.msk [tilespmem:v7+s26+$0x0], $0xffff;
	(erf) = vpow2.f32 v26;
	v21 =	vsub.f32 $0.0e+00, v25  }
0x149: {  	v31 =	vmul.f32 $1.442695020e+00, v35;
	v26 =	vld.idx.msk [tilespmem:v2+s26+$0x0], $0xffff;
	v22 =	vpop (erf);
	(erf) = vpow2.f32 v33  }
0x14a: {  	v33 =	vmul.f32 $5.000000000e-01, v22;
	[tilespmem:v9+s23+$0x5000] =	vst.idx.add.f32.msk $0xffff, v23;
	v23 =	vmul.f32 v21, v38;
	v22 =	vpop (erf)  }
0x14b: {  	v35 =	vmul.f32 v25, v34;
	(erf) = vpow2.f32 v31;
	v31 =	vld.idx.msk [tilespmem:v10+s23+$0x0], $0xffff  }
0x14c: {  	v37 =	vmul.f32 v21, v43;
	v34 =	vsub.f32 $0.0e+00, v33;
	v28 =	vmul.f32 v33, v28;
	[tilespmem:v10+s23+$0x5180] =	vst.idx.add.f32.msk $0xffff, v23;
	v21 =	vpop (erf)  }
0x14d: {  	v27 =	vsub.f32 $0.0e+00, v27;
	[tilespmem:v11+s23+$0x5180] =	vst.idx.add.f32.msk $0xffff, v35;
	v25 =	vpop (erf);
	(erf) = vpow2.f32 v29  }
0x14e: {  	v38 =	vmul.f32 v34, v44;
	v33 =	vmul.f32 v34, v40;
	[tilespmem:v12+s23+$0x5180] =	vst.idx.add.f32.msk $0xffff, v37;
	v23 =	vpop (erf)  }
0x14f: {  	v40 =	vmul.f32 $1.442695020e+00, v27;
	v34 =	vmul.f32 $1.442695020e+00, v36;
	v26 =	vsub.f32 $0.0e+00, v26;
	v35 =	vld.idx.msk [tilespmem:v11+s23+$0x0], $0xffff  }
0x150: {  	v36 =	vadd.f32 v25, v22;
	v37 =	vadd.f32 v23, v21;
	[tilespmem:v1+s26+$0x5080] =	vst.idx.add.f32.msk $0xffff, v38;
	v29 =	vpop (erf);
	(erf) = vpow2.f32 v32  }
0x151: {  	[tilespmem:v4+s26+$0x5080] =	vst.idx.add.f32.msk $0xffff, v28;
	v28 =	vmul.f32 $5.000000000e-01, v29;
	(erf) = vpow2.f32 v40;
	v27 =	vpop (erf);
	v29 =	vsub.f32 $0.0e+00, v31  }
0x152: {  	v40 =	vmul.f32 $1.442695020e+00, v26;
	[tilespmem:v5+s26+$0x5080] =	vst.idx.add.f32.msk $0xffff, v33;
	(erf) = vpow2.f32 v34;
	v31 =	vpop (erf)  }
0x153: {  	v32 =	vld.idx.msk [tilespmem:v6+s26+$0x80], $0xffff;
	v33 =	vsub.f32 $0.0e+00, v28;
	v28 =	vmul.f32 v28, v41;
	v34 =	vadd.f32 v27, v31  }
0x154: {  	v41 =	vmul.f32 $1.442695020e+00, v29;
	v38 =	vld.idx.msk [tilespmem:v7+s26+$0x80], $0xffff;
	(erf) = vpow2.f32 v40;
	v26 =	vpop (erf)  }
0x155: {  	v40 =	vld.idx.msk [tilespmem:v2+s26+$0x80], $0xffff;
	v39 =	vmul.f32 v33, v39;
	v30 =	vmul.f32 v33, v30;
	v33 =	vadd.f32 v26, v34  }
0x156: {  	v34 =	vmul.f32 $1.442695020e+00, v35;
	v35 =	vld.idx.msk [tilespmem:v12+s23+$0x0], $0xffff;
	(erf) = vpow2.f32 v41;
	v29 =	vpop (erf)  }
0x157: {  	[tilespmem:v1+s26+$0x5100] =	vst.idx.add.f32.msk $0xffff, v39;
	(erf) = vrcp.f32 v33;
	v33 =	vadd.f32 v29, v36  }
0x158: {  	[tilespmem:v4+s26+$0x5100] =	vst.idx.add.f32.msk $0xffff, v28;
	(erf) = vpow2.f32 v34  }
0x159: {  	v28 =	vsub.f32 $0.0e+00, v32;
	[tilespmem:v5+s26+$0x5100] =	vst.idx.add.f32.msk $0xffff, v30;
	(erf) = vrcp.f32 v33;
	v30 =	vpop (erf)  }
0x15a: {  	v32 =	vmul.f32 $1.442695020e+00, v38;
	v33 =	vld.idx.msk [tilespmem:v6+s26+$0x100], $0xffff;
	v34 =	vpop (erf);
	v36 =	vadd.f32 v30, v37  }
0x15b: {  	v28 =	vmul.f32 $1.442695020e+00, v28;
	v42 =	vsub.f32 $0.0e+00, v40;
	v38 =	vld.idx.msk [tilespmem:v7+s26+$0x100], $0xffff;
	v39 =	vpop (erf)  }
0x15c: {  	v40 =	vadd.f32 v39, v34;
	v41 =	vld.idx.msk [tilespmem:v2+s26+$0x100], $0xffff;
	(erf) = vpow2.f32 v32;
	v32 =	vsub.f32 $0.0e+00, v35  }
0x15d: {  	v35 =	vmul.f32 $1.442695020e+00, v42;
	v37 =	vpop (erf);
	(erf) = vpow2.f32 v28;
	[tilespmem:v10+s22+$0x5000] =	vst.idx.add.f32.msk $0xffff, v13  }
0x15e: {  	v28 =	vadd.f32 v37, v40;
	v32 =	vmul.f32 $1.442695020e+00, v32;
	(erf) = vrcp.f32 v36;
	[tilespmem:v11+s22+$0x5000] =	vst.idx.add.f32.msk $0xffff, v15  }
0x15f: {  	(erf) = vpow2.f32 v35;
	v13 =	vpop (erf);
	[tilespmem:v12+s22+$0x5000] =	vst.idx.add.f32.msk $0xffff, v14  }
0x160: {  	v15 =	vsub.f32 $0.0e+00, v33;
	(erf) = vrcp.f32 v28;
	v14 =	vpop (erf);
	[tilespmem:v10+s22+$0x5080] =	vst.idx.add.f32.msk $0xffff, v18  }
0x161: {  	v18 =	vmul.f32 $1.442695020e+00, v38;
	v28 =	vmul.f32 $5.000000000e-01, v14;
	v14 =	vpop (erf);
	[tilespmem:v11+s22+$0x5080] =	vst.idx.add.f32.msk $0xffff, v17  }
0x162: {  	v15 =	vmul.f32 $1.442695020e+00, v15;
	v17 =	vsub.f32 $0.0e+00, v41;
	(erf) = vpow2.f32 v32;
	v32 =	vpop (erf);
	[tilespmem:v12+s22+$0x5080] =	vst.idx.add.f32.msk $0xffff, v19  }
0x163: {  	v19 =	vsub.f32 $0.0e+00, v28;
	(erf) = vpow2.f32 v18;
	v18 =	vmul.f32 $5.000000000e-01, v32;
	[tilespmem:v10+s22+$0x5100] =	vst.idx.add.f32.msk $0xffff, v20  }
0x164: {  	v17 =	vmul.f32 $1.442695020e+00, v17;
	(erf) = vpow2.f32 v15;
	v15 =	vadd.f32 v14, v13;
	[tilespmem:v11+s22+$0x5100] =	vst.idx.add.f32.msk $0xffff, v16  }
0x165: {  	v16 =	vmul.f32 v19, v31;
	v31 =	vpop (erf);
	v20 =	vsub.f32 $0.0e+00, v18;
	v25 =	vmul.f32 v18, v25;
	[tilespmem:v12+s22+$0x5100] =	vst.idx.add.f32.msk $0xffff, v24;
	s22 =	smov.u32 s23;
	s23 =	smov.u32 s26  }
0x166: {  	v18 =	vmul.f32 v28, v27;
	v24 =	vpop (erf);
	(erf) = vpow2.f32 v17  }
0x167: {  	v27 =	vmul.f32 v19, v26;
	v17 =	vadd.f32 v31, v24;
	[tilespmem:v6+s23+$0x5180] =	vst.idx.add.f32.msk $0xffff, v16;
	v19 =	vpop (erf)  }
0x168: {  	v22 =	vmul.f32 v20, v22;
	[tilespmem:v7+s23+$0x5180] =	vst.idx.add.f32.msk $0xffff, v18;
	v26 =	vpop (erf);
	v18 =	vmul.f32 $5.000000000e-01, v19  }
0x169: {  	v17 =	vadd.f32 v26, v17;
	[tilespmem:v2+s23+$0x5180] =	vst.idx.add.f32.msk $0xffff, v27;
	v16 =	vpop (erf);
	v27 =	vmul.f32 v20, v29  }
0x16a: {  	v35 =	vmul.f32 $5.000000000e-01, v16;
	v28 =	vld.idx.msk [tilespmem:v3+s23+$0x180], $0xffff;
	v20 =	vsub.f32 $0.0e+00, v18;
	v23 =	vmul.f32 v18, v23  }
0x16b: {  	v29 =	vld.idx.msk [tilespmem:v8+s23+$0x180], $0xffff;
	(erf) = vrcp.f32 v17;
	v16 =	vpop (erf)  }
0x16c: {  	v17 =	vsub.f32 $0.0e+00, v35;
	v32 =	vmul.f32 v35, v39;
	v33 =	vld.idx.msk [tilespmem:v9+s23+$0x180], $0xffff;
	v19 =	vpop (erf);
	v35 =	vmul.f32 v20, v21  }
0x16d: {  	v15 =	vadd.f32 v16, v15;
	v18 =	vpop (erf);
	[tilespmem:v3+s22+$0x5080] =	vst.idx.add.f32.msk $0xffff, v22;
	v22 =	vmul.f32 v20, v30  }
0x16e: {  	v21 =	vmul.f32 v17, v34;
	v17 =	vmul.f32 v17, v37;
	v30 =	vadd.f32 v19, v18  }
0x16f: {  	v20 =	vpop (erf);
	[tilespmem:v8+s22+$0x5080] =	vst.idx.add.f32.msk $0xffff, v25;
	(erf) = vrcp.f32 v15  }
0x170: {  	[tilespmem:v6+s23+$0x5000] =	vst.idx.add.f32.msk $0xffff, v21;
	v15 =	vadd.f32 v20, v30;
	v21 =	vsub.f32 $0.0e+00, v28  }
0x171: {  	v25 =	vmul.f32 $1.442695020e+00, v29;
	[tilespmem:v7+s23+$0x5000] =	vst.idx.add.f32.msk $0xffff, v32  }
0x172: {  	[tilespmem:v2+s23+$0x5000] =	vst.idx.add.f32.msk $0xffff, v17;
	v17 =	vmul.f32 $1.442695020e+00, v21;
	v21 =	vsub.f32 $0.0e+00, v33;
	(erf) = vrcp.f32 v15  }
0x173: {  	v15 =	vld.idx.msk [tilespmem:v3+s23+$0x0], $0xffff;
	(erf) = vpow2.f32 v25  }
0x174: {  	v25 =	vld.idx.msk [tilespmem:v8+s23+$0x0], $0xffff;
	v21 =	vmul.f32 $1.442695020e+00, v21;
	v28 =	vpop (erf);
	(erf) = vpow2.f32 v17  }
0x175: {  	v29 =	vld.idx.msk [tilespmem:v9+s23+$0x0], $0xffff;
	v17 =	vmul.f32 $5.000000000e-01, v28  }
0x176: {  	(erf) = vpow2.f32 v21;
	[tilespmem:v9+s22+$0x5080] =	vst.idx.add.f32.msk $0xffff, v27  }
.Ltmp2:
0x177: {  	v27 =	vsub.f32 $0.0e+00, v17;
	v21 =	vmul.f32 v17, v31;
	[tilespmem:v3+s22+$0x5100] =	vst.idx.add.f32.msk $0xffff, v35;
	(pc) =	sbr.rel @p2 .LBB2_3-.Ltmp2, $4  }
0x178: {  	[tilespmem:v8+s22+$0x5100] =	vst.idx.add.f32.msk $0xffff, v23;
	v28 =	vpop (erf)  }
0x179: {  	v30 =	vsub.f32 $0.0e+00, v15;
	v31 =	vmul.f32 v27, v24;
	v17 =	vmul.f32 v27, v26;
	[tilespmem:v9+s22+$0x5100] =	vst.idx.add.f32.msk $0xffff, v22  }
0x17a: {  	v23 =	vmul.f32 $1.442695020e+00, v25;
	v15 =	vmul.f32 $5.000000000e-01, v28;
	v22 =	vld.idx.msk [tilespmem:v10+s22+$0x80], $0xffff  }
0x17b: {  	s25 =	sadd.s32 $0x800, s25;
	v24 =	vmul.f32 $1.442695020e+00, v30;
	v25 =	vsub.f32 $0.0e+00, v29;
	[tilespmem:v6+s23+$0x5080] =	vst.idx.add.f32.msk $0xffff, v31;
	v27 =	vpop (erf)  }
0x17c: {  	_ = 	snop  }
0x17d: {  	v26 =	vpop (erf)  }
0x17e: {  	v28 =	vpop (erf)  }
0x17f: {  	v29 =	vadd.f32 v26, v28  }
0x180: {  	v30 =	vld.idx.msk [tilespmem:v11+s22+$0x80], $0xffff;
	(erf) = vpow2.f32 v23;
	v23 =	vmul.f32 $1.442695020e+00, v25;
	v25 =	vpop (erf)  }
0x181: {  	(erf) = vpow2.f32 v24;
	v24 =	vld.idx.msk [tilespmem:v10+s22+$0x100], $0xffff;
	v29 =	vadd.f32 v25, v29  }
0x182: {  	(erf) = vpow2.f32 v23  }
0x183: {  	(erf) = vrcp.f32 v29  }
0x184: {  	v22 =	vsub.f32 $0.0e+00, v22  }
0x185: {  	v23 =	vld.idx.msk [tilespmem:v12+s22+$0x80], $0xffff  }
0x186: {  	v22 =	vmul.f32 $1.442695020e+00, v22;
	v30 =	vmul.f32 $1.442695020e+00, v30;
	v29 =	vld.idx.msk [tilespmem:v11+s22+$0x100], $0xffff;
	v24 =	vsub.f32 $0.0e+00, v24  }
0x187: {  	v31 =	vld.idx.msk [tilespmem:v12+s22+$0x100], $0xffff  }
0x188: {  	(erf) = vpow2.f32 v22;
	v24 =	vmul.f32 $1.442695020e+00, v24  }
0x189: {  	(erf) = vpow2.f32 v30;
	v32 =	vpop (erf)  }
0x18a: {  	[tilespmem:v7+s23+$0x5080] =	vst.idx.add.f32.msk $0xffff, v21;
	v21 =	vsub.f32 $0.0e+00, v23;
	v30 =	vpop (erf);
	(erf) = vpow2.f32 v24  }
0x18b: {  	v23 =	vmul.f32 $1.442695020e+00, v29;
	v33 =	vpop (erf);
	v22 =	vadd.f32 v32, v30  }
0x18c: {  	v21 =	vmul.f32 $1.442695020e+00, v21;
	v29 =	vsub.f32 $0.0e+00, v31;
	v24 =	vpop (erf)  }
0x18d: {  	(erf) = vpow2.f32 v23;
	v22 =	vadd.f32 v33, v22;
	v24 =	vmul.f32 $5.000000000e-01, v24  }
0x18e: {  	v23 =	vmul.f32 $1.442695020e+00, v29;
	(erf) = vpow2.f32 v21  }
0x18f: {  	(erf) = vrcp.f32 v22;
	v21 =	vsub.f32 $0.0e+00, v24  }
0x190: {  	(erf) = vpow2.f32 v23  }
0x191: {  	v24 =	vmul.f32 v24, v26;
	v22 =	vmul.f32 v21, v28  }
0x192: {  	v21 =	vmul.f32 v21, v25  }
0x193: {  	[tilespmem:v3+s23+$0x5180] =	vst.idx.add.f32.msk $0xffff, v22  }
0x194: {  	v23 =	vpop (erf);
	[tilespmem:v8+s23+$0x5180] =	vst.idx.add.f32.msk $0xffff, v24  }
0x195: {  	v24 =	vpop (erf);
	[tilespmem:v9+s23+$0x5180] =	vst.idx.add.f32.msk $0xffff, v21  }
0x196: {  	v21 =	vpop (erf);
	v25 =	vadd.f32 v24, v23;
	v28 =	vld.idx.msk [tilespmem:v10+s23+$0x180], $0xffff  }
0x197: {  	v22 =	vpop (erf);
	v29 =	vld.idx.msk [tilespmem:v11+s23+$0x180], $0xffff  }
0x198: {  	v31 =	vld.idx.msk [tilespmem:v12+s23+$0x180], $0xffff;
	v26 =	vpop (erf)  }
0x199: {  	v34 =	vadd.f32 v22, v21;
	v35 =	vpop (erf)  }
0x19a: {  	v27 =	vmul.f32 $5.000000000e-01, v27;
	v36 =	vadd.f32 v26, v25;
	v25 =	vpop (erf)  }
0x19b: {  	v34 =	vadd.f32 v25, v34;
	v28 =	vsub.f32 $0.0e+00, v28  }
0x19c: {  	v54 =	vsub.f32 $0.0e+00, v27;
	(erf) = vrcp.f32 v36;
	v29 =	vmul.f32 $1.442695020e+00, v29  }
0x19d: {  	v31 =	vsub.f32 $0.0e+00, v31;
	(erf) = vrcp.f32 v34;
	v28 =	vmul.f32 $1.442695020e+00, v28  }
0x19e: {  	v18 =	vmul.f32 v54, v18;
	(erf) = vpow2.f32 v29  }
0x19f: {  	v29 =	vmul.f32 $1.442695020e+00, v31;
	(erf) = vpow2.f32 v28  }
0x1a0: {  	v19 =	vmul.f32 v27, v19;
	[tilespmem:v2+s23+$0x5080] =	vst.idx.add.f32.msk $0xffff, v17  }
0x1a1: {  	[tilespmem:v6+s23+$0x5100] =	vst.idx.add.f32.msk $0xffff, v18;
	(erf) = vpow2.f32 v29  }
0x1a2: {  	v17 =	vmul.f32 v54, v20;
	[tilespmem:v7+s23+$0x5100] =	vst.idx.add.f32.msk $0xffff, v19  }
0x1a3: {  	v19 =	vld.idx.msk [tilespmem:v3+s23+$0x80], $0xffff  }
0x1a4: {  	[tilespmem:v2+s23+$0x5100] =	vst.idx.add.f32.msk $0xffff, v17  }
0x1a5: {  	v20 =	vld.idx.msk [tilespmem:v3+s23+$0x100], $0xffff;
	v18 =	vpop (erf)  }
0x1a6: {  	v17 =	vpop (erf)  }
0x1a7: {  	v28 =	vpop (erf)  }
0x1a8: {  	v57 =	vld.idx.msk [tilespmem:v9+s23+$0x80], $0xffff;
	v27 =	vmul.f32 $5.000000000e-01, v35;
	v29 =	vpop (erf)  }
0x1a9: {  	v19 =	vsub.f32 $0.0e+00, v19;
	v31 =	vld.idx.msk [tilespmem:v8+s23+$0x80], $0xffff;
	v56 =	vadd.f32 v28, v29  }
0x1aa: {  	v37 =	vld.idx.msk [tilespmem:v8+s23+$0x100], $0xffff;
	v20 =	vsub.f32 $0.0e+00, v20;
	v55 =	vsub.f32 $0.0e+00, v27;
	v27 =	vmul.f32 v27, v32;
	v32 =	vpop (erf)  }
0x1ab: {  	v58 =	vld.idx.msk [tilespmem:v9+s23+$0x100], $0xffff;
	v19 =	vmul.f32 $1.442695020e+00, v19;
	v35 =	vadd.f32 v32, v56  }
0x1ac: {  	v20 =	vmul.f32 $1.442695020e+00, v20;
	v30 =	vmul.f32 v55, v30  }
0x1ad: {  	v33 =	vmul.f32 v55, v33;
	(erf) = vrcp.f32 v35  }
0x1ae: {  	v59 =	vsub.f32 $0.0e+00, v57;
	v31 =	vmul.f32 $1.442695020e+00, v31;
	(erf) = vpow2.f32 v19  }
0x1af: {  	v19 =	vmul.f32 $1.442695020e+00, v37;
	(erf) = vpow2.f32 v20  }
0x1b0: {  	[tilespmem:v3+s23+$0x5000] =	vst.idx.add.f32.msk $0xffff, v30;
	v30 =	vsub.f32 $0.0e+00, v58;
	v20 =	vmul.f32 $1.442695020e+00, v59;
	(erf) = vpow2.f32 v31  }
0x1b1: {  	[tilespmem:v8+s23+$0x5000] =	vst.idx.add.f32.msk $0xffff, v27;
	(erf) = vpow2.f32 v19  }
0x1b2: {  	[tilespmem:v9+s23+$0x5000] =	vst.idx.add.f32.msk $0xffff, v33;
	v19 =	vmul.f32 $1.442695020e+00, v30;
	(erf) = vpow2.f32 v20  }
0x1b3: {  	v20 =	vld.idx.msk [tilespmem:v10+s23+$0x0], $0xffff;
	_ =	sdelay $0x2  }
0x1b4: {  	(erf) = vpow2.f32 v19;
	v19 =	vpop (erf)  }
0x1b5: {  	v30 =	vpop (erf)  }
0x1b6: {  	v27 =	vld.idx.msk [tilespmem:v11+s23+$0x0], $0xffff;
	v20 =	vsub.f32 $0.0e+00, v20;
	v31 =	vpop (erf)  }
0x1b7: {  	v60 =	vpop (erf)  }
0x1b8: {  	v20 =	vmul.f32 $1.442695020e+00, v20;
	v61 =	vpop (erf);
	v62 =	vadd.f32 v60, v30  }
0x1b9: {  	v63 =	vpop (erf)  }
0x1ba: {  	(erf) = vpow2.f32 v20;
	v20 =	vadd.f32 v63, v62  }
0x1bb: {  	v27 =	vmul.f32 $1.442695020e+00, v27;
	_ =	sdelay $0x1  }
0x1bc: {  	v44 =	vadd.f32 v61, v31;
	(erf) = vpow2.f32 v27  }
0x1bd: {  	(erf) = vrcp.f32 v20;
	v20 =	vpop (erf)  }
0x1be: {  	v27 =	vadd.f32 v20, v44;
	_ =	sdelay $0x1  }
0x1bf: {  	(erf) = vrcp.f32 v27;
	_ =	sdelay $0x3  }
0x1c0: {  	v27 =	vpop (erf)  }
0x1c1: {  	v45 =	vld.idx.msk [tilespmem:v12+s23+$0x0], $0xffff;
	v46 =	vpop (erf)  }
0x1c2: {  	v38 =	vpop (erf)  }
0x1c3: {  	v38 =	vmul.f32 $5.000000000e-01, v38;
	_ =	sdelay $0x1  }
0x1c4: {  	v39 =	vsub.f32 $0.0e+00, v38;
	v40 =	vpop (erf)  }
0x1c5: {  	v35 =	vsub.f32 $0.0e+00, v45;
	v40 =	vmul.f32 $5.000000000e-01, v40  }
0x1c6: {  	v30 =	vmul.f32 v39, v30  }
0x1c7: {  	v35 =	vmul.f32 $1.442695020e+00, v35;
	v33 =	vmul.f32 v38, v60;
	v47 =	vsub.f32 $0.0e+00, v40  }
0x1c8: {  	v36 =	vmul.f32 v39, v63;
	[tilespmem:v3+s23+$0x5080] =	vst.idx.add.f32.msk $0xffff, v30  }
0x1c9: {  	(erf) = vpow2.f32 v35;
	[tilespmem:v8+s23+$0x5080] =	vst.idx.add.f32.msk $0xffff, v33;
	v30 =	vmul.f32 v47, v31  }
0x1ca: {  	[tilespmem:v9+s23+$0x5080] =	vst.idx.add.f32.msk $0xffff, v36  }
0x1cb: {  	v31 =	vmul.f32 v40, v61;
	[tilespmem:v3+s23+$0x5100] =	vst.idx.add.f32.msk $0xffff, v30  }
0x1cc: {  	v20 =	vmul.f32 v47, v20;
	v30 =	vld.idx.msk [tilespmem:v10+s23+$0x80], $0xffff  }
0x1cd: {  	[tilespmem:v8+s23+$0x5100] =	vst.idx.add.f32.msk $0xffff, v31  }
0x1ce: {  	[tilespmem:v9+s23+$0x5100] =	vst.idx.add.f32.msk $0xffff, v20  }
0x1cf: {  	v20 =	vld.idx.msk [tilespmem:v10+s23+$0x100], $0xffff  }
0x1d0: {  	v31 =	vld.idx.msk [tilespmem:v11+s23+$0x80], $0xffff  }
0x1d1: {  	v48 =	vadd.f32 v46, v27;
	v49 =	vld.idx.msk [tilespmem:v12+s23+$0x80], $0xffff  }
0x1d2: {  	v35 =	vpop (erf);
	v50 =	vld.idx.msk [tilespmem:v11+s23+$0x100], $0xffff;
	v30 =	vsub.f32 $0.0e+00, v30  }
0x1d3: {  	v33 =	vadd.f32 v35, v48;
	v51 =	vld.idx.msk [tilespmem:v12+s23+$0x100], $0xffff  }
0x1d4: {  	v30 =	vmul.f32 $1.442695020e+00, v30;
	v20 =	vsub.f32 $0.0e+00, v20  }
0x1d5: {  	(erf) = vrcp.f32 v33;
	v31 =	vmul.f32 $1.442695020e+00, v31  }
0x1d6: {  	v52 =	vsub.f32 $0.0e+00, v49;
	(erf) = vpow2.f32 v30;
	v20 =	vmul.f32 $1.442695020e+00, v20  }
0x1d7: {  	v30 =	vmul.f32 $1.442695020e+00, v50;
	(erf) = vpow2.f32 v31  }
0x1d8: {  	v31 =	vsub.f32 $0.0e+00, v51;
	(erf) = vpow2.f32 v20;
	v20 =	vmul.f32 $1.442695020e+00, v52  }
0x1d9: {  	(erf) = vpow2.f32 v30  }
0x1da: {  	(erf) = vpow2.f32 v20;
	v20 =	vmul.f32 $1.442695020e+00, v31;
	_ =	sdelay $0x2  }
0x1db: {  	(erf) = vpow2.f32 v20  }
0x1dc: {  	v20 =	vpop (erf)  }
0x1dd: {  	v30 =	vpop (erf)  }
0x1de: {  	v31 =	vpop (erf)  }
0x1df: {  	v19 =	vmul.f32 $5.000000000e-01, v19;
	v53 =	vpop (erf)  }
0x1e0: {  	v54 =	vadd.f32 v31, v30;
	v55 =	vpop (erf)  }
0x1e1: {  	v56 =	vsub.f32 $0.0e+00, v19;
	v57 =	vpop (erf)  }
0x1e2: {  	v19 =	vmul.f32 v19, v28;
	v28 =	vsub.f32 $0.0e+00, v15;
	v34 =	vadd.f32 v57, v54  }
0x1e3: {  	v29 =	vmul.f32 v56, v29;
	v58 =	vadd.f32 v55, v53  }
0x1e4: {  	v13 =	vmul.f32 v28, v13;
	v59 =	vpop (erf);
	(erf) = vrcp.f32 v34  }
0x1e5: {  	v18 =	vmul.f32 $5.000000000e-01, v18;
	[tilespmem:v10+s23+$0x5180] =	vst.idx.add.f32.msk $0xffff, v29;
	v60 =	vadd.f32 v59, v58  }
0x1e6: {  	v14 =	vmul.f32 v15, v14;
	[tilespmem:v10+s22+$0x5000] =	vst.idx.add.f32.msk $0xffff, v13  }
0x1e7: {  	v15 =	vsub.f32 $0.0e+00, v18;
	v29 =	vmul.f32 v56, v32;
	[tilespmem:v11+s23+$0x5180] =	vst.idx.add.f32.msk $0xffff, v19;
	(erf) = vrcp.f32 v60  }
0x1e8: {  	v17 =	vmul.f32 $5.000000000e-01, v17;
	v16 =	vmul.f32 v28, v16;
	[tilespmem:v11+s22+$0x5000] =	vst.idx.add.f32.msk $0xffff, v14  }
0x1e9: {  	v13 =	vmul.f32 v15, v23;
	[tilespmem:v12+s23+$0x5180] =	vst.idx.add.f32.msk $0xffff, v29  }
0x1ea: {  	v14 =	vmul.f32 v18, v24;
	v18 =	vsub.f32 $0.0e+00, v17;
	[tilespmem:v12+s22+$0x5000] =	vst.idx.add.f32.msk $0xffff, v16  }
0x1eb: {  	v15 =	vmul.f32 v15, v26;
	[tilespmem:v10+s22+$0x5080] =	vst.idx.add.f32.msk $0xffff, v13;
	v13 =	vmul.f32 $5.000000000e-01, v20  }
0x1ec: {  	v16 =	vmul.f32 v18, v21;
	[tilespmem:v11+s22+$0x5080] =	vst.idx.add.f32.msk $0xffff, v14  }
0x1ed: {  	v14 =	vmul.f32 v17, v22;
	[tilespmem:v12+s22+$0x5080] =	vst.idx.add.f32.msk $0xffff, v15;
	v15 =	vsub.f32 $0.0e+00, v13;
	v17 =	vpop (erf)  }
0x1ee: {  	v18 =	vmul.f32 v18, v25;
	[tilespmem:v10+s22+$0x5100] =	vst.idx.add.f32.msk $0xffff, v16;
	v16 =	vmul.f32 $5.000000000e-01, v17  }
0x1ef: {  	[tilespmem:v11+s22+$0x5100] =	vst.idx.add.f32.msk $0xffff, v14;
	v14 =	vmul.f32 v15, v27  }
0x1f0: {  	[tilespmem:v12+s22+$0x5100] =	vst.idx.add.f32.msk $0xffff, v18;
	v13 =	vmul.f32 v13, v46;
	v17 =	vpop (erf);
	v18 =	vsub.f32 $0.0e+00, v16  }
0x1f1: {  	v15 =	vmul.f32 v15, v35;
	[tilespmem:v10+s23+$0x5000] =	vst.idx.add.f32.msk $0xffff, v14;
	v17 =	vmul.f32 $5.000000000e-01, v17  }
0x1f2: {  	[tilespmem:v11+s23+$0x5000] =	vst.idx.add.f32.msk $0xffff, v13;
	v14 =	vmul.f32 v18, v30  }
0x1f3: {  	[tilespmem:v12+s23+$0x5000] =	vst.idx.add.f32.msk $0xffff, v15;
	v13 =	vmul.f32 v16, v31;
	v16 =	vsub.f32 $0.0e+00, v17  }
0x1f4: {  	v15 =	vmul.f32 v18, v57;
	[tilespmem:v10+s23+$0x5080] =	vst.idx.add.f32.msk $0xffff, v14  }
0x1f5: {  	s22 =	sadd.s32 $0x2, s20;
	v14 =	vmul.f32 v16, v53;
	[tilespmem:v11+s23+$0x5080] =	vst.idx.add.f32.msk $0xffff, v13  }
0x1f6: {  	p2 =	sge.u32 s22, s5;
	v13 =	vmul.f32 v17, v55;
	[tilespmem:v12+s23+$0x5080] =	vst.idx.add.f32.msk $0xffff, v15  }
0x1f7: {  	s24 =	smul.u32 $0x500, s21;
	s22 =	sshll.u32 @!p2 s22, $0x5;
	v15 =	vmul.f32 v16, v59;
	[tilespmem:v10+s23+$0x5100] =	vst.idx.add.f32.msk $0xffff, v14  }
0x1f8: {  	s22 =	sor.u32 @!p2 s4, s22;
	[tilespmem:v11+s23+$0x5100] =	vst.idx.add.f32.msk $0xffff, v13  }
0x1f9: {  	s30 =	sadd.s32 s2, s24;
	s22 =	smul.u32 @!p2 $0x500, s22;
	[tilespmem:v12+s23+$0x5100] =	vst.idx.add.f32.msk $0xffff, v15  }
0x1fa: {  	[hbm4b:s30+s3] =	stream.linear.scatter [tilespmem:s13], [sflag:$0x3], $0x2800, $0x38;
	[tilespmem:$0xA000] =	vst v63  }
0x1fb: {  	s22 =	sadd.s32 @!p2 s0, s22;
	s23 =	simm.s32 @!p2 $0x0  }
0x1fc: {  	[tilespmem:s23], [sflag:$0x1] =	stream.linear.gather @!p2 [hbm4b:s22+s23], $0x2800, $0x38;
	[tilespmem:$0xA000] =	vst v63  }
0x1fd: {  	_ =	swait.ge [sflag:s14], $0x2800  }
0x1fe: {  	[sflag:s14] =	ssyncset.done $0x0  }
0x1ff: {  	s22 =	simm.s32 @!p1 $0x4;
	[sflag:s14] =	ssyncadd.s32 $0xFFFFD800  }
0x200: {  	_ =	swait.ge @!p1 [sflag:s22], $0x2800  }
0x201: {  	[sflag:s22] =	ssyncset.done @!p1 $0x0  }
0x202: {  	[sflag:s22] =	ssyncadd.s32 @!p1 $0xFFFFD800;
	s22 =	simm.s32 $0x0  }
0x203: {  	[tilespmem:s22+$0x7980] =	vst v0  }
0x204: {  	[tilespmem:s22+$0x7990] =	vst v0  }
0x205: {  	[tilespmem:s22+$0x79A0] =	vst v0  }
0x206: {  	[tilespmem:s22+$0x79B0] =	vst v0  }
0x207: {  	[tilespmem:s22+$0x79C0] =	vst v0  }
0x208: {  	[tilespmem:s22+$0x79D0] =	vst v0  }
0x209: {  	[tilespmem:s22+$0x79E0] =	vst v0  }
0x20a: {  	[tilespmem:s22+$0x79F0] =	vst v0  }
0x20b: {  	[tilespmem:s22+$0x7800] =	vst v0  }
0x20c: {  	[tilespmem:s22+$0x7810] =	vst v0;
	v13 =	vld.idx.msk [tilespmem:v1+s22+$0x2980], $0xffff  }
0x20d: {  	[tilespmem:s22+$0x7820] =	vst v0;
	v14 =	vld.idx.msk [tilespmem:v4+s22+$0x2980], $0xffff  }
0x20e: {  	[tilespmem:s22+$0x7830] =	vst v0;
	v15 =	vld.idx.msk [tilespmem:v5+s22+$0x2980], $0xffff  }
0x20f: {  	[tilespmem:s22+$0x7840] =	vst v0  }
0x210: {  	[tilespmem:s22+$0x7850] =	vst v0  }
0x211: {  	[tilespmem:s22+$0x7860] =	vst v0;
	v13 =	vsub.f32 $0.0e+00, v13  }
0x212: {  	[tilespmem:s22+$0x7870] =	vst v0;
	v14 =	vmul.f32 $1.442695020e+00, v14  }
0x213: {  	v16 =	vld.idx.msk [tilespmem:v1+s22+$0x2800], $0xffff;
	v15 =	vsub.f32 $0.0e+00, v15;
	v13 =	vmul.f32 $1.442695020e+00, v13  }
0x214: {  	(erf) = vpow2.f32 v14;
	v14 =	vld.idx.msk [tilespmem:v4+s22+$0x2800], $0xffff  }
0x215: {  	v15 =	vmul.f32 $1.442695020e+00, v15;
	(erf) = vpow2.f32 v13;
	v13 =	vld.idx.msk [tilespmem:v5+s22+$0x2800], $0xffff;
	_ =	sdelay $0x1  }
0x216: {  	[tilespmem:s22+$0x7880] =	vst v0;
	(erf) = vpow2.f32 v15  }
0x217: {  	[tilespmem:s22+$0x7890] =	vst v0;
	v15 =	vsub.f32 $0.0e+00, v16  }
0x218: {  	[tilespmem:s22+$0x78A0] =	vst v0;
	v14 =	vmul.f32 $1.442695020e+00, v14  }
0x219: {  	[tilespmem:s22+$0x78B0] =	vst v0;
	v15 =	vmul.f32 $1.442695020e+00, v15;
	v13 =	vsub.f32 $0.0e+00, v13  }
0x21a: {  	[tilespmem:s22+$0x78C0] =	vst v0  }
0x21b: {  	[tilespmem:s22+$0x78D0] =	vst v0;
	v13 =	vmul.f32 $1.442695020e+00, v13  }
0x21c: {  	[tilespmem:s22+$0x78E0] =	vst v0;
	(erf) = vpow2.f32 v14;
	v14 =	vpop (erf)  }
0x21d: {  	[tilespmem:s22+$0x78F0] =	vst v0;
	(erf) = vpow2.f32 v15;
	v15 =	vpop (erf)  }
0x21e: {  	[tilespmem:s22+$0x7900] =	vst v0;
	v17 =	vadd.f32 v14, v15  }
0x21f: {  	[tilespmem:s22+$0x7910] =	vst v0;
	v16 =	vld.idx.msk [tilespmem:v1+s22+$0x2880], $0xffff;
	(erf) = vpow2.f32 v13;
	v13 =	vpop (erf)  }
0x220: {  	[tilespmem:s22+$0x7920] =	vst v0;
	v18 =	vld.idx.msk [tilespmem:v5+s22+$0x2880], $0xffff;
	v17 =	vadd.f32 v13, v17  }
0x221: {  	[tilespmem:s22+$0x7930] =	vst v0  }
0x222: {  	[tilespmem:s22+$0x7940] =	vst v0;
	v19 =	vld.idx.msk [tilespmem:v4+s22+$0x2880], $0xffff;
	(erf) = vrcp.f32 v17  }
0x223: {  	[tilespmem:s22+$0x7950] =	vst v0  }
0x224: {  	[tilespmem:s22+$0x7960] =	vst v0;
	v16 =	vsub.f32 $0.0e+00, v16  }
0x225: {  	[tilespmem:s22+$0x7970] =	vst v0;
	v18 =	vsub.f32 $0.0e+00, v18;
	v17 =	vpop (erf)  }
0x226: {  	v20 =	vld.idx.msk [tilespmem:v1+s22+$0x2900], $0xffff;
	v16 =	vmul.f32 $1.442695020e+00, v16;
	v21 =	vpop (erf)  }
0x227: {  	v23 =	vld.idx.msk [tilespmem:v4+s22+$0x2900], $0xffff;
	v19 =	vmul.f32 $1.442695020e+00, v19;
	v18 =	vmul.f32 $1.442695020e+00, v18;
	v22 =	vadd.f32 v17, v21  }
0x228: {  	(erf) = vpow2.f32 v16;
	v25 =	vpop (erf)  }
0x229: {  	v24 =	vld.idx.msk [tilespmem:v5+s22+$0x2900], $0xffff;
	(erf) = vpow2.f32 v19;
	v16 =	vadd.f32 v25, v22  }
0x22a: {  	(erf) = vpow2.f32 v18  }
0x22b: {  	(erf) = vrcp.f32 v16;
	v16 =	vsub.f32 $0.0e+00, v20;
	v18 =	vpop (erf)  }
0x22c: {  	v19 =	vmul.f32 $1.442695020e+00, v23;
	v18 =	vmul.f32 $5.000000000e-01, v18  }
0x22d: {  	v16 =	vmul.f32 $1.442695020e+00, v16  }
0x22e: {  	v20 =	vsub.f32 $0.0e+00, v24;
	(erf) = vpow2.f32 v19;
	v19 =	vsub.f32 $0.0e+00, v18;
	_ =	sdelay $0x1  }
0x22f: {  	v20 =	vmul.f32 $1.442695020e+00, v20;
	v15 =	vmul.f32 v19, v15  }
0x230: {  	(erf) = vpow2.f32 v16;
	v14 =	vmul.f32 v18, v14;
	v16 =	vpop (erf)  }
0x231: {  	v18 =	vpop (erf)  }
0x232: {  	(erf) = vpow2.f32 v20;
	v20 =	vadd.f32 v18, v16  }
0x233: {  	v13 =	vmul.f32 v19, v13;
	[tilespmem:v1+s22+$0x7980] =	vst.idx.add.f32.msk $0xffff, v15;
	v15 =	vpop (erf)  }
0x234: {  	[tilespmem:v4+s22+$0x7980] =	vst.idx.add.f32.msk $0xffff, v14;
	v14 =	vpop (erf);
	v19 =	vadd.f32 v15, v20  }
0x235: {  	[tilespmem:v5+s22+$0x7980] =	vst.idx.add.f32.msk $0xffff, v13;
	v14 =	vmul.f32 $5.000000000e-01, v14  }
0x236: {  	v13 =	vld.idx.msk [tilespmem:v6+s22+$0x2980], $0xffff  }
0x237: {  	v22 =	vld.idx.msk [tilespmem:v7+s22+$0x2980], $0xffff;
	v20 =	vsub.f32 $0.0e+00, v14  }
0x238: {  	v23 =	vld.idx.msk [tilespmem:v2+s22+$0x2980], $0xffff;
	(erf) = vrcp.f32 v19;
	v19 =	vpop (erf)  }
0x239: {  	v24 =	vpop (erf);
	v21 =	vmul.f32 v20, v21  }
0x23a: {  	v14 =	vmul.f32 v14, v17;
	v26 =	vadd.f32 v19, v24  }
0x23b: {  	v20 =	vmul.f32 v20, v25;
	v17 =	vpop (erf);
	[tilespmem:v1+s22+$0x7800] =	vst.idx.add.f32.msk $0xffff, v21  }
0x23c: {  	v13 =	vsub.f32 $0.0e+00, v13;
	v21 =	vadd.f32 v17, v26;
	[tilespmem:v4+s22+$0x7800] =	vst.idx.add.f32.msk $0xffff, v14  }
0x23d: {  	v14 =	vmul.f32 $1.442695020e+00, v22;
	[tilespmem:v5+s22+$0x7800] =	vst.idx.add.f32.msk $0xffff, v20;
	v20 =	vsub.f32 $0.0e+00, v23  }
0x23e: {  	v13 =	vmul.f32 $1.442695020e+00, v13;
	(erf) = vrcp.f32 v21;
	v21 =	vld.idx.msk [tilespmem:v6+s22+$0x2800], $0xffff  }
0x23f: {  	(erf) = vpow2.f32 v14  }
0x240: {  	(erf) = vpow2.f32 v13;
	v13 =	vld.idx.msk [tilespmem:v7+s22+$0x2800], $0xffff  }
0x241: {  	v22 =	vld.idx.msk [tilespmem:v2+s22+$0x2800], $0xffff;
	v14 =	vmul.f32 $1.442695020e+00, v20;
	v20 =	vpop (erf)  }
0x242: {  	v20 =	vmul.f32 $5.000000000e-01, v20  }
0x243: {  	(erf) = vpow2.f32 v14;
	v21 =	vsub.f32 $0.0e+00, v21  }
0x244: {  	v14 =	vsub.f32 $0.0e+00, v20;
	v18 =	vmul.f32 v20, v18  }
0x245: {  	v20 =	vmul.f32 $1.442695020e+00, v21;
	v13 =	vmul.f32 $1.442695020e+00, v13  }
0x246: {  	v16 =	vmul.f32 v14, v16;
	v14 =	vmul.f32 v14, v15;
	v15 =	vsub.f32 $0.0e+00, v22;
	_ =	sdelay $0x1  }
0x247: {  	v21 =	vpop (erf);
	(erf) = vpow2.f32 v20;
	v15 =	vmul.f32 $1.442695020e+00, v15  }
0x248: {  	[tilespmem:v1+s22+$0x7880] =	vst.idx.add.f32.msk $0xffff, v16;
	v20 =	vpop (erf);
	(erf) = vpow2.f32 v13  }
0x249: {  	v16 =	vmul.f32 $5.000000000e-01, v21;
	[tilespmem:v4+s22+$0x7880] =	vst.idx.add.f32.msk $0xffff, v18;
	v13 =	vpop (erf)  }
0x24a: {  	[tilespmem:v5+s22+$0x7880] =	vst.idx.add.f32.msk $0xffff, v14;
	(erf) = vpow2.f32 v15;
	v18 =	vadd.f32 v20, v13  }
0x24b: {  	v14 =	vsub.f32 $0.0e+00, v16;
	v21 =	vld.idx.msk [tilespmem:v6+s22+$0x2880], $0xffff;
	v15 =	vpop (erf)  }
0x24c: {  	v22 =	vld.idx.msk [tilespmem:v7+s22+$0x2880], $0xffff;
	v18 =	vadd.f32 v15, v18  }
0x24d: {  	v23 =	vmul.f32 v14, v24  }
0x24e: {  	v16 =	vmul.f32 v16, v19;
	v19 =	vld.idx.msk [tilespmem:v2+s22+$0x2880], $0xffff  }
0x24f: {  	v14 =	vmul.f32 v14, v17;
	[tilespmem:v1+s22+$0x7900] =	vst.idx.add.f32.msk $0xffff, v23;
	(erf) = vrcp.f32 v18  }
0x250: {  	[tilespmem:v4+s22+$0x7900] =	vst.idx.add.f32.msk $0xffff, v16;
	v16 =	vsub.f32 $0.0e+00, v21;
	v18 =	vpop (erf)  }
0x251: {  	[tilespmem:v5+s22+$0x7900] =	vst.idx.add.f32.msk $0xffff, v14;
	v14 =	vmul.f32 $1.442695020e+00, v22;
	v22 =	vpop (erf)  }
0x252: {  	v17 =	vld.idx.msk [tilespmem:v6+s22+$0x2900], $0xffff;
	v16 =	vmul.f32 $1.442695020e+00, v16;
	v23 =	vadd.f32 v22, v18  }
0x253: {  	v19 =	vsub.f32 $0.0e+00, v19;
	v24 =	vld.idx.msk [tilespmem:v2+s22+$0x2900], $0xffff;
	(erf) = vpow2.f32 v14;
	v25 =	vpop (erf)  }
0x254: {  	v21 =	vld.idx.msk [tilespmem:v7+s22+$0x2900], $0xffff;
	(erf) = vpow2.f32 v16;
	v16 =	vadd.f32 v25, v23  }
0x255: {  	v14 =	vmul.f32 $1.442695020e+00, v19;
	_ =	sdelay $0x1  }
0x256: {  	(erf) = vpow2.f32 v14  }
0x257: {  	v19 =	vsub.f32 $0.0e+00, v24;
	(erf) = vrcp.f32 v16;
	v16 =	vpop (erf)  }
0x258: {  	v14 =	vsub.f32 $0.0e+00, v17;
	v17 =	vmul.f32 $1.442695020e+00, v21;
	v16 =	vmul.f32 $5.000000000e-01, v16  }
0x259: {  	v21 =	vmul.f32 $1.442695020e+00, v19  }
0x25a: {  	v14 =	vmul.f32 $1.442695020e+00, v14;
	(erf) = vpow2.f32 v17;
	v17 =	vsub.f32 $0.0e+00, v16;
	_ =	sdelay $0x1  }
0x25b: {  	(erf) = vpow2.f32 v14;
	v19 =	vpop (erf);
	v13 =	vmul.f32 v17, v13  }
0x25c: {  	(erf) = vpow2.f32 v21;
	v14 =	vmul.f32 v16, v20;
	v21 =	vpop (erf)  }
0x25d: {  	v16 =	vadd.f32 v19, v21;
	[tilespmem:v6+s22+$0x7980] =	vst.idx.add.f32.msk $0xffff, v13;
	v13 =	vmul.f32 v17, v15  }
0x25e: {  	v20 =	vpop (erf);
	[tilespmem:v7+s22+$0x7980] =	vst.idx.add.f32.msk $0xffff, v14  }
0x25f: {  	v14 =	vadd.f32 v20, v16;
	[tilespmem:v2+s22+$0x7980] =	vst.idx.add.f32.msk $0xffff, v13  }
0x260: {  	v17 =	vld.idx.msk [tilespmem:v3+s22+$0x2980], $0xffff;
	_ =	sdelay $0x1  }
0x261: {  	(erf) = vrcp.f32 v14;
	v13 =	vpop (erf)  }
0x262: {  	v23 =	vld.idx.msk [tilespmem:v8+s22+$0x2980], $0xffff;
	v14 =	vpop (erf)  }
0x263: {  	v13 =	vmul.f32 $5.000000000e-01, v13;
	v16 =	vpop (erf)  }
0x264: {  	v24 =	vld.idx.msk [tilespmem:v9+s22+$0x2980], $0xffff;
	v26 =	vadd.f32 v14, v16;
	v17 =	vsub.f32 $0.0e+00, v17  }
0x265: {  	v27 =	vsub.f32 $0.0e+00, v13;
	v15 =	vpop (erf)  }
0x266: {  	v13 =	vmul.f32 v13, v22;
	v22 =	vadd.f32 v15, v26;
	v17 =	vmul.f32 $1.442695020e+00, v17  }
0x267: {  	v23 =	vmul.f32 $1.442695020e+00, v23;
	v18 =	vmul.f32 v27, v18  }
0x268: {  	(erf) = vrcp.f32 v22  }
0x269: {  	v24 =	vsub.f32 $0.0e+00, v24;
	v22 =	vmul.f32 v27, v25;
	[tilespmem:v6+s22+$0x7800] =	vst.idx.add.f32.msk $0xffff, v18;
	(erf) = vpow2.f32 v23  }
0x26a: {  	[tilespmem:v7+s22+$0x7800] =	vst.idx.add.f32.msk $0xffff, v13;
	(erf) = vpow2.f32 v17;
	v17 =	vpop (erf)  }
0x26b: {  	v13 =	vmul.f32 $1.442695020e+00, v24;
	[tilespmem:v2+s22+$0x7800] =	vst.idx.add.f32.msk $0xffff, v22;
	v22 =	vmul.f32 $5.000000000e-01, v17;
	_ =	sdelay $0x1  }
0x26c: {  	v18 =	vld.idx.msk [tilespmem:v3+s22+$0x2800], $0xffff;
	(erf) = vpow2.f32 v13;
	v23 =	vsub.f32 $0.0e+00, v22  }
0x26d: {  	v13 =	vld.idx.msk [tilespmem:v8+s22+$0x2800], $0xffff  }
0x26e: {  	v17 =	vld.idx.msk [tilespmem:v9+s22+$0x2800], $0xffff;
	v21 =	vmul.f32 v23, v21;
	_ =	sdelay $0x2  }
0x26f: {  	v18 =	vsub.f32 $0.0e+00, v18;
	v24 =	vpop (erf)  }
0x270: {  	s23 =	simm.s32 $0x200;
	v13 =	vmul.f32 $1.442695020e+00, v13;
	[tilespmem:v6+s22+$0x7880] =	vst.idx.add.f32.msk $0xffff, v21;
	v21 =	vpop (erf)  }
0x271: {  	[tilespmem:s23+$0x7980] =	vst v0;
	v17 =	vsub.f32 $0.0e+00, v17;
	v18 =	vmul.f32 $1.442695020e+00, v18;
	v25 =	vpop (erf)  }
0x272: {  	[tilespmem:s23+$0x7990] =	vst v0;
	(erf) = vpow2.f32 v13;
	v13 =	vadd.f32 v21, v25  }
0x273: {  	[tilespmem:s23+$0x79A0] =	vst v0;
	v17 =	vmul.f32 $1.442695020e+00, v17;
	(erf) = vpow2.f32 v18;
	v26 =	vpop (erf)  }
0x274: {  	[tilespmem:s23+$0x79B0] =	vst v0;
	v13 =	vadd.f32 v26, v13  }
0x275: {  	[tilespmem:s23+$0x79C0] =	vst v0;
	(erf) = vpow2.f32 v17  }
0x276: {  	[tilespmem:s23+$0x79D0] =	vst v0;
	(erf) = vrcp.f32 v13  }
0x277: {  	[tilespmem:s23+$0x79E0] =	vst v0  }
0x278: {  	[tilespmem:s23+$0x79F0] =	vst v0  }
0x279: {  	[tilespmem:s23+$0x7800] =	vst v0  }
0x27a: {  	[tilespmem:s23+$0x7810] =	vst v0;
	v28 =	vld.idx.msk [tilespmem:v4+s23+$0x2980], $0xffff  }
0x27b: {  	[tilespmem:s23+$0x7820] =	vst v0;
	v27 =	vld.idx.msk [tilespmem:v1+s23+$0x2980], $0xffff;
	v18 =	vpop (erf)  }
0x27c: {  	[tilespmem:s23+$0x7830] =	vst v0;
	v29 =	vld.idx.msk [tilespmem:v5+s23+$0x2980], $0xffff;
	v17 =	vpop (erf)  }
0x27d: {  	[tilespmem:s23+$0x7840] =	vst v0;
	v30 =	vadd.f32 v18, v17  }
0x27e: {  	[tilespmem:s23+$0x7850] =	vst v0;
	v13 =	vpop (erf)  }
0x27f: {  	[tilespmem:s23+$0x7860] =	vst v0;
	v30 =	vadd.f32 v13, v30;
	v31 =	vpop (erf)  }
0x280: {  	[tilespmem:s23+$0x7870] =	vst v0;
	v28 =	vmul.f32 $1.442695020e+00, v28;
	v27 =	vsub.f32 $0.0e+00, v27;
	v31 =	vmul.f32 $5.000000000e-01, v31  }
0x281: {  	[tilespmem:s23+$0x7880] =	vst v0;
	v29 =	vsub.f32 $0.0e+00, v29;
	(erf) = vrcp.f32 v30;
	v30 =	vld.idx.msk [tilespmem:v1+s23+$0x2800], $0xffff  }
0x282: {  	[tilespmem:s23+$0x7890] =	vst v0;
	v27 =	vmul.f32 $1.442695020e+00, v27;
	(erf) = vpow2.f32 v28;
	v28 =	vsub.f32 $0.0e+00, v31  }
0x283: {  	[tilespmem:s23+$0x78A0] =	vst v0;
	v61 =	vld.idx.msk [tilespmem:v4+s23+$0x2800], $0xffff;
	v29 =	vmul.f32 $1.442695020e+00, v29  }
0x284: {  	[tilespmem:s23+$0x78B0] =	vst v0;
	(erf) = vpow2.f32 v27;
	v27 =	vld.idx.msk [tilespmem:v5+s23+$0x2800], $0xffff;
	v25 =	vmul.f32 v28, v25  }
0x285: {  	[tilespmem:s23+$0x78C0] =	vst v0;
	v21 =	vmul.f32 v31, v21  }
0x286: {  	(erf) = vpow2.f32 v29;
	[tilespmem:v3+s22+$0x7980] =	vst.idx.add.f32.msk $0xffff, v25;
	v25 =	vmul.f32 v28, v26;
	v26 =	vsub.f32 $0.0e+00, v30  }
0x287: {  	[tilespmem:v8+s22+$0x7980] =	vst.idx.add.f32.msk $0xffff, v21  }
0x288: {  	[tilespmem:v9+s22+$0x7980] =	vst.idx.add.f32.msk $0xffff, v25;
	v25 =	vmul.f32 $1.442695020e+00, v26  }
0x289: {  	[tilespmem:s23+$0x78D0] =	vst v0;
	v21 =	vmul.f32 $1.442695020e+00, v61;
	v26 =	vsub.f32 $0.0e+00, v27  }
0x28a: {  	[tilespmem:s23+$0x78E0] =	vst v0;
	v27 =	vld.idx.msk [tilespmem:v10+s22+$0x2980], $0xffff  }
0x28b: {  	[tilespmem:s23+$0x78F0] =	vst v0;
	v28 =	vpop (erf);
	(erf) = vpow2.f32 v21;
	v21 =	vld.idx.msk [tilespmem:v11+s22+$0x2980], $0xffff;
	v26 =	vmul.f32 $1.442695020e+00, v26  }
0x28c: {  	[tilespmem:s23+$0x7900] =	vst v0;
	v29 =	vld.idx.msk [tilespmem:v12+s22+$0x2980], $0xffff;
	(erf) = vpow2.f32 v25;
	v25 =	vpop (erf)  }
0x28d: {  	[tilespmem:s23+$0x7910] =	vst v0;
	v30 =	vld.idx.msk [tilespmem:v1+s23+$0x2880], $0xffff;
	v31 =	vpop (erf)  }
0x28e: {  	[tilespmem:s23+$0x7920] =	vst v0;
	v62 =	vadd.f32 v25, v31  }
0x28f: {  	[tilespmem:s23+$0x7930] =	vst v0;
	v19 =	vmul.f32 v22, v19;
	(erf) = vpow2.f32 v26;
	v26 =	vpop (erf)  }
0x290: {  	[tilespmem:s23+$0x7940] =	vst v0;
	v22 =	vld.idx.msk [tilespmem:v4+s23+$0x2880], $0xffff;
	v20 =	vmul.f32 v23, v20;
	v27 =	vsub.f32 $0.0e+00, v27;
	v32 =	vadd.f32 v26, v62  }
0x291: {  	[tilespmem:s23+$0x7950] =	vst v0;
	v23 =	vld.idx.msk [tilespmem:v5+s23+$0x2880], $0xffff;
	v24 =	vmul.f32 $5.000000000e-01, v24;
	v21 =	vmul.f32 $1.442695020e+00, v21;
	v29 =	vsub.f32 $0.0e+00, v29  }
0x292: {  	[tilespmem:s23+$0x7960] =	vst v0;
	v30 =	vsub.f32 $0.0e+00, v30;
	v27 =	vmul.f32 $1.442695020e+00, v27;
	(erf) = vrcp.f32 v32  }
0x293: {  	[tilespmem:s23+$0x7970] =	vst v0;
	(erf) = vpow2.f32 v21;
	v21 =	vmul.f32 $1.442695020e+00, v29  }
0x294: {  	(erf) = vpow2.f32 v27;
	v27 =	vmul.f32 $1.442695020e+00, v30;
	v30 =	vld.idx.msk [tilespmem:v1+s23+$0x2900], $0xffff  }
0x295: {  	v29 =	vpop (erf);
	(erf) = vpow2.f32 v21;
	v21 =	vsub.f32 $0.0e+00, v24  }
0x296: {  	v41 =	vld.idx.msk [tilespmem:v4+s23+$0x2900], $0xffff;
	v22 =	vmul.f32 $1.442695020e+00, v22;
	v14 =	vmul.f32 v24, v14;
	v23 =	vsub.f32 $0.0e+00, v23;
	v63 =	vpop (erf)  }
0x297: {  	[tilespmem:v7+s22+$0x7880] =	vst.idx.add.f32.msk $0xffff, v19;
	v40 =	vadd.f32 v29, v63;
	(erf) = vpow2.f32 v27;
	v16 =	vmul.f32 v21, v16  }
0x298: {  	v23 =	vmul.f32 $1.442695020e+00, v23;
	v42 =	vpop (erf);
	v27 =	vld.idx.msk [tilespmem:v5+s23+$0x2900], $0xffff;
	(erf) = vpow2.f32 v22  }
0x299: {  	v19 =	vadd.f32 v42, v40;
	v15 =	vmul.f32 v21, v15;
	[tilespmem:v6+s22+$0x7900] =	vst.idx.add.f32.msk $0xffff, v16;
	v16 =	vsub.f32 $0.0e+00, v30  }
0x29a: {  	(erf) = vpow2.f32 v23;
	[tilespmem:v7+s22+$0x7900] =	vst.idx.add.f32.msk $0xffff, v14  }
0x29b: {  	(erf) = vrcp.f32 v19;
	[tilespmem:v2+s22+$0x7900] =	vst.idx.add.f32.msk $0xffff, v15;
	v15 =	vmul.f32 $1.442695020e+00, v16  }
0x29c: {  	v19 =	vmul.f32 $1.442695020e+00, v41;
	v14 =	vpop (erf)  }
0x29d: {  	[tilespmem:v2+s22+$0x7880] =	vst.idx.add.f32.msk $0xffff, v20;
	v20 =	vmul.f32 $5.000000000e-01, v14;
	v14 =	vpop (erf)  }
0x29e: {  	v44 =	vld.idx.msk [tilespmem:v9+s22+$0x2880], $0xffff;
	v22 =	vmul.f32 $5.000000000e-01, v28;
	v16 =	vpop (erf);
	(erf) = vpow2.f32 v19  }
0x29f: {  	v23 =	vld.idx.msk [tilespmem:v3+s22+$0x2880], $0xffff;
	v21 =	vsub.f32 $0.0e+00, v27;
	v24 =	vsub.f32 $0.0e+00, v20;
	(erf) = vpow2.f32 v15;
	v15 =	vpop (erf)  }
0x2a0: {  	v43 =	vsub.f32 $0.0e+00, v22;
	v27 =	vld.idx.msk [tilespmem:v8+s22+$0x2880], $0xffff;
	v20 =	vmul.f32 v20, v25;
	v30 =	vpop (erf)  }
0x2a1: {  	v19 =	vld.idx.msk [tilespmem:v3+s22+$0x2900], $0xffff;
	v21 =	vmul.f32 $1.442695020e+00, v21;
	v28 =	vadd.f32 v14, v16;
	v31 =	vmul.f32 v24, v31;
	v45 =	vpop (erf)  }
0x2a2: {  	v18 =	vmul.f32 v22, v18;
	v17 =	vmul.f32 v43, v17;
	v46 =	vld.idx.msk [tilespmem:v9+s22+$0x2900], $0xffff;
	v25 =	vadd.f32 v45, v30  }
0x2a3: {  	(erf) = vpow2.f32 v21;
	v28 =	vadd.f32 v15, v28;
	v22 =	vmul.f32 v24, v26;
	[tilespmem:v1+s23+$0x7980] =	vst.idx.add.f32.msk $0xffff, v31;
	v24 =	vpop (erf)  }
0x2a4: {  	[tilespmem:v4+s23+$0x7980] =	vst.idx.add.f32.msk $0xffff, v20;
	v20 =	vpop (erf);
	v25 =	vadd.f32 v24, v25  }
0x2a5: {  	v23 =	vsub.f32 $0.0e+00, v23;
	[tilespmem:v3+s22+$0x7800] =	vst.idx.add.f32.msk $0xffff, v17;
	(erf) = vrcp.f32 v28;
	v20 =	vmul.f32 $5.000000000e-01, v20  }
0x2a6: {  	v21 =	vld.idx.msk [tilespmem:v8+s22+$0x2900], $0xffff;
	v19 =	vsub.f32 $0.0e+00, v19;
	(erf) = vrcp.f32 v25  }
0x2a7: {  	v23 =	vmul.f32 $1.442695020e+00, v23;
	[tilespmem:v5+s23+$0x7980] =	vst.idx.add.f32.msk $0xffff, v22;
	v25 =	vsub.f32 $0.0e+00, v20  }
0x2a8: {  	v22 =	vmul.f32 $1.442695020e+00, v27;
	v19 =	vmul.f32 $1.442695020e+00, v19;
	v26 =	vld.idx.msk [tilespmem:v6+s23+$0x2980], $0xffff  }
0x2a9: {  	v27 =	vld.idx.msk [tilespmem:v7+s23+$0x2980], $0xffff;
	v28 =	vpop (erf);
	(erf) = vpow2.f32 v23;
	v23 =	vmul.f32 v25, v63  }
0x2aa: {  	v13 =	vmul.f32 v43, v13;
	v20 =	vmul.f32 v20, v29;
	v29 =	vld.idx.msk [tilespmem:v2+s23+$0x2980], $0xffff;
	v31 =	vpop (erf)  }
0x2ab: {  	v47 =	vadd.f32 v28, v31;
	v25 =	vmul.f32 v25, v42;
	[tilespmem:v1+s23+$0x7800] =	vst.idx.add.f32.msk $0xffff, v23  }
0x2ac: {  	v21 =	vmul.f32 $1.442695020e+00, v21;
	(erf) = vpow2.f32 v19;
	v19 =	vpop (erf);
	[tilespmem:v4+s23+$0x7800] =	vst.idx.add.f32.msk $0xffff, v20  }
0x2ad: {  	(erf) = vpow2.f32 v22;
	v17 =	vadd.f32 v19, v47;
	v22 =	vsub.f32 $0.0e+00, v26;
	[tilespmem:v5+s23+$0x7800] =	vst.idx.add.f32.msk $0xffff, v25  }
0x2ae: {  	(erf) = vpow2.f32 v21;
	v20 =	vmul.f32 $1.442695020e+00, v27;
	v23 =	vpop (erf);
	v25 =	vld.idx.msk [tilespmem:v6+s23+$0x2800], $0xffff  }
0x2af: {  	[tilespmem:v8+s22+$0x7800] =	vst.idx.add.f32.msk $0xffff, v18;
	v21 =	vmul.f32 $1.442695020e+00, v22;
	v22 =	vsub.f32 $0.0e+00, v29;
	(erf) = vrcp.f32 v17;
	v18 =	vpop (erf)  }
0x2b0: {  	(erf) = vpow2.f32 v20;
	v20 =	vsub.f32 $0.0e+00, v44;
	v26 =	vld.idx.msk [tilespmem:v2+s23+$0x2800], $0xffff;
	v18 =	vmul.f32 $5.000000000e-01, v18  }
0x2b1: {  	v17 =	vmul.f32 $1.442695020e+00, v22;
	(erf) = vpow2.f32 v21;
	v22 =	vld.idx.msk [tilespmem:v7+s23+$0x2800], $0xffff  }
0x2b2: {  	[tilespmem:v9+s22+$0x7800] =	vst.idx.add.f32.msk $0xffff, v13;
	v20 =	vmul.f32 $1.442695020e+00, v20;
	v13 =	vsub.f32 $0.0e+00, v18  }
0x2b3: {  	v21 =	vsub.f32 $0.0e+00, v46;
	(erf) = vpow2.f32 v17;
	v25 =	vsub.f32 $0.0e+00, v25  }
0x2b4: {  	v27 =	vpop (erf);
	(erf) = vpow2.f32 v20;
	v20 =	vmul.f32 v13, v30  }
0x2b5: {  	v48 =	vld.idx.msk [tilespmem:v10+s22+$0x2800], $0xffff;
	v17 =	vpop (erf);
	v13 =	vmul.f32 v13, v24;
	v24 =	vmul.f32 $1.442695020e+00, v25  }
0x2b6: {  	v29 =	vmul.f32 $1.442695020e+00, v21;
	v49 =	vpop (erf);
	v22 =	vmul.f32 $1.442695020e+00, v22;
	v25 =	vsub.f32 $0.0e+00, v26  }
0x2b7: {  	v18 =	vmul.f32 v18, v45;
	v21 =	vpop (erf)  }
0x2b8: {  	(erf) = vpow2.f32 v29;
	v26 =	vld.idx.msk [tilespmem:v11+s22+$0x2800], $0xffff;
	v30 =	vpop (erf);
	v25 =	vmul.f32 $1.442695020e+00, v25  }
0x2b9: {  	[tilespmem:v1+s23+$0x7880] =	vst.idx.add.f32.msk $0xffff, v20;
	(erf) = vpow2.f32 v24;
	v24 =	vpop (erf)  }
0x2ba: {  	v20 =	vmul.f32 $5.000000000e-01, v30;
	[tilespmem:v4+s23+$0x7880] =	vst.idx.add.f32.msk $0xffff, v18;
	v18 =	vsub.f32 $0.0e+00, v48;
	(erf) = vpow2.f32 v22;
	v22 =	vpop (erf)  }
0x2bb: {  	[tilespmem:v5+s23+$0x7880] =	vst.idx.add.f32.msk $0xffff, v13;
	v13 =	vadd.f32 v24, v22  }
0x2bc: {  	v30 =	vsub.f32 $0.0e+00, v20;
	v29 =	vld.idx.msk [tilespmem:v6+s23+$0x2880], $0xffff;
	(erf) = vpow2.f32 v25;
	v18 =	vmul.f32 $1.442695020e+00, v18;
	v25 =	vpop (erf)  }
0x2bd: {  	v50 =	vld.idx.msk [tilespmem:v7+s23+$0x2880], $0xffff;
	v13 =	vadd.f32 v25, v13  }
0x2be: {  	v51 =	vld.idx.msk [tilespmem:v2+s23+$0x2880], $0xffff;
	v31 =	vmul.f32 v30, v31;
	(erf) = vpow2.f32 v18  }
0x2bf: {  	v20 =	vmul.f32 v20, v28;
	(erf) = vrcp.f32 v13  }
0x2c0: {  	v18 =	vadd.f32 v49, v27;
	[tilespmem:v1+s23+$0x7900] =	vst.idx.add.f32.msk $0xffff, v31;
	v13 =	vmul.f32 v30, v19;
	v19 =	vmul.f32 $1.442695020e+00, v26;
	v26 =	vpop (erf)  }
0x2c1: {  	[tilespmem:v4+s23+$0x7900] =	vst.idx.add.f32.msk $0xffff, v20;
	v20 =	vsub.f32 $0.0e+00, v29;
	v29 =	vpop (erf)  }
0x2c2: {  	v23 =	vmul.f32 $5.000000000e-01, v23;
	v28 =	vld.idx.msk [tilespmem:v12+s22+$0x2800], $0xffff;
	v18 =	vadd.f32 v26, v18;
	(erf) = vpow2.f32 v19;
	v31 =	vpop (erf)  }
0x2c3: {  	[tilespmem:v5+s23+$0x7900] =	vst.idx.add.f32.msk $0xffff, v13;
	v13 =	vmul.f32 $1.442695020e+00, v50;
	v19 =	vmul.f32 $1.442695020e+00, v20;
	v20 =	vsub.f32 $0.0e+00, v51;
	v52 =	vpop (erf)  }
0x2c4: {  	v30 =	vadd.f32 v21, v17;
	(erf) = vrcp.f32 v18;
	v54 =	vadd.f32 v52, v31  }
0x2c5: {  	v18 =	vld.idx.msk [tilespmem:v6+s23+$0x2900], $0xffff;
	(erf) = vpow2.f32 v13;
	v13 =	vmul.f32 $1.442695020e+00, v20;
	v57 =	vpop (erf)  }
0x2c6: {  	v30 =	vadd.f32 v29, v30;
	v53 =	vld.idx.msk [tilespmem:v7+s23+$0x2900], $0xffff;
	(erf) = vpow2.f32 v19;
	v20 =	vadd.f32 v57, v54  }
0x2c7: {  	v55 =	vsub.f32 $0.0e+00, v23;
	v56 =	vld.idx.msk [tilespmem:v2+s23+$0x2900], $0xffff  }
0x2c8: {  	v19 =	vsub.f32 $0.0e+00, v28;
	(erf) = vrcp.f32 v30  }
0x2c9: {  	v16 =	vmul.f32 v55, v16;
	(erf) = vpow2.f32 v13;
	v13 =	vpop (erf)  }
0x2ca: {  	v19 =	vmul.f32 $1.442695020e+00, v19;
	(erf) = vrcp.f32 v20;
	v20 =	vpop (erf)  }
0x2cb: {  	v18 =	vsub.f32 $0.0e+00, v18;
	v28 =	vmul.f32 $1.442695020e+00, v53;
	v20 =	vmul.f32 $5.000000000e-01, v20  }
0x2cc: {  	v30 =	vsub.f32 $0.0e+00, v56;
	(erf) = vpow2.f32 v19;
	v19 =	vmul.f32 v23, v14;
	v14 =	vpop (erf)  }
0x2cd: {  	v18 =	vmul.f32 $1.442695020e+00, v18;
	(erf) = vpow2.f32 v28;
	v23 =	vpop (erf);
	v28 =	vsub.f32 $0.0e+00, v20  }
0x2ce: {  	v15 =	vmul.f32 v55, v15;
	v30 =	vmul.f32 $1.442695020e+00, v30;
	v58 =	vpop (erf)  }
0x2cf: {  	[tilespmem:v10+s22+$0x7980] =	vst.idx.add.f32.msk $0xffff, v16;
	(erf) = vpow2.f32 v18;
	v16 =	vmul.f32 v28, v22;
	v22 =	vpop (erf)  }
0x2d0: {  	[tilespmem:v11+s22+$0x7980] =	vst.idx.add.f32.msk $0xffff, v19;
	v18 =	vadd.f32 v58, v22  }
0x2d1: {  	(erf) = vpow2.f32 v30;
	[tilespmem:v12+s22+$0x7980] =	vst.idx.add.f32.msk $0xffff, v15  }
0x2d2: {  	v15 =	vmul.f32 v20, v24;
	v24 =	vpop (erf);
	[tilespmem:v6+s23+$0x7980] =	vst.idx.add.f32.msk $0xffff, v16;
	v16 =	vmul.f32 v28, v25  }
0x2d3: {  	v20 =	vmul.f32 $5.000000000e-01, v23;
	v23 =	vpop (erf)  }
0x2d4: {  	[tilespmem:v7+s23+$0x7980] =	vst.idx.add.f32.msk $0xffff, v15;
	v15 =	vadd.f32 v23, v18;
	v18 =	vpop (erf)  }
0x2d5: {  	v25 =	vsub.f32 $0.0e+00, v20;
	[tilespmem:v2+s23+$0x7980] =	vst.idx.add.f32.msk $0xffff, v16;
	v28 =	vmul.f32 $5.000000000e-01, v18  }
0x2d6: {  	v20 =	vmul.f32 v20, v49;
	v30 =	vld.idx.msk [tilespmem:v3+s23+$0x2980], $0xffff;
	v16 =	vpop (erf)  }
0x2d7: {  	(erf) = vrcp.f32 v15;
	v15 =	vmul.f32 v25, v27;
	v27 =	vld.idx.msk [tilespmem:v8+s23+$0x2980], $0xffff;
	v19 =	vpop (erf);
	v59 =	vsub.f32 $0.0e+00, v28  }
0x2d8: {  	v60 =	vadd.f32 v14, v13;
	v24 =	vmul.f32 $5.000000000e-01, v24;
	v61 =	vld.idx.msk [tilespmem:v9+s23+$0x2980], $0xffff;
	v18 =	vpop (erf)  }
0x2d9: {  	[tilespmem:v3+s22+$0x7880] =	vst.idx.add.f32.msk $0xffff, v15;
	v15 =	vmul.f32 v59, v31;
	v31 =	vadd.f32 v19, v18  }
0x2da: {  	v21 =	vmul.f32 v24, v21;
	v62 =	vadd.f32 v16, v60;
	[tilespmem:v8+s22+$0x7880] =	vst.idx.add.f32.msk $0xffff, v20;
	v20 =	vpop (erf)  }
0x2db: {  	v28 =	vmul.f32 v28, v52;
	[tilespmem:v6+s23+$0x7800] =	vst.idx.add.f32.msk $0xffff, v15;
	v15 =	vadd.f32 v20, v31  }
0x2dc: {  	(erf) = vrcp.f32 v62;
	v35 =	vmul.f32 v59, v57  }
0x2dd: {  	[tilespmem:v7+s23+$0x7800] =	vst.idx.add.f32.msk $0xffff, v28;
	v28 =	vsub.f32 $0.0e+00, v24;
	v24 =	vsub.f32 $0.0e+00, v30;
	(erf) = vrcp.f32 v15  }
0x2de: {  	v15 =	vmul.f32 v25, v26;
	v26 =	vmul.f32 $1.442695020e+00, v27  }
0x2df: {  	[tilespmem:v2+s23+$0x7800] =	vst.idx.add.f32.msk $0xffff, v35;
	v27 =	vsub.f32 $0.0e+00, v61;
	v24 =	vmul.f32 $1.442695020e+00, v24  }
0x2e0: {  	v25 =	vld.idx.msk [tilespmem:v3+s23+$0x2800], $0xffff;
	v17 =	vmul.f32 v28, v17;
	(erf) = vpow2.f32 v26  }
0x2e1: {  	v31 =	vpop (erf);
	v30 =	vld.idx.msk [tilespmem:v8+s23+$0x2800], $0xffff;
	v26 =	vmul.f32 $1.442695020e+00, v27;
	(erf) = vpow2.f32 v24  }
0x2e2: {  	v31 =	vmul.f32 $5.000000000e-01, v31;
	[tilespmem:v9+s22+$0x7880] =	vst.idx.add.f32.msk $0xffff, v15;
	v15 =	vmul.f32 v28, v29  }
0x2e3: {  	v63 =	vld.idx.msk [tilespmem:v9+s23+$0x2800], $0xffff;
	(erf) = vpow2.f32 v26  }
0x2e4: {  	v24 =	vsub.f32 $0.0e+00, v31;
	[tilespmem:v3+s22+$0x7900] =	vst.idx.add.f32.msk $0xffff, v17  }
0x2e5: {  	[tilespmem:v8+s22+$0x7900] =	vst.idx.add.f32.msk $0xffff, v21  }
0x2e6: {  	s31 =	smul.u32 $0x2800, s21;
	v27 =	vmul.f32 v31, v58;
	v26 =	vmul.f32 v24, v22;
	[tilespmem:v9+s22+$0x7900] =	vst.idx.add.f32.msk $0xffff, v15;
	v25 =	vsub.f32 $0.0e+00, v25;
	v15 =	vpop (erf)  }
0x2e7: {  	v22 =	vld.idx.msk [tilespmem:v10+s22+$0x2880], $0xffff;
	v21 =	vmul.f32 $1.442695020e+00, v30;
	v15 =	vmul.f32 $5.000000000e-01, v15  }
0x2e8: {  	s25 =	simm.s32 $0x1000;
	s21 =	sadd.s32 $0x50000, s31;
	s24 =	simm.s32 $0x4;
	v17 =	vmul.f32 v24, v23;
	v24 =	vsub.f32 $0.0e+00, v63;
	[tilespmem:v6+s23+$0x7880] =	vst.idx.add.f32.msk $0xffff, v26;
	v23 =	vmul.f32 $1.442695020e+00, v25;
	v28 =	vpop (erf)  }
.LBB2_5:
0x2e9: {  	s26 =	sshra.s32 s25, $0x2;
	[tilespmem:v7+s23+$0x7880] =	vst.idx.add.f32.msk $0xffff, v27;
	v25 =	vmul.f32 $5.000000000e-01, v28;
	(erf) = vpow2.f32 v21;
	v26 =	vpop (erf);
	v27 =	vsub.f32 $0.0e+00, v15  }
0x2ea: {  	[tilespmem:s26+$0x7980] =	vst v0;
	v21 =	vmul.f32 $1.442695020e+00, v24;
	(erf) = vpow2.f32 v23;
	v23 =	vpop (erf);
	v24 =	vld.idx.msk [tilespmem:v10+s22+$0x2900], $0xffff  }
0x2eb: {  	[tilespmem:s26+$0x7990] =	vst v0;
	v28 =	vsub.f32 $0.0e+00, v25;
	v19 =	vmul.f32 v25, v19;
	v25 =	vadd.f32 v26, v23;
	v29 =	vld.idx.msk [tilespmem:v11+s22+$0x2880], $0xffff  }
0x2ec: {  	v13 =	vmul.f32 v27, v13;
	[tilespmem:s26+$0x79A0] =	vst v0;
	(erf) = vpow2.f32 v21;
	v30 =	vpop (erf);
	v31 =	vld.idx.msk [tilespmem:v12+s22+$0x2880], $0xffff  }
0x2ed: {  	[tilespmem:s26+$0x79B0] =	vst v0;
	v21 =	vmul.f32 v28, v18;
	v18 =	vmul.f32 v28, v20;
	v20 =	vadd.f32 v30, v25  }
0x2ee: {  	v15 =	vmul.f32 v15, v14;
	v14 =	vmul.f32 v27, v16;
	v16 =	vsub.f32 $0.0e+00, v22;
	[tilespmem:s26+$0x79C0] =	vst v0;
	v22 =	vld.idx.msk [tilespmem:v11+s22+$0x2900], $0xffff  }
0x2ef: {  	[tilespmem:s26+$0x79D0] =	vst v0;
	(erf) = vrcp.f32 v20;
	v20 =	vld.idx.msk [tilespmem:v12+s22+$0x2900], $0xffff  }
0x2f0: {  	v16 =	vmul.f32 $1.442695020e+00, v16;
	v24 =	vsub.f32 $0.0e+00, v24;
	[tilespmem:s26+$0x79E0] =	vst v0  }
0x2f1: {  	v25 =	vmul.f32 $1.442695020e+00, v29;
	[tilespmem:s26+$0x79F0] =	vst v0  }
0x2f2: {  	v29 =	vsub.f32 $0.0e+00, v31;
	v24 =	vmul.f32 $1.442695020e+00, v24;
	[tilespmem:s26+$0x7800] =	vst v0;
	v27 =	vld.idx.msk [tilespmem:v1+s26+$0x2980], $0xffff;
	v28 =	vpop (erf);
	(erf) = vpow2.f32 v16  }
0x2f3: {  	[tilespmem:s26+$0x7810] =	vst v0;
	v16 =	vld.idx.msk [tilespmem:v4+s26+$0x2980], $0xffff;
	v31 =	vpop (erf);
	(erf) = vpow2.f32 v25  }
0x2f4: {  	v22 =	vmul.f32 $1.442695020e+00, v22;
	[tilespmem:s26+$0x7820] =	vst v0;
	v25 =	vld.idx.msk [tilespmem:v5+s26+$0x2980], $0xffff;
	v32 =	vadd.f32 v28, v31;
	(erf) = vpow2.f32 v24  }
0x2f5: {  	v34 =	vmul.f32 $1.442695020e+00, v29;
	v20 =	vsub.f32 $0.0e+00, v20;
	[tilespmem:s26+$0x7830] =	vst v0;
	v33 =	vpop (erf)  }
0x2f6: {  	[tilespmem:s26+$0x7840] =	vst v0;
	v29 =	vadd.f32 v33, v32;
	(erf) = vpow2.f32 v22  }
0x2f7: {  	v20 =	vmul.f32 $1.442695020e+00, v20;
	[tilespmem:s26+$0x7850] =	vst v0;
	(erf) = vpow2.f32 v34  }
0x2f8: {  	s24 =	sadd.s32 $0x4, s24;
	v22 =	vsub.f32 $0.0e+00, v27;
	[tilespmem:s26+$0x7860] =	vst v0;
	(erf) = vrcp.f32 v29;
	v24 =	vpop (erf)  }
0x2f9: {  	p1 =	slt.u32 s24, $0x4C;
	v16 =	vmul.f32 $1.442695020e+00, v16;
	[tilespmem:s26+$0x7870] =	vst v0;
	v24 =	vmul.f32 $5.000000000e-01, v24  }
0x2fa: {  	v22 =	vmul.f32 $1.442695020e+00, v22;
	v29 =	vsub.f32 $0.0e+00, v25;
	v27 =	vld.idx.msk [tilespmem:v1+s26+$0x2800], $0xffff;
	[tilespmem:s26+$0x7880] =	vst v0;
	(erf) = vpow2.f32 v20  }
0x2fb: {  	v32 =	vld.idx.msk [tilespmem:v4+s26+$0x2800], $0xffff;
	[tilespmem:s26+$0x7890] =	vst v0;
	(erf) = vpow2.f32 v16;
	v16 =	vsub.f32 $0.0e+00, v24;
	v25 =	vpop (erf)  }
0x2fc: {  	v36 =	vmul.f32 $1.442695020e+00, v29;
	v34 =	vld.idx.msk [tilespmem:v5+s26+$0x2800], $0xffff;
	[tilespmem:s26+$0x78A0] =	vst v0;
	(erf) = vpow2.f32 v22;
	v35 =	vpop (erf)  }
0x2fd: {  	[tilespmem:s26+$0x78B0] =	vst v0;
	v22 =	vmul.f32 v16, v23;
	v23 =	vadd.f32 v35, v25;
	v20 =	vpop (erf)  }
0x2fe: {  	v24 =	vmul.f32 v24, v26;
	[tilespmem:s26+$0x78C0] =	vst v0;
	(erf) = vpow2.f32 v36  }
0x2ff: {  	v30 =	vmul.f32 v16, v30;
	[tilespmem:v3+s23+$0x7980] =	vst.idx.add.f32.msk $0xffff, v22;
	v29 =	vpop (erf)  }
0x300: {  	v37 =	vsub.f32 $0.0e+00, v27;
	[tilespmem:v8+s23+$0x7980] =	vst.idx.add.f32.msk $0xffff, v24;
	v26 =	vadd.f32 v29, v20;
	v27 =	vpop (erf)  }
0x301: {  	v24 =	vmul.f32 $1.442695020e+00, v32;
	[tilespmem:v9+s23+$0x7980] =	vst.idx.add.f32.msk $0xffff, v30;
	v16 =	vpop (erf);
	v23 =	vadd.f32 v27, v23  }
0x302: {  	v37 =	vmul.f32 $1.442695020e+00, v37;
	v32 =	vsub.f32 $0.0e+00, v34;
	[tilespmem:s26+$0x78D0] =	vst v0;
	v16 =	vmul.f32 $5.000000000e-01, v16;
	v34 =	vld.idx.msk [tilespmem:v10+s23+$0x2980], $0xffff  }
0x303: {  	[tilespmem:s26+$0x78E0] =	vst v0;
	(erf) = vpow2.f32 v24;
	v36 =	vld.idx.msk [tilespmem:v11+s23+$0x2980], $0xffff;
	v22 =	vpop (erf)  }
0x304: {  	v42 =	vmul.f32 $1.442695020e+00, v32;
	[tilespmem:s26+$0x78F0] =	vst v0;
	(erf) = vpow2.f32 v37;
	v30 =	vpop (erf);
	v37 =	vsub.f32 $0.0e+00, v16;
	v38 =	vld.idx.msk [tilespmem:v12+s23+$0x2980], $0xffff  }
0x305: {  	v24 =	vmul.f32 v16, v28;
	v16 =	vadd.f32 v22, v26;
	v39 =	vld.idx.msk [tilespmem:v1+s26+$0x2880], $0xffff;
	[tilespmem:s26+$0x7900] =	vst v0;
	v40 =	vpop (erf);
	(erf) = vrcp.f32 v23  }
0x306: {  	v28 =	vld.idx.msk [tilespmem:v4+s26+$0x2880], $0xffff;
	[tilespmem:s26+$0x7910] =	vst v0;
	v41 =	vadd.f32 v30, v40;
	(erf) = vpow2.f32 v42;
	v26 =	vmul.f32 v37, v31  }
0x307: {  	v23 =	vmul.f32 v37, v33;
	v31 =	vld.idx.msk [tilespmem:v5+s26+$0x2880], $0xffff;
	[tilespmem:s26+$0x7920] =	vst v0;
	v32 =	vpop (erf);
	(erf) = vrcp.f32 v16  }
0x308: {  	v33 =	vsub.f32 $0.0e+00, v34;
	[tilespmem:s26+$0x7930] =	vst v0;
	v16 =	vadd.f32 v32, v41  }
0x309: {  	v37 =	vmul.f32 $1.442695020e+00, v36;
	[tilespmem:s26+$0x7940] =	vst v0  }
0x30a: {  	[tilespmem:s26+$0x7950] =	vst v0;
	(erf) = vrcp.f32 v16;
	v16 =	vmul.f32 $1.442695020e+00, v33;
	v33 =	vsub.f32 $0.0e+00, v38  }
0x30b: {  	v36 =	vsub.f32 $0.0e+00, v39;
	[tilespmem:s26+$0x7960] =	vst v0;
	(erf) = vpow2.f32 v37  }
0x30c: {  	[tilespmem:s26+$0x7970] =	vst v0;
	v34 =	vpop (erf);
	v41 =	vmul.f32 $1.442695020e+00, v33;
	(erf) = vpow2.f32 v16  }
0x30d: {  	v43 =	vmul.f32 $1.442695020e+00, v28;
	v16 =	vmul.f32 $1.442695020e+00, v36;
	v31 =	vsub.f32 $0.0e+00, v31;
	v36 =	vld.idx.msk [tilespmem:v1+s26+$0x2900], $0xffff;
	v37 =	vpop (erf)  }
0x30e: {  	v38 =	vadd.f32 v34, v37;
	v39 =	vld.idx.msk [tilespmem:v4+s26+$0x2900], $0xffff;
	(erf) = vpow2.f32 v41;
	v33 =	vpop (erf)  }
0x30f: {  	v31 =	vmul.f32 $1.442695020e+00, v31;
	v41 =	vld.idx.msk [tilespmem:v5+s26+$0x2900], $0xffff;
	v42 =	vpop (erf);
	(erf) = vpow2.f32 v16  }
0x310: {  	v16 =	vadd.f32 v42, v38;
	(erf) = vpow2.f32 v43;
	[tilespmem:v2+s23+$0x7880] =	vst.idx.add.f32.msk $0xffff, v17;
	v17 =	vmul.f32 $5.000000000e-01, v33;
	v28 =	vpop (erf)  }
0x311: {  	(erf) = vpow2.f32 v31;
	[tilespmem:v6+s23+$0x7900] =	vst.idx.add.f32.msk $0xffff, v21;
	v21 =	vmul.f32 $5.000000000e-01, v28  }
0x312: {  	(erf) = vrcp.f32 v16;
	[tilespmem:v7+s23+$0x7900] =	vst.idx.add.f32.msk $0xffff, v19;
	v19 =	vsub.f32 $0.0e+00, v17;
	v17 =	vmul.f32 v17, v35  }
0x313: {  	v28 =	vsub.f32 $0.0e+00, v36;
	v31 =	vpop (erf);
	[tilespmem:v2+s23+$0x7900] =	vst.idx.add.f32.msk $0xffff, v18;
	v33 =	vsub.f32 $0.0e+00, v21;
	v16 =	vmul.f32 v21, v29  }
0x314: {  	v21 =	vmul.f32 $1.442695020e+00, v39;
	v29 =	vmul.f32 $5.000000000e-01, v31;
	v31 =	vld.idx.msk [tilespmem:v3+s23+$0x2880], $0xffff;
	v35 =	vpop (erf)  }
0x315: {  	v28 =	vmul.f32 $1.442695020e+00, v28;
	v36 =	vsub.f32 $0.0e+00, v41;
	v18 =	vmul.f32 v19, v25;
	v38 =	vld.idx.msk [tilespmem:v3+s23+$0x2900], $0xffff;
	v39 =	vpop (erf)  }
0x316: {  	v25 =	vsub.f32 $0.0e+00, v29;
	(erf) = vpow2.f32 v21;
	v21 =	vld.idx.msk [tilespmem:v8+s23+$0x2880], $0xffff;
	v41 =	vadd.f32 v35, v39  }
0x317: {  	v36 =	vmul.f32 $1.442695020e+00, v36;
	(erf) = vpow2.f32 v28;
	v28 =	vld.idx.msk [tilespmem:v9+s23+$0x2880], $0xffff;
	v43 =	vpop (erf)  }
0x318: {  	v19 =	vmul.f32 v19, v27;
	v40 =	vmul.f32 v25, v40;
	v44 =	vpop (erf);
	v45 =	vld.idx.msk [tilespmem:v8+s23+$0x2900], $0xffff;
	v41 =	vadd.f32 v43, v41  }
0x319: {  	v46 =	vmul.f32 v29, v30;
	v29 =	vpop (erf);
	(erf) = vpow2.f32 v36;
	v30 =	vld.idx.msk [tilespmem:v9+s23+$0x2900], $0xffff  }
0x31a: {  	v25 =	vmul.f32 v25, v32;
	v36 =	vadd.f32 v29, v44;
	[tilespmem:v1+s26+$0x7980] =	vst.idx.add.f32.msk $0xffff, v40;
	v32 =	vpop (erf);
	(erf) = vrcp.f32 v41  }
0x31b: {  	v20 =	vmul.f32 v33, v20;
	v31 =	vsub.f32 $0.0e+00, v31;
	v38 =	vsub.f32 $0.0e+00, v38;
	[tilespmem:v4+s26+$0x7980] =	vst.idx.add.f32.msk $0xffff, v46;
	v27 =	vpop (erf)  }
0x31c: {  	v21 =	vmul.f32 $1.442695020e+00, v21;
	v27 =	vmul.f32 $5.000000000e-01, v27;
	v36 =	vadd.f32 v32, v36;
	[tilespmem:v5+s26+$0x7980] =	vst.idx.add.f32.msk $0xffff, v25  }
0x31d: {  	v31 =	vmul.f32 $1.442695020e+00, v31;
	v28 =	vsub.f32 $0.0e+00, v28;
	v38 =	vmul.f32 $1.442695020e+00, v38;
	v25 =	vld.idx.msk [tilespmem:v6+s26+$0x2980], $0xffff  }
0x31e: {  	v46 =	vsub.f32 $0.0e+00, v27;
	v27 =	vmul.f32 v27, v34;
	v34 =	vld.idx.msk [tilespmem:v7+s26+$0x2980], $0xffff;
	(erf) = vrcp.f32 v36  }
0x31f: {  	v45 =	vmul.f32 $1.442695020e+00, v45;
	v30 =	vsub.f32 $0.0e+00, v30;
	v36 =	vld.idx.msk [tilespmem:v2+s26+$0x2980], $0xffff;
	v41 =	vpop (erf);
	(erf) = vpow2.f32 v31  }
0x320: {  	v47 =	vmul.f32 v46, v37;
	v37 =	vmul.f32 v46, v42;
	v40 =	vpop (erf);
	[tilespmem:v3+s23+$0x7800] =	vst.idx.add.f32.msk $0xffff, v26  }
0x321: {  	v28 =	vmul.f32 $1.442695020e+00, v28;
	v26 =	vadd.f32 v41, v40;
	[tilespmem:v8+s23+$0x7800] =	vst.idx.add.f32.msk $0xffff, v24;
	(erf) = vpow2.f32 v38  }
0x322: {  	v30 =	vmul.f32 $1.442695020e+00, v30;
	[tilespmem:v1+s26+$0x7800] =	vst.idx.add.f32.msk $0xffff, v47;
	v31 =	vpop (erf);
	(erf) = vpow2.f32 v21  }
0x323: {  	v24 =	vsub.f32 $0.0e+00, v25;
	[tilespmem:v4+s26+$0x7800] =	vst.idx.add.f32.msk $0xffff, v27;
	v21 =	vadd.f32 v31, v26;
	(erf) = vpow2.f32 v45;
	v25 =	vpop (erf)  }
0x324: {  	v26 =	vmul.f32 $1.442695020e+00, v34;
	[tilespmem:v5+s26+$0x7800] =	vst.idx.add.f32.msk $0xffff, v37;
	v25 =	vmul.f32 $5.000000000e-01, v25  }
0x325: {  	v34 =	vmul.f32 $1.442695020e+00, v24;
	v36 =	vsub.f32 $0.0e+00, v36;
	v27 =	vld.idx.msk [tilespmem:v6+s26+$0x2800], $0xffff;
	(erf) = vrcp.f32 v21  }
0x326: {  	v24 =	vmul.f32 v33, v22;
	v37 =	vld.idx.msk [tilespmem:v7+s26+$0x2800], $0xffff;
	(erf) = vpow2.f32 v26;
	v21 =	vsub.f32 $0.0e+00, v25  }
0x327: {  	v33 =	vmul.f32 $1.442695020e+00, v36;
	v26 =	vld.idx.msk [tilespmem:v2+s26+$0x2800], $0xffff;
	v22 =	vpop (erf);
	(erf) = vpow2.f32 v34  }
0x328: {  	v34 =	vmul.f32 $5.000000000e-01, v22;
	[tilespmem:v9+s23+$0x7800] =	vst.idx.add.f32.msk $0xffff, v23;
	v23 =	vmul.f32 v21, v39;
	v22 =	vpop (erf)  }
0x329: {  	v36 =	vmul.f32 v25, v35;
	(erf) = vpow2.f32 v33;
	v33 =	vld.idx.msk [tilespmem:v10+s23+$0x2800], $0xffff  }
0x32a: {  	v35 =	vsub.f32 $0.0e+00, v34;
	v29 =	vmul.f32 v34, v29;
	[tilespmem:v10+s23+$0x7980] =	vst.idx.add.f32.msk $0xffff, v23;
	v34 =	vmul.f32 v21, v43;
	v21 =	vpop (erf)  }
0x32b: {  	v27 =	vsub.f32 $0.0e+00, v27;
	[tilespmem:v11+s23+$0x7980] =	vst.idx.add.f32.msk $0xffff, v36;
	v25 =	vpop (erf);
	(erf) = vpow2.f32 v28  }
0x32c: {  	v36 =	vmul.f32 v35, v44;
	v32 =	vmul.f32 v35, v32;
	[tilespmem:v12+s23+$0x7980] =	vst.idx.add.f32.msk $0xffff, v34;
	v23 =	vpop (erf)  }
0x32d: {  	v38 =	vmul.f32 $1.442695020e+00, v27;
	v34 =	vmul.f32 $1.442695020e+00, v37;
	v26 =	vsub.f32 $0.0e+00, v26;
	v35 =	vld.idx.msk [tilespmem:v11+s23+$0x2800], $0xffff  }
0x32e: {  	v37 =	vadd.f32 v23, v21;
	[tilespmem:v1+s26+$0x7880] =	vst.idx.add.f32.msk $0xffff, v36;
	v28 =	vpop (erf);
	v36 =	vadd.f32 v25, v22;
	(erf) = vpow2.f32 v30  }
0x32f: {  	[tilespmem:v4+s26+$0x7880] =	vst.idx.add.f32.msk $0xffff, v29;
	v28 =	vmul.f32 $5.000000000e-01, v28;
	(erf) = vpow2.f32 v38;
	v27 =	vpop (erf);
	v29 =	vsub.f32 $0.0e+00, v33  }
0x330: {  	v39 =	vmul.f32 $1.442695020e+00, v26;
	[tilespmem:v5+s26+$0x7880] =	vst.idx.add.f32.msk $0xffff, v32;
	(erf) = vpow2.f32 v34;
	v30 =	vpop (erf)  }
0x331: {  	v32 =	vld.idx.msk [tilespmem:v6+s26+$0x2880], $0xffff;
	v33 =	vsub.f32 $0.0e+00, v28;
	v28 =	vmul.f32 v28, v41;
	v34 =	vadd.f32 v27, v30  }
0x332: {  	v41 =	vmul.f32 $1.442695020e+00, v29;
	v38 =	vld.idx.msk [tilespmem:v7+s26+$0x2880], $0xffff;
	(erf) = vpow2.f32 v39;
	v26 =	vpop (erf)  }
0x333: {  	v39 =	vld.idx.msk [tilespmem:v2+s26+$0x2880], $0xffff;
	v40 =	vmul.f32 v33, v40;
	v31 =	vmul.f32 v33, v31;
	v33 =	vadd.f32 v26, v34  }
0x334: {  	v34 =	vmul.f32 $1.442695020e+00, v35;
	v35 =	vld.idx.msk [tilespmem:v12+s23+$0x2800], $0xffff;
	(erf) = vpow2.f32 v41;
	v29 =	vpop (erf)  }
0x335: {  	[tilespmem:v1+s26+$0x7900] =	vst.idx.add.f32.msk $0xffff, v40;
	(erf) = vrcp.f32 v33;
	v33 =	vadd.f32 v29, v36  }
0x336: {  	[tilespmem:v4+s26+$0x7900] =	vst.idx.add.f32.msk $0xffff, v28;
	(erf) = vpow2.f32 v34  }
0x337: {  	v28 =	vsub.f32 $0.0e+00, v32;
	[tilespmem:v5+s26+$0x7900] =	vst.idx.add.f32.msk $0xffff, v31;
	(erf) = vrcp.f32 v33;
	v31 =	vpop (erf)  }
0x338: {  	v32 =	vmul.f32 $1.442695020e+00, v38;
	v33 =	vld.idx.msk [tilespmem:v6+s26+$0x2900], $0xffff;
	v34 =	vpop (erf);
	v36 =	vadd.f32 v31, v37  }
0x339: {  	v28 =	vmul.f32 $1.442695020e+00, v28;
	v42 =	vsub.f32 $0.0e+00, v39;
	v38 =	vld.idx.msk [tilespmem:v7+s26+$0x2900], $0xffff;
	v39 =	vpop (erf)  }
0x33a: {  	v40 =	vadd.f32 v39, v34;
	v41 =	vld.idx.msk [tilespmem:v2+s26+$0x2900], $0xffff;
	(erf) = vpow2.f32 v32;
	v32 =	vsub.f32 $0.0e+00, v35  }
0x33b: {  	v35 =	vmul.f32 $1.442695020e+00, v42;
	v37 =	vpop (erf);
	(erf) = vpow2.f32 v28;
	[tilespmem:v10+s22+$0x7800] =	vst.idx.add.f32.msk $0xffff, v13  }
0x33c: {  	v28 =	vadd.f32 v37, v40;
	v32 =	vmul.f32 $1.442695020e+00, v32;
	(erf) = vrcp.f32 v36;
	[tilespmem:v11+s22+$0x7800] =	vst.idx.add.f32.msk $0xffff, v15  }
0x33d: {  	(erf) = vpow2.f32 v35;
	v13 =	vpop (erf);
	[tilespmem:v12+s22+$0x7800] =	vst.idx.add.f32.msk $0xffff, v14  }
0x33e: {  	v15 =	vsub.f32 $0.0e+00, v33;
	(erf) = vrcp.f32 v28;
	v14 =	vpop (erf);
	[tilespmem:v10+s22+$0x7880] =	vst.idx.add.f32.msk $0xffff, v18  }
0x33f: {  	v18 =	vmul.f32 $1.442695020e+00, v38;
	v28 =	vmul.f32 $5.000000000e-01, v14;
	v14 =	vpop (erf);
	[tilespmem:v11+s22+$0x7880] =	vst.idx.add.f32.msk $0xffff, v17  }
0x340: {  	v15 =	vmul.f32 $1.442695020e+00, v15;
	v17 =	vsub.f32 $0.0e+00, v41;
	(erf) = vpow2.f32 v32;
	v32 =	vpop (erf);
	[tilespmem:v12+s22+$0x7880] =	vst.idx.add.f32.msk $0xffff, v19  }
0x341: {  	v19 =	vsub.f32 $0.0e+00, v28;
	(erf) = vpow2.f32 v18;
	v18 =	vmul.f32 $5.000000000e-01, v32;
	[tilespmem:v10+s22+$0x7900] =	vst.idx.add.f32.msk $0xffff, v20  }
0x342: {  	v17 =	vmul.f32 $1.442695020e+00, v17;
	(erf) = vpow2.f32 v15;
	v15 =	vadd.f32 v14, v13;
	[tilespmem:v11+s22+$0x7900] =	vst.idx.add.f32.msk $0xffff, v16  }
0x343: {  	v16 =	vmul.f32 v19, v30;
	v30 =	vpop (erf);
	v20 =	vsub.f32 $0.0e+00, v18;
	v25 =	vmul.f32 v18, v25;
	[tilespmem:v12+s22+$0x7900] =	vst.idx.add.f32.msk $0xffff, v24;
	s22 =	smov.u32 s23;
	s23 =	smov.u32 s26  }
0x344: {  	v18 =	vmul.f32 v28, v27;
	v24 =	vpop (erf);
	(erf) = vpow2.f32 v17  }
0x345: {  	v27 =	vmul.f32 v19, v26;
	v17 =	vadd.f32 v30, v24;
	[tilespmem:v6+s23+$0x7980] =	vst.idx.add.f32.msk $0xffff, v16;
	v19 =	vpop (erf)  }
0x346: {  	v22 =	vmul.f32 v20, v22;
	[tilespmem:v7+s23+$0x7980] =	vst.idx.add.f32.msk $0xffff, v18;
	v26 =	vpop (erf);
	v18 =	vmul.f32 $5.000000000e-01, v19  }
0x347: {  	v17 =	vadd.f32 v26, v17;
	[tilespmem:v2+s23+$0x7980] =	vst.idx.add.f32.msk $0xffff, v27;
	v16 =	vpop (erf);
	v27 =	vmul.f32 v20, v29  }
0x348: {  	v35 =	vmul.f32 $5.000000000e-01, v16;
	v28 =	vld.idx.msk [tilespmem:v3+s23+$0x2980], $0xffff;
	v20 =	vsub.f32 $0.0e+00, v18;
	v23 =	vmul.f32 v18, v23  }
0x349: {  	v29 =	vld.idx.msk [tilespmem:v8+s23+$0x2980], $0xffff;
	(erf) = vrcp.f32 v17;
	v16 =	vpop (erf)  }
0x34a: {  	v17 =	vsub.f32 $0.0e+00, v35;
	v32 =	vmul.f32 v35, v39;
	v33 =	vld.idx.msk [tilespmem:v9+s23+$0x2980], $0xffff;
	v19 =	vpop (erf);
	v21 =	vmul.f32 v20, v21  }
0x34b: {  	v15 =	vadd.f32 v16, v15;
	v18 =	vpop (erf);
	[tilespmem:v3+s22+$0x7880] =	vst.idx.add.f32.msk $0xffff, v22;
	v22 =	vmul.f32 v20, v31  }
0x34c: {  	v31 =	vmul.f32 v17, v34;
	v17 =	vmul.f32 v17, v37;
	v34 =	vadd.f32 v19, v18  }
0x34d: {  	v20 =	vpop (erf);
	[tilespmem:v8+s22+$0x7880] =	vst.idx.add.f32.msk $0xffff, v25;
	(erf) = vrcp.f32 v15  }
0x34e: {  	v25 =	vsub.f32 $0.0e+00, v28;
	[tilespmem:v6+s23+$0x7800] =	vst.idx.add.f32.msk $0xffff, v31;
	v15 =	vadd.f32 v20, v34  }
0x34f: {  	v28 =	vmul.f32 $1.442695020e+00, v29;
	[tilespmem:v7+s23+$0x7800] =	vst.idx.add.f32.msk $0xffff, v32  }
0x350: {  	[tilespmem:v2+s23+$0x7800] =	vst.idx.add.f32.msk $0xffff, v17;
	v17 =	vmul.f32 $1.442695020e+00, v25;
	v25 =	vsub.f32 $0.0e+00, v33;
	(erf) = vrcp.f32 v15  }
0x351: {  	v15 =	vld.idx.msk [tilespmem:v3+s23+$0x2800], $0xffff;
	(erf) = vpow2.f32 v28  }
0x352: {  	v28 =	vld.idx.msk [tilespmem:v8+s23+$0x2800], $0xffff;
	v25 =	vmul.f32 $1.442695020e+00, v25;
	v29 =	vpop (erf);
	(erf) = vpow2.f32 v17  }
0x353: {  	v31 =	vld.idx.msk [tilespmem:v9+s23+$0x2800], $0xffff;
	v17 =	vmul.f32 $5.000000000e-01, v29  }
0x354: {  	(erf) = vpow2.f32 v25;
	[tilespmem:v9+s22+$0x7880] =	vst.idx.add.f32.msk $0xffff, v27  }
.Ltmp3:
0x355: {  	v25 =	vsub.f32 $0.0e+00, v17;
	v27 =	vmul.f32 v17, v30;
	[tilespmem:v3+s22+$0x7900] =	vst.idx.add.f32.msk $0xffff, v21;
	(pc) =	sbr.rel @p1 .LBB2_5-.Ltmp3, $4  }
0x356: {  	[tilespmem:v8+s22+$0x7900] =	vst.idx.add.f32.msk $0xffff, v23;
	v23 =	vpop (erf)  }
0x357: {  	v29 =	vsub.f32 $0.0e+00, v15;
	v30 =	vmul.f32 v25, v24;
	v17 =	vmul.f32 v25, v26;
	[tilespmem:v9+s22+$0x7900] =	vst.idx.add.f32.msk $0xffff, v22  }
0x358: {  	v21 =	vmul.f32 $1.442695020e+00, v28;
	v15 =	vmul.f32 $5.000000000e-01, v23;
	v22 =	vld.idx.msk [tilespmem:v10+s22+$0x2880], $0xffff  }
0x359: {  	s25 =	sadd.s32 $0x800, s25;
	v23 =	vmul.f32 $1.442695020e+00, v29;
	v24 =	vsub.f32 $0.0e+00, v31;
	[tilespmem:v6+s23+$0x7880] =	vst.idx.add.f32.msk $0xffff, v30;
	v28 =	vpop (erf)  }
0x35a: {  	v25 =	vpop (erf)  }
0x35b: {  	v26 =	vpop (erf)  }
0x35c: {  	v29 =	vadd.f32 v25, v26  }
0x35d: {  	(erf) = vpow2.f32 v21;
	v36 =	vmul.f32 $1.442695020e+00, v24;
	v37 =	vpop (erf)  }
0x35e: {  	(erf) = vpow2.f32 v23;
	v38 =	vadd.f32 v37, v29  }
0x35f: {  	v39 =	vld.idx.msk [tilespmem:v10+s22+$0x2900], $0xffff;
	(erf) = vpow2.f32 v36  }
0x360: {  	v40 =	vld.idx.msk [tilespmem:v11+s22+$0x2880], $0xffff;
	(erf) = vrcp.f32 v38  }
0x361: {  	v41 =	vld.idx.msk [tilespmem:v12+s22+$0x2880], $0xffff  }
0x362: {  	v30 =	vld.idx.msk [tilespmem:v11+s22+$0x2900], $0xffff;
	_ =	sdelay $0x1  }
0x363: {  	v22 =	vsub.f32 $0.0e+00, v22  }
0x364: {  	v31 =	vld.idx.msk [tilespmem:v12+s22+$0x2900], $0xffff  }
0x365: {  	v22 =	vmul.f32 $1.442695020e+00, v22;
	v21 =	vsub.f32 $0.0e+00, v39;
	v32 =	vpop (erf)  }
0x366: {  	v23 =	vmul.f32 $1.442695020e+00, v40;
	v42 =	vsub.f32 $0.0e+00, v41;
	v30 =	vmul.f32 $1.442695020e+00, v30;
	v33 =	vpop (erf)  }
0x367: {  	v21 =	vmul.f32 $1.442695020e+00, v21;
	(erf) = vpow2.f32 v22;
	v43 =	vpop (erf)  }
0x368: {  	v22 =	vmul.f32 $1.442695020e+00, v42;
	(erf) = vpow2.f32 v23;
	v44 =	vadd.f32 v32, v33;
	v45 =	vpop (erf)  }
0x369: {  	v31 =	vsub.f32 $0.0e+00, v31;
	(erf) = vpow2.f32 v21;
	v21 =	vmul.f32 $5.000000000e-01, v45  }
0x36a: {  	v23 =	vadd.f32 v43, v44;
	(erf) = vpow2.f32 v30  }
0x36b: {  	v46 =	vmul.f32 $1.442695020e+00, v31;
	(erf) = vpow2.f32 v22;
	v47 =	vsub.f32 $0.0e+00, v21  }
0x36c: {  	(erf) = vrcp.f32 v23  }
0x36d: {  	(erf) = vpow2.f32 v46;
	v48 =	vmul.f32 v47, v26  }
0x36e: {  	v21 =	vmul.f32 v21, v25  }
0x36f: {  	v22 =	vmul.f32 v47, v37;
	[tilespmem:v3+s23+$0x7980] =	vst.idx.add.f32.msk $0xffff, v48  }
0x370: {  	v23 =	vpop (erf);
	[tilespmem:v8+s23+$0x7980] =	vst.idx.add.f32.msk $0xffff, v21  }
0x371: {  	v24 =	vpop (erf);
	[tilespmem:v9+s23+$0x7980] =	vst.idx.add.f32.msk $0xffff, v22  }
0x372: {  	v21 =	vpop (erf);
	v49 =	vld.idx.msk [tilespmem:v10+s23+$0x2980], $0xffff  }
0x373: {  	v22 =	vpop (erf);
	v50 =	vld.idx.msk [tilespmem:v11+s23+$0x2980], $0xffff  }
0x374: {  	v51 =	vadd.f32 v24, v23;
	v26 =	vpop (erf);
	v34 =	vld.idx.msk [tilespmem:v12+s23+$0x2980], $0xffff  }
0x375: {  	v35 =	vadd.f32 v22, v21;
	v36 =	vpop (erf)  }
0x376: {  	v37 =	vadd.f32 v26, v51;
	v25 =	vpop (erf)  }
0x377: {  	v28 =	vmul.f32 $5.000000000e-01, v28;
	v35 =	vadd.f32 v25, v35;
	v30 =	vsub.f32 $0.0e+00, v49  }
0x378: {  	(erf) = vrcp.f32 v37;
	v31 =	vmul.f32 $1.442695020e+00, v50  }
0x379: {  	(erf) = vrcp.f32 v35;
	v34 =	vsub.f32 $0.0e+00, v34;
	v30 =	vmul.f32 $1.442695020e+00, v30  }
0x37a: {  	[tilespmem:v7+s23+$0x7880] =	vst.idx.add.f32.msk $0xffff, v27;
	v52 =	vsub.f32 $0.0e+00, v28;
	(erf) = vpow2.f32 v31  }
0x37b: {  	[tilespmem:v2+s23+$0x7880] =	vst.idx.add.f32.msk $0xffff, v17;
	v53 =	vmul.f32 $1.442695020e+00, v34;
	(erf) = vpow2.f32 v30  }
0x37c: {  	v55 =	vld.idx.msk [tilespmem:v3+s23+$0x2880], $0xffff;
	v18 =	vmul.f32 v52, v18  }
0x37d: {  	v19 =	vmul.f32 v28, v19;
	v61 =	vld.idx.msk [tilespmem:v9+s23+$0x2880], $0xffff;
	(erf) = vpow2.f32 v53  }
0x37e: {  	v54 =	vmul.f32 v52, v20;
	[tilespmem:v6+s23+$0x7900] =	vst.idx.add.f32.msk $0xffff, v18  }
0x37f: {  	[tilespmem:v7+s23+$0x7900] =	vst.idx.add.f32.msk $0xffff, v19  }
0x380: {  	[tilespmem:v2+s23+$0x7900] =	vst.idx.add.f32.msk $0xffff, v54  }
0x381: {  	v56 =	vld.idx.msk [tilespmem:v3+s23+$0x2900], $0xffff;
	v18 =	vpop (erf)  }
0x382: {  	v17 =	vpop (erf)  }
0x383: {  	v28 =	vpop (erf)  }
0x384: {  	v57 =	vmul.f32 $5.000000000e-01, v36;
	v30 =	vpop (erf)  }
0x385: {  	v58 =	vld.idx.msk [tilespmem:v8+s23+$0x2880], $0xffff;
	v19 =	vsub.f32 $0.0e+00, v55;
	v60 =	vadd.f32 v28, v30  }
0x386: {  	v38 =	vsub.f32 $0.0e+00, v61;
	v62 =	vld.idx.msk [tilespmem:v8+s23+$0x2900], $0xffff;
	v20 =	vsub.f32 $0.0e+00, v56;
	v27 =	vmul.f32 v57, v32;
	v32 =	vpop (erf)  }
0x387: {  	v63 =	vld.idx.msk [tilespmem:v9+s23+$0x2900], $0xffff;
	v19 =	vmul.f32 $1.442695020e+00, v19;
	v59 =	vsub.f32 $0.0e+00, v57;
	v35 =	vadd.f32 v32, v60  }
0x388: {  	v40 =	vmul.f32 $1.442695020e+00, v38;
	v20 =	vmul.f32 $1.442695020e+00, v20  }
0x389: {  	v33 =	vmul.f32 v59, v33;
	(erf) = vrcp.f32 v35  }
0x38a: {  	v31 =	vmul.f32 $1.442695020e+00, v58;
	(erf) = vpow2.f32 v19  }
0x38b: {  	v39 =	vmul.f32 $1.442695020e+00, v62;
	(erf) = vpow2.f32 v20  }
0x38c: {  	v41 =	vsub.f32 $0.0e+00, v63;
	v29 =	vmul.f32 v59, v43;
	[tilespmem:v3+s23+$0x7800] =	vst.idx.add.f32.msk $0xffff, v33;
	(erf) = vpow2.f32 v31  }
0x38d: {  	[tilespmem:v8+s23+$0x7800] =	vst.idx.add.f32.msk $0xffff, v27;
	(erf) = vpow2.f32 v39  }
0x38e: {  	v42 =	vmul.f32 $1.442695020e+00, v41;
	[tilespmem:v9+s23+$0x7800] =	vst.idx.add.f32.msk $0xffff, v29;
	(erf) = vpow2.f32 v40  }
0x38f: {  	v43 =	vld.idx.msk [tilespmem:v10+s23+$0x2800], $0xffff  }
0x390: {  	(erf) = vpow2.f32 v42;
	_ =	sdelay $0x1  }
0x391: {  	v27 =	vld.idx.msk [tilespmem:v11+s23+$0x2800], $0xffff;
	v19 =	vpop (erf)  }
0x392: {  	v44 =	vpop (erf)  }
0x393: {  	v20 =	vsub.f32 $0.0e+00, v43;
	v45 =	vpop (erf)  }
0x394: {  	v46 =	vpop (erf)  }
0x395: {  	v20 =	vmul.f32 $1.442695020e+00, v20;
	v47 =	vpop (erf);
	v48 =	vadd.f32 v46, v44  }
0x396: {  	v27 =	vmul.f32 $1.442695020e+00, v27;
	v49 =	vpop (erf)  }
0x397: {  	(erf) = vpow2.f32 v20;
	v51 =	vadd.f32 v47, v45;
	v50 =	vadd.f32 v49, v48  }
0x398: {  	(erf) = vpow2.f32 v27;
	v52 =	vpop (erf)  }
0x399: {  	v53 =	vadd.f32 v52, v51;
	(erf) = vrcp.f32 v50;
	_ =	sdelay $0x1  }
0x39a: {  	(erf) = vrcp.f32 v53;
	_ =	sdelay $0x4  }
0x39b: {  	v27 =	vpop (erf)  }
0x39c: {  	v54 =	vld.idx.msk [tilespmem:v12+s23+$0x2800], $0xffff;
	v37 =	vpop (erf)  }
0x39d: {  	v38 =	vpop (erf)  }
0x39e: {  	v38 =	vmul.f32 $5.000000000e-01, v38  }
0x39f: {  	v40 =	vpop (erf)  }
0x3a0: {  	v40 =	vmul.f32 $5.000000000e-01, v40;
	v39 =	vsub.f32 $0.0e+00, v38  }
0x3a1: {  	v35 =	vsub.f32 $0.0e+00, v54  }
0x3a2: {  	v55 =	vsub.f32 $0.0e+00, v40;
	v29 =	vmul.f32 v39, v44  }
0x3a3: {  	v35 =	vmul.f32 $1.442695020e+00, v35;
	v33 =	vmul.f32 v38, v46  }
0x3a4: {  	v56 =	vmul.f32 v55, v45;
	[tilespmem:v3+s23+$0x7880] =	vst.idx.add.f32.msk $0xffff, v29  }
0x3a5: {  	(erf) = vpow2.f32 v35;
	v36 =	vmul.f32 v39, v49;
	[tilespmem:v8+s23+$0x7880] =	vst.idx.add.f32.msk $0xffff, v33  }
0x3a6: {  	v57 =	vmul.f32 v40, v47;
	[tilespmem:v3+s23+$0x7900] =	vst.idx.add.f32.msk $0xffff, v56  }
0x3a7: {  	[tilespmem:v9+s23+$0x7880] =	vst.idx.add.f32.msk $0xffff, v36  }
0x3a8: {  	v20 =	vmul.f32 v55, v52;
	[tilespmem:v8+s23+$0x7900] =	vst.idx.add.f32.msk $0xffff, v57  }
0x3a9: {  	v58 =	vld.idx.msk [tilespmem:v10+s23+$0x2880], $0xffff  }
0x3aa: {  	[tilespmem:v9+s23+$0x7900] =	vst.idx.add.f32.msk $0xffff, v20  }
0x3ab: {  	v20 =	vld.idx.msk [tilespmem:v10+s23+$0x2900], $0xffff  }
0x3ac: {  	v59 =	vld.idx.msk [tilespmem:v11+s23+$0x2880], $0xffff  }
0x3ad: {  	v60 =	vadd.f32 v37, v27;
	v61 =	vld.idx.msk [tilespmem:v12+s23+$0x2880], $0xffff  }
0x3ae: {  	v35 =	vpop (erf);
	v62 =	vld.idx.msk [tilespmem:v11+s23+$0x2900], $0xffff;
	v29 =	vsub.f32 $0.0e+00, v58  }
0x3af: {  	v33 =	vadd.f32 v35, v60  }
0x3b0: {  	v63 =	vld.idx.msk [tilespmem:v12+s23+$0x2900], $0xffff;
	v20 =	vsub.f32 $0.0e+00, v20;
	v29 =	vmul.f32 $1.442695020e+00, v29  }
0x3b1: {  	(erf) = vrcp.f32 v33;
	v31 =	vmul.f32 $1.442695020e+00, v59  }
0x3b2: {  	v39 =	vsub.f32 $0.0e+00, v61;
	v20 =	vmul.f32 $1.442695020e+00, v20;
	(erf) = vpow2.f32 v29  }
0x3b3: {  	v40 =	vmul.f32 $1.442695020e+00, v62;
	(erf) = vpow2.f32 v31  }
0x3b4: {  	v41 =	vmul.f32 $1.442695020e+00, v39;
	(erf) = vpow2.f32 v20  }
0x3b5: {  	v42 =	vsub.f32 $0.0e+00, v63;
	(erf) = vpow2.f32 v40  }
0x3b6: {  	(erf) = vpow2.f32 v41  }
0x3b7: {  	v43 =	vmul.f32 $1.442695020e+00, v42;
	_ =	sdelay $0x1  }
0x3b8: {  	(erf) = vpow2.f32 v43  }
0x3b9: {  	v44 =	vpop (erf)  }
0x3ba: {  	v45 =	vpop (erf)  }
0x3bb: {  	v46 =	vpop (erf)  }
0x3bc: {  	v19 =	vmul.f32 $5.000000000e-01, v19;
	v47 =	vpop (erf)  }
0x3bd: {  	v48 =	vadd.f32 v46, v45;
	v49 =	vpop (erf)  }
0x3be: {  	v50 =	vsub.f32 $0.0e+00, v19;
	v51 =	vpop (erf)  }
0x3bf: {  	v18 =	vmul.f32 $5.000000000e-01, v18;
	v34 =	vadd.f32 v51, v48  }
0x3c0: {  	v53 =	vsub.f32 $0.0e+00, v15;
	v30 =	vmul.f32 v50, v30;
	v52 =	vadd.f32 v49, v47  }
0x3c1: {  	v19 =	vmul.f32 v19, v28;
	v54 =	vpop (erf);
	(erf) = vrcp.f32 v34  }
0x3c2: {  	v13 =	vmul.f32 v53, v13;
	[tilespmem:v10+s23+$0x7980] =	vst.idx.add.f32.msk $0xffff, v30;
	v56 =	vadd.f32 v54, v52  }
0x3c3: {  	v14 =	vmul.f32 v15, v14;
	v15 =	vsub.f32 $0.0e+00, v18;
	[tilespmem:v11+s23+$0x7980] =	vst.idx.add.f32.msk $0xffff, v19  }
0x3c4: {  	v16 =	vmul.f32 v53, v16;
	[tilespmem:v10+s22+$0x7800] =	vst.idx.add.f32.msk $0xffff, v13;
	(erf) = vrcp.f32 v56  }
0x3c5: {  	v17 =	vmul.f32 $5.000000000e-01, v17;
	v13 =	vmul.f32 v15, v23;
	[tilespmem:v11+s22+$0x7800] =	vst.idx.add.f32.msk $0xffff, v14  }
0x3c6: {  	v14 =	vmul.f32 v18, v24;
	[tilespmem:v12+s22+$0x7800] =	vst.idx.add.f32.msk $0xffff, v16  }
0x3c7: {  	v15 =	vmul.f32 v15, v26;
	[tilespmem:v10+s22+$0x7880] =	vst.idx.add.f32.msk $0xffff, v13;
	v57 =	vsub.f32 $0.0e+00, v17  }
0x3c8: {  	[tilespmem:v11+s22+$0x7880] =	vst.idx.add.f32.msk $0xffff, v14;
	v55 =	vmul.f32 v50, v32;
	v13 =	vmul.f32 $5.000000000e-01, v44  }
0x3c9: {  	[tilespmem:v12+s22+$0x7880] =	vst.idx.add.f32.msk $0xffff, v15;
	v58 =	vmul.f32 v57, v21  }
0x3ca: {  	v14 =	vmul.f32 v17, v22;
	[tilespmem:v12+s23+$0x7980] =	vst.idx.add.f32.msk $0xffff, v55;
	v15 =	vsub.f32 $0.0e+00, v13;
	v59 =	vpop (erf)  }
0x3cb: {  	v18 =	vmul.f32 v57, v25;
	[tilespmem:v10+s22+$0x7900] =	vst.idx.add.f32.msk $0xffff, v58;
	v60 =	vmul.f32 $5.000000000e-01, v59  }
0x3cc: {  	[tilespmem:v11+s22+$0x7900] =	vst.idx.add.f32.msk $0xffff, v14;
	v14 =	vmul.f32 v15, v27  }
0x3cd: {  	[tilespmem:v12+s22+$0x7900] =	vst.idx.add.f32.msk $0xffff, v18;
	v13 =	vmul.f32 v13, v37;
	v61 =	vpop (erf);
	v62 =	vsub.f32 $0.0e+00, v60  }
0x3ce: {  	v15 =	vmul.f32 v15, v35;
	[tilespmem:v10+s23+$0x7800] =	vst.idx.add.f32.msk $0xffff, v14;
	v17 =	vmul.f32 $5.000000000e-01, v61  }
0x3cf: {  	[tilespmem:v11+s23+$0x7800] =	vst.idx.add.f32.msk $0xffff, v13;
	v14 =	vmul.f32 v62, v45  }
0x3d0: {  	[tilespmem:v12+s23+$0x7800] =	vst.idx.add.f32.msk $0xffff, v15;
	v13 =	vmul.f32 v60, v46;
	v63 =	vsub.f32 $0.0e+00, v17  }
0x3d1: {  	v15 =	vmul.f32 v62, v51;
	[tilespmem:v10+s23+$0x7880] =	vst.idx.add.f32.msk $0xffff, v14  }
0x3d2: {  	s20 =	sadd.s32 $0x3, s20;
	v14 =	vmul.f32 v63, v47;
	[tilespmem:v11+s23+$0x7880] =	vst.idx.add.f32.msk $0xffff, v13  }
0x3d3: {  	p1 =	sge.u32 s20, s5;
	v13 =	vmul.f32 v17, v49;
	[tilespmem:v12+s23+$0x7880] =	vst.idx.add.f32.msk $0xffff, v15  }
0x3d4: {  	s20 =	sshll.u32 @!p1 s20, $0x5;
	v15 =	vmul.f32 v63, v54;
	[tilespmem:v10+s23+$0x7900] =	vst.idx.add.f32.msk $0xffff, v14  }
0x3d5: {  	s21 =	sshrl.u32 s21, $0x3;
	s20 =	sor.u32 @!p1 s4, s20;
	[tilespmem:v11+s23+$0x7900] =	vst.idx.add.f32.msk $0xffff, v13  }
0x3d6: {  	s19 =	sadd.s32 $0x1, s19;
	s21 =	sadd.s32 s2, s21;
	s20 =	smul.u32 @!p1 $0x500, s20;
	[tilespmem:v12+s23+$0x7900] =	vst.idx.add.f32.msk $0xffff, v15  }
0x3d7: {  	[hbm4b:s21+s3] =	stream.linear.scatter [tilespmem:s15], [sflag:$0x4], $0x2800, $0x38;
	[tilespmem:$0xA000] =	vst v63  }
0x3d8: {  	s20 =	sadd.s32 @!p1 s0, s20;
	s22 =	simm.s32 @!p1 $0x2800;
	s21 =	simm.s32 @!p1 $0x0  }
0x3d9: {  	[tilespmem:s22], [sflag:$0x2] =	stream.linear.gather @!p1 [hbm4b:s20+s21], $0x2800, $0x38;
	[tilespmem:$0xA000] =	vst v63  }
0x3da: {  	p1 =	sne.s32 s19, $0x13  }
.Ltmp4:
0x3db: {  	_ = 	snop;
	(pc) =	sbr.rel @p1 .LBB2_2-.Ltmp4, $1  }
0x3dc: {  	_ =	sdelay $0x3  }
0x3dd: {  	_ =	swait.ge [sflag:s12], $0x2800  }
0x3de: {  	[sflag:s12] =	ssyncset.done $0x0  }
0x3df: {  	[sflag:s12] =	ssyncadd.s32 $0xFFFFD800  }
0x3e0: {  	_ =	swait.ge [sflag:s16], $0x2800  }
0x3e1: {  	[sflag:s16] =	ssyncset.done $0x0  }
0x3e2: {  	s19 =	simm.s32 $0x0;
	[sflag:s16] =	ssyncadd.s32 $0xFFFFD800  }
0x3e3: {  	[tilespmem:s19+$0x5180] =	vst v0  }
0x3e4: {  	[tilespmem:s19+$0x5190] =	vst v0  }
0x3e5: {  	[tilespmem:s19+$0x51A0] =	vst v0  }
0x3e6: {  	[tilespmem:s19+$0x51B0] =	vst v0  }
0x3e7: {  	[tilespmem:s19+$0x51C0] =	vst v0  }
0x3e8: {  	[tilespmem:s19+$0x51D0] =	vst v0  }
0x3e9: {  	[tilespmem:s19+$0x51E0] =	vst v0  }
0x3ea: {  	[tilespmem:s19+$0x51F0] =	vst v0  }
0x3eb: {  	[tilespmem:s19+$0x5000] =	vst v0  }
0x3ec: {  	[tilespmem:s19+$0x5010] =	vst v0;
	v13 =	vld.idx.msk [tilespmem:v1+s19+$0x180], $0xffff  }
0x3ed: {  	[tilespmem:s19+$0x5020] =	vst v0;
	v14 =	vld.idx.msk [tilespmem:v4+s19+$0x180], $0xffff  }
0x3ee: {  	[tilespmem:s19+$0x5030] =	vst v0;
	v15 =	vld.idx.msk [tilespmem:v5+s19+$0x180], $0xffff  }
0x3ef: {  	[tilespmem:s19+$0x5040] =	vst v0  }
0x3f0: {  	[tilespmem:s19+$0x5050] =	vst v0  }
0x3f1: {  	[tilespmem:s19+$0x5060] =	vst v0;
	v13 =	vsub.f32 $0.0e+00, v13  }
0x3f2: {  	[tilespmem:s19+$0x5070] =	vst v0;
	v14 =	vmul.f32 $1.442695020e+00, v14  }
0x3f3: {  	v16 =	vld.idx.msk [tilespmem:v1+s19+$0x0], $0xffff;
	v15 =	vsub.f32 $0.0e+00, v15;
	v13 =	vmul.f32 $1.442695020e+00, v13  }
0x3f4: {  	(erf) = vpow2.f32 v14;
	v14 =	vld.idx.msk [tilespmem:v4+s19+$0x0], $0xffff  }
0x3f5: {  	v15 =	vmul.f32 $1.442695020e+00, v15;
	(erf) = vpow2.f32 v13;
	v13 =	vld.idx.msk [tilespmem:v5+s19+$0x0], $0xffff;
	_ =	sdelay $0x1  }
0x3f6: {  	[tilespmem:s19+$0x5080] =	vst v0;
	(erf) = vpow2.f32 v15  }
0x3f7: {  	[tilespmem:s19+$0x5090] =	vst v0;
	v15 =	vsub.f32 $0.0e+00, v16  }
0x3f8: {  	[tilespmem:s19+$0x50A0] =	vst v0;
	v14 =	vmul.f32 $1.442695020e+00, v14  }
0x3f9: {  	[tilespmem:s19+$0x50B0] =	vst v0;
	v15 =	vmul.f32 $1.442695020e+00, v15;
	v13 =	vsub.f32 $0.0e+00, v13  }
0x3fa: {  	[tilespmem:s19+$0x50C0] =	vst v0  }
0x3fb: {  	[tilespmem:s19+$0x50D0] =	vst v0;
	v13 =	vmul.f32 $1.442695020e+00, v13  }
0x3fc: {  	[tilespmem:s19+$0x50E0] =	vst v0;
	(erf) = vpow2.f32 v14;
	v14 =	vpop (erf)  }
0x3fd: {  	[tilespmem:s19+$0x50F0] =	vst v0;
	(erf) = vpow2.f32 v15;
	v15 =	vpop (erf)  }
0x3fe: {  	[tilespmem:s19+$0x5100] =	vst v0;
	v17 =	vadd.f32 v14, v15  }
0x3ff: {  	[tilespmem:s19+$0x5110] =	vst v0;
	v16 =	vld.idx.msk [tilespmem:v1+s19+$0x80], $0xffff;
	(erf) = vpow2.f32 v13;
	v13 =	vpop (erf)  }
0x400: {  	[tilespmem:s19+$0x5120] =	vst v0;
	v18 =	vld.idx.msk [tilespmem:v5+s19+$0x80], $0xffff;
	v17 =	vadd.f32 v13, v17  }
0x401: {  	[tilespmem:s19+$0x5130] =	vst v0  }
0x402: {  	[tilespmem:s19+$0x5140] =	vst v0;
	v19 =	vld.idx.msk [tilespmem:v4+s19+$0x80], $0xffff;
	(erf) = vrcp.f32 v17  }
0x403: {  	[tilespmem:s19+$0x5150] =	vst v0  }
0x404: {  	[tilespmem:s19+$0x5160] =	vst v0;
	v16 =	vsub.f32 $0.0e+00, v16  }
0x405: {  	[tilespmem:s19+$0x5170] =	vst v0;
	v18 =	vsub.f32 $0.0e+00, v18;
	v17 =	vpop (erf)  }
0x406: {  	v20 =	vld.idx.msk [tilespmem:v1+s19+$0x100], $0xffff;
	v16 =	vmul.f32 $1.442695020e+00, v16;
	v21 =	vpop (erf)  }
0x407: {  	v23 =	vld.idx.msk [tilespmem:v4+s19+$0x100], $0xffff;
	v19 =	vmul.f32 $1.442695020e+00, v19;
	v18 =	vmul.f32 $1.442695020e+00, v18;
	v22 =	vadd.f32 v17, v21  }
0x408: {  	(erf) = vpow2.f32 v16;
	v25 =	vpop (erf)  }
0x409: {  	v24 =	vld.idx.msk [tilespmem:v5+s19+$0x100], $0xffff;
	(erf) = vpow2.f32 v19;
	v16 =	vadd.f32 v25, v22  }
0x40a: {  	(erf) = vpow2.f32 v18  }
0x40b: {  	(erf) = vrcp.f32 v16;
	v16 =	vsub.f32 $0.0e+00, v20;
	v18 =	vpop (erf)  }
0x40c: {  	v19 =	vmul.f32 $1.442695020e+00, v23;
	v18 =	vmul.f32 $5.000000000e-01, v18  }
0x40d: {  	v16 =	vmul.f32 $1.442695020e+00, v16  }
0x40e: {  	v20 =	vsub.f32 $0.0e+00, v24;
	(erf) = vpow2.f32 v19;
	v19 =	vsub.f32 $0.0e+00, v18;
	_ =	sdelay $0x1  }
0x40f: {  	v20 =	vmul.f32 $1.442695020e+00, v20;
	v15 =	vmul.f32 v19, v15  }
0x410: {  	(erf) = vpow2.f32 v16;
	v14 =	vmul.f32 v18, v14;
	v16 =	vpop (erf)  }
0x411: {  	v18 =	vpop (erf)  }
0x412: {  	(erf) = vpow2.f32 v20;
	v20 =	vadd.f32 v18, v16  }
0x413: {  	v13 =	vmul.f32 v19, v13;
	[tilespmem:v1+s19+$0x5180] =	vst.idx.add.f32.msk $0xffff, v15;
	v15 =	vpop (erf)  }
0x414: {  	[tilespmem:v4+s19+$0x5180] =	vst.idx.add.f32.msk $0xffff, v14;
	v14 =	vpop (erf);
	v19 =	vadd.f32 v15, v20  }
0x415: {  	[tilespmem:v5+s19+$0x5180] =	vst.idx.add.f32.msk $0xffff, v13;
	v14 =	vmul.f32 $5.000000000e-01, v14  }
0x416: {  	v13 =	vld.idx.msk [tilespmem:v6+s19+$0x180], $0xffff  }
0x417: {  	v22 =	vld.idx.msk [tilespmem:v7+s19+$0x180], $0xffff;
	v20 =	vsub.f32 $0.0e+00, v14  }
0x418: {  	v23 =	vld.idx.msk [tilespmem:v2+s19+$0x180], $0xffff;
	(erf) = vrcp.f32 v19;
	v19 =	vpop (erf)  }
0x419: {  	v24 =	vpop (erf);
	v21 =	vmul.f32 v20, v21  }
0x41a: {  	v14 =	vmul.f32 v14, v17;
	v26 =	vadd.f32 v19, v24  }
0x41b: {  	v20 =	vmul.f32 v20, v25;
	v17 =	vpop (erf);
	[tilespmem:v1+s19+$0x5000] =	vst.idx.add.f32.msk $0xffff, v21  }
0x41c: {  	v13 =	vsub.f32 $0.0e+00, v13;
	v21 =	vadd.f32 v17, v26;
	[tilespmem:v4+s19+$0x5000] =	vst.idx.add.f32.msk $0xffff, v14  }
0x41d: {  	v14 =	vmul.f32 $1.442695020e+00, v22;
	[tilespmem:v5+s19+$0x5000] =	vst.idx.add.f32.msk $0xffff, v20;
	v20 =	vsub.f32 $0.0e+00, v23  }
0x41e: {  	v13 =	vmul.f32 $1.442695020e+00, v13;
	(erf) = vrcp.f32 v21;
	v21 =	vld.idx.msk [tilespmem:v6+s19+$0x0], $0xffff  }
0x41f: {  	(erf) = vpow2.f32 v14  }
0x420: {  	(erf) = vpow2.f32 v13;
	v13 =	vld.idx.msk [tilespmem:v7+s19+$0x0], $0xffff  }
0x421: {  	v22 =	vld.idx.msk [tilespmem:v2+s19+$0x0], $0xffff;
	v14 =	vmul.f32 $1.442695020e+00, v20;
	v20 =	vpop (erf)  }
0x422: {  	v20 =	vmul.f32 $5.000000000e-01, v20  }
0x423: {  	(erf) = vpow2.f32 v14;
	v21 =	vsub.f32 $0.0e+00, v21  }
0x424: {  	v14 =	vsub.f32 $0.0e+00, v20;
	v18 =	vmul.f32 v20, v18  }
0x425: {  	v20 =	vmul.f32 $1.442695020e+00, v21;
	v13 =	vmul.f32 $1.442695020e+00, v13  }
0x426: {  	v16 =	vmul.f32 v14, v16;
	v14 =	vmul.f32 v14, v15;
	v15 =	vsub.f32 $0.0e+00, v22;
	_ =	sdelay $0x1  }
0x427: {  	v21 =	vpop (erf);
	(erf) = vpow2.f32 v20;
	v15 =	vmul.f32 $1.442695020e+00, v15  }
0x428: {  	[tilespmem:v1+s19+$0x5080] =	vst.idx.add.f32.msk $0xffff, v16;
	v20 =	vpop (erf);
	(erf) = vpow2.f32 v13  }
0x429: {  	v16 =	vmul.f32 $5.000000000e-01, v21;
	[tilespmem:v4+s19+$0x5080] =	vst.idx.add.f32.msk $0xffff, v18;
	v13 =	vpop (erf)  }
0x42a: {  	[tilespmem:v5+s19+$0x5080] =	vst.idx.add.f32.msk $0xffff, v14;
	(erf) = vpow2.f32 v15;
	v18 =	vadd.f32 v20, v13  }
0x42b: {  	v14 =	vsub.f32 $0.0e+00, v16;
	v21 =	vld.idx.msk [tilespmem:v6+s19+$0x80], $0xffff;
	v15 =	vpop (erf)  }
0x42c: {  	v22 =	vld.idx.msk [tilespmem:v7+s19+$0x80], $0xffff;
	v18 =	vadd.f32 v15, v18  }
0x42d: {  	v23 =	vmul.f32 v14, v24  }
0x42e: {  	v16 =	vmul.f32 v16, v19;
	v19 =	vld.idx.msk [tilespmem:v2+s19+$0x80], $0xffff  }
0x42f: {  	v14 =	vmul.f32 v14, v17;
	[tilespmem:v1+s19+$0x5100] =	vst.idx.add.f32.msk $0xffff, v23;
	(erf) = vrcp.f32 v18  }
0x430: {  	[tilespmem:v4+s19+$0x5100] =	vst.idx.add.f32.msk $0xffff, v16;
	v16 =	vsub.f32 $0.0e+00, v21;
	v18 =	vpop (erf)  }
0x431: {  	[tilespmem:v5+s19+$0x5100] =	vst.idx.add.f32.msk $0xffff, v14;
	v14 =	vmul.f32 $1.442695020e+00, v22;
	v22 =	vpop (erf)  }
0x432: {  	v17 =	vld.idx.msk [tilespmem:v6+s19+$0x100], $0xffff;
	v16 =	vmul.f32 $1.442695020e+00, v16;
	v23 =	vadd.f32 v22, v18  }
0x433: {  	v19 =	vsub.f32 $0.0e+00, v19;
	v24 =	vld.idx.msk [tilespmem:v2+s19+$0x100], $0xffff;
	(erf) = vpow2.f32 v14;
	v25 =	vpop (erf)  }
0x434: {  	v21 =	vld.idx.msk [tilespmem:v7+s19+$0x100], $0xffff;
	(erf) = vpow2.f32 v16;
	v16 =	vadd.f32 v25, v23  }
0x435: {  	v14 =	vmul.f32 $1.442695020e+00, v19;
	_ =	sdelay $0x1  }
0x436: {  	(erf) = vpow2.f32 v14  }
0x437: {  	v19 =	vsub.f32 $0.0e+00, v24;
	(erf) = vrcp.f32 v16;
	v16 =	vpop (erf)  }
0x438: {  	v14 =	vsub.f32 $0.0e+00, v17;
	v17 =	vmul.f32 $1.442695020e+00, v21;
	v16 =	vmul.f32 $5.000000000e-01, v16  }
0x439: {  	v21 =	vmul.f32 $1.442695020e+00, v19  }
0x43a: {  	v14 =	vmul.f32 $1.442695020e+00, v14;
	(erf) = vpow2.f32 v17;
	v17 =	vsub.f32 $0.0e+00, v16;
	_ =	sdelay $0x1  }
0x43b: {  	(erf) = vpow2.f32 v14;
	v19 =	vpop (erf);
	v13 =	vmul.f32 v17, v13  }
0x43c: {  	(erf) = vpow2.f32 v21;
	v14 =	vmul.f32 v16, v20;
	v21 =	vpop (erf)  }
0x43d: {  	v16 =	vadd.f32 v19, v21;
	[tilespmem:v6+s19+$0x5180] =	vst.idx.add.f32.msk $0xffff, v13;
	v13 =	vmul.f32 v17, v15  }
0x43e: {  	v20 =	vpop (erf);
	[tilespmem:v7+s19+$0x5180] =	vst.idx.add.f32.msk $0xffff, v14  }
0x43f: {  	v14 =	vadd.f32 v20, v16;
	[tilespmem:v2+s19+$0x5180] =	vst.idx.add.f32.msk $0xffff, v13  }
0x440: {  	v17 =	vld.idx.msk [tilespmem:v3+s19+$0x180], $0xffff;
	_ =	sdelay $0x1  }
0x441: {  	(erf) = vrcp.f32 v14;
	v13 =	vpop (erf)  }
0x442: {  	v23 =	vld.idx.msk [tilespmem:v8+s19+$0x180], $0xffff;
	v14 =	vpop (erf)  }
0x443: {  	v13 =	vmul.f32 $5.000000000e-01, v13;
	v16 =	vpop (erf)  }
0x444: {  	v24 =	vld.idx.msk [tilespmem:v9+s19+$0x180], $0xffff;
	v26 =	vadd.f32 v14, v16;
	v17 =	vsub.f32 $0.0e+00, v17  }
0x445: {  	v27 =	vsub.f32 $0.0e+00, v13;
	v15 =	vpop (erf)  }
0x446: {  	v13 =	vmul.f32 v13, v22;
	v22 =	vadd.f32 v15, v26;
	v17 =	vmul.f32 $1.442695020e+00, v17  }
0x447: {  	v23 =	vmul.f32 $1.442695020e+00, v23;
	v18 =	vmul.f32 v27, v18  }
0x448: {  	(erf) = vrcp.f32 v22  }
0x449: {  	v24 =	vsub.f32 $0.0e+00, v24;
	v22 =	vmul.f32 v27, v25;
	[tilespmem:v6+s19+$0x5000] =	vst.idx.add.f32.msk $0xffff, v18;
	(erf) = vpow2.f32 v23  }
0x44a: {  	[tilespmem:v7+s19+$0x5000] =	vst.idx.add.f32.msk $0xffff, v13;
	(erf) = vpow2.f32 v17;
	v17 =	vpop (erf)  }
0x44b: {  	v13 =	vmul.f32 $1.442695020e+00, v24;
	[tilespmem:v2+s19+$0x5000] =	vst.idx.add.f32.msk $0xffff, v22;
	v22 =	vmul.f32 $5.000000000e-01, v17;
	_ =	sdelay $0x1  }
0x44c: {  	v18 =	vld.idx.msk [tilespmem:v3+s19+$0x0], $0xffff;
	(erf) = vpow2.f32 v13;
	v23 =	vsub.f32 $0.0e+00, v22  }
0x44d: {  	v13 =	vld.idx.msk [tilespmem:v8+s19+$0x0], $0xffff  }
0x44e: {  	v17 =	vld.idx.msk [tilespmem:v9+s19+$0x0], $0xffff;
	v21 =	vmul.f32 v23, v21;
	_ =	sdelay $0x2  }
0x44f: {  	v18 =	vsub.f32 $0.0e+00, v18;
	v24 =	vpop (erf)  }
0x450: {  	s20 =	simm.s32 $0x200;
	v13 =	vmul.f32 $1.442695020e+00, v13;
	[tilespmem:v6+s19+$0x5080] =	vst.idx.add.f32.msk $0xffff, v21;
	v21 =	vpop (erf)  }
0x451: {  	[tilespmem:s20+$0x5180] =	vst v0;
	v17 =	vsub.f32 $0.0e+00, v17;
	v18 =	vmul.f32 $1.442695020e+00, v18;
	v25 =	vpop (erf)  }
0x452: {  	[tilespmem:s20+$0x5190] =	vst v0;
	(erf) = vpow2.f32 v13;
	v13 =	vadd.f32 v21, v25  }
0x453: {  	[tilespmem:s20+$0x51A0] =	vst v0;
	v17 =	vmul.f32 $1.442695020e+00, v17;
	(erf) = vpow2.f32 v18;
	v26 =	vpop (erf)  }
0x454: {  	[tilespmem:s20+$0x51B0] =	vst v0;
	v13 =	vadd.f32 v26, v13  }
0x455: {  	[tilespmem:s20+$0x51C0] =	vst v0;
	(erf) = vpow2.f32 v17  }
0x456: {  	[tilespmem:s20+$0x51D0] =	vst v0;
	(erf) = vrcp.f32 v13  }
0x457: {  	[tilespmem:s20+$0x51E0] =	vst v0  }
0x458: {  	[tilespmem:s20+$0x51F0] =	vst v0  }
0x459: {  	[tilespmem:s20+$0x5000] =	vst v0  }
0x45a: {  	[tilespmem:s20+$0x5010] =	vst v0;
	v28 =	vld.idx.msk [tilespmem:v4+s20+$0x180], $0xffff  }
0x45b: {  	[tilespmem:s20+$0x5020] =	vst v0;
	v27 =	vld.idx.msk [tilespmem:v1+s20+$0x180], $0xffff;
	v18 =	vpop (erf)  }
0x45c: {  	[tilespmem:s20+$0x5030] =	vst v0;
	v29 =	vld.idx.msk [tilespmem:v5+s20+$0x180], $0xffff;
	v17 =	vpop (erf)  }
0x45d: {  	[tilespmem:s20+$0x5040] =	vst v0;
	v30 =	vadd.f32 v18, v17  }
0x45e: {  	[tilespmem:s20+$0x5050] =	vst v0;
	v13 =	vpop (erf)  }
0x45f: {  	[tilespmem:s20+$0x5060] =	vst v0;
	v30 =	vadd.f32 v13, v30;
	v31 =	vpop (erf)  }
0x460: {  	[tilespmem:s20+$0x5070] =	vst v0;
	v28 =	vmul.f32 $1.442695020e+00, v28;
	v27 =	vsub.f32 $0.0e+00, v27;
	v31 =	vmul.f32 $5.000000000e-01, v31  }
0x461: {  	[tilespmem:s20+$0x5080] =	vst v0;
	v29 =	vsub.f32 $0.0e+00, v29;
	(erf) = vrcp.f32 v30;
	v30 =	vld.idx.msk [tilespmem:v1+s20+$0x0], $0xffff  }
0x462: {  	[tilespmem:s20+$0x5090] =	vst v0;
	v27 =	vmul.f32 $1.442695020e+00, v27;
	(erf) = vpow2.f32 v28;
	v28 =	vsub.f32 $0.0e+00, v31  }
0x463: {  	[tilespmem:s20+$0x50A0] =	vst v0;
	v32 =	vld.idx.msk [tilespmem:v4+s20+$0x0], $0xffff;
	v29 =	vmul.f32 $1.442695020e+00, v29  }
0x464: {  	[tilespmem:s20+$0x50B0] =	vst v0;
	(erf) = vpow2.f32 v27;
	v27 =	vld.idx.msk [tilespmem:v5+s20+$0x0], $0xffff;
	v25 =	vmul.f32 v28, v25  }
0x465: {  	[tilespmem:s20+$0x50C0] =	vst v0;
	v21 =	vmul.f32 v31, v21  }
0x466: {  	(erf) = vpow2.f32 v29;
	[tilespmem:v3+s19+$0x5180] =	vst.idx.add.f32.msk $0xffff, v25;
	v25 =	vmul.f32 v28, v26;
	v26 =	vsub.f32 $0.0e+00, v30  }
0x467: {  	[tilespmem:v8+s19+$0x5180] =	vst.idx.add.f32.msk $0xffff, v21  }
0x468: {  	[tilespmem:v9+s19+$0x5180] =	vst.idx.add.f32.msk $0xffff, v25;
	v25 =	vmul.f32 $1.442695020e+00, v26  }
0x469: {  	[tilespmem:s20+$0x50D0] =	vst v0;
	v21 =	vmul.f32 $1.442695020e+00, v32;
	v26 =	vsub.f32 $0.0e+00, v27  }
0x46a: {  	[tilespmem:s20+$0x50E0] =	vst v0;
	v27 =	vld.idx.msk [tilespmem:v10+s19+$0x180], $0xffff  }
0x46b: {  	[tilespmem:s20+$0x50F0] =	vst v0;
	v28 =	vpop (erf);
	(erf) = vpow2.f32 v21;
	v21 =	vld.idx.msk [tilespmem:v11+s19+$0x180], $0xffff;
	v26 =	vmul.f32 $1.442695020e+00, v26  }
0x46c: {  	[tilespmem:s20+$0x5100] =	vst v0;
	v29 =	vld.idx.msk [tilespmem:v12+s19+$0x180], $0xffff;
	(erf) = vpow2.f32 v25;
	v25 =	vpop (erf)  }
0x46d: {  	[tilespmem:s20+$0x5110] =	vst v0;
	v30 =	vld.idx.msk [tilespmem:v1+s20+$0x80], $0xffff;
	v31 =	vpop (erf)  }
0x46e: {  	[tilespmem:s20+$0x5120] =	vst v0;
	v44 =	vadd.f32 v25, v31  }
0x46f: {  	[tilespmem:s20+$0x5130] =	vst v0;
	v19 =	vmul.f32 v22, v19;
	(erf) = vpow2.f32 v26;
	v26 =	vpop (erf)  }
0x470: {  	[tilespmem:s20+$0x5140] =	vst v0;
	v22 =	vld.idx.msk [tilespmem:v4+s20+$0x80], $0xffff;
	v20 =	vmul.f32 v23, v20;
	v27 =	vsub.f32 $0.0e+00, v27;
	v32 =	vadd.f32 v26, v44  }
0x471: {  	[tilespmem:s20+$0x5150] =	vst v0;
	v23 =	vld.idx.msk [tilespmem:v5+s20+$0x80], $0xffff;
	v24 =	vmul.f32 $5.000000000e-01, v24;
	v21 =	vmul.f32 $1.442695020e+00, v21;
	v29 =	vsub.f32 $0.0e+00, v29  }
0x472: {  	[tilespmem:s20+$0x5160] =	vst v0;
	v30 =	vsub.f32 $0.0e+00, v30;
	v27 =	vmul.f32 $1.442695020e+00, v27;
	(erf) = vrcp.f32 v32  }
0x473: {  	[tilespmem:s20+$0x5170] =	vst v0;
	(erf) = vpow2.f32 v21;
	v21 =	vmul.f32 $1.442695020e+00, v29  }
0x474: {  	(erf) = vpow2.f32 v27;
	v27 =	vmul.f32 $1.442695020e+00, v30;
	v30 =	vld.idx.msk [tilespmem:v1+s20+$0x100], $0xffff  }
0x475: {  	v29 =	vpop (erf);
	(erf) = vpow2.f32 v21;
	v21 =	vsub.f32 $0.0e+00, v24  }
0x476: {  	v34 =	vld.idx.msk [tilespmem:v4+s20+$0x100], $0xffff;
	v22 =	vmul.f32 $1.442695020e+00, v22;
	v14 =	vmul.f32 v24, v14;
	v23 =	vsub.f32 $0.0e+00, v23;
	v45 =	vpop (erf)  }
0x477: {  	[tilespmem:v7+s19+$0x5080] =	vst.idx.add.f32.msk $0xffff, v19;
	v33 =	vadd.f32 v29, v45;
	(erf) = vpow2.f32 v27;
	v16 =	vmul.f32 v21, v16  }
0x478: {  	v23 =	vmul.f32 $1.442695020e+00, v23;
	v35 =	vpop (erf);
	v27 =	vld.idx.msk [tilespmem:v5+s20+$0x100], $0xffff;
	(erf) = vpow2.f32 v22  }
0x479: {  	v19 =	vadd.f32 v35, v33;
	v15 =	vmul.f32 v21, v15;
	[tilespmem:v6+s19+$0x5100] =	vst.idx.add.f32.msk $0xffff, v16;
	v16 =	vsub.f32 $0.0e+00, v30  }
0x47a: {  	(erf) = vpow2.f32 v23;
	[tilespmem:v7+s19+$0x5100] =	vst.idx.add.f32.msk $0xffff, v14  }
0x47b: {  	(erf) = vrcp.f32 v19;
	[tilespmem:v2+s19+$0x5100] =	vst.idx.add.f32.msk $0xffff, v15;
	v15 =	vmul.f32 $1.442695020e+00, v16  }
0x47c: {  	v19 =	vmul.f32 $1.442695020e+00, v34;
	v14 =	vpop (erf)  }
0x47d: {  	[tilespmem:v2+s19+$0x5080] =	vst.idx.add.f32.msk $0xffff, v20;
	v20 =	vmul.f32 $5.000000000e-01, v14;
	v14 =	vpop (erf)  }
0x47e: {  	v47 =	vld.idx.msk [tilespmem:v9+s19+$0x80], $0xffff;
	v22 =	vmul.f32 $5.000000000e-01, v28;
	v16 =	vpop (erf);
	(erf) = vpow2.f32 v19  }
0x47f: {  	v23 =	vld.idx.msk [tilespmem:v3+s19+$0x80], $0xffff;
	v21 =	vsub.f32 $0.0e+00, v27;
	v24 =	vsub.f32 $0.0e+00, v20;
	(erf) = vpow2.f32 v15;
	v15 =	vpop (erf)  }
0x480: {  	v46 =	vsub.f32 $0.0e+00, v22;
	v27 =	vld.idx.msk [tilespmem:v8+s19+$0x80], $0xffff;
	v20 =	vmul.f32 v20, v25;
	v30 =	vpop (erf)  }
0x481: {  	v19 =	vld.idx.msk [tilespmem:v3+s19+$0x100], $0xffff;
	v21 =	vmul.f32 $1.442695020e+00, v21;
	v28 =	vadd.f32 v14, v16;
	v31 =	vmul.f32 v24, v31;
	v36 =	vpop (erf)  }
0x482: {  	v18 =	vmul.f32 v22, v18;
	v17 =	vmul.f32 v46, v17;
	v37 =	vld.idx.msk [tilespmem:v9+s19+$0x100], $0xffff;
	v25 =	vadd.f32 v36, v30  }
0x483: {  	(erf) = vpow2.f32 v21;
	v28 =	vadd.f32 v15, v28;
	v22 =	vmul.f32 v24, v26;
	[tilespmem:v1+s20+$0x5180] =	vst.idx.add.f32.msk $0xffff, v31;
	v24 =	vpop (erf)  }
0x484: {  	[tilespmem:v4+s20+$0x5180] =	vst.idx.add.f32.msk $0xffff, v20;
	v20 =	vpop (erf);
	v25 =	vadd.f32 v24, v25  }
0x485: {  	v23 =	vsub.f32 $0.0e+00, v23;
	[tilespmem:v3+s19+$0x5000] =	vst.idx.add.f32.msk $0xffff, v17;
	(erf) = vrcp.f32 v28;
	v20 =	vmul.f32 $5.000000000e-01, v20  }
0x486: {  	v21 =	vld.idx.msk [tilespmem:v8+s19+$0x100], $0xffff;
	v19 =	vsub.f32 $0.0e+00, v19;
	(erf) = vrcp.f32 v25  }
0x487: {  	v23 =	vmul.f32 $1.442695020e+00, v23;
	[tilespmem:v5+s20+$0x5180] =	vst.idx.add.f32.msk $0xffff, v22;
	v25 =	vsub.f32 $0.0e+00, v20  }
0x488: {  	v22 =	vmul.f32 $1.442695020e+00, v27;
	v19 =	vmul.f32 $1.442695020e+00, v19;
	v26 =	vld.idx.msk [tilespmem:v6+s20+$0x180], $0xffff  }
0x489: {  	v27 =	vld.idx.msk [tilespmem:v7+s20+$0x180], $0xffff;
	v28 =	vpop (erf);
	(erf) = vpow2.f32 v23;
	v23 =	vmul.f32 v25, v45  }
0x48a: {  	v13 =	vmul.f32 v46, v13;
	v20 =	vmul.f32 v20, v29;
	v29 =	vld.idx.msk [tilespmem:v2+s20+$0x180], $0xffff;
	v31 =	vpop (erf)  }
0x48b: {  	v48 =	vadd.f32 v28, v31;
	v25 =	vmul.f32 v25, v35;
	[tilespmem:v1+s20+$0x5000] =	vst.idx.add.f32.msk $0xffff, v23  }
0x48c: {  	v21 =	vmul.f32 $1.442695020e+00, v21;
	(erf) = vpow2.f32 v19;
	v19 =	vpop (erf);
	[tilespmem:v4+s20+$0x5000] =	vst.idx.add.f32.msk $0xffff, v20  }
0x48d: {  	(erf) = vpow2.f32 v22;
	v17 =	vadd.f32 v19, v48;
	v22 =	vsub.f32 $0.0e+00, v26;
	[tilespmem:v5+s20+$0x5000] =	vst.idx.add.f32.msk $0xffff, v25  }
0x48e: {  	(erf) = vpow2.f32 v21;
	v20 =	vmul.f32 $1.442695020e+00, v27;
	v23 =	vpop (erf);
	v25 =	vld.idx.msk [tilespmem:v6+s20+$0x0], $0xffff  }
0x48f: {  	[tilespmem:v8+s19+$0x5000] =	vst.idx.add.f32.msk $0xffff, v18;
	v21 =	vmul.f32 $1.442695020e+00, v22;
	v22 =	vsub.f32 $0.0e+00, v29;
	(erf) = vrcp.f32 v17;
	v18 =	vpop (erf)  }
0x490: {  	(erf) = vpow2.f32 v20;
	v20 =	vsub.f32 $0.0e+00, v47;
	v26 =	vld.idx.msk [tilespmem:v2+s20+$0x0], $0xffff;
	v18 =	vmul.f32 $5.000000000e-01, v18  }
0x491: {  	v17 =	vmul.f32 $1.442695020e+00, v22;
	(erf) = vpow2.f32 v21;
	v22 =	vld.idx.msk [tilespmem:v7+s20+$0x0], $0xffff  }
0x492: {  	[tilespmem:v9+s19+$0x5000] =	vst.idx.add.f32.msk $0xffff, v13;
	v20 =	vmul.f32 $1.442695020e+00, v20;
	v13 =	vsub.f32 $0.0e+00, v18  }
0x493: {  	v21 =	vsub.f32 $0.0e+00, v37;
	(erf) = vpow2.f32 v17;
	v25 =	vsub.f32 $0.0e+00, v25  }
0x494: {  	v27 =	vpop (erf);
	(erf) = vpow2.f32 v20;
	v20 =	vmul.f32 v13, v30  }
0x495: {  	v49 =	vld.idx.msk [tilespmem:v10+s19+$0x0], $0xffff;
	v17 =	vpop (erf);
	v13 =	vmul.f32 v13, v24;
	v24 =	vmul.f32 $1.442695020e+00, v25  }
0x496: {  	v29 =	vmul.f32 $1.442695020e+00, v21;
	v50 =	vpop (erf);
	v22 =	vmul.f32 $1.442695020e+00, v22;
	v25 =	vsub.f32 $0.0e+00, v26  }
0x497: {  	v18 =	vmul.f32 v18, v36;
	v21 =	vpop (erf)  }
0x498: {  	(erf) = vpow2.f32 v29;
	v26 =	vld.idx.msk [tilespmem:v11+s19+$0x0], $0xffff;
	v30 =	vpop (erf);
	v25 =	vmul.f32 $1.442695020e+00, v25  }
0x499: {  	[tilespmem:v1+s20+$0x5080] =	vst.idx.add.f32.msk $0xffff, v20;
	(erf) = vpow2.f32 v24;
	v24 =	vpop (erf)  }
0x49a: {  	v20 =	vmul.f32 $5.000000000e-01, v30;
	[tilespmem:v4+s20+$0x5080] =	vst.idx.add.f32.msk $0xffff, v18;
	v18 =	vsub.f32 $0.0e+00, v49;
	(erf) = vpow2.f32 v22;
	v22 =	vpop (erf)  }
0x49b: {  	[tilespmem:v5+s20+$0x5080] =	vst.idx.add.f32.msk $0xffff, v13;
	v13 =	vadd.f32 v24, v22  }
0x49c: {  	v30 =	vsub.f32 $0.0e+00, v20;
	v29 =	vld.idx.msk [tilespmem:v6+s20+$0x80], $0xffff;
	(erf) = vpow2.f32 v25;
	v18 =	vmul.f32 $1.442695020e+00, v18;
	v25 =	vpop (erf)  }
0x49d: {  	v51 =	vld.idx.msk [tilespmem:v7+s20+$0x80], $0xffff;
	v13 =	vadd.f32 v25, v13  }
0x49e: {  	v52 =	vld.idx.msk [tilespmem:v2+s20+$0x80], $0xffff;
	v31 =	vmul.f32 v30, v31;
	(erf) = vpow2.f32 v18  }
0x49f: {  	v20 =	vmul.f32 v20, v28;
	(erf) = vrcp.f32 v13  }
0x4a0: {  	v18 =	vadd.f32 v50, v27;
	[tilespmem:v1+s20+$0x5100] =	vst.idx.add.f32.msk $0xffff, v31;
	v13 =	vmul.f32 v30, v19;
	v19 =	vmul.f32 $1.442695020e+00, v26;
	v26 =	vpop (erf)  }
0x4a1: {  	[tilespmem:v4+s20+$0x5100] =	vst.idx.add.f32.msk $0xffff, v20;
	v20 =	vsub.f32 $0.0e+00, v29;
	v29 =	vpop (erf)  }
0x4a2: {  	v23 =	vmul.f32 $5.000000000e-01, v23;
	v28 =	vld.idx.msk [tilespmem:v12+s19+$0x0], $0xffff;
	v18 =	vadd.f32 v26, v18;
	(erf) = vpow2.f32 v19;
	v31 =	vpop (erf)  }
0x4a3: {  	[tilespmem:v5+s20+$0x5100] =	vst.idx.add.f32.msk $0xffff, v13;
	v13 =	vmul.f32 $1.442695020e+00, v51;
	v19 =	vmul.f32 $1.442695020e+00, v20;
	v20 =	vsub.f32 $0.0e+00, v52;
	v53 =	vpop (erf)  }
0x4a4: {  	v30 =	vadd.f32 v21, v17;
	(erf) = vrcp.f32 v18;
	v55 =	vadd.f32 v53, v31  }
0x4a5: {  	v18 =	vld.idx.msk [tilespmem:v6+s20+$0x100], $0xffff;
	(erf) = vpow2.f32 v13;
	v13 =	vmul.f32 $1.442695020e+00, v20;
	v38 =	vpop (erf)  }
0x4a6: {  	v30 =	vadd.f32 v29, v30;
	v54 =	vld.idx.msk [tilespmem:v7+s20+$0x100], $0xffff;
	(erf) = vpow2.f32 v19;
	v20 =	vadd.f32 v38, v55  }
0x4a7: {  	v56 =	vsub.f32 $0.0e+00, v23;
	v57 =	vld.idx.msk [tilespmem:v2+s20+$0x100], $0xffff  }
0x4a8: {  	v19 =	vsub.f32 $0.0e+00, v28;
	(erf) = vrcp.f32 v30  }
0x4a9: {  	v16 =	vmul.f32 v56, v16;
	(erf) = vpow2.f32 v13;
	v13 =	vpop (erf)  }
0x4aa: {  	v19 =	vmul.f32 $1.442695020e+00, v19;
	(erf) = vrcp.f32 v20;
	v20 =	vpop (erf)  }
0x4ab: {  	v18 =	vsub.f32 $0.0e+00, v18;
	v28 =	vmul.f32 $1.442695020e+00, v54;
	v20 =	vmul.f32 $5.000000000e-01, v20  }
0x4ac: {  	v30 =	vsub.f32 $0.0e+00, v57;
	(erf) = vpow2.f32 v19;
	v19 =	vmul.f32 v23, v14;
	v14 =	vpop (erf)  }
0x4ad: {  	v18 =	vmul.f32 $1.442695020e+00, v18;
	(erf) = vpow2.f32 v28;
	v23 =	vpop (erf);
	v28 =	vsub.f32 $0.0e+00, v20  }
0x4ae: {  	v15 =	vmul.f32 v56, v15;
	v30 =	vmul.f32 $1.442695020e+00, v30;
	v58 =	vpop (erf)  }
0x4af: {  	[tilespmem:v10+s19+$0x5180] =	vst.idx.add.f32.msk $0xffff, v16;
	(erf) = vpow2.f32 v18;
	v16 =	vmul.f32 v28, v22;
	v22 =	vpop (erf)  }
0x4b0: {  	[tilespmem:v11+s19+$0x5180] =	vst.idx.add.f32.msk $0xffff, v19;
	v18 =	vadd.f32 v58, v22  }
0x4b1: {  	(erf) = vpow2.f32 v30;
	[tilespmem:v12+s19+$0x5180] =	vst.idx.add.f32.msk $0xffff, v15  }
0x4b2: {  	v15 =	vmul.f32 v20, v24;
	v24 =	vpop (erf);
	[tilespmem:v6+s20+$0x5180] =	vst.idx.add.f32.msk $0xffff, v16;
	v16 =	vmul.f32 v28, v25  }
0x4b3: {  	v20 =	vmul.f32 $5.000000000e-01, v23;
	v23 =	vpop (erf)  }
0x4b4: {  	[tilespmem:v7+s20+$0x5180] =	vst.idx.add.f32.msk $0xffff, v15;
	v15 =	vadd.f32 v23, v18;
	v18 =	vpop (erf)  }
0x4b5: {  	v25 =	vsub.f32 $0.0e+00, v20;
	[tilespmem:v2+s20+$0x5180] =	vst.idx.add.f32.msk $0xffff, v16;
	v28 =	vmul.f32 $5.000000000e-01, v18  }
0x4b6: {  	v20 =	vmul.f32 v20, v50;
	v30 =	vld.idx.msk [tilespmem:v3+s20+$0x180], $0xffff;
	v16 =	vpop (erf)  }
0x4b7: {  	(erf) = vrcp.f32 v15;
	v15 =	vmul.f32 v25, v27;
	v27 =	vld.idx.msk [tilespmem:v8+s20+$0x180], $0xffff;
	v19 =	vpop (erf);
	v59 =	vsub.f32 $0.0e+00, v28  }
0x4b8: {  	v60 =	vadd.f32 v14, v13;
	v24 =	vmul.f32 $5.000000000e-01, v24;
	v61 =	vld.idx.msk [tilespmem:v9+s20+$0x180], $0xffff;
	v18 =	vpop (erf)  }
0x4b9: {  	[tilespmem:v3+s19+$0x5080] =	vst.idx.add.f32.msk $0xffff, v15;
	v15 =	vmul.f32 v59, v31;
	v31 =	vadd.f32 v19, v18  }
0x4ba: {  	v21 =	vmul.f32 v24, v21;
	v62 =	vadd.f32 v16, v60;
	[tilespmem:v8+s19+$0x5080] =	vst.idx.add.f32.msk $0xffff, v20;
	v20 =	vpop (erf)  }
0x4bb: {  	v28 =	vmul.f32 v28, v53;
	[tilespmem:v6+s20+$0x5000] =	vst.idx.add.f32.msk $0xffff, v15;
	v15 =	vadd.f32 v20, v31  }
0x4bc: {  	(erf) = vrcp.f32 v62;
	v35 =	vmul.f32 v59, v38  }
0x4bd: {  	[tilespmem:v7+s20+$0x5000] =	vst.idx.add.f32.msk $0xffff, v28;
	v28 =	vsub.f32 $0.0e+00, v24;
	v24 =	vsub.f32 $0.0e+00, v30;
	(erf) = vrcp.f32 v15  }
0x4be: {  	v15 =	vmul.f32 v25, v26;
	v26 =	vmul.f32 $1.442695020e+00, v27  }
0x4bf: {  	[tilespmem:v2+s20+$0x5000] =	vst.idx.add.f32.msk $0xffff, v35;
	v27 =	vsub.f32 $0.0e+00, v61;
	v24 =	vmul.f32 $1.442695020e+00, v24  }
0x4c0: {  	v25 =	vld.idx.msk [tilespmem:v3+s20+$0x0], $0xffff;
	v17 =	vmul.f32 v28, v17;
	(erf) = vpow2.f32 v26  }
0x4c1: {  	v31 =	vpop (erf);
	v30 =	vld.idx.msk [tilespmem:v8+s20+$0x0], $0xffff;
	v26 =	vmul.f32 $1.442695020e+00, v27;
	(erf) = vpow2.f32 v24  }
0x4c2: {  	v31 =	vmul.f32 $5.000000000e-01, v31;
	[tilespmem:v9+s19+$0x5080] =	vst.idx.add.f32.msk $0xffff, v15;
	v15 =	vmul.f32 v28, v29  }
0x4c3: {  	v63 =	vld.idx.msk [tilespmem:v9+s20+$0x0], $0xffff;
	(erf) = vpow2.f32 v26  }
0x4c4: {  	v24 =	vsub.f32 $0.0e+00, v31;
	[tilespmem:v3+s19+$0x5100] =	vst.idx.add.f32.msk $0xffff, v17  }
0x4c5: {  	v27 =	vmul.f32 v31, v58;
	[tilespmem:v8+s19+$0x5100] =	vst.idx.add.f32.msk $0xffff, v21  }
0x4c6: {  	[tilespmem:v9+s19+$0x5100] =	vst.idx.add.f32.msk $0xffff, v15;
	v17 =	vmul.f32 v24, v23;
	v21 =	vsub.f32 $0.0e+00, v25;
	v25 =	vmul.f32 v24, v22;
	v15 =	vpop (erf)  }
0x4c7: {  	v23 =	vmul.f32 $1.442695020e+00, v30;
	v22 =	vld.idx.msk [tilespmem:v10+s19+$0x80], $0xffff;
	v15 =	vmul.f32 $5.000000000e-01, v15  }
0x4c8: {  	s21 =	simm.s32 $0x4;
	s22 =	simm.s32 $0x1000;
	v24 =	vsub.f32 $0.0e+00, v63;
	v21 =	vmul.f32 $1.442695020e+00, v21;
	[tilespmem:v6+s20+$0x5080] =	vst.idx.add.f32.msk $0xffff, v25;
	v28 =	vpop (erf)  }
.LBB2_8:
0x4c9: {  	s23 =	sshra.s32 s22, $0x2;
	[tilespmem:v7+s20+$0x5080] =	vst.idx.add.f32.msk $0xffff, v27;
	v25 =	vmul.f32 $5.000000000e-01, v28;
	(erf) = vpow2.f32 v23;
	v23 =	vpop (erf);
	v26 =	vsub.f32 $0.0e+00, v15  }
0x4ca: {  	[tilespmem:s23+$0x5180] =	vst v0;
	v31 =	vmul.f32 $1.442695020e+00, v24;
	(erf) = vpow2.f32 v21;
	v27 =	vpop (erf);
	v28 =	vld.idx.msk [tilespmem:v10+s19+$0x100], $0xffff  }
0x4cb: {  	[tilespmem:s23+$0x5190] =	vst v0;
	v29 =	vsub.f32 $0.0e+00, v25;
	v19 =	vmul.f32 v25, v19;
	v25 =	vadd.f32 v23, v27;
	v30 =	vld.idx.msk [tilespmem:v11+s19+$0x80], $0xffff  }
0x4cc: {  	v13 =	vmul.f32 v26, v13;
	[tilespmem:s23+$0x51A0] =	vst v0;
	(erf) = vpow2.f32 v31;
	v24 =	vpop (erf);
	v31 =	vld.idx.msk [tilespmem:v12+s19+$0x80], $0xffff  }
0x4cd: {  	[tilespmem:s23+$0x51B0] =	vst v0;
	v21 =	vmul.f32 v29, v18;
	v18 =	vmul.f32 v29, v20;
	v20 =	vadd.f32 v24, v25  }
0x4ce: {  	v15 =	vmul.f32 v15, v14;
	v14 =	vmul.f32 v26, v16;
	v16 =	vsub.f32 $0.0e+00, v22;
	[tilespmem:s23+$0x51C0] =	vst v0;
	v22 =	vld.idx.msk [tilespmem:v11+s19+$0x100], $0xffff  }
0x4cf: {  	[tilespmem:s23+$0x51D0] =	vst v0;
	(erf) = vrcp.f32 v20;
	v20 =	vld.idx.msk [tilespmem:v12+s19+$0x100], $0xffff  }
0x4d0: {  	v16 =	vmul.f32 $1.442695020e+00, v16;
	v25 =	vsub.f32 $0.0e+00, v28;
	[tilespmem:s23+$0x51E0] =	vst v0  }
0x4d1: {  	v26 =	vmul.f32 $1.442695020e+00, v30;
	[tilespmem:s23+$0x51F0] =	vst v0  }
0x4d2: {  	v30 =	vsub.f32 $0.0e+00, v31;
	v25 =	vmul.f32 $1.442695020e+00, v25;
	[tilespmem:s23+$0x5000] =	vst v0;
	v28 =	vld.idx.msk [tilespmem:v1+s23+$0x180], $0xffff;
	v29 =	vpop (erf);
	(erf) = vpow2.f32 v16  }
0x4d3: {  	[tilespmem:s23+$0x5010] =	vst v0;
	v16 =	vld.idx.msk [tilespmem:v4+s23+$0x180], $0xffff;
	v31 =	vpop (erf);
	(erf) = vpow2.f32 v26  }
0x4d4: {  	v22 =	vmul.f32 $1.442695020e+00, v22;
	[tilespmem:s23+$0x5020] =	vst v0;
	v26 =	vld.idx.msk [tilespmem:v5+s23+$0x180], $0xffff;
	v32 =	vadd.f32 v29, v31;
	(erf) = vpow2.f32 v25  }
0x4d5: {  	v34 =	vmul.f32 $1.442695020e+00, v30;
	v20 =	vsub.f32 $0.0e+00, v20;
	[tilespmem:s23+$0x5030] =	vst v0;
	v33 =	vpop (erf)  }
0x4d6: {  	[tilespmem:s23+$0x5040] =	vst v0;
	v30 =	vadd.f32 v33, v32;
	(erf) = vpow2.f32 v22  }
0x4d7: {  	v20 =	vmul.f32 $1.442695020e+00, v20;
	[tilespmem:s23+$0x5050] =	vst v0;
	(erf) = vpow2.f32 v34  }
0x4d8: {  	s21 =	sadd.s32 $0x4, s21;
	v22 =	vsub.f32 $0.0e+00, v28;
	[tilespmem:s23+$0x5060] =	vst v0;
	(erf) = vrcp.f32 v30;
	v25 =	vpop (erf)  }
0x4d9: {  	p1 =	slt.u32 s21, $0x4C;
	v16 =	vmul.f32 $1.442695020e+00, v16;
	[tilespmem:s23+$0x5070] =	vst v0;
	v28 =	vmul.f32 $5.000000000e-01, v25  }
0x4da: {  	v22 =	vmul.f32 $1.442695020e+00, v22;
	v26 =	vsub.f32 $0.0e+00, v26;
	v30 =	vld.idx.msk [tilespmem:v1+s23+$0x0], $0xffff;
	[tilespmem:s23+$0x5080] =	vst v0;
	(erf) = vpow2.f32 v20  }
0x4db: {  	v32 =	vld.idx.msk [tilespmem:v4+s23+$0x0], $0xffff;
	[tilespmem:s23+$0x5090] =	vst v0;
	(erf) = vpow2.f32 v16;
	v16 =	vsub.f32 $0.0e+00, v28;
	v25 =	vpop (erf)  }
0x4dc: {  	v26 =	vmul.f32 $1.442695020e+00, v26;
	v34 =	vld.idx.msk [tilespmem:v5+s23+$0x0], $0xffff;
	[tilespmem:s23+$0x50A0] =	vst v0;
	(erf) = vpow2.f32 v22;
	v35 =	vpop (erf)  }
0x4dd: {  	[tilespmem:s23+$0x50B0] =	vst v0;
	v22 =	vmul.f32 v16, v27;
	v27 =	vadd.f32 v35, v25;
	v20 =	vpop (erf)  }
0x4de: {  	v23 =	vmul.f32 v28, v23;
	[tilespmem:s23+$0x50C0] =	vst v0;
	(erf) = vpow2.f32 v26  }
0x4df: {  	v26 =	vmul.f32 v16, v24;
	[tilespmem:v3+s20+$0x5180] =	vst.idx.add.f32.msk $0xffff, v22;
	v28 =	vpop (erf)  }
0x4e0: {  	v37 =	vsub.f32 $0.0e+00, v30;
	[tilespmem:v8+s20+$0x5180] =	vst.idx.add.f32.msk $0xffff, v23;
	v23 =	vadd.f32 v28, v20;
	v30 =	vpop (erf)  }
0x4e1: {  	v24 =	vmul.f32 $1.442695020e+00, v32;
	[tilespmem:v9+s20+$0x5180] =	vst.idx.add.f32.msk $0xffff, v26;
	v16 =	vpop (erf);
	v26 =	vadd.f32 v30, v27  }
0x4e2: {  	v37 =	vmul.f32 $1.442695020e+00, v37;
	v32 =	vsub.f32 $0.0e+00, v34;
	[tilespmem:s23+$0x50D0] =	vst v0;
	v16 =	vmul.f32 $5.000000000e-01, v16;
	v34 =	vld.idx.msk [tilespmem:v10+s20+$0x180], $0xffff  }
0x4e3: {  	[tilespmem:s23+$0x50E0] =	vst v0;
	(erf) = vpow2.f32 v24;
	v36 =	vld.idx.msk [tilespmem:v11+s20+$0x180], $0xffff;
	v22 =	vpop (erf)  }
0x4e4: {  	v42 =	vmul.f32 $1.442695020e+00, v32;
	[tilespmem:s23+$0x50F0] =	vst v0;
	(erf) = vpow2.f32 v37;
	v27 =	vpop (erf);
	v37 =	vsub.f32 $0.0e+00, v16;
	v38 =	vld.idx.msk [tilespmem:v12+s20+$0x180], $0xffff  }
0x4e5: {  	v24 =	vmul.f32 v16, v29;
	v16 =	vadd.f32 v22, v23;
	v39 =	vld.idx.msk [tilespmem:v1+s23+$0x80], $0xffff;
	[tilespmem:s23+$0x5100] =	vst v0;
	v40 =	vpop (erf);
	(erf) = vrcp.f32 v26  }
0x4e6: {  	v29 =	vld.idx.msk [tilespmem:v4+s23+$0x80], $0xffff;
	[tilespmem:s23+$0x5110] =	vst v0;
	v41 =	vadd.f32 v27, v40;
	(erf) = vpow2.f32 v42;
	v26 =	vmul.f32 v37, v31  }
0x4e7: {  	v23 =	vmul.f32 v37, v33;
	v31 =	vld.idx.msk [tilespmem:v5+s23+$0x80], $0xffff;
	[tilespmem:s23+$0x5120] =	vst v0;
	v32 =	vpop (erf);
	(erf) = vrcp.f32 v16  }
0x4e8: {  	v33 =	vsub.f32 $0.0e+00, v34;
	[tilespmem:s23+$0x5130] =	vst v0;
	v16 =	vadd.f32 v32, v41  }
0x4e9: {  	v37 =	vmul.f32 $1.442695020e+00, v36;
	[tilespmem:s23+$0x5140] =	vst v0  }
0x4ea: {  	[tilespmem:s23+$0x5150] =	vst v0;
	(erf) = vrcp.f32 v16;
	v16 =	vmul.f32 $1.442695020e+00, v33;
	v33 =	vsub.f32 $0.0e+00, v38  }
0x4eb: {  	v36 =	vsub.f32 $0.0e+00, v39;
	[tilespmem:s23+$0x5160] =	vst v0;
	(erf) = vpow2.f32 v37  }
0x4ec: {  	[tilespmem:s23+$0x5170] =	vst v0;
	v34 =	vpop (erf);
	v41 =	vmul.f32 $1.442695020e+00, v33;
	(erf) = vpow2.f32 v16  }
0x4ed: {  	v43 =	vmul.f32 $1.442695020e+00, v29;
	v16 =	vmul.f32 $1.442695020e+00, v36;
	v31 =	vsub.f32 $0.0e+00, v31;
	v36 =	vld.idx.msk [tilespmem:v1+s23+$0x100], $0xffff;
	v37 =	vpop (erf)  }
0x4ee: {  	v38 =	vadd.f32 v34, v37;
	v39 =	vld.idx.msk [tilespmem:v4+s23+$0x100], $0xffff;
	(erf) = vpow2.f32 v41;
	v33 =	vpop (erf)  }
0x4ef: {  	v31 =	vmul.f32 $1.442695020e+00, v31;
	v41 =	vld.idx.msk [tilespmem:v5+s23+$0x100], $0xffff;
	v42 =	vpop (erf);
	(erf) = vpow2.f32 v16  }
0x4f0: {  	v16 =	vadd.f32 v42, v38;
	(erf) = vpow2.f32 v43;
	[tilespmem:v2+s20+$0x5080] =	vst.idx.add.f32.msk $0xffff, v17;
	v17 =	vmul.f32 $5.000000000e-01, v33;
	v29 =	vpop (erf)  }
0x4f1: {  	(erf) = vpow2.f32 v31;
	[tilespmem:v6+s20+$0x5100] =	vst.idx.add.f32.msk $0xffff, v21;
	v21 =	vmul.f32 $5.000000000e-01, v29  }
0x4f2: {  	(erf) = vrcp.f32 v16;
	[tilespmem:v7+s20+$0x5100] =	vst.idx.add.f32.msk $0xffff, v19;
	v19 =	vsub.f32 $0.0e+00, v17;
	v17 =	vmul.f32 v17, v35  }
0x4f3: {  	v29 =	vsub.f32 $0.0e+00, v36;
	v31 =	vpop (erf);
	[tilespmem:v2+s20+$0x5100] =	vst.idx.add.f32.msk $0xffff, v18;
	v33 =	vsub.f32 $0.0e+00, v21;
	v16 =	vmul.f32 v21, v28  }
0x4f4: {  	v21 =	vmul.f32 $1.442695020e+00, v39;
	v28 =	vmul.f32 $5.000000000e-01, v31;
	v31 =	vld.idx.msk [tilespmem:v3+s20+$0x80], $0xffff;
	v35 =	vpop (erf)  }
0x4f5: {  	v29 =	vmul.f32 $1.442695020e+00, v29;
	v36 =	vsub.f32 $0.0e+00, v41;
	v18 =	vmul.f32 v19, v25;
	v38 =	vld.idx.msk [tilespmem:v3+s20+$0x100], $0xffff;
	v39 =	vpop (erf)  }
0x4f6: {  	v25 =	vsub.f32 $0.0e+00, v28;
	(erf) = vpow2.f32 v21;
	v21 =	vld.idx.msk [tilespmem:v8+s20+$0x80], $0xffff;
	v41 =	vadd.f32 v35, v39  }
0x4f7: {  	v36 =	vmul.f32 $1.442695020e+00, v36;
	(erf) = vpow2.f32 v29;
	v29 =	vld.idx.msk [tilespmem:v9+s20+$0x80], $0xffff;
	v43 =	vpop (erf)  }
0x4f8: {  	v19 =	vmul.f32 v19, v30;
	v40 =	vmul.f32 v25, v40;
	v44 =	vpop (erf);
	v45 =	vld.idx.msk [tilespmem:v8+s20+$0x100], $0xffff;
	v41 =	vadd.f32 v43, v41  }
0x4f9: {  	v46 =	vmul.f32 v28, v27;
	v28 =	vpop (erf);
	(erf) = vpow2.f32 v36;
	v30 =	vld.idx.msk [tilespmem:v9+s20+$0x100], $0xffff  }
0x4fa: {  	v25 =	vmul.f32 v25, v32;
	v36 =	vadd.f32 v28, v44;
	[tilespmem:v1+s23+$0x5180] =	vst.idx.add.f32.msk $0xffff, v40;
	v32 =	vpop (erf);
	(erf) = vrcp.f32 v41  }
0x4fb: {  	v20 =	vmul.f32 v33, v20;
	v31 =	vsub.f32 $0.0e+00, v31;
	v38 =	vsub.f32 $0.0e+00, v38;
	[tilespmem:v4+s23+$0x5180] =	vst.idx.add.f32.msk $0xffff, v46;
	v27 =	vpop (erf)  }
0x4fc: {  	v21 =	vmul.f32 $1.442695020e+00, v21;
	v27 =	vmul.f32 $5.000000000e-01, v27;
	v36 =	vadd.f32 v32, v36;
	[tilespmem:v5+s23+$0x5180] =	vst.idx.add.f32.msk $0xffff, v25  }
0x4fd: {  	v31 =	vmul.f32 $1.442695020e+00, v31;
	v29 =	vsub.f32 $0.0e+00, v29;
	v38 =	vmul.f32 $1.442695020e+00, v38;
	v25 =	vld.idx.msk [tilespmem:v6+s23+$0x180], $0xffff  }
0x4fe: {  	v46 =	vsub.f32 $0.0e+00, v27;
	v27 =	vmul.f32 v27, v34;
	v34 =	vld.idx.msk [tilespmem:v7+s23+$0x180], $0xffff;
	(erf) = vrcp.f32 v36  }
0x4ff: {  	v45 =	vmul.f32 $1.442695020e+00, v45;
	v30 =	vsub.f32 $0.0e+00, v30;
	v36 =	vld.idx.msk [tilespmem:v2+s23+$0x180], $0xffff;
	v41 =	vpop (erf);
	(erf) = vpow2.f32 v31  }
0x500: {  	v47 =	vmul.f32 v46, v37;
	v37 =	vmul.f32 v46, v42;
	v40 =	vpop (erf);
	[tilespmem:v3+s20+$0x5000] =	vst.idx.add.f32.msk $0xffff, v26  }
0x501: {  	v29 =	vmul.f32 $1.442695020e+00, v29;
	v26 =	vadd.f32 v41, v40;
	[tilespmem:v8+s20+$0x5000] =	vst.idx.add.f32.msk $0xffff, v24;
	(erf) = vpow2.f32 v38  }
0x502: {  	v30 =	vmul.f32 $1.442695020e+00, v30;
	[tilespmem:v1+s23+$0x5000] =	vst.idx.add.f32.msk $0xffff, v47;
	v31 =	vpop (erf);
	(erf) = vpow2.f32 v21  }
0x503: {  	v24 =	vsub.f32 $0.0e+00, v25;
	[tilespmem:v4+s23+$0x5000] =	vst.idx.add.f32.msk $0xffff, v27;
	v21 =	vadd.f32 v31, v26;
	(erf) = vpow2.f32 v45;
	v25 =	vpop (erf)  }
0x504: {  	v26 =	vmul.f32 $1.442695020e+00, v34;
	[tilespmem:v5+s23+$0x5000] =	vst.idx.add.f32.msk $0xffff, v37;
	v25 =	vmul.f32 $5.000000000e-01, v25  }
0x505: {  	v34 =	vmul.f32 $1.442695020e+00, v24;
	v36 =	vsub.f32 $0.0e+00, v36;
	v27 =	vld.idx.msk [tilespmem:v6+s23+$0x0], $0xffff;
	(erf) = vrcp.f32 v21  }
0x506: {  	v24 =	vmul.f32 v33, v22;
	v37 =	vld.idx.msk [tilespmem:v7+s23+$0x0], $0xffff;
	(erf) = vpow2.f32 v26;
	v21 =	vsub.f32 $0.0e+00, v25  }
0x507: {  	v33 =	vmul.f32 $1.442695020e+00, v36;
	v26 =	vld.idx.msk [tilespmem:v2+s23+$0x0], $0xffff;
	v22 =	vpop (erf);
	(erf) = vpow2.f32 v34  }
0x508: {  	v34 =	vmul.f32 $5.000000000e-01, v22;
	[tilespmem:v9+s20+$0x5000] =	vst.idx.add.f32.msk $0xffff, v23;
	v23 =	vmul.f32 v21, v39;
	v22 =	vpop (erf)  }
0x509: {  	v36 =	vmul.f32 v25, v35;
	(erf) = vpow2.f32 v33;
	v33 =	vld.idx.msk [tilespmem:v10+s20+$0x0], $0xffff  }
0x50a: {  	v35 =	vsub.f32 $0.0e+00, v34;
	v28 =	vmul.f32 v34, v28;
	[tilespmem:v10+s20+$0x5180] =	vst.idx.add.f32.msk $0xffff, v23;
	v34 =	vmul.f32 v21, v43;
	v21 =	vpop (erf)  }
0x50b: {  	v27 =	vsub.f32 $0.0e+00, v27;
	[tilespmem:v11+s20+$0x5180] =	vst.idx.add.f32.msk $0xffff, v36;
	v25 =	vpop (erf);
	(erf) = vpow2.f32 v29  }
0x50c: {  	v36 =	vmul.f32 v35, v44;
	v32 =	vmul.f32 v35, v32;
	[tilespmem:v12+s20+$0x5180] =	vst.idx.add.f32.msk $0xffff, v34;
	v23 =	vpop (erf)  }
0x50d: {  	v38 =	vmul.f32 $1.442695020e+00, v27;
	v34 =	vmul.f32 $1.442695020e+00, v37;
	v26 =	vsub.f32 $0.0e+00, v26;
	v35 =	vld.idx.msk [tilespmem:v11+s20+$0x0], $0xffff  }
0x50e: {  	v37 =	vadd.f32 v23, v21;
	[tilespmem:v1+s23+$0x5080] =	vst.idx.add.f32.msk $0xffff, v36;
	v29 =	vpop (erf);
	v36 =	vadd.f32 v25, v22;
	(erf) = vpow2.f32 v30  }
0x50f: {  	[tilespmem:v4+s23+$0x5080] =	vst.idx.add.f32.msk $0xffff, v28;
	v28 =	vmul.f32 $5.000000000e-01, v29;
	(erf) = vpow2.f32 v38;
	v27 =	vpop (erf);
	v29 =	vsub.f32 $0.0e+00, v33  }
0x510: {  	v39 =	vmul.f32 $1.442695020e+00, v26;
	[tilespmem:v5+s23+$0x5080] =	vst.idx.add.f32.msk $0xffff, v32;
	(erf) = vpow2.f32 v34;
	v30 =	vpop (erf)  }
0x511: {  	v32 =	vld.idx.msk [tilespmem:v6+s23+$0x80], $0xffff;
	v33 =	vsub.f32 $0.0e+00, v28;
	v28 =	vmul.f32 v28, v41;
	v34 =	vadd.f32 v27, v30  }
0x512: {  	v41 =	vmul.f32 $1.442695020e+00, v29;
	v38 =	vld.idx.msk [tilespmem:v7+s23+$0x80], $0xffff;
	(erf) = vpow2.f32 v39;
	v26 =	vpop (erf)  }
0x513: {  	v39 =	vld.idx.msk [tilespmem:v2+s23+$0x80], $0xffff;
	v40 =	vmul.f32 v33, v40;
	v31 =	vmul.f32 v33, v31;
	v33 =	vadd.f32 v26, v34  }
0x514: {  	v34 =	vmul.f32 $1.442695020e+00, v35;
	v35 =	vld.idx.msk [tilespmem:v12+s20+$0x0], $0xffff;
	(erf) = vpow2.f32 v41;
	v29 =	vpop (erf)  }
0x515: {  	[tilespmem:v1+s23+$0x5100] =	vst.idx.add.f32.msk $0xffff, v40;
	(erf) = vrcp.f32 v33;
	v33 =	vadd.f32 v29, v36  }
0x516: {  	[tilespmem:v4+s23+$0x5100] =	vst.idx.add.f32.msk $0xffff, v28;
	(erf) = vpow2.f32 v34  }
0x517: {  	v28 =	vsub.f32 $0.0e+00, v32;
	[tilespmem:v5+s23+$0x5100] =	vst.idx.add.f32.msk $0xffff, v31;
	(erf) = vrcp.f32 v33;
	v31 =	vpop (erf)  }
0x518: {  	v32 =	vmul.f32 $1.442695020e+00, v38;
	v33 =	vld.idx.msk [tilespmem:v6+s23+$0x100], $0xffff;
	v34 =	vpop (erf);
	v36 =	vadd.f32 v31, v37  }
0x519: {  	v28 =	vmul.f32 $1.442695020e+00, v28;
	v42 =	vsub.f32 $0.0e+00, v39;
	v38 =	vld.idx.msk [tilespmem:v7+s23+$0x100], $0xffff;
	v39 =	vpop (erf)  }
0x51a: {  	v40 =	vadd.f32 v39, v34;
	v41 =	vld.idx.msk [tilespmem:v2+s23+$0x100], $0xffff;
	(erf) = vpow2.f32 v32;
	v32 =	vsub.f32 $0.0e+00, v35  }
0x51b: {  	v35 =	vmul.f32 $1.442695020e+00, v42;
	v37 =	vpop (erf);
	(erf) = vpow2.f32 v28;
	[tilespmem:v10+s19+$0x5000] =	vst.idx.add.f32.msk $0xffff, v13  }
0x51c: {  	v28 =	vadd.f32 v37, v40;
	v32 =	vmul.f32 $1.442695020e+00, v32;
	(erf) = vrcp.f32 v36;
	[tilespmem:v11+s19+$0x5000] =	vst.idx.add.f32.msk $0xffff, v15  }
0x51d: {  	(erf) = vpow2.f32 v35;
	v13 =	vpop (erf);
	[tilespmem:v12+s19+$0x5000] =	vst.idx.add.f32.msk $0xffff, v14  }
0x51e: {  	v15 =	vsub.f32 $0.0e+00, v33;
	(erf) = vrcp.f32 v28;
	v14 =	vpop (erf);
	[tilespmem:v10+s19+$0x5080] =	vst.idx.add.f32.msk $0xffff, v18  }
0x51f: {  	v18 =	vmul.f32 $1.442695020e+00, v38;
	v28 =	vmul.f32 $5.000000000e-01, v14;
	v14 =	vpop (erf);
	[tilespmem:v11+s19+$0x5080] =	vst.idx.add.f32.msk $0xffff, v17  }
0x520: {  	v15 =	vmul.f32 $1.442695020e+00, v15;
	v17 =	vsub.f32 $0.0e+00, v41;
	(erf) = vpow2.f32 v32;
	v32 =	vpop (erf);
	[tilespmem:v12+s19+$0x5080] =	vst.idx.add.f32.msk $0xffff, v19  }
0x521: {  	v19 =	vsub.f32 $0.0e+00, v28;
	(erf) = vpow2.f32 v18;
	v18 =	vmul.f32 $5.000000000e-01, v32;
	[tilespmem:v10+s19+$0x5100] =	vst.idx.add.f32.msk $0xffff, v20  }
0x522: {  	v17 =	vmul.f32 $1.442695020e+00, v17;
	(erf) = vpow2.f32 v15;
	v15 =	vadd.f32 v14, v13;
	[tilespmem:v11+s19+$0x5100] =	vst.idx.add.f32.msk $0xffff, v16  }
0x523: {  	v16 =	vmul.f32 v19, v30;
	v30 =	vpop (erf);
	v20 =	vsub.f32 $0.0e+00, v18;
	v25 =	vmul.f32 v18, v25;
	[tilespmem:v12+s19+$0x5100] =	vst.idx.add.f32.msk $0xffff, v24;
	s19 =	smov.u32 s20;
	s20 =	smov.u32 s23  }
0x524: {  	v18 =	vmul.f32 v28, v27;
	v24 =	vpop (erf);
	(erf) = vpow2.f32 v17  }
0x525: {  	v27 =	vmul.f32 v19, v26;
	v17 =	vadd.f32 v30, v24;
	[tilespmem:v6+s20+$0x5180] =	vst.idx.add.f32.msk $0xffff, v16;
	v19 =	vpop (erf)  }
0x526: {  	v22 =	vmul.f32 v20, v22;
	[tilespmem:v7+s20+$0x5180] =	vst.idx.add.f32.msk $0xffff, v18;
	v26 =	vpop (erf);
	v18 =	vmul.f32 $5.000000000e-01, v19  }
0x527: {  	v17 =	vadd.f32 v26, v17;
	[tilespmem:v2+s20+$0x5180] =	vst.idx.add.f32.msk $0xffff, v27;
	v16 =	vpop (erf);
	v27 =	vmul.f32 v20, v29  }
0x528: {  	v35 =	vmul.f32 $5.000000000e-01, v16;
	v28 =	vld.idx.msk [tilespmem:v3+s20+$0x180], $0xffff;
	v20 =	vsub.f32 $0.0e+00, v18;
	v23 =	vmul.f32 v18, v23  }
0x529: {  	v29 =	vld.idx.msk [tilespmem:v8+s20+$0x180], $0xffff;
	(erf) = vrcp.f32 v17;
	v16 =	vpop (erf)  }
0x52a: {  	v17 =	vsub.f32 $0.0e+00, v35;
	v32 =	vmul.f32 v35, v39;
	v33 =	vld.idx.msk [tilespmem:v9+s20+$0x180], $0xffff;
	v19 =	vpop (erf);
	v21 =	vmul.f32 v20, v21  }
0x52b: {  	v15 =	vadd.f32 v16, v15;
	v18 =	vpop (erf);
	[tilespmem:v3+s19+$0x5080] =	vst.idx.add.f32.msk $0xffff, v22;
	v22 =	vmul.f32 v20, v31  }
0x52c: {  	v31 =	vmul.f32 v17, v34;
	v17 =	vmul.f32 v17, v37;
	v34 =	vadd.f32 v19, v18  }
0x52d: {  	v20 =	vpop (erf);
	[tilespmem:v8+s19+$0x5080] =	vst.idx.add.f32.msk $0xffff, v25;
	(erf) = vrcp.f32 v15  }
0x52e: {  	v25 =	vsub.f32 $0.0e+00, v28;
	[tilespmem:v6+s20+$0x5000] =	vst.idx.add.f32.msk $0xffff, v31;
	v15 =	vadd.f32 v20, v34  }
0x52f: {  	v28 =	vmul.f32 $1.442695020e+00, v29;
	[tilespmem:v7+s20+$0x5000] =	vst.idx.add.f32.msk $0xffff, v32  }
0x530: {  	[tilespmem:v2+s20+$0x5000] =	vst.idx.add.f32.msk $0xffff, v17;
	v17 =	vmul.f32 $1.442695020e+00, v25;
	v25 =	vsub.f32 $0.0e+00, v33;
	(erf) = vrcp.f32 v15  }
0x531: {  	v15 =	vld.idx.msk [tilespmem:v3+s20+$0x0], $0xffff;
	(erf) = vpow2.f32 v28  }
0x532: {  	v28 =	vld.idx.msk [tilespmem:v8+s20+$0x0], $0xffff;
	v25 =	vmul.f32 $1.442695020e+00, v25;
	v29 =	vpop (erf);
	(erf) = vpow2.f32 v17  }
0x533: {  	v31 =	vld.idx.msk [tilespmem:v9+s20+$0x0], $0xffff;
	v17 =	vmul.f32 $5.000000000e-01, v29  }
0x534: {  	(erf) = vpow2.f32 v25;
	[tilespmem:v9+s19+$0x5080] =	vst.idx.add.f32.msk $0xffff, v27  }
.Ltmp5:
0x535: {  	v25 =	vsub.f32 $0.0e+00, v17;
	v27 =	vmul.f32 v17, v30;
	[tilespmem:v3+s19+$0x5100] =	vst.idx.add.f32.msk $0xffff, v21;
	(pc) =	sbr.rel @p1 .LBB2_8-.Ltmp5, $4  }
0x536: {  	[tilespmem:v8+s19+$0x5100] =	vst.idx.add.f32.msk $0xffff, v23;
	v21 =	vpop (erf)  }
0x537: {  	v29 =	vsub.f32 $0.0e+00, v15;
	v30 =	vmul.f32 v25, v24;
	v17 =	vmul.f32 v25, v26;
	[tilespmem:v9+s19+$0x5100] =	vst.idx.add.f32.msk $0xffff, v22  }
0x538: {  	v23 =	vmul.f32 $1.442695020e+00, v28;
	v15 =	vmul.f32 $5.000000000e-01, v21;
	v22 =	vld.idx.msk [tilespmem:v10+s19+$0x80], $0xffff  }
0x539: {  	s22 =	sadd.s32 $0x800, s22;
	v21 =	vmul.f32 $1.442695020e+00, v29;
	v24 =	vsub.f32 $0.0e+00, v31;
	[tilespmem:v6+s20+$0x5080] =	vst.idx.add.f32.msk $0xffff, v30;
	v28 =	vpop (erf)  }
0x53a: {  	v25 =	vpop (erf)  }
0x53b: {  	v26 =	vpop (erf)  }
0x53c: {  	v29 =	vadd.f32 v25, v26  }
0x53d: {  	(erf) = vpow2.f32 v23;
	v35 =	vmul.f32 $1.442695020e+00, v24;
	v36 =	vpop (erf)  }
0x53e: {  	(erf) = vpow2.f32 v21;
	v37 =	vadd.f32 v36, v29  }
0x53f: {  	v38 =	vld.idx.msk [tilespmem:v10+s19+$0x100], $0xffff;
	(erf) = vpow2.f32 v35  }
0x540: {  	v39 =	vld.idx.msk [tilespmem:v11+s19+$0x80], $0xffff;
	(erf) = vrcp.f32 v37  }
0x541: {  	v40 =	vld.idx.msk [tilespmem:v12+s19+$0x80], $0xffff  }
0x542: {  	v30 =	vld.idx.msk [tilespmem:v11+s19+$0x100], $0xffff;
	_ =	sdelay $0x1  }
0x543: {  	v22 =	vsub.f32 $0.0e+00, v22  }
0x544: {  	v31 =	vld.idx.msk [tilespmem:v12+s19+$0x100], $0xffff  }
0x545: {  	v22 =	vmul.f32 $1.442695020e+00, v22;
	v23 =	vsub.f32 $0.0e+00, v38;
	v32 =	vpop (erf)  }
0x546: {  	v21 =	vmul.f32 $1.442695020e+00, v39;
	v41 =	vsub.f32 $0.0e+00, v40;
	v30 =	vmul.f32 $1.442695020e+00, v30;
	v33 =	vpop (erf)  }
0x547: {  	v23 =	vmul.f32 $1.442695020e+00, v23;
	(erf) = vpow2.f32 v22;
	v42 =	vpop (erf)  }
0x548: {  	v22 =	vmul.f32 $1.442695020e+00, v41;
	(erf) = vpow2.f32 v21;
	v43 =	vadd.f32 v32, v33;
	v44 =	vpop (erf)  }
0x549: {  	v31 =	vsub.f32 $0.0e+00, v31;
	(erf) = vpow2.f32 v23;
	v23 =	vmul.f32 $5.000000000e-01, v44  }
0x54a: {  	v21 =	vadd.f32 v42, v43;
	(erf) = vpow2.f32 v30  }
0x54b: {  	v45 =	vmul.f32 $1.442695020e+00, v31;
	(erf) = vpow2.f32 v22;
	v46 =	vsub.f32 $0.0e+00, v23  }
0x54c: {  	(erf) = vrcp.f32 v21  }
0x54d: {  	(erf) = vpow2.f32 v45;
	v47 =	vmul.f32 v46, v26  }
0x54e: {  	v25 =	vmul.f32 v23, v25  }
0x54f: {  	v48 =	vmul.f32 v46, v36;
	[tilespmem:v3+s20+$0x5180] =	vst.idx.add.f32.msk $0xffff, v47  }
0x550: {  	v23 =	vpop (erf);
	[tilespmem:v8+s20+$0x5180] =	vst.idx.add.f32.msk $0xffff, v25  }
0x551: {  	v24 =	vpop (erf);
	[tilespmem:v9+s20+$0x5180] =	vst.idx.add.f32.msk $0xffff, v48  }
0x552: {  	v21 =	vpop (erf);
	v49 =	vld.idx.msk [tilespmem:v10+s20+$0x180], $0xffff  }
0x553: {  	v22 =	vpop (erf);
	v50 =	vld.idx.msk [tilespmem:v11+s20+$0x180], $0xffff  }
0x554: {  	v51 =	vadd.f32 v24, v23;
	v26 =	vpop (erf);
	v34 =	vld.idx.msk [tilespmem:v12+s20+$0x180], $0xffff  }
0x555: {  	v35 =	vadd.f32 v22, v21;
	v36 =	vpop (erf)  }
0x556: {  	v37 =	vadd.f32 v26, v51;
	v25 =	vpop (erf)  }
0x557: {  	v28 =	vmul.f32 $5.000000000e-01, v28;
	v35 =	vadd.f32 v25, v35;
	v30 =	vsub.f32 $0.0e+00, v49  }
0x558: {  	(erf) = vrcp.f32 v37;
	v31 =	vmul.f32 $1.442695020e+00, v50  }
0x559: {  	(erf) = vrcp.f32 v35;
	v34 =	vsub.f32 $0.0e+00, v34;
	v30 =	vmul.f32 $1.442695020e+00, v30  }
0x55a: {  	[tilespmem:v7+s20+$0x5080] =	vst.idx.add.f32.msk $0xffff, v27;
	v52 =	vsub.f32 $0.0e+00, v28;
	(erf) = vpow2.f32 v31  }
0x55b: {  	[tilespmem:v2+s20+$0x5080] =	vst.idx.add.f32.msk $0xffff, v17;
	v53 =	vmul.f32 $1.442695020e+00, v34;
	(erf) = vpow2.f32 v30  }
0x55c: {  	v55 =	vld.idx.msk [tilespmem:v3+s20+$0x80], $0xffff;
	v18 =	vmul.f32 v52, v18  }
0x55d: {  	v19 =	vmul.f32 v28, v19;
	v61 =	vld.idx.msk [tilespmem:v9+s20+$0x80], $0xffff;
	(erf) = vpow2.f32 v53  }
0x55e: {  	v54 =	vmul.f32 v52, v20;
	[tilespmem:v6+s20+$0x5100] =	vst.idx.add.f32.msk $0xffff, v18  }
0x55f: {  	[tilespmem:v7+s20+$0x5100] =	vst.idx.add.f32.msk $0xffff, v19  }
0x560: {  	[tilespmem:v2+s20+$0x5100] =	vst.idx.add.f32.msk $0xffff, v54  }
0x561: {  	v56 =	vld.idx.msk [tilespmem:v3+s20+$0x100], $0xffff;
	v18 =	vpop (erf)  }
0x562: {  	v17 =	vpop (erf)  }
0x563: {  	v28 =	vpop (erf)  }
0x564: {  	v57 =	vmul.f32 $5.000000000e-01, v36;
	v30 =	vpop (erf)  }
0x565: {  	v58 =	vld.idx.msk [tilespmem:v8+s20+$0x80], $0xffff;
	v19 =	vsub.f32 $0.0e+00, v55;
	v60 =	vadd.f32 v28, v30  }
0x566: {  	v38 =	vsub.f32 $0.0e+00, v61;
	v62 =	vld.idx.msk [tilespmem:v8+s20+$0x100], $0xffff;
	v20 =	vsub.f32 $0.0e+00, v56;
	v27 =	vmul.f32 v57, v32;
	v32 =	vpop (erf)  }
0x567: {  	v63 =	vld.idx.msk [tilespmem:v9+s20+$0x100], $0xffff;
	v19 =	vmul.f32 $1.442695020e+00, v19;
	v59 =	vsub.f32 $0.0e+00, v57;
	v35 =	vadd.f32 v32, v60  }
0x568: {  	v40 =	vmul.f32 $1.442695020e+00, v38;
	v20 =	vmul.f32 $1.442695020e+00, v20  }
0x569: {  	v33 =	vmul.f32 v59, v33;
	(erf) = vrcp.f32 v35  }
0x56a: {  	v31 =	vmul.f32 $1.442695020e+00, v58;
	(erf) = vpow2.f32 v19  }
0x56b: {  	v39 =	vmul.f32 $1.442695020e+00, v62;
	(erf) = vpow2.f32 v20  }
0x56c: {  	v41 =	vsub.f32 $0.0e+00, v63;
	v29 =	vmul.f32 v59, v42;
	[tilespmem:v3+s20+$0x5000] =	vst.idx.add.f32.msk $0xffff, v33;
	(erf) = vpow2.f32 v31  }
0x56d: {  	[tilespmem:v8+s20+$0x5000] =	vst.idx.add.f32.msk $0xffff, v27;
	(erf) = vpow2.f32 v39  }
0x56e: {  	v42 =	vmul.f32 $1.442695020e+00, v41;
	[tilespmem:v9+s20+$0x5000] =	vst.idx.add.f32.msk $0xffff, v29;
	(erf) = vpow2.f32 v40  }
0x56f: {  	v43 =	vld.idx.msk [tilespmem:v10+s20+$0x0], $0xffff  }
0x570: {  	(erf) = vpow2.f32 v42;
	_ =	sdelay $0x1  }
0x571: {  	v27 =	vld.idx.msk [tilespmem:v11+s20+$0x0], $0xffff;
	v19 =	vpop (erf)  }
0x572: {  	v44 =	vpop (erf)  }
0x573: {  	v20 =	vsub.f32 $0.0e+00, v43;
	v45 =	vpop (erf)  }
0x574: {  	v46 =	vpop (erf)  }
0x575: {  	v20 =	vmul.f32 $1.442695020e+00, v20;
	v47 =	vpop (erf);
	v48 =	vadd.f32 v46, v44  }
0x576: {  	v27 =	vmul.f32 $1.442695020e+00, v27;
	v49 =	vpop (erf)  }
0x577: {  	(erf) = vpow2.f32 v20;
	v51 =	vadd.f32 v47, v45;
	v50 =	vadd.f32 v49, v48  }
0x578: {  	(erf) = vpow2.f32 v27;
	v52 =	vpop (erf)  }
0x579: {  	v53 =	vadd.f32 v52, v51;
	(erf) = vrcp.f32 v50;
	_ =	sdelay $0x1  }
0x57a: {  	(erf) = vrcp.f32 v53;
	_ =	sdelay $0x4  }
0x57b: {  	v27 =	vpop (erf)  }
0x57c: {  	v54 =	vld.idx.msk [tilespmem:v12+s20+$0x0], $0xffff;
	v37 =	vpop (erf)  }
0x57d: {  	v38 =	vpop (erf)  }
0x57e: {  	v38 =	vmul.f32 $5.000000000e-01, v38  }
0x57f: {  	v40 =	vpop (erf)  }
0x580: {  	v40 =	vmul.f32 $5.000000000e-01, v40;
	v39 =	vsub.f32 $0.0e+00, v38  }
0x581: {  	v35 =	vsub.f32 $0.0e+00, v54  }
0x582: {  	v55 =	vsub.f32 $0.0e+00, v40;
	v29 =	vmul.f32 v39, v44  }
0x583: {  	v35 =	vmul.f32 $1.442695020e+00, v35;
	v33 =	vmul.f32 v38, v46  }
0x584: {  	v56 =	vmul.f32 v55, v45;
	[tilespmem:v3+s20+$0x5080] =	vst.idx.add.f32.msk $0xffff, v29  }
0x585: {  	(erf) = vpow2.f32 v35;
	v36 =	vmul.f32 v39, v49;
	[tilespmem:v8+s20+$0x5080] =	vst.idx.add.f32.msk $0xffff, v33  }
0x586: {  	v57 =	vmul.f32 v40, v47;
	[tilespmem:v3+s20+$0x5100] =	vst.idx.add.f32.msk $0xffff, v56  }
0x587: {  	[tilespmem:v9+s20+$0x5080] =	vst.idx.add.f32.msk $0xffff, v36  }
0x588: {  	v20 =	vmul.f32 v55, v52;
	[tilespmem:v8+s20+$0x5100] =	vst.idx.add.f32.msk $0xffff, v57  }
0x589: {  	v58 =	vld.idx.msk [tilespmem:v10+s20+$0x80], $0xffff  }
0x58a: {  	[tilespmem:v9+s20+$0x5100] =	vst.idx.add.f32.msk $0xffff, v20  }
0x58b: {  	v20 =	vld.idx.msk [tilespmem:v10+s20+$0x100], $0xffff  }
0x58c: {  	v59 =	vld.idx.msk [tilespmem:v11+s20+$0x80], $0xffff  }
0x58d: {  	v60 =	vadd.f32 v37, v27;
	v61 =	vld.idx.msk [tilespmem:v12+s20+$0x80], $0xffff  }
0x58e: {  	v35 =	vpop (erf);
	v62 =	vld.idx.msk [tilespmem:v11+s20+$0x100], $0xffff;
	v29 =	vsub.f32 $0.0e+00, v58  }
0x58f: {  	v33 =	vadd.f32 v35, v60  }
0x590: {  	v63 =	vld.idx.msk [tilespmem:v12+s20+$0x100], $0xffff;
	v20 =	vsub.f32 $0.0e+00, v20;
	v29 =	vmul.f32 $1.442695020e+00, v29  }
0x591: {  	(erf) = vrcp.f32 v33;
	v31 =	vmul.f32 $1.442695020e+00, v59  }
0x592: {  	v39 =	vsub.f32 $0.0e+00, v61;
	v20 =	vmul.f32 $1.442695020e+00, v20;
	(erf) = vpow2.f32 v29  }
0x593: {  	v40 =	vmul.f32 $1.442695020e+00, v62;
	(erf) = vpow2.f32 v31  }
0x594: {  	v41 =	vmul.f32 $1.442695020e+00, v39;
	(erf) = vpow2.f32 v20  }
0x595: {  	v42 =	vsub.f32 $0.0e+00, v63;
	(erf) = vpow2.f32 v40  }
0x596: {  	(erf) = vpow2.f32 v41  }
0x597: {  	v43 =	vmul.f32 $1.442695020e+00, v42;
	_ =	sdelay $0x1  }
0x598: {  	(erf) = vpow2.f32 v43  }
0x599: {  	v44 =	vpop (erf)  }
0x59a: {  	v45 =	vpop (erf)  }
0x59b: {  	v46 =	vpop (erf)  }
0x59c: {  	v19 =	vmul.f32 $5.000000000e-01, v19;
	v47 =	vpop (erf)  }
0x59d: {  	v48 =	vadd.f32 v46, v45;
	v49 =	vpop (erf)  }
0x59e: {  	v50 =	vsub.f32 $0.0e+00, v19;
	v51 =	vpop (erf)  }
0x59f: {  	v18 =	vmul.f32 $5.000000000e-01, v18;
	v34 =	vadd.f32 v51, v48  }
0x5a0: {  	v53 =	vsub.f32 $0.0e+00, v15;
	v30 =	vmul.f32 v50, v30;
	v52 =	vadd.f32 v49, v47  }
0x5a1: {  	v19 =	vmul.f32 v19, v28;
	v54 =	vpop (erf);
	(erf) = vrcp.f32 v34  }
0x5a2: {  	v13 =	vmul.f32 v53, v13;
	[tilespmem:v10+s20+$0x5180] =	vst.idx.add.f32.msk $0xffff, v30;
	v56 =	vadd.f32 v54, v52  }
0x5a3: {  	v14 =	vmul.f32 v15, v14;
	v15 =	vsub.f32 $0.0e+00, v18;
	[tilespmem:v11+s20+$0x5180] =	vst.idx.add.f32.msk $0xffff, v19  }
0x5a4: {  	v16 =	vmul.f32 v53, v16;
	[tilespmem:v10+s19+$0x5000] =	vst.idx.add.f32.msk $0xffff, v13;
	(erf) = vrcp.f32 v56  }
0x5a5: {  	v17 =	vmul.f32 $5.000000000e-01, v17;
	v13 =	vmul.f32 v15, v23;
	[tilespmem:v11+s19+$0x5000] =	vst.idx.add.f32.msk $0xffff, v14  }
0x5a6: {  	v14 =	vmul.f32 v18, v24;
	[tilespmem:v12+s19+$0x5000] =	vst.idx.add.f32.msk $0xffff, v16  }
0x5a7: {  	v15 =	vmul.f32 v15, v26;
	[tilespmem:v10+s19+$0x5080] =	vst.idx.add.f32.msk $0xffff, v13;
	v57 =	vsub.f32 $0.0e+00, v17  }
0x5a8: {  	[tilespmem:v11+s19+$0x5080] =	vst.idx.add.f32.msk $0xffff, v14;
	v55 =	vmul.f32 v50, v32;
	v13 =	vmul.f32 $5.000000000e-01, v44  }
0x5a9: {  	[tilespmem:v12+s19+$0x5080] =	vst.idx.add.f32.msk $0xffff, v15;
	v58 =	vmul.f32 v57, v21  }
0x5aa: {  	v14 =	vmul.f32 v17, v22;
	[tilespmem:v12+s20+$0x5180] =	vst.idx.add.f32.msk $0xffff, v55;
	v15 =	vsub.f32 $0.0e+00, v13;
	v59 =	vpop (erf)  }
0x5ab: {  	v18 =	vmul.f32 v57, v25;
	[tilespmem:v10+s19+$0x5100] =	vst.idx.add.f32.msk $0xffff, v58;
	v60 =	vmul.f32 $5.000000000e-01, v59  }
0x5ac: {  	[tilespmem:v11+s19+$0x5100] =	vst.idx.add.f32.msk $0xffff, v14;
	v14 =	vmul.f32 v15, v27  }
0x5ad: {  	[tilespmem:v12+s19+$0x5100] =	vst.idx.add.f32.msk $0xffff, v18;
	v13 =	vmul.f32 v13, v37;
	v61 =	vpop (erf);
	v62 =	vsub.f32 $0.0e+00, v60  }
0x5ae: {  	v15 =	vmul.f32 v15, v35;
	[tilespmem:v10+s20+$0x5000] =	vst.idx.add.f32.msk $0xffff, v14;
	v17 =	vmul.f32 $5.000000000e-01, v61  }
0x5af: {  	[tilespmem:v11+s20+$0x5000] =	vst.idx.add.f32.msk $0xffff, v13;
	v14 =	vmul.f32 v62, v45  }
0x5b0: {  	[tilespmem:v12+s20+$0x5000] =	vst.idx.add.f32.msk $0xffff, v15;
	v13 =	vmul.f32 v60, v46;
	v63 =	vsub.f32 $0.0e+00, v17  }
0x5b1: {  	v15 =	vmul.f32 v62, v51;
	[tilespmem:v10+s20+$0x5080] =	vst.idx.add.f32.msk $0xffff, v14  }
0x5b2: {  	v14 =	vmul.f32 v63, v47;
	[tilespmem:v11+s20+$0x5080] =	vst.idx.add.f32.msk $0xffff, v13  }
.Ltmp6:
0x5b3: {  	v13 =	vmul.f32 v17, v49;
	[tilespmem:v12+s20+$0x5080] =	vst.idx.add.f32.msk $0xffff, v15;
	(pc) =	sbr.rel @p0 .LBB2_13-.Ltmp6, $4  }
0x5b4: {  	v15 =	vmul.f32 v63, v54;
	[tilespmem:v10+s20+$0x5100] =	vst.idx.add.f32.msk $0xffff, v14  }
0x5b5: {  	[tilespmem:v11+s20+$0x5100] =	vst.idx.add.f32.msk $0xffff, v13  }
0x5b6: {  	[tilespmem:v12+s20+$0x5100] =	vst.idx.add.f32.msk $0xffff, v15  }
0x5b7: {  	[hbm4b:s8+s3] =	stream.linear.scatter [tilespmem:s13], [sflag:$0x3], $0x2800, $0x38;
	[tilespmem:$0xA000] =	vst v63  }
0x5b8: {  	_ =	swait.ge [sflag:s14], $0x2800  }
0x5b9: {  	[sflag:s14] =	ssyncset.done $0x0  }
0x5ba: {  	[sflag:s14] =	ssyncadd.s32 $0xFFFFD800  }
0x5bb: {  	_ =	swait.ge [sflag:s17], $0x2800  }
0x5bc: {  	[sflag:s17] =	ssyncset.done $0x0  }
0x5bd: {  	s19 =	simm.s32 $0x0;
	[sflag:s17] =	ssyncadd.s32 $0xFFFFD800  }
0x5be: {  	[tilespmem:s19+$0x7980] =	vst v0  }
0x5bf: {  	[tilespmem:s19+$0x7990] =	vst v0  }
0x5c0: {  	[tilespmem:s19+$0x79A0] =	vst v0  }
0x5c1: {  	[tilespmem:s19+$0x79B0] =	vst v0  }
0x5c2: {  	[tilespmem:s19+$0x79C0] =	vst v0  }
0x5c3: {  	[tilespmem:s19+$0x79D0] =	vst v0  }
0x5c4: {  	[tilespmem:s19+$0x79E0] =	vst v0  }
0x5c5: {  	[tilespmem:s19+$0x79F0] =	vst v0  }
0x5c6: {  	[tilespmem:s19+$0x7800] =	vst v0  }
0x5c7: {  	[tilespmem:s19+$0x7810] =	vst v0;
	v13 =	vld.idx.msk [tilespmem:v1+s19+$0x2980], $0xffff  }
0x5c8: {  	[tilespmem:s19+$0x7820] =	vst v0;
	v14 =	vld.idx.msk [tilespmem:v4+s19+$0x2980], $0xffff  }
0x5c9: {  	[tilespmem:s19+$0x7830] =	vst v0;
	v15 =	vld.idx.msk [tilespmem:v5+s19+$0x2980], $0xffff  }
0x5ca: {  	[tilespmem:s19+$0x7840] =	vst v0  }
0x5cb: {  	[tilespmem:s19+$0x7850] =	vst v0  }
0x5cc: {  	[tilespmem:s19+$0x7860] =	vst v0;
	v13 =	vsub.f32 $0.0e+00, v13  }
0x5cd: {  	[tilespmem:s19+$0x7870] =	vst v0;
	v14 =	vmul.f32 $1.442695020e+00, v14  }
0x5ce: {  	v16 =	vld.idx.msk [tilespmem:v1+s19+$0x2800], $0xffff;
	v15 =	vsub.f32 $0.0e+00, v15;
	v13 =	vmul.f32 $1.442695020e+00, v13  }
0x5cf: {  	(erf) = vpow2.f32 v14;
	v14 =	vld.idx.msk [tilespmem:v4+s19+$0x2800], $0xffff  }
0x5d0: {  	v15 =	vmul.f32 $1.442695020e+00, v15;
	(erf) = vpow2.f32 v13;
	v13 =	vld.idx.msk [tilespmem:v5+s19+$0x2800], $0xffff;
	_ =	sdelay $0x1  }
0x5d1: {  	[tilespmem:s19+$0x7880] =	vst v0;
	(erf) = vpow2.f32 v15  }
0x5d2: {  	[tilespmem:s19+$0x7890] =	vst v0;
	v15 =	vsub.f32 $0.0e+00, v16  }
0x5d3: {  	[tilespmem:s19+$0x78A0] =	vst v0;
	v14 =	vmul.f32 $1.442695020e+00, v14  }
0x5d4: {  	[tilespmem:s19+$0x78B0] =	vst v0;
	v15 =	vmul.f32 $1.442695020e+00, v15;
	v13 =	vsub.f32 $0.0e+00, v13  }
0x5d5: {  	[tilespmem:s19+$0x78C0] =	vst v0  }
0x5d6: {  	[tilespmem:s19+$0x78D0] =	vst v0;
	v13 =	vmul.f32 $1.442695020e+00, v13  }
0x5d7: {  	[tilespmem:s19+$0x78E0] =	vst v0;
	(erf) = vpow2.f32 v14;
	v14 =	vpop (erf)  }
0x5d8: {  	[tilespmem:s19+$0x78F0] =	vst v0;
	(erf) = vpow2.f32 v15;
	v15 =	vpop (erf)  }
0x5d9: {  	[tilespmem:s19+$0x7900] =	vst v0;
	v17 =	vadd.f32 v14, v15  }
0x5da: {  	[tilespmem:s19+$0x7910] =	vst v0;
	v16 =	vld.idx.msk [tilespmem:v1+s19+$0x2880], $0xffff;
	(erf) = vpow2.f32 v13;
	v13 =	vpop (erf)  }
0x5db: {  	[tilespmem:s19+$0x7920] =	vst v0;
	v18 =	vld.idx.msk [tilespmem:v5+s19+$0x2880], $0xffff;
	v17 =	vadd.f32 v13, v17  }
0x5dc: {  	[tilespmem:s19+$0x7930] =	vst v0  }
0x5dd: {  	[tilespmem:s19+$0x7940] =	vst v0;
	v19 =	vld.idx.msk [tilespmem:v4+s19+$0x2880], $0xffff;
	(erf) = vrcp.f32 v17  }
0x5de: {  	[tilespmem:s19+$0x7950] =	vst v0  }
0x5df: {  	[tilespmem:s19+$0x7960] =	vst v0;
	v16 =	vsub.f32 $0.0e+00, v16  }
0x5e0: {  	[tilespmem:s19+$0x7970] =	vst v0;
	v18 =	vsub.f32 $0.0e+00, v18;
	v17 =	vpop (erf)  }
0x5e1: {  	v20 =	vld.idx.msk [tilespmem:v1+s19+$0x2900], $0xffff;
	v16 =	vmul.f32 $1.442695020e+00, v16;
	v21 =	vpop (erf)  }
0x5e2: {  	v23 =	vld.idx.msk [tilespmem:v4+s19+$0x2900], $0xffff;
	v19 =	vmul.f32 $1.442695020e+00, v19;
	v18 =	vmul.f32 $1.442695020e+00, v18;
	v22 =	vadd.f32 v17, v21  }
0x5e3: {  	(erf) = vpow2.f32 v16;
	v25 =	vpop (erf)  }
0x5e4: {  	v24 =	vld.idx.msk [tilespmem:v5+s19+$0x2900], $0xffff;
	(erf) = vpow2.f32 v19;
	v16 =	vadd.f32 v25, v22  }
0x5e5: {  	(erf) = vpow2.f32 v18  }
0x5e6: {  	(erf) = vrcp.f32 v16;
	v16 =	vsub.f32 $0.0e+00, v20;
	v18 =	vpop (erf)  }
0x5e7: {  	v19 =	vmul.f32 $1.442695020e+00, v23;
	v18 =	vmul.f32 $5.000000000e-01, v18  }
0x5e8: {  	v16 =	vmul.f32 $1.442695020e+00, v16  }
0x5e9: {  	v20 =	vsub.f32 $0.0e+00, v24;
	(erf) = vpow2.f32 v19;
	v19 =	vsub.f32 $0.0e+00, v18;
	_ =	sdelay $0x1  }
0x5ea: {  	v20 =	vmul.f32 $1.442695020e+00, v20;
	v15 =	vmul.f32 v19, v15  }
0x5eb: {  	(erf) = vpow2.f32 v16;
	v14 =	vmul.f32 v18, v14;
	v16 =	vpop (erf)  }
0x5ec: {  	v18 =	vpop (erf)  }
0x5ed: {  	(erf) = vpow2.f32 v20;
	v20 =	vadd.f32 v18, v16  }
0x5ee: {  	v13 =	vmul.f32 v19, v13;
	[tilespmem:v1+s19+$0x7980] =	vst.idx.add.f32.msk $0xffff, v15;
	v15 =	vpop (erf)  }
0x5ef: {  	[tilespmem:v4+s19+$0x7980] =	vst.idx.add.f32.msk $0xffff, v14;
	v14 =	vpop (erf);
	v19 =	vadd.f32 v15, v20  }
0x5f0: {  	[tilespmem:v5+s19+$0x7980] =	vst.idx.add.f32.msk $0xffff, v13;
	v14 =	vmul.f32 $5.000000000e-01, v14  }
0x5f1: {  	v13 =	vld.idx.msk [tilespmem:v6+s19+$0x2980], $0xffff  }
0x5f2: {  	v22 =	vld.idx.msk [tilespmem:v7+s19+$0x2980], $0xffff;
	v20 =	vsub.f32 $0.0e+00, v14  }
0x5f3: {  	v23 =	vld.idx.msk [tilespmem:v2+s19+$0x2980], $0xffff;
	(erf) = vrcp.f32 v19;
	v19 =	vpop (erf)  }
0x5f4: {  	v24 =	vpop (erf);
	v21 =	vmul.f32 v20, v21  }
0x5f5: {  	v14 =	vmul.f32 v14, v17;
	v26 =	vadd.f32 v19, v24  }
0x5f6: {  	v20 =	vmul.f32 v20, v25;
	v17 =	vpop (erf);
	[tilespmem:v1+s19+$0x7800] =	vst.idx.add.f32.msk $0xffff, v21  }
0x5f7: {  	v13 =	vsub.f32 $0.0e+00, v13;
	v21 =	vadd.f32 v17, v26;
	[tilespmem:v4+s19+$0x7800] =	vst.idx.add.f32.msk $0xffff, v14  }
0x5f8: {  	v14 =	vmul.f32 $1.442695020e+00, v22;
	[tilespmem:v5+s19+$0x7800] =	vst.idx.add.f32.msk $0xffff, v20;
	v20 =	vsub.f32 $0.0e+00, v23  }
0x5f9: {  	v13 =	vmul.f32 $1.442695020e+00, v13;
	(erf) = vrcp.f32 v21;
	v21 =	vld.idx.msk [tilespmem:v6+s19+$0x2800], $0xffff  }
0x5fa: {  	(erf) = vpow2.f32 v14  }
0x5fb: {  	(erf) = vpow2.f32 v13;
	v13 =	vld.idx.msk [tilespmem:v7+s19+$0x2800], $0xffff  }
0x5fc: {  	v22 =	vld.idx.msk [tilespmem:v2+s19+$0x2800], $0xffff;
	v14 =	vmul.f32 $1.442695020e+00, v20;
	v20 =	vpop (erf)  }
0x5fd: {  	v20 =	vmul.f32 $5.000000000e-01, v20  }
0x5fe: {  	(erf) = vpow2.f32 v14;
	v21 =	vsub.f32 $0.0e+00, v21  }
0x5ff: {  	v14 =	vsub.f32 $0.0e+00, v20;
	v18 =	vmul.f32 v20, v18  }
0x600: {  	v20 =	vmul.f32 $1.442695020e+00, v21;
	v13 =	vmul.f32 $1.442695020e+00, v13  }
0x601: {  	v16 =	vmul.f32 v14, v16;
	v14 =	vmul.f32 v14, v15;
	v15 =	vsub.f32 $0.0e+00, v22;
	_ =	sdelay $0x1  }
0x602: {  	v21 =	vpop (erf);
	(erf) = vpow2.f32 v20;
	v15 =	vmul.f32 $1.442695020e+00, v15  }
0x603: {  	[tilespmem:v1+s19+$0x7880] =	vst.idx.add.f32.msk $0xffff, v16;
	v20 =	vpop (erf);
	(erf) = vpow2.f32 v13  }
0x604: {  	v16 =	vmul.f32 $5.000000000e-01, v21;
	[tilespmem:v4+s19+$0x7880] =	vst.idx.add.f32.msk $0xffff, v18;
	v13 =	vpop (erf)  }
0x605: {  	[tilespmem:v5+s19+$0x7880] =	vst.idx.add.f32.msk $0xffff, v14;
	(erf) = vpow2.f32 v15;
	v18 =	vadd.f32 v20, v13  }
0x606: {  	v14 =	vsub.f32 $0.0e+00, v16;
	v21 =	vld.idx.msk [tilespmem:v6+s19+$0x2880], $0xffff;
	v15 =	vpop (erf)  }
0x607: {  	v22 =	vld.idx.msk [tilespmem:v7+s19+$0x2880], $0xffff;
	v18 =	vadd.f32 v15, v18  }
0x608: {  	v23 =	vmul.f32 v14, v24  }
0x609: {  	v16 =	vmul.f32 v16, v19;
	v19 =	vld.idx.msk [tilespmem:v2+s19+$0x2880], $0xffff  }
0x60a: {  	v14 =	vmul.f32 v14, v17;
	[tilespmem:v1+s19+$0x7900] =	vst.idx.add.f32.msk $0xffff, v23;
	(erf) = vrcp.f32 v18  }
0x60b: {  	[tilespmem:v4+s19+$0x7900] =	vst.idx.add.f32.msk $0xffff, v16;
	v16 =	vsub.f32 $0.0e+00, v21;
	v18 =	vpop (erf)  }
0x60c: {  	[tilespmem:v5+s19+$0x7900] =	vst.idx.add.f32.msk $0xffff, v14;
	v14 =	vmul.f32 $1.442695020e+00, v22;
	v22 =	vpop (erf)  }
0x60d: {  	v17 =	vld.idx.msk [tilespmem:v6+s19+$0x2900], $0xffff;
	v16 =	vmul.f32 $1.442695020e+00, v16;
	v23 =	vadd.f32 v22, v18  }
0x60e: {  	v19 =	vsub.f32 $0.0e+00, v19;
	v24 =	vld.idx.msk [tilespmem:v2+s19+$0x2900], $0xffff;
	(erf) = vpow2.f32 v14;
	v25 =	vpop (erf)  }
0x60f: {  	v21 =	vld.idx.msk [tilespmem:v7+s19+$0x2900], $0xffff;
	(erf) = vpow2.f32 v16;
	v16 =	vadd.f32 v25, v23  }
0x610: {  	v14 =	vmul.f32 $1.442695020e+00, v19;
	_ =	sdelay $0x1  }
0x611: {  	(erf) = vpow2.f32 v14  }
0x612: {  	v19 =	vsub.f32 $0.0e+00, v24;
	(erf) = vrcp.f32 v16;
	v16 =	vpop (erf)  }
0x613: {  	v14 =	vsub.f32 $0.0e+00, v17;
	v17 =	vmul.f32 $1.442695020e+00, v21;
	v16 =	vmul.f32 $5.000000000e-01, v16  }
0x614: {  	v21 =	vmul.f32 $1.442695020e+00, v19  }
0x615: {  	v14 =	vmul.f32 $1.442695020e+00, v14;
	(erf) = vpow2.f32 v17;
	v17 =	vsub.f32 $0.0e+00, v16;
	_ =	sdelay $0x1  }
0x616: {  	(erf) = vpow2.f32 v14;
	v19 =	vpop (erf);
	v13 =	vmul.f32 v17, v13  }
0x617: {  	(erf) = vpow2.f32 v21;
	v14 =	vmul.f32 v16, v20;
	v21 =	vpop (erf)  }
0x618: {  	v16 =	vadd.f32 v19, v21;
	[tilespmem:v6+s19+$0x7980] =	vst.idx.add.f32.msk $0xffff, v13;
	v13 =	vmul.f32 v17, v15  }
0x619: {  	v20 =	vpop (erf);
	[tilespmem:v7+s19+$0x7980] =	vst.idx.add.f32.msk $0xffff, v14  }
0x61a: {  	v14 =	vadd.f32 v20, v16;
	[tilespmem:v2+s19+$0x7980] =	vst.idx.add.f32.msk $0xffff, v13  }
0x61b: {  	v17 =	vld.idx.msk [tilespmem:v3+s19+$0x2980], $0xffff;
	_ =	sdelay $0x1  }
0x61c: {  	(erf) = vrcp.f32 v14;
	v13 =	vpop (erf)  }
0x61d: {  	v23 =	vld.idx.msk [tilespmem:v8+s19+$0x2980], $0xffff;
	v14 =	vpop (erf)  }
0x61e: {  	v13 =	vmul.f32 $5.000000000e-01, v13;
	v16 =	vpop (erf)  }
0x61f: {  	v24 =	vld.idx.msk [tilespmem:v9+s19+$0x2980], $0xffff;
	v26 =	vadd.f32 v14, v16;
	v17 =	vsub.f32 $0.0e+00, v17  }
0x620: {  	v27 =	vsub.f32 $0.0e+00, v13;
	v15 =	vpop (erf)  }
0x621: {  	v13 =	vmul.f32 v13, v22;
	v22 =	vadd.f32 v15, v26;
	v17 =	vmul.f32 $1.442695020e+00, v17  }
0x622: {  	v23 =	vmul.f32 $1.442695020e+00, v23;
	v18 =	vmul.f32 v27, v18  }
0x623: {  	(erf) = vrcp.f32 v22  }
0x624: {  	v24 =	vsub.f32 $0.0e+00, v24;
	v22 =	vmul.f32 v27, v25;
	[tilespmem:v6+s19+$0x7800] =	vst.idx.add.f32.msk $0xffff, v18;
	(erf) = vpow2.f32 v23  }
0x625: {  	[tilespmem:v7+s19+$0x7800] =	vst.idx.add.f32.msk $0xffff, v13;
	(erf) = vpow2.f32 v17;
	v17 =	vpop (erf)  }
0x626: {  	v13 =	vmul.f32 $1.442695020e+00, v24;
	[tilespmem:v2+s19+$0x7800] =	vst.idx.add.f32.msk $0xffff, v22;
	v22 =	vmul.f32 $5.000000000e-01, v17;
	_ =	sdelay $0x1  }
0x627: {  	v18 =	vld.idx.msk [tilespmem:v3+s19+$0x2800], $0xffff;
	(erf) = vpow2.f32 v13;
	v23 =	vsub.f32 $0.0e+00, v22  }
0x628: {  	v13 =	vld.idx.msk [tilespmem:v8+s19+$0x2800], $0xffff  }
0x629: {  	v17 =	vld.idx.msk [tilespmem:v9+s19+$0x2800], $0xffff;
	v21 =	vmul.f32 v23, v21;
	_ =	sdelay $0x2  }
0x62a: {  	v18 =	vsub.f32 $0.0e+00, v18;
	v24 =	vpop (erf)  }
0x62b: {  	s20 =	simm.s32 $0x200;
	v13 =	vmul.f32 $1.442695020e+00, v13;
	[tilespmem:v6+s19+$0x7880] =	vst.idx.add.f32.msk $0xffff, v21;
	v21 =	vpop (erf)  }
0x62c: {  	[tilespmem:s20+$0x7980] =	vst v0;
	v17 =	vsub.f32 $0.0e+00, v17;
	v18 =	vmul.f32 $1.442695020e+00, v18;
	v25 =	vpop (erf)  }
0x62d: {  	[tilespmem:s20+$0x7990] =	vst v0;
	(erf) = vpow2.f32 v13;
	v13 =	vadd.f32 v21, v25  }
0x62e: {  	[tilespmem:s20+$0x79A0] =	vst v0;
	v17 =	vmul.f32 $1.442695020e+00, v17;
	(erf) = vpow2.f32 v18;
	v26 =	vpop (erf)  }
0x62f: {  	[tilespmem:s20+$0x79B0] =	vst v0;
	v13 =	vadd.f32 v26, v13  }
0x630: {  	[tilespmem:s20+$0x79C0] =	vst v0;
	(erf) = vpow2.f32 v17  }
0x631: {  	[tilespmem:s20+$0x79D0] =	vst v0;
	(erf) = vrcp.f32 v13  }
0x632: {  	[tilespmem:s20+$0x79E0] =	vst v0  }
0x633: {  	[tilespmem:s20+$0x79F0] =	vst v0  }
0x634: {  	[tilespmem:s20+$0x7800] =	vst v0  }
0x635: {  	[tilespmem:s20+$0x7810] =	vst v0;
	v28 =	vld.idx.msk [tilespmem:v4+s20+$0x2980], $0xffff  }
0x636: {  	[tilespmem:s20+$0x7820] =	vst v0;
	v27 =	vld.idx.msk [tilespmem:v1+s20+$0x2980], $0xffff;
	v18 =	vpop (erf)  }
0x637: {  	[tilespmem:s20+$0x7830] =	vst v0;
	v29 =	vld.idx.msk [tilespmem:v5+s20+$0x2980], $0xffff;
	v17 =	vpop (erf)  }
0x638: {  	[tilespmem:s20+$0x7840] =	vst v0;
	v30 =	vadd.f32 v18, v17  }
0x639: {  	[tilespmem:s20+$0x7850] =	vst v0;
	v13 =	vpop (erf)  }
0x63a: {  	[tilespmem:s20+$0x7860] =	vst v0;
	v30 =	vadd.f32 v13, v30;
	v31 =	vpop (erf)  }
0x63b: {  	[tilespmem:s20+$0x7870] =	vst v0;
	v28 =	vmul.f32 $1.442695020e+00, v28;
	v27 =	vsub.f32 $0.0e+00, v27;
	v31 =	vmul.f32 $5.000000000e-01, v31  }
0x63c: {  	[tilespmem:s20+$0x7880] =	vst v0;
	v29 =	vsub.f32 $0.0e+00, v29;
	(erf) = vrcp.f32 v30;
	v30 =	vld.idx.msk [tilespmem:v1+s20+$0x2800], $0xffff  }
0x63d: {  	[tilespmem:s20+$0x7890] =	vst v0;
	v27 =	vmul.f32 $1.442695020e+00, v27;
	(erf) = vpow2.f32 v28;
	v28 =	vsub.f32 $0.0e+00, v31  }
0x63e: {  	[tilespmem:s20+$0x78A0] =	vst v0;
	v32 =	vld.idx.msk [tilespmem:v4+s20+$0x2800], $0xffff;
	v29 =	vmul.f32 $1.442695020e+00, v29  }
0x63f: {  	[tilespmem:s20+$0x78B0] =	vst v0;
	(erf) = vpow2.f32 v27;
	v27 =	vld.idx.msk [tilespmem:v5+s20+$0x2800], $0xffff;
	v25 =	vmul.f32 v28, v25  }
0x640: {  	[tilespmem:s20+$0x78C0] =	vst v0;
	v21 =	vmul.f32 v31, v21  }
0x641: {  	(erf) = vpow2.f32 v29;
	[tilespmem:v3+s19+$0x7980] =	vst.idx.add.f32.msk $0xffff, v25;
	v25 =	vmul.f32 v28, v26;
	v26 =	vsub.f32 $0.0e+00, v30  }
0x642: {  	[tilespmem:v8+s19+$0x7980] =	vst.idx.add.f32.msk $0xffff, v21  }
0x643: {  	[tilespmem:v9+s19+$0x7980] =	vst.idx.add.f32.msk $0xffff, v25;
	v25 =	vmul.f32 $1.442695020e+00, v26  }
0x644: {  	[tilespmem:s20+$0x78D0] =	vst v0;
	v21 =	vmul.f32 $1.442695020e+00, v32;
	v26 =	vsub.f32 $0.0e+00, v27  }
0x645: {  	[tilespmem:s20+$0x78E0] =	vst v0;
	v27 =	vld.idx.msk [tilespmem:v10+s19+$0x2980], $0xffff  }
0x646: {  	[tilespmem:s20+$0x78F0] =	vst v0;
	v28 =	vpop (erf);
	(erf) = vpow2.f32 v21;
	v21 =	vld.idx.msk [tilespmem:v11+s19+$0x2980], $0xffff;
	v26 =	vmul.f32 $1.442695020e+00, v26  }
0x647: {  	[tilespmem:s20+$0x7900] =	vst v0;
	v29 =	vld.idx.msk [tilespmem:v12+s19+$0x2980], $0xffff;
	(erf) = vpow2.f32 v25;
	v25 =	vpop (erf)  }
0x648: {  	[tilespmem:s20+$0x7910] =	vst v0;
	v30 =	vld.idx.msk [tilespmem:v1+s20+$0x2880], $0xffff;
	v31 =	vpop (erf)  }
0x649: {  	[tilespmem:s20+$0x7920] =	vst v0;
	v44 =	vadd.f32 v25, v31  }
0x64a: {  	[tilespmem:s20+$0x7930] =	vst v0;
	v19 =	vmul.f32 v22, v19;
	(erf) = vpow2.f32 v26;
	v26 =	vpop (erf)  }
0x64b: {  	[tilespmem:s20+$0x7940] =	vst v0;
	v22 =	vld.idx.msk [tilespmem:v4+s20+$0x2880], $0xffff;
	v20 =	vmul.f32 v23, v20;
	v27 =	vsub.f32 $0.0e+00, v27;
	v32 =	vadd.f32 v26, v44  }
0x64c: {  	[tilespmem:s20+$0x7950] =	vst v0;
	v23 =	vld.idx.msk [tilespmem:v5+s20+$0x2880], $0xffff;
	v24 =	vmul.f32 $5.000000000e-01, v24;
	v21 =	vmul.f32 $1.442695020e+00, v21;
	v29 =	vsub.f32 $0.0e+00, v29  }
0x64d: {  	[tilespmem:s20+$0x7960] =	vst v0;
	v30 =	vsub.f32 $0.0e+00, v30;
	v27 =	vmul.f32 $1.442695020e+00, v27;
	(erf) = vrcp.f32 v32  }
0x64e: {  	[tilespmem:s20+$0x7970] =	vst v0;
	(erf) = vpow2.f32 v21;
	v21 =	vmul.f32 $1.442695020e+00, v29  }
0x64f: {  	(erf) = vpow2.f32 v27;
	v27 =	vmul.f32 $1.442695020e+00, v30;
	v30 =	vld.idx.msk [tilespmem:v1+s20+$0x2900], $0xffff  }
0x650: {  	v29 =	vpop (erf);
	(erf) = vpow2.f32 v21;
	v21 =	vsub.f32 $0.0e+00, v24  }
0x651: {  	v34 =	vld.idx.msk [tilespmem:v4+s20+$0x2900], $0xffff;
	v22 =	vmul.f32 $1.442695020e+00, v22;
	v14 =	vmul.f32 v24, v14;
	v23 =	vsub.f32 $0.0e+00, v23;
	v45 =	vpop (erf)  }
0x652: {  	[tilespmem:v7+s19+$0x7880] =	vst.idx.add.f32.msk $0xffff, v19;
	v33 =	vadd.f32 v29, v45;
	(erf) = vpow2.f32 v27;
	v16 =	vmul.f32 v21, v16  }
0x653: {  	v23 =	vmul.f32 $1.442695020e+00, v23;
	v35 =	vpop (erf);
	v27 =	vld.idx.msk [tilespmem:v5+s20+$0x2900], $0xffff;
	(erf) = vpow2.f32 v22  }
0x654: {  	v19 =	vadd.f32 v35, v33;
	v15 =	vmul.f32 v21, v15;
	[tilespmem:v6+s19+$0x7900] =	vst.idx.add.f32.msk $0xffff, v16;
	v16 =	vsub.f32 $0.0e+00, v30  }
0x655: {  	(erf) = vpow2.f32 v23;
	[tilespmem:v7+s19+$0x7900] =	vst.idx.add.f32.msk $0xffff, v14  }
0x656: {  	(erf) = vrcp.f32 v19;
	[tilespmem:v2+s19+$0x7900] =	vst.idx.add.f32.msk $0xffff, v15;
	v15 =	vmul.f32 $1.442695020e+00, v16  }
0x657: {  	v19 =	vmul.f32 $1.442695020e+00, v34;
	v14 =	vpop (erf)  }
0x658: {  	[tilespmem:v2+s19+$0x7880] =	vst.idx.add.f32.msk $0xffff, v20;
	v20 =	vmul.f32 $5.000000000e-01, v14;
	v14 =	vpop (erf)  }
0x659: {  	v47 =	vld.idx.msk [tilespmem:v9+s19+$0x2880], $0xffff;
	v22 =	vmul.f32 $5.000000000e-01, v28;
	v16 =	vpop (erf);
	(erf) = vpow2.f32 v19  }
0x65a: {  	v23 =	vld.idx.msk [tilespmem:v3+s19+$0x2880], $0xffff;
	v21 =	vsub.f32 $0.0e+00, v27;
	v24 =	vsub.f32 $0.0e+00, v20;
	(erf) = vpow2.f32 v15;
	v15 =	vpop (erf)  }
0x65b: {  	v46 =	vsub.f32 $0.0e+00, v22;
	v27 =	vld.idx.msk [tilespmem:v8+s19+$0x2880], $0xffff;
	v20 =	vmul.f32 v20, v25;
	v30 =	vpop (erf)  }
0x65c: {  	v19 =	vld.idx.msk [tilespmem:v3+s19+$0x2900], $0xffff;
	v21 =	vmul.f32 $1.442695020e+00, v21;
	v28 =	vadd.f32 v14, v16;
	v31 =	vmul.f32 v24, v31;
	v36 =	vpop (erf)  }
0x65d: {  	v18 =	vmul.f32 v22, v18;
	v17 =	vmul.f32 v46, v17;
	v37 =	vld.idx.msk [tilespmem:v9+s19+$0x2900], $0xffff;
	v25 =	vadd.f32 v36, v30  }
0x65e: {  	(erf) = vpow2.f32 v21;
	v28 =	vadd.f32 v15, v28;
	v22 =	vmul.f32 v24, v26;
	[tilespmem:v1+s20+$0x7980] =	vst.idx.add.f32.msk $0xffff, v31;
	v24 =	vpop (erf)  }
0x65f: {  	[tilespmem:v4+s20+$0x7980] =	vst.idx.add.f32.msk $0xffff, v20;
	v20 =	vpop (erf);
	v25 =	vadd.f32 v24, v25  }
0x660: {  	v23 =	vsub.f32 $0.0e+00, v23;
	[tilespmem:v3+s19+$0x7800] =	vst.idx.add.f32.msk $0xffff, v17;
	(erf) = vrcp.f32 v28;
	v20 =	vmul.f32 $5.000000000e-01, v20  }
0x661: {  	v21 =	vld.idx.msk [tilespmem:v8+s19+$0x2900], $0xffff;
	v19 =	vsub.f32 $0.0e+00, v19;
	(erf) = vrcp.f32 v25  }
0x662: {  	v23 =	vmul.f32 $1.442695020e+00, v23;
	[tilespmem:v5+s20+$0x7980] =	vst.idx.add.f32.msk $0xffff, v22;
	v25 =	vsub.f32 $0.0e+00, v20  }
0x663: {  	v22 =	vmul.f32 $1.442695020e+00, v27;
	v19 =	vmul.f32 $1.442695020e+00, v19;
	v26 =	vld.idx.msk [tilespmem:v6+s20+$0x2980], $0xffff  }
0x664: {  	v27 =	vld.idx.msk [tilespmem:v7+s20+$0x2980], $0xffff;
	v28 =	vpop (erf);
	(erf) = vpow2.f32 v23;
	v23 =	vmul.f32 v25, v45  }
0x665: {  	v13 =	vmul.f32 v46, v13;
	v20 =	vmul.f32 v20, v29;
	v29 =	vld.idx.msk [tilespmem:v2+s20+$0x2980], $0xffff;
	v31 =	vpop (erf)  }
0x666: {  	v48 =	vadd.f32 v28, v31;
	v25 =	vmul.f32 v25, v35;
	[tilespmem:v1+s20+$0x7800] =	vst.idx.add.f32.msk $0xffff, v23  }
0x667: {  	v21 =	vmul.f32 $1.442695020e+00, v21;
	(erf) = vpow2.f32 v19;
	v19 =	vpop (erf);
	[tilespmem:v4+s20+$0x7800] =	vst.idx.add.f32.msk $0xffff, v20  }
0x668: {  	(erf) = vpow2.f32 v22;
	v17 =	vadd.f32 v19, v48;
	v22 =	vsub.f32 $0.0e+00, v26;
	[tilespmem:v5+s20+$0x7800] =	vst.idx.add.f32.msk $0xffff, v25  }
0x669: {  	(erf) = vpow2.f32 v21;
	v20 =	vmul.f32 $1.442695020e+00, v27;
	v23 =	vpop (erf);
	v25 =	vld.idx.msk [tilespmem:v6+s20+$0x2800], $0xffff  }
0x66a: {  	[tilespmem:v8+s19+$0x7800] =	vst.idx.add.f32.msk $0xffff, v18;
	v21 =	vmul.f32 $1.442695020e+00, v22;
	v22 =	vsub.f32 $0.0e+00, v29;
	(erf) = vrcp.f32 v17;
	v18 =	vpop (erf)  }
0x66b: {  	(erf) = vpow2.f32 v20;
	v20 =	vsub.f32 $0.0e+00, v47;
	v26 =	vld.idx.msk [tilespmem:v2+s20+$0x2800], $0xffff;
	v18 =	vmul.f32 $5.000000000e-01, v18  }
0x66c: {  	v17 =	vmul.f32 $1.442695020e+00, v22;
	(erf) = vpow2.f32 v21;
	v22 =	vld.idx.msk [tilespmem:v7+s20+$0x2800], $0xffff  }
0x66d: {  	[tilespmem:v9+s19+$0x7800] =	vst.idx.add.f32.msk $0xffff, v13;
	v20 =	vmul.f32 $1.442695020e+00, v20;
	v13 =	vsub.f32 $0.0e+00, v18  }
0x66e: {  	v21 =	vsub.f32 $0.0e+00, v37;
	(erf) = vpow2.f32 v17;
	v25 =	vsub.f32 $0.0e+00, v25  }
0x66f: {  	v27 =	vpop (erf);
	(erf) = vpow2.f32 v20;
	v20 =	vmul.f32 v13, v30  }
0x670: {  	v49 =	vld.idx.msk [tilespmem:v10+s19+$0x2800], $0xffff;
	v17 =	vpop (erf);
	v13 =	vmul.f32 v13, v24;
	v24 =	vmul.f32 $1.442695020e+00, v25  }
0x671: {  	v29 =	vmul.f32 $1.442695020e+00, v21;
	v50 =	vpop (erf);
	v22 =	vmul.f32 $1.442695020e+00, v22;
	v25 =	vsub.f32 $0.0e+00, v26  }
0x672: {  	v18 =	vmul.f32 v18, v36;
	v21 =	vpop (erf)  }
0x673: {  	(erf) = vpow2.f32 v29;
	v26 =	vld.idx.msk [tilespmem:v11+s19+$0x2800], $0xffff;
	v30 =	vpop (erf);
	v25 =	vmul.f32 $1.442695020e+00, v25  }
0x674: {  	[tilespmem:v1+s20+$0x7880] =	vst.idx.add.f32.msk $0xffff, v20;
	(erf) = vpow2.f32 v24;
	v24 =	vpop (erf)  }
0x675: {  	v20 =	vmul.f32 $5.000000000e-01, v30;
	[tilespmem:v4+s20+$0x7880] =	vst.idx.add.f32.msk $0xffff, v18;
	v18 =	vsub.f32 $0.0e+00, v49;
	(erf) = vpow2.f32 v22;
	v22 =	vpop (erf)  }
0x676: {  	[tilespmem:v5+s20+$0x7880] =	vst.idx.add.f32.msk $0xffff, v13;
	v13 =	vadd.f32 v24, v22  }
0x677: {  	v30 =	vsub.f32 $0.0e+00, v20;
	v29 =	vld.idx.msk [tilespmem:v6+s20+$0x2880], $0xffff;
	(erf) = vpow2.f32 v25;
	v18 =	vmul.f32 $1.442695020e+00, v18;
	v25 =	vpop (erf)  }
0x678: {  	v51 =	vld.idx.msk [tilespmem:v7+s20+$0x2880], $0xffff;
	v13 =	vadd.f32 v25, v13  }
0x679: {  	v52 =	vld.idx.msk [tilespmem:v2+s20+$0x2880], $0xffff;
	v31 =	vmul.f32 v30, v31;
	(erf) = vpow2.f32 v18  }
0x67a: {  	v20 =	vmul.f32 v20, v28;
	(erf) = vrcp.f32 v13  }
0x67b: {  	v18 =	vadd.f32 v50, v27;
	[tilespmem:v1+s20+$0x7900] =	vst.idx.add.f32.msk $0xffff, v31;
	v13 =	vmul.f32 v30, v19;
	v19 =	vmul.f32 $1.442695020e+00, v26;
	v26 =	vpop (erf)  }
0x67c: {  	[tilespmem:v4+s20+$0x7900] =	vst.idx.add.f32.msk $0xffff, v20;
	v20 =	vsub.f32 $0.0e+00, v29;
	v29 =	vpop (erf)  }
0x67d: {  	v23 =	vmul.f32 $5.000000000e-01, v23;
	v28 =	vld.idx.msk [tilespmem:v12+s19+$0x2800], $0xffff;
	v18 =	vadd.f32 v26, v18;
	(erf) = vpow2.f32 v19;
	v31 =	vpop (erf)  }
0x67e: {  	[tilespmem:v5+s20+$0x7900] =	vst.idx.add.f32.msk $0xffff, v13;
	v13 =	vmul.f32 $1.442695020e+00, v51;
	v19 =	vmul.f32 $1.442695020e+00, v20;
	v20 =	vsub.f32 $0.0e+00, v52;
	v53 =	vpop (erf)  }
0x67f: {  	v30 =	vadd.f32 v21, v17;
	(erf) = vrcp.f32 v18;
	v55 =	vadd.f32 v53, v31  }
0x680: {  	v18 =	vld.idx.msk [tilespmem:v6+s20+$0x2900], $0xffff;
	(erf) = vpow2.f32 v13;
	v13 =	vmul.f32 $1.442695020e+00, v20;
	v38 =	vpop (erf)  }
0x681: {  	v30 =	vadd.f32 v29, v30;
	v54 =	vld.idx.msk [tilespmem:v7+s20+$0x2900], $0xffff;
	(erf) = vpow2.f32 v19;
	v20 =	vadd.f32 v38, v55  }
0x682: {  	v56 =	vsub.f32 $0.0e+00, v23;
	v57 =	vld.idx.msk [tilespmem:v2+s20+$0x2900], $0xffff  }
0x683: {  	v19 =	vsub.f32 $0.0e+00, v28;
	(erf) = vrcp.f32 v30  }
0x684: {  	v16 =	vmul.f32 v56, v16;
	(erf) = vpow2.f32 v13;
	v13 =	vpop (erf)  }
0x685: {  	v19 =	vmul.f32 $1.442695020e+00, v19;
	(erf) = vrcp.f32 v20;
	v20 =	vpop (erf)  }
0x686: {  	v18 =	vsub.f32 $0.0e+00, v18;
	v28 =	vmul.f32 $1.442695020e+00, v54;
	v20 =	vmul.f32 $5.000000000e-01, v20  }
0x687: {  	v30 =	vsub.f32 $0.0e+00, v57;
	(erf) = vpow2.f32 v19;
	v19 =	vmul.f32 v23, v14;
	v14 =	vpop (erf)  }
0x688: {  	v18 =	vmul.f32 $1.442695020e+00, v18;
	(erf) = vpow2.f32 v28;
	v23 =	vpop (erf);
	v28 =	vsub.f32 $0.0e+00, v20  }
0x689: {  	v15 =	vmul.f32 v56, v15;
	v30 =	vmul.f32 $1.442695020e+00, v30;
	v58 =	vpop (erf)  }
0x68a: {  	[tilespmem:v10+s19+$0x7980] =	vst.idx.add.f32.msk $0xffff, v16;
	(erf) = vpow2.f32 v18;
	v16 =	vmul.f32 v28, v22;
	v22 =	vpop (erf)  }
0x68b: {  	[tilespmem:v11+s19+$0x7980] =	vst.idx.add.f32.msk $0xffff, v19;
	v18 =	vadd.f32 v58, v22  }
0x68c: {  	(erf) = vpow2.f32 v30;
	[tilespmem:v12+s19+$0x7980] =	vst.idx.add.f32.msk $0xffff, v15  }
0x68d: {  	v15 =	vmul.f32 v20, v24;
	v24 =	vpop (erf);
	[tilespmem:v6+s20+$0x7980] =	vst.idx.add.f32.msk $0xffff, v16;
	v16 =	vmul.f32 v28, v25  }
0x68e: {  	v20 =	vmul.f32 $5.000000000e-01, v23;
	v23 =	vpop (erf)  }
0x68f: {  	[tilespmem:v7+s20+$0x7980] =	vst.idx.add.f32.msk $0xffff, v15;
	v15 =	vadd.f32 v23, v18;
	v18 =	vpop (erf)  }
0x690: {  	v25 =	vsub.f32 $0.0e+00, v20;
	[tilespmem:v2+s20+$0x7980] =	vst.idx.add.f32.msk $0xffff, v16;
	v28 =	vmul.f32 $5.000000000e-01, v18  }
0x691: {  	v20 =	vmul.f32 v20, v50;
	v30 =	vld.idx.msk [tilespmem:v3+s20+$0x2980], $0xffff;
	v16 =	vpop (erf)  }
0x692: {  	(erf) = vrcp.f32 v15;
	v15 =	vmul.f32 v25, v27;
	v27 =	vld.idx.msk [tilespmem:v8+s20+$0x2980], $0xffff;
	v19 =	vpop (erf);
	v59 =	vsub.f32 $0.0e+00, v28  }
0x693: {  	v60 =	vadd.f32 v14, v13;
	v24 =	vmul.f32 $5.000000000e-01, v24;
	v61 =	vld.idx.msk [tilespmem:v9+s20+$0x2980], $0xffff;
	v18 =	vpop (erf)  }
0x694: {  	[tilespmem:v3+s19+$0x7880] =	vst.idx.add.f32.msk $0xffff, v15;
	v15 =	vmul.f32 v59, v31;
	v31 =	vadd.f32 v19, v18  }
0x695: {  	v21 =	vmul.f32 v24, v21;
	v62 =	vadd.f32 v16, v60;
	[tilespmem:v8+s19+$0x7880] =	vst.idx.add.f32.msk $0xffff, v20;
	v20 =	vpop (erf)  }
0x696: {  	v28 =	vmul.f32 v28, v53;
	[tilespmem:v6+s20+$0x7800] =	vst.idx.add.f32.msk $0xffff, v15;
	v15 =	vadd.f32 v20, v31  }
0x697: {  	(erf) = vrcp.f32 v62;
	v35 =	vmul.f32 v59, v38  }
0x698: {  	[tilespmem:v7+s20+$0x7800] =	vst.idx.add.f32.msk $0xffff, v28;
	v28 =	vsub.f32 $0.0e+00, v24;
	v24 =	vsub.f32 $0.0e+00, v30;
	(erf) = vrcp.f32 v15  }
0x699: {  	v15 =	vmul.f32 v25, v26;
	v26 =	vmul.f32 $1.442695020e+00, v27  }
0x69a: {  	[tilespmem:v2+s20+$0x7800] =	vst.idx.add.f32.msk $0xffff, v35;
	v27 =	vsub.f32 $0.0e+00, v61;
	v24 =	vmul.f32 $1.442695020e+00, v24  }
0x69b: {  	v25 =	vld.idx.msk [tilespmem:v3+s20+$0x2800], $0xffff;
	v17 =	vmul.f32 v28, v17;
	(erf) = vpow2.f32 v26  }
0x69c: {  	v31 =	vpop (erf);
	v30 =	vld.idx.msk [tilespmem:v8+s20+$0x2800], $0xffff;
	v26 =	vmul.f32 $1.442695020e+00, v27;
	(erf) = vpow2.f32 v24  }
0x69d: {  	v31 =	vmul.f32 $5.000000000e-01, v31;
	[tilespmem:v9+s19+$0x7880] =	vst.idx.add.f32.msk $0xffff, v15;
	v15 =	vmul.f32 v28, v29  }
0x69e: {  	v63 =	vld.idx.msk [tilespmem:v9+s20+$0x2800], $0xffff;
	(erf) = vpow2.f32 v26  }
0x69f: {  	v24 =	vsub.f32 $0.0e+00, v31;
	[tilespmem:v3+s19+$0x7900] =	vst.idx.add.f32.msk $0xffff, v17  }
0x6a0: {  	v27 =	vmul.f32 v31, v58;
	[tilespmem:v8+s19+$0x7900] =	vst.idx.add.f32.msk $0xffff, v21  }
0x6a1: {  	[tilespmem:v9+s19+$0x7900] =	vst.idx.add.f32.msk $0xffff, v15;
	v17 =	vmul.f32 v24, v23;
	v21 =	vsub.f32 $0.0e+00, v25;
	v25 =	vmul.f32 v24, v22;
	v15 =	vpop (erf)  }
0x6a2: {  	v23 =	vmul.f32 $1.442695020e+00, v30;
	v22 =	vld.idx.msk [tilespmem:v10+s19+$0x2880], $0xffff;
	v15 =	vmul.f32 $5.000000000e-01, v15  }
0x6a3: {  	s21 =	simm.s32 $0x4;
	s22 =	simm.s32 $0x1000;
	v24 =	vsub.f32 $0.0e+00, v63;
	v21 =	vmul.f32 $1.442695020e+00, v21;
	[tilespmem:v6+s20+$0x7880] =	vst.idx.add.f32.msk $0xffff, v25;
	v28 =	vpop (erf)  }
.LBB2_11:
0x6a4: {  	s23 =	sshra.s32 s22, $0x2;
	[tilespmem:v7+s20+$0x7880] =	vst.idx.add.f32.msk $0xffff, v27;
	v25 =	vmul.f32 $5.000000000e-01, v28;
	(erf) = vpow2.f32 v23;
	v23 =	vpop (erf);
	v26 =	vsub.f32 $0.0e+00, v15  }
0x6a5: {  	[tilespmem:s23+$0x7980] =	vst v0;
	v31 =	vmul.f32 $1.442695020e+00, v24;
	(erf) = vpow2.f32 v21;
	v27 =	vpop (erf);
	v28 =	vld.idx.msk [tilespmem:v10+s19+$0x2900], $0xffff  }
0x6a6: {  	[tilespmem:s23+$0x7990] =	vst v0;
	v29 =	vsub.f32 $0.0e+00, v25;
	v19 =	vmul.f32 v25, v19;
	v25 =	vadd.f32 v23, v27;
	v30 =	vld.idx.msk [tilespmem:v11+s19+$0x2880], $0xffff  }
0x6a7: {  	v13 =	vmul.f32 v26, v13;
	[tilespmem:s23+$0x79A0] =	vst v0;
	(erf) = vpow2.f32 v31;
	v24 =	vpop (erf);
	v31 =	vld.idx.msk [tilespmem:v12+s19+$0x2880], $0xffff  }
0x6a8: {  	[tilespmem:s23+$0x79B0] =	vst v0;
	v21 =	vmul.f32 v29, v18;
	v18 =	vmul.f32 v29, v20;
	v20 =	vadd.f32 v24, v25  }
0x6a9: {  	v15 =	vmul.f32 v15, v14;
	v14 =	vmul.f32 v26, v16;
	v16 =	vsub.f32 $0.0e+00, v22;
	[tilespmem:s23+$0x79C0] =	vst v0;
	v22 =	vld.idx.msk [tilespmem:v11+s19+$0x2900], $0xffff  }
0x6aa: {  	[tilespmem:s23+$0x79D0] =	vst v0;
	(erf) = vrcp.f32 v20;
	v20 =	vld.idx.msk [tilespmem:v12+s19+$0x2900], $0xffff  }
0x6ab: {  	v16 =	vmul.f32 $1.442695020e+00, v16;
	v25 =	vsub.f32 $0.0e+00, v28;
	[tilespmem:s23+$0x79E0] =	vst v0  }
0x6ac: {  	v26 =	vmul.f32 $1.442695020e+00, v30;
	[tilespmem:s23+$0x79F0] =	vst v0  }
0x6ad: {  	v30 =	vsub.f32 $0.0e+00, v31;
	v25 =	vmul.f32 $1.442695020e+00, v25;
	[tilespmem:s23+$0x7800] =	vst v0;
	v28 =	vld.idx.msk [tilespmem:v1+s23+$0x2980], $0xffff;
	v29 =	vpop (erf);
	(erf) = vpow2.f32 v16  }
0x6ae: {  	[tilespmem:s23+$0x7810] =	vst v0;
	v16 =	vld.idx.msk [tilespmem:v4+s23+$0x2980], $0xffff;
	v31 =	vpop (erf);
	(erf) = vpow2.f32 v26  }
0x6af: {  	v22 =	vmul.f32 $1.442695020e+00, v22;
	[tilespmem:s23+$0x7820] =	vst v0;
	v26 =	vld.idx.msk [tilespmem:v5+s23+$0x2980], $0xffff;
	v32 =	vadd.f32 v29, v31;
	(erf) = vpow2.f32 v25  }
0x6b0: {  	v34 =	vmul.f32 $1.442695020e+00, v30;
	v20 =	vsub.f32 $0.0e+00, v20;
	[tilespmem:s23+$0x7830] =	vst v0;
	v33 =	vpop (erf)  }
0x6b1: {  	[tilespmem:s23+$0x7840] =	vst v0;
	v30 =	vadd.f32 v33, v32;
	(erf) = vpow2.f32 v22  }
0x6b2: {  	v20 =	vmul.f32 $1.442695020e+00, v20;
	[tilespmem:s23+$0x7850] =	vst v0;
	(erf) = vpow2.f32 v34  }
0x6b3: {  	s21 =	sadd.s32 $0x4, s21;
	v22 =	vsub.f32 $0.0e+00, v28;
	[tilespmem:s23+$0x7860] =	vst v0;
	(erf) = vrcp.f32 v30;
	v25 =	vpop (erf)  }
0x6b4: {  	p1 =	slt.u32 s21, $0x4C;
	v16 =	vmul.f32 $1.442695020e+00, v16;
	[tilespmem:s23+$0x7870] =	vst v0;
	v28 =	vmul.f32 $5.000000000e-01, v25  }
0x6b5: {  	v22 =	vmul.f32 $1.442695020e+00, v22;
	v26 =	vsub.f32 $0.0e+00, v26;
	v30 =	vld.idx.msk [tilespmem:v1+s23+$0x2800], $0xffff;
	[tilespmem:s23+$0x7880] =	vst v0;
	(erf) = vpow2.f32 v20  }
0x6b6: {  	v32 =	vld.idx.msk [tilespmem:v4+s23+$0x2800], $0xffff;
	[tilespmem:s23+$0x7890] =	vst v0;
	(erf) = vpow2.f32 v16;
	v16 =	vsub.f32 $0.0e+00, v28;
	v25 =	vpop (erf)  }
0x6b7: {  	v26 =	vmul.f32 $1.442695020e+00, v26;
	v34 =	vld.idx.msk [tilespmem:v5+s23+$0x2800], $0xffff;
	[tilespmem:s23+$0x78A0] =	vst v0;
	(erf) = vpow2.f32 v22;
	v35 =	vpop (erf)  }
0x6b8: {  	[tilespmem:s23+$0x78B0] =	vst v0;
	v22 =	vmul.f32 v16, v27;
	v27 =	vadd.f32 v35, v25;
	v20 =	vpop (erf)  }
0x6b9: {  	v23 =	vmul.f32 v28, v23;
	[tilespmem:s23+$0x78C0] =	vst v0;
	(erf) = vpow2.f32 v26  }
0x6ba: {  	v26 =	vmul.f32 v16, v24;
	[tilespmem:v3+s20+$0x7980] =	vst.idx.add.f32.msk $0xffff, v22;
	v28 =	vpop (erf)  }
0x6bb: {  	v37 =	vsub.f32 $0.0e+00, v30;
	[tilespmem:v8+s20+$0x7980] =	vst.idx.add.f32.msk $0xffff, v23;
	v23 =	vadd.f32 v28, v20;
	v30 =	vpop (erf)  }
0x6bc: {  	v24 =	vmul.f32 $1.442695020e+00, v32;
	[tilespmem:v9+s20+$0x7980] =	vst.idx.add.f32.msk $0xffff, v26;
	v16 =	vpop (erf);
	v26 =	vadd.f32 v30, v27  }
0x6bd: {  	v37 =	vmul.f32 $1.442695020e+00, v37;
	v32 =	vsub.f32 $0.0e+00, v34;
	[tilespmem:s23+$0x78D0] =	vst v0;
	v16 =	vmul.f32 $5.000000000e-01, v16;
	v34 =	vld.idx.msk [tilespmem:v10+s20+$0x2980], $0xffff  }
0x6be: {  	[tilespmem:s23+$0x78E0] =	vst v0;
	(erf) = vpow2.f32 v24;
	v36 =	vld.idx.msk [tilespmem:v11+s20+$0x2980], $0xffff;
	v22 =	vpop (erf)  }
0x6bf: {  	v42 =	vmul.f32 $1.442695020e+00, v32;
	[tilespmem:s23+$0x78F0] =	vst v0;
	(erf) = vpow2.f32 v37;
	v27 =	vpop (erf);
	v37 =	vsub.f32 $0.0e+00, v16;
	v38 =	vld.idx.msk [tilespmem:v12+s20+$0x2980], $0xffff  }
0x6c0: {  	v24 =	vmul.f32 v16, v29;
	v16 =	vadd.f32 v22, v23;
	v39 =	vld.idx.msk [tilespmem:v1+s23+$0x2880], $0xffff;
	[tilespmem:s23+$0x7900] =	vst v0;
	v40 =	vpop (erf);
	(erf) = vrcp.f32 v26  }
0x6c1: {  	v29 =	vld.idx.msk [tilespmem:v4+s23+$0x2880], $0xffff;
	[tilespmem:s23+$0x7910] =	vst v0;
	v41 =	vadd.f32 v27, v40;
	(erf) = vpow2.f32 v42;
	v26 =	vmul.f32 v37, v31  }
0x6c2: {  	v23 =	vmul.f32 v37, v33;
	v31 =	vld.idx.msk [tilespmem:v5+s23+$0x2880], $0xffff;
	[tilespmem:s23+$0x7920] =	vst v0;
	v32 =	vpop (erf);
	(erf) = vrcp.f32 v16  }
0x6c3: {  	v33 =	vsub.f32 $0.0e+00, v34;
	[tilespmem:s23+$0x7930] =	vst v0;
	v16 =	vadd.f32 v32, v41  }
0x6c4: {  	v37 =	vmul.f32 $1.442695020e+00, v36;
	[tilespmem:s23+$0x7940] =	vst v0  }
0x6c5: {  	[tilespmem:s23+$0x7950] =	vst v0;
	(erf) = vrcp.f32 v16;
	v16 =	vmul.f32 $1.442695020e+00, v33;
	v33 =	vsub.f32 $0.0e+00, v38  }
0x6c6: {  	v36 =	vsub.f32 $0.0e+00, v39;
	[tilespmem:s23+$0x7960] =	vst v0;
	(erf) = vpow2.f32 v37  }
0x6c7: {  	[tilespmem:s23+$0x7970] =	vst v0;
	v34 =	vpop (erf);
	v41 =	vmul.f32 $1.442695020e+00, v33;
	(erf) = vpow2.f32 v16  }
0x6c8: {  	v43 =	vmul.f32 $1.442695020e+00, v29;
	v16 =	vmul.f32 $1.442695020e+00, v36;
	v31 =	vsub.f32 $0.0e+00, v31;
	v36 =	vld.idx.msk [tilespmem:v1+s23+$0x2900], $0xffff;
	v37 =	vpop (erf)  }
0x6c9: {  	v38 =	vadd.f32 v34, v37;
	v39 =	vld.idx.msk [tilespmem:v4+s23+$0x2900], $0xffff;
	(erf) = vpow2.f32 v41;
	v33 =	vpop (erf)  }
0x6ca: {  	v31 =	vmul.f32 $1.442695020e+00, v31;
	v41 =	vld.idx.msk [tilespmem:v5+s23+$0x2900], $0xffff;
	v42 =	vpop (erf);
	(erf) = vpow2.f32 v16  }
0x6cb: {  	v16 =	vadd.f32 v42, v38;
	(erf) = vpow2.f32 v43;
	[tilespmem:v2+s20+$0x7880] =	vst.idx.add.f32.msk $0xffff, v17;
	v17 =	vmul.f32 $5.000000000e-01, v33;
	v29 =	vpop (erf)  }
0x6cc: {  	(erf) = vpow2.f32 v31;
	[tilespmem:v6+s20+$0x7900] =	vst.idx.add.f32.msk $0xffff, v21;
	v21 =	vmul.f32 $5.000000000e-01, v29  }
0x6cd: {  	(erf) = vrcp.f32 v16;
	[tilespmem:v7+s20+$0x7900] =	vst.idx.add.f32.msk $0xffff, v19;
	v19 =	vsub.f32 $0.0e+00, v17;
	v17 =	vmul.f32 v17, v35  }
0x6ce: {  	v29 =	vsub.f32 $0.0e+00, v36;
	v31 =	vpop (erf);
	[tilespmem:v2+s20+$0x7900] =	vst.idx.add.f32.msk $0xffff, v18;
	v33 =	vsub.f32 $0.0e+00, v21;
	v16 =	vmul.f32 v21, v28  }
0x6cf: {  	v21 =	vmul.f32 $1.442695020e+00, v39;
	v28 =	vmul.f32 $5.000000000e-01, v31;
	v31 =	vld.idx.msk [tilespmem:v3+s20+$0x2880], $0xffff;
	v35 =	vpop (erf)  }
0x6d0: {  	v29 =	vmul.f32 $1.442695020e+00, v29;
	v36 =	vsub.f32 $0.0e+00, v41;
	v18 =	vmul.f32 v19, v25;
	v38 =	vld.idx.msk [tilespmem:v3+s20+$0x2900], $0xffff;
	v39 =	vpop (erf)  }
0x6d1: {  	v25 =	vsub.f32 $0.0e+00, v28;
	(erf) = vpow2.f32 v21;
	v21 =	vld.idx.msk [tilespmem:v8+s20+$0x2880], $0xffff;
	v41 =	vadd.f32 v35, v39  }
0x6d2: {  	v36 =	vmul.f32 $1.442695020e+00, v36;
	(erf) = vpow2.f32 v29;
	v29 =	vld.idx.msk [tilespmem:v9+s20+$0x2880], $0xffff;
	v43 =	vpop (erf)  }
0x6d3: {  	v19 =	vmul.f32 v19, v30;
	v40 =	vmul.f32 v25, v40;
	v44 =	vpop (erf);
	v45 =	vld.idx.msk [tilespmem:v8+s20+$0x2900], $0xffff;
	v41 =	vadd.f32 v43, v41  }
0x6d4: {  	v46 =	vmul.f32 v28, v27;
	v28 =	vpop (erf);
	(erf) = vpow2.f32 v36;
	v30 =	vld.idx.msk [tilespmem:v9+s20+$0x2900], $0xffff  }
0x6d5: {  	v25 =	vmul.f32 v25, v32;
	v36 =	vadd.f32 v28, v44;
	[tilespmem:v1+s23+$0x7980] =	vst.idx.add.f32.msk $0xffff, v40;
	v32 =	vpop (erf);
	(erf) = vrcp.f32 v41  }
0x6d6: {  	v20 =	vmul.f32 v33, v20;
	v31 =	vsub.f32 $0.0e+00, v31;
	v38 =	vsub.f32 $0.0e+00, v38;
	[tilespmem:v4+s23+$0x7980] =	vst.idx.add.f32.msk $0xffff, v46;
	v27 =	vpop (erf)  }
0x6d7: {  	v21 =	vmul.f32 $1.442695020e+00, v21;
	v27 =	vmul.f32 $5.000000000e-01, v27;
	v36 =	vadd.f32 v32, v36;
	[tilespmem:v5+s23+$0x7980] =	vst.idx.add.f32.msk $0xffff, v25  }
0x6d8: {  	v31 =	vmul.f32 $1.442695020e+00, v31;
	v29 =	vsub.f32 $0.0e+00, v29;
	v38 =	vmul.f32 $1.442695020e+00, v38;
	v25 =	vld.idx.msk [tilespmem:v6+s23+$0x2980], $0xffff  }
0x6d9: {  	v46 =	vsub.f32 $0.0e+00, v27;
	v27 =	vmul.f32 v27, v34;
	v34 =	vld.idx.msk [tilespmem:v7+s23+$0x2980], $0xffff;
	(erf) = vrcp.f32 v36  }
0x6da: {  	v45 =	vmul.f32 $1.442695020e+00, v45;
	v30 =	vsub.f32 $0.0e+00, v30;
	v36 =	vld.idx.msk [tilespmem:v2+s23+$0x2980], $0xffff;
	v41 =	vpop (erf);
	(erf) = vpow2.f32 v31  }
0x6db: {  	v47 =	vmul.f32 v46, v37;
	v37 =	vmul.f32 v46, v42;
	v40 =	vpop (erf);
	[tilespmem:v3+s20+$0x7800] =	vst.idx.add.f32.msk $0xffff, v26  }
0x6dc: {  	v29 =	vmul.f32 $1.442695020e+00, v29;
	v26 =	vadd.f32 v41, v40;
	[tilespmem:v8+s20+$0x7800] =	vst.idx.add.f32.msk $0xffff, v24;
	(erf) = vpow2.f32 v38  }
0x6dd: {  	v30 =	vmul.f32 $1.442695020e+00, v30;
	[tilespmem:v1+s23+$0x7800] =	vst.idx.add.f32.msk $0xffff, v47;
	v31 =	vpop (erf);
	(erf) = vpow2.f32 v21  }
0x6de: {  	v24 =	vsub.f32 $0.0e+00, v25;
	[tilespmem:v4+s23+$0x7800] =	vst.idx.add.f32.msk $0xffff, v27;
	v21 =	vadd.f32 v31, v26;
	(erf) = vpow2.f32 v45;
	v25 =	vpop (erf)  }
0x6df: {  	v26 =	vmul.f32 $1.442695020e+00, v34;
	[tilespmem:v5+s23+$0x7800] =	vst.idx.add.f32.msk $0xffff, v37;
	v25 =	vmul.f32 $5.000000000e-01, v25  }
0x6e0: {  	v34 =	vmul.f32 $1.442695020e+00, v24;
	v36 =	vsub.f32 $0.0e+00, v36;
	v27 =	vld.idx.msk [tilespmem:v6+s23+$0x2800], $0xffff;
	(erf) = vrcp.f32 v21  }
0x6e1: {  	v24 =	vmul.f32 v33, v22;
	v37 =	vld.idx.msk [tilespmem:v7+s23+$0x2800], $0xffff;
	(erf) = vpow2.f32 v26;
	v21 =	vsub.f32 $0.0e+00, v25  }
0x6e2: {  	v33 =	vmul.f32 $1.442695020e+00, v36;
	v26 =	vld.idx.msk [tilespmem:v2+s23+$0x2800], $0xffff;
	v22 =	vpop (erf);
	(erf) = vpow2.f32 v34  }
0x6e3: {  	v34 =	vmul.f32 $5.000000000e-01, v22;
	[tilespmem:v9+s20+$0x7800] =	vst.idx.add.f32.msk $0xffff, v23;
	v23 =	vmul.f32 v21, v39;
	v22 =	vpop (erf)  }
0x6e4: {  	v36 =	vmul.f32 v25, v35;
	(erf) = vpow2.f32 v33;
	v33 =	vld.idx.msk [tilespmem:v10+s20+$0x2800], $0xffff  }
0x6e5: {  	v35 =	vsub.f32 $0.0e+00, v34;
	v28 =	vmul.f32 v34, v28;
	[tilespmem:v10+s20+$0x7980] =	vst.idx.add.f32.msk $0xffff, v23;
	v34 =	vmul.f32 v21, v43;
	v21 =	vpop (erf)  }
0x6e6: {  	v27 =	vsub.f32 $0.0e+00, v27;
	[tilespmem:v11+s20+$0x7980] =	vst.idx.add.f32.msk $0xffff, v36;
	v25 =	vpop (erf);
	(erf) = vpow2.f32 v29  }
0x6e7: {  	v36 =	vmul.f32 v35, v44;
	v32 =	vmul.f32 v35, v32;
	[tilespmem:v12+s20+$0x7980] =	vst.idx.add.f32.msk $0xffff, v34;
	v23 =	vpop (erf)  }
0x6e8: {  	v38 =	vmul.f32 $1.442695020e+00, v27;
	v34 =	vmul.f32 $1.442695020e+00, v37;
	v26 =	vsub.f32 $0.0e+00, v26;
	v35 =	vld.idx.msk [tilespmem:v11+s20+$0x2800], $0xffff  }
0x6e9: {  	v37 =	vadd.f32 v23, v21;
	[tilespmem:v1+s23+$0x7880] =	vst.idx.add.f32.msk $0xffff, v36;
	v29 =	vpop (erf);
	v36 =	vadd.f32 v25, v22;
	(erf) = vpow2.f32 v30  }
0x6ea: {  	[tilespmem:v4+s23+$0x7880] =	vst.idx.add.f32.msk $0xffff, v28;
	v28 =	vmul.f32 $5.000000000e-01, v29;
	(erf) = vpow2.f32 v38;
	v27 =	vpop (erf);
	v29 =	vsub.f32 $0.0e+00, v33  }
0x6eb: {  	v39 =	vmul.f32 $1.442695020e+00, v26;
	[tilespmem:v5+s23+$0x7880] =	vst.idx.add.f32.msk $0xffff, v32;
	(erf) = vpow2.f32 v34;
	v30 =	vpop (erf)  }
0x6ec: {  	v32 =	vld.idx.msk [tilespmem:v6+s23+$0x2880], $0xffff;
	v33 =	vsub.f32 $0.0e+00, v28;
	v28 =	vmul.f32 v28, v41;
	v34 =	vadd.f32 v27, v30  }
0x6ed: {  	v41 =	vmul.f32 $1.442695020e+00, v29;
	v38 =	vld.idx.msk [tilespmem:v7+s23+$0x2880], $0xffff;
	(erf) = vpow2.f32 v39;
	v26 =	vpop (erf)  }
0x6ee: {  	v39 =	vld.idx.msk [tilespmem:v2+s23+$0x2880], $0xffff;
	v40 =	vmul.f32 v33, v40;
	v31 =	vmul.f32 v33, v31;
	v33 =	vadd.f32 v26, v34  }
0x6ef: {  	v34 =	vmul.f32 $1.442695020e+00, v35;
	v35 =	vld.idx.msk [tilespmem:v12+s20+$0x2800], $0xffff;
	(erf) = vpow2.f32 v41;
	v29 =	vpop (erf)  }
0x6f0: {  	[tilespmem:v1+s23+$0x7900] =	vst.idx.add.f32.msk $0xffff, v40;
	(erf) = vrcp.f32 v33;
	v33 =	vadd.f32 v29, v36  }
0x6f1: {  	[tilespmem:v4+s23+$0x7900] =	vst.idx.add.f32.msk $0xffff, v28;
	(erf) = vpow2.f32 v34  }
0x6f2: {  	v28 =	vsub.f32 $0.0e+00, v32;
	[tilespmem:v5+s23+$0x7900] =	vst.idx.add.f32.msk $0xffff, v31;
	(erf) = vrcp.f32 v33;
	v31 =	vpop (erf)  }
0x6f3: {  	v32 =	vmul.f32 $1.442695020e+00, v38;
	v33 =	vld.idx.msk [tilespmem:v6+s23+$0x2900], $0xffff;
	v34 =	vpop (erf);
	v36 =	vadd.f32 v31, v37  }
0x6f4: {  	v28 =	vmul.f32 $1.442695020e+00, v28;
	v42 =	vsub.f32 $0.0e+00, v39;
	v38 =	vld.idx.msk [tilespmem:v7+s23+$0x2900], $0xffff;
	v39 =	vpop (erf)  }
0x6f5: {  	v40 =	vadd.f32 v39, v34;
	v41 =	vld.idx.msk [tilespmem:v2+s23+$0x2900], $0xffff;
	(erf) = vpow2.f32 v32;
	v32 =	vsub.f32 $0.0e+00, v35  }
0x6f6: {  	v35 =	vmul.f32 $1.442695020e+00, v42;
	v37 =	vpop (erf);
	(erf) = vpow2.f32 v28;
	[tilespmem:v10+s19+$0x7800] =	vst.idx.add.f32.msk $0xffff, v13  }
0x6f7: {  	v28 =	vadd.f32 v37, v40;
	v32 =	vmul.f32 $1.442695020e+00, v32;
	(erf) = vrcp.f32 v36;
	[tilespmem:v11+s19+$0x7800] =	vst.idx.add.f32.msk $0xffff, v15  }
0x6f8: {  	(erf) = vpow2.f32 v35;
	v13 =	vpop (erf);
	[tilespmem:v12+s19+$0x7800] =	vst.idx.add.f32.msk $0xffff, v14  }
0x6f9: {  	v15 =	vsub.f32 $0.0e+00, v33;
	(erf) = vrcp.f32 v28;
	v14 =	vpop (erf);
	[tilespmem:v10+s19+$0x7880] =	vst.idx.add.f32.msk $0xffff, v18  }
0x6fa: {  	v18 =	vmul.f32 $1.442695020e+00, v38;
	v28 =	vmul.f32 $5.000000000e-01, v14;
	v14 =	vpop (erf);
	[tilespmem:v11+s19+$0x7880] =	vst.idx.add.f32.msk $0xffff, v17  }
0x6fb: {  	v15 =	vmul.f32 $1.442695020e+00, v15;
	v17 =	vsub.f32 $0.0e+00, v41;
	(erf) = vpow2.f32 v32;
	v32 =	vpop (erf);
	[tilespmem:v12+s19+$0x7880] =	vst.idx.add.f32.msk $0xffff, v19  }
0x6fc: {  	v19 =	vsub.f32 $0.0e+00, v28;
	(erf) = vpow2.f32 v18;
	v18 =	vmul.f32 $5.000000000e-01, v32;
	[tilespmem:v10+s19+$0x7900] =	vst.idx.add.f32.msk $0xffff, v20  }
0x6fd: {  	v17 =	vmul.f32 $1.442695020e+00, v17;
	(erf) = vpow2.f32 v15;
	v15 =	vadd.f32 v14, v13;
	[tilespmem:v11+s19+$0x7900] =	vst.idx.add.f32.msk $0xffff, v16  }
0x6fe: {  	v16 =	vmul.f32 v19, v30;
	v30 =	vpop (erf);
	v20 =	vsub.f32 $0.0e+00, v18;
	v25 =	vmul.f32 v18, v25;
	[tilespmem:v12+s19+$0x7900] =	vst.idx.add.f32.msk $0xffff, v24;
	s19 =	smov.u32 s20;
	s20 =	smov.u32 s23  }
0x6ff: {  	v18 =	vmul.f32 v28, v27;
	v24 =	vpop (erf);
	(erf) = vpow2.f32 v17  }
0x700: {  	v27 =	vmul.f32 v19, v26;
	v17 =	vadd.f32 v30, v24;
	[tilespmem:v6+s20+$0x7980] =	vst.idx.add.f32.msk $0xffff, v16;
	v19 =	vpop (erf)  }
0x701: {  	v22 =	vmul.f32 v20, v22;
	[tilespmem:v7+s20+$0x7980] =	vst.idx.add.f32.msk $0xffff, v18;
	v26 =	vpop (erf);
	v18 =	vmul.f32 $5.000000000e-01, v19  }
0x702: {  	v17 =	vadd.f32 v26, v17;
	[tilespmem:v2+s20+$0x7980] =	vst.idx.add.f32.msk $0xffff, v27;
	v16 =	vpop (erf);
	v27 =	vmul.f32 v20, v29  }
0x703: {  	v35 =	vmul.f32 $5.000000000e-01, v16;
	v28 =	vld.idx.msk [tilespmem:v3+s20+$0x2980], $0xffff;
	v20 =	vsub.f32 $0.0e+00, v18;
	v23 =	vmul.f32 v18, v23  }
0x704: {  	v29 =	vld.idx.msk [tilespmem:v8+s20+$0x2980], $0xffff;
	(erf) = vrcp.f32 v17;
	v16 =	vpop (erf)  }
0x705: {  	v17 =	vsub.f32 $0.0e+00, v35;
	v32 =	vmul.f32 v35, v39;
	v33 =	vld.idx.msk [tilespmem:v9+s20+$0x2980], $0xffff;
	v19 =	vpop (erf);
	v21 =	vmul.f32 v20, v21  }
0x706: {  	v15 =	vadd.f32 v16, v15;
	v18 =	vpop (erf);
	[tilespmem:v3+s19+$0x7880] =	vst.idx.add.f32.msk $0xffff, v22;
	v22 =	vmul.f32 v20, v31  }
0x707: {  	v31 =	vmul.f32 v17, v34;
	v17 =	vmul.f32 v17, v37;
	v34 =	vadd.f32 v19, v18  }
0x708: {  	v20 =	vpop (erf);
	[tilespmem:v8+s19+$0x7880] =	vst.idx.add.f32.msk $0xffff, v25;
	(erf) = vrcp.f32 v15  }
0x709: {  	v25 =	vsub.f32 $0.0e+00, v28;
	[tilespmem:v6+s20+$0x7800] =	vst.idx.add.f32.msk $0xffff, v31;
	v15 =	vadd.f32 v20, v34  }
0x70a: {  	v28 =	vmul.f32 $1.442695020e+00, v29;
	[tilespmem:v7+s20+$0x7800] =	vst.idx.add.f32.msk $0xffff, v32  }
0x70b: {  	[tilespmem:v2+s20+$0x7800] =	vst.idx.add.f32.msk $0xffff, v17;
	v17 =	vmul.f32 $1.442695020e+00, v25;
	v25 =	vsub.f32 $0.0e+00, v33;
	(erf) = vrcp.f32 v15  }
0x70c: {  	v15 =	vld.idx.msk [tilespmem:v3+s20+$0x2800], $0xffff;
	(erf) = vpow2.f32 v28  }
0x70d: {  	v28 =	vld.idx.msk [tilespmem:v8+s20+$0x2800], $0xffff;
	v25 =	vmul.f32 $1.442695020e+00, v25;
	v29 =	vpop (erf);
	(erf) = vpow2.f32 v17  }
0x70e: {  	v31 =	vld.idx.msk [tilespmem:v9+s20+$0x2800], $0xffff;
	v17 =	vmul.f32 $5.000000000e-01, v29  }
0x70f: {  	(erf) = vpow2.f32 v25;
	[tilespmem:v9+s19+$0x7880] =	vst.idx.add.f32.msk $0xffff, v27  }
.Ltmp7:
0x710: {  	v25 =	vsub.f32 $0.0e+00, v17;
	v27 =	vmul.f32 v17, v30;
	[tilespmem:v3+s19+$0x7900] =	vst.idx.add.f32.msk $0xffff, v21;
	(pc) =	sbr.rel @p1 .LBB2_11-.Ltmp7, $4  }
0x711: {  	[tilespmem:v8+s19+$0x7900] =	vst.idx.add.f32.msk $0xffff, v23;
	v21 =	vpop (erf)  }
0x712: {  	v29 =	vsub.f32 $0.0e+00, v15;
	v30 =	vmul.f32 v25, v24;
	v17 =	vmul.f32 v25, v26;
	[tilespmem:v9+s19+$0x7900] =	vst.idx.add.f32.msk $0xffff, v22  }
0x713: {  	v23 =	vmul.f32 $1.442695020e+00, v28;
	v15 =	vmul.f32 $5.000000000e-01, v21;
	v22 =	vld.idx.msk [tilespmem:v10+s19+$0x2880], $0xffff  }
0x714: {  	s22 =	sadd.s32 $0x800, s22;
	v21 =	vmul.f32 $1.442695020e+00, v29;
	v24 =	vsub.f32 $0.0e+00, v31;
	[tilespmem:v6+s20+$0x7880] =	vst.idx.add.f32.msk $0xffff, v30;
	v28 =	vpop (erf)  }
0x715: {  	v25 =	vpop (erf)  }
0x716: {  	v26 =	vpop (erf)  }
0x717: {  	v29 =	vadd.f32 v25, v26  }
0x718: {  	(erf) = vpow2.f32 v23;
	v35 =	vmul.f32 $1.442695020e+00, v24;
	v36 =	vpop (erf)  }
0x719: {  	(erf) = vpow2.f32 v21;
	v37 =	vadd.f32 v36, v29  }
0x71a: {  	v38 =	vld.idx.msk [tilespmem:v10+s19+$0x2900], $0xffff;
	(erf) = vpow2.f32 v35  }
0x71b: {  	v39 =	vld.idx.msk [tilespmem:v11+s19+$0x2880], $0xffff;
	(erf) = vrcp.f32 v37  }
0x71c: {  	v40 =	vld.idx.msk [tilespmem:v12+s19+$0x2880], $0xffff  }
0x71d: {  	v30 =	vld.idx.msk [tilespmem:v11+s19+$0x2900], $0xffff;
	_ =	sdelay $0x1  }
0x71e: {  	v22 =	vsub.f32 $0.0e+00, v22  }
0x71f: {  	v31 =	vld.idx.msk [tilespmem:v12+s19+$0x2900], $0xffff  }
0x720: {  	v22 =	vmul.f32 $1.442695020e+00, v22;
	v23 =	vsub.f32 $0.0e+00, v38;
	v32 =	vpop (erf)  }
0x721: {  	v21 =	vmul.f32 $1.442695020e+00, v39;
	v41 =	vsub.f32 $0.0e+00, v40;
	v30 =	vmul.f32 $1.442695020e+00, v30;
	v33 =	vpop (erf)  }
0x722: {  	v23 =	vmul.f32 $1.442695020e+00, v23;
	(erf) = vpow2.f32 v22;
	v42 =	vpop (erf)  }
0x723: {  	v22 =	vmul.f32 $1.442695020e+00, v41;
	(erf) = vpow2.f32 v21;
	v43 =	vadd.f32 v32, v33;
	v44 =	vpop (erf)  }
0x724: {  	v31 =	vsub.f32 $0.0e+00, v31;
	(erf) = vpow2.f32 v23;
	v23 =	vmul.f32 $5.000000000e-01, v44  }
0x725: {  	v21 =	vadd.f32 v42, v43;
	(erf) = vpow2.f32 v30  }
0x726: {  	v45 =	vmul.f32 $1.442695020e+00, v31;
	(erf) = vpow2.f32 v22;
	v46 =	vsub.f32 $0.0e+00, v23  }
0x727: {  	(erf) = vrcp.f32 v21  }
0x728: {  	(erf) = vpow2.f32 v45;
	v47 =	vmul.f32 v46, v26  }
0x729: {  	v25 =	vmul.f32 v23, v25  }
0x72a: {  	v48 =	vmul.f32 v46, v36;
	[tilespmem:v3+s20+$0x7980] =	vst.idx.add.f32.msk $0xffff, v47  }
0x72b: {  	v23 =	vpop (erf);
	[tilespmem:v8+s20+$0x7980] =	vst.idx.add.f32.msk $0xffff, v25  }
0x72c: {  	v24 =	vpop (erf);
	[tilespmem:v9+s20+$0x7980] =	vst.idx.add.f32.msk $0xffff, v48  }
0x72d: {  	v21 =	vpop (erf);
	v49 =	vld.idx.msk [tilespmem:v10+s20+$0x2980], $0xffff  }
0x72e: {  	v22 =	vpop (erf);
	v50 =	vld.idx.msk [tilespmem:v11+s20+$0x2980], $0xffff  }
0x72f: {  	v51 =	vadd.f32 v24, v23;
	v26 =	vpop (erf);
	v34 =	vld.idx.msk [tilespmem:v12+s20+$0x2980], $0xffff  }
0x730: {  	v35 =	vadd.f32 v22, v21;
	v36 =	vpop (erf)  }
0x731: {  	v37 =	vadd.f32 v26, v51;
	v25 =	vpop (erf)  }
0x732: {  	v28 =	vmul.f32 $5.000000000e-01, v28;
	v35 =	vadd.f32 v25, v35;
	v30 =	vsub.f32 $0.0e+00, v49  }
0x733: {  	(erf) = vrcp.f32 v37;
	v31 =	vmul.f32 $1.442695020e+00, v50  }
0x734: {  	(erf) = vrcp.f32 v35;
	v34 =	vsub.f32 $0.0e+00, v34;
	v30 =	vmul.f32 $1.442695020e+00, v30  }
0x735: {  	[tilespmem:v7+s20+$0x7880] =	vst.idx.add.f32.msk $0xffff, v27;
	v52 =	vsub.f32 $0.0e+00, v28;
	(erf) = vpow2.f32 v31  }
0x736: {  	[tilespmem:v2+s20+$0x7880] =	vst.idx.add.f32.msk $0xffff, v17;
	v53 =	vmul.f32 $1.442695020e+00, v34;
	(erf) = vpow2.f32 v30  }
0x737: {  	v55 =	vld.idx.msk [tilespmem:v3+s20+$0x2880], $0xffff;
	v18 =	vmul.f32 v52, v18  }
0x738: {  	v19 =	vmul.f32 v28, v19;
	v61 =	vld.idx.msk [tilespmem:v9+s20+$0x2880], $0xffff;
	(erf) = vpow2.f32 v53  }
0x739: {  	v54 =	vmul.f32 v52, v20;
	[tilespmem:v6+s20+$0x7900] =	vst.idx.add.f32.msk $0xffff, v18  }
0x73a: {  	[tilespmem:v7+s20+$0x7900] =	vst.idx.add.f32.msk $0xffff, v19  }
0x73b: {  	[tilespmem:v2+s20+$0x7900] =	vst.idx.add.f32.msk $0xffff, v54  }
0x73c: {  	v56 =	vld.idx.msk [tilespmem:v3+s20+$0x2900], $0xffff;
	v18 =	vpop (erf)  }
0x73d: {  	v17 =	vpop (erf)  }
0x73e: {  	v28 =	vpop (erf)  }
0x73f: {  	v57 =	vmul.f32 $5.000000000e-01, v36;
	v30 =	vpop (erf)  }
0x740: {  	v58 =	vld.idx.msk [tilespmem:v8+s20+$0x2880], $0xffff;
	v19 =	vsub.f32 $0.0e+00, v55;
	v60 =	vadd.f32 v28, v30  }
0x741: {  	v38 =	vsub.f32 $0.0e+00, v61;
	v62 =	vld.idx.msk [tilespmem:v8+s20+$0x2900], $0xffff;
	v20 =	vsub.f32 $0.0e+00, v56;
	v27 =	vmul.f32 v57, v32;
	v32 =	vpop (erf)  }
0x742: {  	v63 =	vld.idx.msk [tilespmem:v9+s20+$0x2900], $0xffff;
	v19 =	vmul.f32 $1.442695020e+00, v19;
	v59 =	vsub.f32 $0.0e+00, v57;
	v35 =	vadd.f32 v32, v60  }
0x743: {  	v40 =	vmul.f32 $1.442695020e+00, v38;
	v20 =	vmul.f32 $1.442695020e+00, v20  }
0x744: {  	v33 =	vmul.f32 v59, v33;
	(erf) = vrcp.f32 v35  }
0x745: {  	v31 =	vmul.f32 $1.442695020e+00, v58;
	(erf) = vpow2.f32 v19  }
0x746: {  	v39 =	vmul.f32 $1.442695020e+00, v62;
	(erf) = vpow2.f32 v20  }
0x747: {  	v41 =	vsub.f32 $0.0e+00, v63;
	v29 =	vmul.f32 v59, v42;
	[tilespmem:v3+s20+$0x7800] =	vst.idx.add.f32.msk $0xffff, v33;
	(erf) = vpow2.f32 v31  }
0x748: {  	[tilespmem:v8+s20+$0x7800] =	vst.idx.add.f32.msk $0xffff, v27;
	(erf) = vpow2.f32 v39  }
0x749: {  	v42 =	vmul.f32 $1.442695020e+00, v41;
	[tilespmem:v9+s20+$0x7800] =	vst.idx.add.f32.msk $0xffff, v29;
	(erf) = vpow2.f32 v40  }
0x74a: {  	v43 =	vld.idx.msk [tilespmem:v10+s20+$0x2800], $0xffff  }
0x74b: {  	(erf) = vpow2.f32 v42;
	_ =	sdelay $0x1  }
0x74c: {  	v27 =	vld.idx.msk [tilespmem:v11+s20+$0x2800], $0xffff;
	v19 =	vpop (erf)  }
0x74d: {  	v44 =	vpop (erf)  }
0x74e: {  	v20 =	vsub.f32 $0.0e+00, v43;
	v45 =	vpop (erf)  }
0x74f: {  	v46 =	vpop (erf)  }
0x750: {  	v20 =	vmul.f32 $1.442695020e+00, v20;
	v47 =	vpop (erf);
	v48 =	vadd.f32 v46, v44  }
0x751: {  	v27 =	vmul.f32 $1.442695020e+00, v27;
	v49 =	vpop (erf)  }
0x752: {  	(erf) = vpow2.f32 v20;
	v51 =	vadd.f32 v47, v45;
	v50 =	vadd.f32 v49, v48  }
0x753: {  	(erf) = vpow2.f32 v27;
	v52 =	vpop (erf)  }
0x754: {  	v53 =	vadd.f32 v52, v51;
	(erf) = vrcp.f32 v50;
	_ =	sdelay $0x1  }
0x755: {  	(erf) = vrcp.f32 v53;
	_ =	sdelay $0x4  }
0x756: {  	v27 =	vpop (erf)  }
0x757: {  	v54 =	vld.idx.msk [tilespmem:v12+s20+$0x2800], $0xffff;
	v37 =	vpop (erf)  }
0x758: {  	v38 =	vpop (erf)  }
0x759: {  	v38 =	vmul.f32 $5.000000000e-01, v38  }
0x75a: {  	v40 =	vpop (erf)  }
0x75b: {  	v40 =	vmul.f32 $5.000000000e-01, v40;
	v39 =	vsub.f32 $0.0e+00, v38  }
0x75c: {  	v35 =	vsub.f32 $0.0e+00, v54  }
0x75d: {  	v55 =	vsub.f32 $0.0e+00, v40;
	v29 =	vmul.f32 v39, v44  }
0x75e: {  	v35 =	vmul.f32 $1.442695020e+00, v35;
	v33 =	vmul.f32 v38, v46  }
0x75f: {  	v56 =	vmul.f32 v55, v45;
	[tilespmem:v3+s20+$0x7880] =	vst.idx.add.f32.msk $0xffff, v29  }
0x760: {  	(erf) = vpow2.f32 v35;
	v36 =	vmul.f32 v39, v49;
	[tilespmem:v8+s20+$0x7880] =	vst.idx.add.f32.msk $0xffff, v33  }
0x761: {  	v57 =	vmul.f32 v40, v47;
	[tilespmem:v3+s20+$0x7900] =	vst.idx.add.f32.msk $0xffff, v56  }
0x762: {  	[tilespmem:v9+s20+$0x7880] =	vst.idx.add.f32.msk $0xffff, v36  }
0x763: {  	v20 =	vmul.f32 v55, v52;
	[tilespmem:v8+s20+$0x7900] =	vst.idx.add.f32.msk $0xffff, v57  }
0x764: {  	v58 =	vld.idx.msk [tilespmem:v10+s20+$0x2880], $0xffff  }
0x765: {  	[tilespmem:v9+s20+$0x7900] =	vst.idx.add.f32.msk $0xffff, v20  }
0x766: {  	v20 =	vld.idx.msk [tilespmem:v10+s20+$0x2900], $0xffff  }
0x767: {  	v59 =	vld.idx.msk [tilespmem:v11+s20+$0x2880], $0xffff  }
0x768: {  	v60 =	vadd.f32 v37, v27;
	v61 =	vld.idx.msk [tilespmem:v12+s20+$0x2880], $0xffff  }
0x769: {  	v35 =	vpop (erf);
	v62 =	vld.idx.msk [tilespmem:v11+s20+$0x2900], $0xffff;
	v29 =	vsub.f32 $0.0e+00, v58  }
0x76a: {  	v33 =	vadd.f32 v35, v60  }
0x76b: {  	v63 =	vld.idx.msk [tilespmem:v12+s20+$0x2900], $0xffff;
	v20 =	vsub.f32 $0.0e+00, v20;
	v29 =	vmul.f32 $1.442695020e+00, v29  }
0x76c: {  	(erf) = vrcp.f32 v33;
	v31 =	vmul.f32 $1.442695020e+00, v59  }
0x76d: {  	v39 =	vsub.f32 $0.0e+00, v61;
	v20 =	vmul.f32 $1.442695020e+00, v20;
	(erf) = vpow2.f32 v29  }
0x76e: {  	v40 =	vmul.f32 $1.442695020e+00, v62;
	(erf) = vpow2.f32 v31  }
0x76f: {  	v41 =	vmul.f32 $1.442695020e+00, v39;
	(erf) = vpow2.f32 v20  }
0x770: {  	v42 =	vsub.f32 $0.0e+00, v63;
	(erf) = vpow2.f32 v40  }
0x771: {  	(erf) = vpow2.f32 v41  }
0x772: {  	v43 =	vmul.f32 $1.442695020e+00, v42;
	_ =	sdelay $0x1  }
0x773: {  	(erf) = vpow2.f32 v43  }
0x774: {  	v44 =	vpop (erf)  }
0x775: {  	v45 =	vpop (erf)  }
0x776: {  	v46 =	vpop (erf)  }
0x777: {  	v19 =	vmul.f32 $5.000000000e-01, v19;
	v47 =	vpop (erf)  }
0x778: {  	v48 =	vadd.f32 v46, v45;
	v49 =	vpop (erf)  }
0x779: {  	v50 =	vsub.f32 $0.0e+00, v19;
	v51 =	vpop (erf)  }
0x77a: {  	v18 =	vmul.f32 $5.000000000e-01, v18;
	v34 =	vadd.f32 v51, v48  }
0x77b: {  	v53 =	vsub.f32 $0.0e+00, v15;
	v30 =	vmul.f32 v50, v30;
	v52 =	vadd.f32 v49, v47  }
0x77c: {  	v19 =	vmul.f32 v19, v28;
	v54 =	vpop (erf);
	(erf) = vrcp.f32 v34  }
0x77d: {  	v13 =	vmul.f32 v53, v13;
	[tilespmem:v10+s20+$0x7980] =	vst.idx.add.f32.msk $0xffff, v30;
	v56 =	vadd.f32 v54, v52  }
0x77e: {  	v14 =	vmul.f32 v15, v14;
	v15 =	vsub.f32 $0.0e+00, v18;
	[tilespmem:v11+s20+$0x7980] =	vst.idx.add.f32.msk $0xffff, v19  }
0x77f: {  	v16 =	vmul.f32 v53, v16;
	[tilespmem:v10+s19+$0x7800] =	vst.idx.add.f32.msk $0xffff, v13;
	(erf) = vrcp.f32 v56  }
0x780: {  	v17 =	vmul.f32 $5.000000000e-01, v17;
	v13 =	vmul.f32 v15, v23;
	[tilespmem:v11+s19+$0x7800] =	vst.idx.add.f32.msk $0xffff, v14  }
0x781: {  	v14 =	vmul.f32 v18, v24;
	[tilespmem:v12+s19+$0x7800] =	vst.idx.add.f32.msk $0xffff, v16  }
0x782: {  	v15 =	vmul.f32 v15, v26;
	[tilespmem:v10+s19+$0x7880] =	vst.idx.add.f32.msk $0xffff, v13;
	v57 =	vsub.f32 $0.0e+00, v17  }
0x783: {  	[tilespmem:v11+s19+$0x7880] =	vst.idx.add.f32.msk $0xffff, v14;
	v55 =	vmul.f32 v50, v32;
	v13 =	vmul.f32 $5.000000000e-01, v44  }
0x784: {  	[tilespmem:v12+s19+$0x7880] =	vst.idx.add.f32.msk $0xffff, v15;
	v58 =	vmul.f32 v57, v21  }
0x785: {  	v14 =	vmul.f32 v17, v22;
	[tilespmem:v12+s20+$0x7980] =	vst.idx.add.f32.msk $0xffff, v55;
	v15 =	vsub.f32 $0.0e+00, v13;
	v59 =	vpop (erf)  }
0x786: {  	v18 =	vmul.f32 v57, v25;
	[tilespmem:v10+s19+$0x7900] =	vst.idx.add.f32.msk $0xffff, v58;
	v60 =	vmul.f32 $5.000000000e-01, v59  }
0x787: {  	[tilespmem:v11+s19+$0x7900] =	vst.idx.add.f32.msk $0xffff, v14;
	v14 =	vmul.f32 v15, v27  }
0x788: {  	[tilespmem:v12+s19+$0x7900] =	vst.idx.add.f32.msk $0xffff, v18;
	v13 =	vmul.f32 v13, v37;
	v61 =	vpop (erf);
	v62 =	vsub.f32 $0.0e+00, v60  }
0x789: {  	v15 =	vmul.f32 v15, v35;
	[tilespmem:v10+s20+$0x7800] =	vst.idx.add.f32.msk $0xffff, v14;
	v17 =	vmul.f32 $5.000000000e-01, v61  }
0x78a: {  	[tilespmem:v11+s20+$0x7800] =	vst.idx.add.f32.msk $0xffff, v13;
	v14 =	vmul.f32 v62, v45  }
0x78b: {  	[tilespmem:v12+s20+$0x7800] =	vst.idx.add.f32.msk $0xffff, v15;
	v13 =	vmul.f32 v60, v46;
	v63 =	vsub.f32 $0.0e+00, v17  }
0x78c: {  	v15 =	vmul.f32 v62, v51;
	[tilespmem:v10+s20+$0x7880] =	vst.idx.add.f32.msk $0xffff, v14  }
0x78d: {  	v14 =	vmul.f32 v63, v47;
	[tilespmem:v11+s20+$0x7880] =	vst.idx.add.f32.msk $0xffff, v13  }
.Ltmp8:
0x78e: {  	v13 =	vmul.f32 v17, v49;
	[tilespmem:v12+s20+$0x7880] =	vst.idx.add.f32.msk $0xffff, v15;
	(pc) =	sbr.rel .LBB2_13-.Ltmp8, $4  }
0x78f: {  	v15 =	vmul.f32 v63, v54;
	[tilespmem:v10+s20+$0x7900] =	vst.idx.add.f32.msk $0xffff, v14  }
0x790: {  	[tilespmem:v11+s20+$0x7900] =	vst.idx.add.f32.msk $0xffff, v13  }
0x791: {  	[tilespmem:v12+s20+$0x7900] =	vst.idx.add.f32.msk $0xffff, v15  }
0x792: {  	[hbm4b:s9+s3] =	stream.linear.scatter [tilespmem:s15], [sflag:$0x4], $0x2800, $0x38;
	[tilespmem:$0xA000] =	vst v63  }
.LBB2_14:
0x793: {  	_ =	sfence.sel $0x180000  }
0x794: {  	[bflag:$0x0] =	sbarrier.arrive $0xFFFF  }
0x795: {  	_ =	strace $0x90000047  }
0x796: {  	s0 =	sadd.s32 @!p0 $0x100000, s1;
	[bflag:$0x2] =	sbarrier.arrive $0xFFFF  }
0x797: {  	[sflag:s0] =	ssyncadd.tile.s32 @!p0 $0x1;
	_ =	shalt  }
.Lfunc_end2:
_tile_overlayer_lowered:
.L_overlay_start_2:
0x798: {  	(tag) =	ssettag $0x2  }
0x799: {  	s0 =	rddreg [dreg:$0x0];
	s2 =	stileid.u32  }
0x79a: {  	s1 =	rddreg [dreg:$0x1];
	p0 =	sne.s32 s2, $0x0  }
0x79b: {  	s3 =	rddreg [dreg:$0x2];
	[bflag:$0x3] =	sbarrier.arrive $0xFFFF;
	s2 =	simm.s32 @!p0 $0x1C05  }
0x79c: {  	[timem:s3], [sflag:s2] =	dma.local @!p0 [hbm:s0], s1  }
0x79d: {  	s0 =	simm.s32 @!p0 $0x5  }
0x79e: {  	_ =	swait.ge @!p0 [sflag:s0], s1  }
0x79f: {  	s1 =	ssub.s32 @!p0 $0x0, s1;
	[sflag:s0] =	ssyncset.done @!p0 $0x0  }
0x7a0: {  	[sflag:s0] =	ssyncadd.s32 @!p0 s1  }
0x7a1: {  	[bflag:$0x3] =	sbarrier.arrive $0xFFFF  }
0x7a2: {  	_ =	shalt  }

</sc_bundles>
